<compile_context>
chip_gen: v7x
topology: tpu7x:2x2x1
jax: 0.10.2.dev20260603
libtpu: 0.0.44.dev20260713+nightly
codegen_flags: <defaults>
</compile_context>

<pallas_src>
import functools

import jax
import jax.numpy as jnp
from jax import lax
from jax.experimental import pallas as pl
from jax.experimental.pallas import tpu as pltpu
from jax.experimental.pallas import tpu_sc as plsc

N = 10000
D = 128
E = 320000

NC = 2
NS = 16
NW = NC * NS
L = 16

EB = 128
NBLK = 80
CHUNK = 16
BPT = NBLK * EB
E_PAD = NW * BPT
NPAD = 10240
DEG_STRIPE = NPAD // NS
ROW_STRIPE = NPAD // NS
ZROWS = 16

MB = 2048
GRID = NPAD // MB

_MESH = plsc.VectorSubcoreMesh(core_axis_name="c", subcore_axis_name="s")


@functools.partial(
    pl.kernel,
    out_type=jax.ShapeDtypeStruct((NC, 1, NPAD), jnp.float32),
    mesh=_MESH,
    scratch_types=[
        pltpu.VMEM((NBLK, EB), jnp.int32),
        pltpu.VMEM((NBLK, EB), jnp.float32),
        pltpu.VMEM((DEG_STRIPE,), jnp.float32),
        pltpu.VMEM_SHARED((NPAD,), jnp.float32),
        pltpu.SemaphoreType.DMA,
    ],
)
def _deg_kernel(ei_hbm, w_hbm, zero_hbm, out_hbm, idx_v, w_v, z_v, acc_s, sem):
    c = lax.axis_index("c")
    s = lax.axis_index("s")
    wid = c * NS + s
    pltpu.sync_copy(zero_hbm, z_v)
    pltpu.sync_copy(z_v, acc_s.at[pl.ds(s * DEG_STRIPE, DEG_STRIPE)])
    plsc.subcore_barrier()
    pltpu.sync_copy(ei_hbm.at[1, pl.ds(wid * NBLK, NBLK)], idx_v)
    pltpu.sync_copy(w_hbm.at[pl.ds(wid * NBLK, NBLK)], w_v)

    @pl.loop(0, NBLK, step=8)
    def _(k):
        for j in range(8):
            pltpu.async_copy(w_v.at[k + j], acc_s.at[idx_v.at[k + j]], sem,
                             add=True)
        for j in range(8):
            pltpu.make_async_copy(w_v.at[k + j], acc_s.at[idx_v.at[k + j]],
                                  sem).wait()

    plsc.subcore_barrier()
    pltpu.sync_copy(acc_s.at[pl.ds(s * DEG_STRIPE, DEG_STRIPE)],
                    out_hbm.at[c, 0, pl.ds(s * DEG_STRIPE, DEG_STRIPE)])


@functools.partial(
    pl.kernel,
    out_type=jax.ShapeDtypeStruct((NC, NPAD, D), jnp.float32),
    mesh=_MESH,
    scratch_types=[
        pltpu.VMEM((NBLK, EB), jnp.int32),
        pltpu.VMEM((CHUNK, EB), jnp.int32),
        pltpu.VMEM((CHUNK, EB), jnp.float32),
        pltpu.VMEM((EB, D), jnp.float32),
        pltpu.VMEM((EB, D), jnp.float32),
        pltpu.VMEM_SHARED((N, D), jnp.float32),
        pltpu.SemaphoreType.DMA,
        pltpu.SemaphoreType.DMA,
    ],
)
def _agg_kernel(h2_hbm, ei_hbm, w_hbm, zero_hbm, out_hbm,
                src_v, dst_c, w_c, rows0, rows1, acc_s, g0, g1):
    c = lax.axis_index("c")
    s = lax.axis_index("s")
    wid = c * NS + s
    pltpu.sync_copy(zero_hbm, rows0)

    def _stripe_copy(copy_fn):
        base = s * ROW_STRIPE

        @pl.when(s < NS - 1)
        def _():
            @pl.loop(0, ROW_STRIPE // EB)
            def _(r):
                copy_fn(base + r * EB, EB)

        @pl.when(s == NS - 1)
        def _():
            @pl.loop(0, 3)
            def _(r):
                copy_fn(base + r * EB, EB)

            copy_fn(base + 3 * EB, ZROWS)

    def _zero_copy(row, nrows):
        pltpu.sync_copy(rows0.at[pl.ds(0, nrows)], acc_s.at[pl.ds(row, nrows)])

    _stripe_copy(_zero_copy)
    pltpu.sync_copy(ei_hbm.at[0, pl.ds(wid * NBLK, NBLK)], src_v)
    plsc.subcore_barrier()

    def process(k, buf, gsem):
        kk = lax.rem(k, CHUNK)
        pltpu.make_async_copy(h2_hbm.at[src_v.at[k]], buf, gsem).wait()

        @pl.loop(0, EB // L)
        def _(g):
            w16 = w_c[kk, pl.ds(g * L, L)]
            for j in range(L):
                sw = jnp.take_along_axis(
                    w16, jnp.full((L,), j, jnp.int32), axis=0)
                e = g * L + j
                for i in range(D // L):
                    sl = pl.ds(i * L, L)
                    buf[e, sl] = buf[e, sl] * sw

        pltpu.sync_copy(buf, acc_s.at[dst_c.at[kk]], add=True)

    pltpu.async_copy(h2_hbm.at[src_v.at[0]], rows0, g0)
    pltpu.async_copy(h2_hbm.at[src_v.at[1]], rows1, g1)

    @pl.loop(0, NBLK, step=2)
    def _(k):
        @pl.when(lax.rem(k, CHUNK) == 0)
        def _():
            kc = pl.multiple_of(wid * NBLK + k, CHUNK)
            pltpu.sync_copy(ei_hbm.at[1, pl.ds(kc, CHUNK)], dst_c)
            pltpu.sync_copy(w_hbm.at[pl.ds(kc, CHUNK)], w_c)

        process(k, rows0, g0)

        @pl.when(k + 2 < NBLK)
        def _():
            pltpu.async_copy(h2_hbm.at[src_v.at[k + 2]], rows0, g0)

        process(k + 1, rows1, g1)

        @pl.when(k + 3 < NBLK)
        def _():
            pltpu.async_copy(h2_hbm.at[src_v.at[k + 3]], rows1, g1)

    plsc.subcore_barrier()

    def _write_copy(row, nrows):
        pltpu.sync_copy(acc_s.at[pl.ds(row, nrows)],
                        out_hbm.at[c, pl.ds(row, nrows)])

    _stripe_copy(_write_copy)


def _dis_from(dp_ref):
    deg = dp_ref[0, 0, :] + dp_ref[1, 0, :]
    return jnp.where(deg > 0, 1.0 / jnp.sqrt(jnp.maximum(deg, 1e-12)), 0.0)


_DEG_SPEC = pl.BlockSpec((NC, 1, MB), lambda i: (0, 0, i))


def _mm_body(x_ref, w_ref, o_ref):
    o_ref[...] = jnp.dot(x_ref[...], w_ref[...],
                         preferred_element_type=jnp.float32)


_mm_call = pl.pallas_call(
    _mm_body,
    grid=(GRID,),
    in_specs=[
        pl.BlockSpec((MB, D), lambda i: (i, 0)),
        pl.BlockSpec((D, D), lambda i: (0, 0)),
    ],
    out_specs=pl.BlockSpec((MB, D), lambda i: (i, 0)),
    out_shape=jax.ShapeDtypeStruct((NPAD, D), jnp.float32),
)


def _h2_body(h_ref, dp_ref, o_ref):
    dis = _dis_from(dp_ref)
    o_ref[...] = h_ref[...] * dis[:, None]


_h2_call = pl.pallas_call(
    _h2_body,
    grid=(GRID,),
    in_specs=[
        pl.BlockSpec((MB, D), lambda i: (i, 0)),
        _DEG_SPEC,
    ],
    out_specs=pl.BlockSpec((MB, D), lambda i: (i, 0)),
    out_shape=jax.ShapeDtypeStruct((NPAD, D), jnp.float32),
)


def _fin_body(p_ref, dp_ref, b_ref, o_ref):
    dis = _dis_from(dp_ref)
    z = (p_ref[0] + p_ref[1]) * dis[:, None] + b_ref[...]
    o_ref[...] = jnp.where(z > 0, z, 0.1 * (jnp.exp(z) - 1.0))


_fin_call = pl.pallas_call(
    _fin_body,
    grid=(GRID,),
    in_specs=[
        pl.BlockSpec((NC, MB, D), lambda i: (0, i, 0)),
        _DEG_SPEC,
        pl.BlockSpec((D,), lambda i: (0,)),
    ],
    out_specs=pl.BlockSpec((MB, D), lambda i: (i, 0)),
    out_shape=jax.ShapeDtypeStruct((N, D), jnp.float32),
)


def kernel(x, edge_index, edge_attrs, W, b):
    pad = E_PAD - E
    pad_idx = jnp.arange(pad, dtype=jnp.int32) & 8191
    ei_p = jnp.concatenate(
        [edge_index.reshape(2, E // EB, EB),
         jnp.broadcast_to(pad_idx.reshape(1, pad // EB, EB),
                          (2, pad // EB, EB))], axis=1)
    w_p = jnp.concatenate(
        [edge_attrs, jnp.zeros((pad,), jnp.float32)]).reshape(NW * NBLK, EB)

    h_raw = _mm_call(x, W)
    degp = _deg_kernel(ei_p, w_p, jnp.zeros((DEG_STRIPE,), jnp.float32))
    h2 = _h2_call(h_raw, degp)
    outp = _agg_kernel(h2, ei_p, w_p,
                       jnp.zeros((EB, D), jnp.float32))
    return _fin_call(outp, degp, b)

# --- scband reference (transcript-rebuilt; emitter-appended) ---
"""Pipeline reference for scband-graph-mid-48438641164327 (READ-ONLY COPY).

The authoritative reference and input builder live on the scoring server;
editing this copy changes nothing except your own understanding.
"""

import jax, jax.numpy as jnp
import numpy as np

N = 10000
E = 320000
D = 128


def elu(x, alpha=0.1):
    return jnp.where(x > 0, x, alpha * (jnp.exp(x) - 1.0))


def setup_inputs(seed: int = 0) -> dict:
    key = jax.random.key(seed)
    k1, k2, k3, k4 = jax.random.split(key, 4)
    x = jax.random.normal(k1, (N, D), dtype=jnp.float32)
    edge_index = jax.random.randint(k2, (2, E), 0, N, dtype=jnp.int32)
    edge_attrs = jax.random.uniform(k3, (E,), dtype=jnp.float32)
    # learned params of the GCNConv(128,128): weight + bias
    W = jax.random.normal(k4, (D, D), dtype=jnp.float32) * 0.05
    b = jnp.zeros((D,), dtype=jnp.float32)
    return {"x": x, "edge_index": edge_index, "edge_attrs": edge_attrs, "W": W, "b": b}


def reference(x, edge_index, edge_attrs, W, b):
    # GCNConv with explicit edge_weight (no self loops), followed by ELU(alpha=0.1)
    src = edge_index[0]
    dst = edge_index[1]
    n = x.shape[0]
    # symmetric normalization: deg from edge weights on dst
    deg = jnp.zeros((n,), dtype=x.dtype).at[dst].add(edge_attrs)
    deg_inv_sqrt = jnp.where(deg > 0, 1.0 / jnp.sqrt(jnp.maximum(deg, 1e-12)), 0.0)
    norm = deg_inv_sqrt[src] * edge_attrs * deg_inv_sqrt[dst]
    h = x @ W  # linear transform
    msg = h[src] * norm[:, None]  # gather + scale
    out = jnp.zeros((n, D), dtype=x.dtype).at[dst].add(msg)  # scatter-add aggregate
    out = out + b
    return elu(out, 0.1)

if __name__ == "__main__":
    import jax
    _d = setup_inputs()
    print(jax.jit(kernel)(*tuple(_d.values())))

</pallas_src>

<mosaic_0001>
#map = affine_map<(d0, d1) -> (0, 0, 0)>
#map1 = affine_map<(d0, d1) -> (0, 0)>
#map2 = affine_map<(d0, d1) -> (0)>
module attributes {stable_mosaic.version = 14 : i64} {
  func.func @_deg_kernel(%arg0: i32, %arg1: i32, %arg2: memref<2x2560x128xi32, #tpu.memory_space<hbm>>, %arg3: memref<2560x128xf32, #tpu.memory_space<hbm>>, %arg4: memref<640xf32, #tpu.memory_space<hbm>>, %arg5: memref<2x1x10240xf32, #tpu.memory_space<hbm>>, %arg6: memref<80x128xi32, #tpu.memory_space<vmem>>, %arg7: memref<80x128xf32, #tpu.memory_space<vmem>>, %arg8: memref<640xf32, #tpu.memory_space<vmem>>, %arg9: memref<10240xf32, #tpu.memory_space<vmem_shared>>, %arg10: memref<!tpu.dma_semaphore, #tpu.memory_space<semaphore_mem>>) attributes {dimension_semantics = [#tpu.dimension_semantics<core_parallel>, #tpu.dimension_semantics<subcore_parallel>], iteration_bounds = array<i64: 2, 16>, scalar_prefetch = 0 : i64, scratch_operands = 5 : i64, tpu.core_type = #tpu.core_type<sc_vector_subcore>, window_params = [{transform_indices = #map}, {transform_indices = #map1}, {transform_indices = #map2}, {transform_indices = #map}]} {
    %mul3A = arith.constant 16 : i32
    %mul3A_0 = arith.muli %arg0, %mul3A : i32
    %add3A = arith.addi %mul3A_0, %arg1 : i32
    "tpu.region"() ({
      %run_scoped3A_17 = tpu.sem_alloc : memref<!tpu.dma_semaphore, #tpu.memory_space<semaphore_mem>>
      tpu.enqueue_dma source(%arg4 : memref<640xf32, #tpu.memory_space<hbm>>) target(%arg8 : memref<640xf32, #tpu.memory_space<vmem>>) target_semaphore(%run_scoped3A_17 : memref<!tpu.dma_semaphore, #tpu.memory_space<semaphore_mem>>)
      tpu.wait_dma2 semaphore(%run_scoped3A_17 : memref<!tpu.dma_semaphore, #tpu.memory_space<semaphore_mem>>) src(%arg4 : memref<640xf32, #tpu.memory_space<hbm>>) dst(%arg8 : memref<640xf32, #tpu.memory_space<vmem>>)
      tpu.yield
    }) : () -> ()
    %mul3A_1 = arith.constant 640 : i32
    %mul3A_2 = arith.muli %arg1, %mul3A_1 : i32
    "tpu.region"() ({
      %run_scoped3A_17 = tpu.sem_alloc : memref<!tpu.dma_semaphore, #tpu.memory_space<semaphore_mem>>
      %dma_start3A = tpu.memref_slice %arg9[%mul3A_2] : memref<10240xf32, #tpu.memory_space<vmem_shared>> -> memref<640xf32, #tpu.memory_space<vmem_shared>>
      %dma_start3A_18 = tpu.memref_slice %arg9[%mul3A_2] : memref<10240xf32, #tpu.memory_space<vmem_shared>> -> memref<640xf32, #tpu.memory_space<vmem_shared>>
      tpu.enqueue_dma source(%arg8 : memref<640xf32, #tpu.memory_space<vmem>>) target(%dma_start3A_18 : memref<640xf32, #tpu.memory_space<vmem_shared>>) target_semaphore(%run_scoped3A_17 : memref<!tpu.dma_semaphore, #tpu.memory_space<semaphore_mem>>)
      %dma_wait3A = tpu.memref_slice %arg9[%mul3A_2] : memref<10240xf32, #tpu.memory_space<vmem_shared>> -> memref<640xf32, #tpu.memory_space<vmem_shared>>
      %dma_wait3A_19 = tpu.memref_slice %arg9[%mul3A_2] : memref<10240xf32, #tpu.memory_space<vmem_shared>> -> memref<640xf32, #tpu.memory_space<vmem_shared>>
      tpu.wait_dma2 semaphore(%run_scoped3A_17 : memref<!tpu.dma_semaphore, #tpu.memory_space<semaphore_mem>>) src(%arg8 : memref<640xf32, #tpu.memory_space<vmem>>) dst(%dma_wait3A_19 : memref<640xf32, #tpu.memory_space<vmem_shared>>)
      tpu.yield
    }) : () -> ()
    %barrier3A = arith.constant 0 : index
    tpu.barrier barrier_id(%barrier3A)
    %mul3A_3 = arith.constant 80 : i32
    %mul3A_4 = arith.muli %add3A, %mul3A_3 : i32
    %run_scoped3A = arith.constant 1 : i32
    "tpu.region"() ({
      %run_scoped3A_17 = tpu.sem_alloc : memref<!tpu.dma_semaphore, #tpu.memory_space<semaphore_mem>>
      %dma_start3A = arith.constant 0 : i32
      %dma_start3A_18 = tpu.memref_slice %arg2[%run_scoped3A, %mul3A_4, %dma_start3A] : memref<2x2560x128xi32, #tpu.memory_space<hbm>> -> memref<1x80x128xi32, #tpu.memory_space<hbm>>
      %dma_start3A_19 = tpu.memref_squeeze %dma_start3A_18 : memref<1x80x128xi32, #tpu.memory_space<hbm>> -> memref<80x128xi32, #tpu.memory_space<hbm>>
      %dma_start3A_20 = arith.constant 0 : i32
      %dma_start3A_21 = tpu.memref_slice %arg2[%run_scoped3A, %mul3A_4, %dma_start3A_20] : memref<2x2560x128xi32, #tpu.memory_space<hbm>> -> memref<1x80x128xi32, #tpu.memory_space<hbm>>
      %dma_start3A_22 = tpu.memref_squeeze %dma_start3A_21 : memref<1x80x128xi32, #tpu.memory_space<hbm>> -> memref<80x128xi32, #tpu.memory_space<hbm>>
      tpu.enqueue_dma source(%dma_start3A_22 : memref<80x128xi32, #tpu.memory_space<hbm>>) target(%arg6 : memref<80x128xi32, #tpu.memory_space<vmem>>) target_semaphore(%run_scoped3A_17 : memref<!tpu.dma_semaphore, #tpu.memory_space<semaphore_mem>>)
      %dma_wait3A = arith.constant 0 : i32
      %dma_wait3A_23 = tpu.memref_slice %arg2[%run_scoped3A, %mul3A_4, %dma_wait3A] : memref<2x2560x128xi32, #tpu.memory_space<hbm>> -> memref<1x80x128xi32, #tpu.memory_space<hbm>>
      %dma_wait3A_24 = tpu.memref_squeeze %dma_wait3A_23 : memref<1x80x128xi32, #tpu.memory_space<hbm>> -> memref<80x128xi32, #tpu.memory_space<hbm>>
      %dma_wait3A_25 = arith.constant 0 : i32
      %dma_wait3A_26 = tpu.memref_slice %arg2[%run_scoped3A, %mul3A_4, %dma_wait3A_25] : memref<2x2560x128xi32, #tpu.memory_space<hbm>> -> memref<1x80x128xi32, #tpu.memory_space<hbm>>
      %dma_wait3A_27 = tpu.memref_squeeze %dma_wait3A_26 : memref<1x80x128xi32, #tpu.memory_space<hbm>> -> memref<80x128xi32, #tpu.memory_space<hbm>>
      tpu.wait_dma2 semaphore(%run_scoped3A_17 : memref<!tpu.dma_semaphore, #tpu.memory_space<semaphore_mem>>) src(%dma_wait3A_27 : memref<80x128xi32, #tpu.memory_space<hbm>>) dst(%arg6 : memref<80x128xi32, #tpu.memory_space<vmem>>)
      tpu.yield
    }) : () -> ()
    %mul3A_5 = arith.constant 80 : i32
    %mul3A_6 = arith.muli %add3A, %mul3A_5 : i32
    "tpu.region"() ({
      %run_scoped3A_17 = tpu.sem_alloc : memref<!tpu.dma_semaphore, #tpu.memory_space<semaphore_mem>>
      %dma_start3A = arith.constant 0 : i32
      %dma_start3A_18 = tpu.memref_slice %arg3[%mul3A_6, %dma_start3A] : memref<2560x128xf32, #tpu.memory_space<hbm>> -> memref<80x128xf32, #tpu.memory_space<hbm>>
      %dma_start3A_19 = arith.constant 0 : i32
      %dma_start3A_20 = tpu.memref_slice %arg3[%mul3A_6, %dma_start3A_19] : memref<2560x128xf32, #tpu.memory_space<hbm>> -> memref<80x128xf32, #tpu.memory_space<hbm>>
      tpu.enqueue_dma source(%dma_start3A_20 : memref<80x128xf32, #tpu.memory_space<hbm>>) target(%arg7 : memref<80x128xf32, #tpu.memory_space<vmem>>) target_semaphore(%run_scoped3A_17 : memref<!tpu.dma_semaphore, #tpu.memory_space<semaphore_mem>>)
      %dma_wait3A = arith.constant 0 : i32
      %dma_wait3A_21 = tpu.memref_slice %arg3[%mul3A_6, %dma_wait3A] : memref<2560x128xf32, #tpu.memory_space<hbm>> -> memref<80x128xf32, #tpu.memory_space<hbm>>
      %dma_wait3A_22 = arith.constant 0 : i32
      %dma_wait3A_23 = tpu.memref_slice %arg3[%mul3A_6, %dma_wait3A_22] : memref<2560x128xf32, #tpu.memory_space<hbm>> -> memref<80x128xf32, #tpu.memory_space<hbm>>
      tpu.wait_dma2 semaphore(%run_scoped3A_17 : memref<!tpu.dma_semaphore, #tpu.memory_space<semaphore_mem>>) src(%dma_wait3A_23 : memref<80x128xf32, #tpu.memory_space<hbm>>) dst(%arg7 : memref<80x128xf32, #tpu.memory_space<vmem>>)
      tpu.yield
    }) : () -> ()
    %scan3A = arith.constant 0 : i32
    %scan3A_7 = arith.constant 10 : i32
    %scan3A_8 = arith.addi %scan3A, %scan3A_7 : i32
    %scan3A_9 = arith.constant 1 : i32
    scf.for %scan3A_17 = %scan3A to %scan3A_8 step %scan3A_9  : i32 {
      %mul3A_18 = arith.constant 8 : i32
      %mul3A_19 = arith.muli %scan3A_17, %mul3A_18 : i32
      %add3A_20 = arith.constant 0 : i32
      %add3A_21 = arith.addi %add3A_20, %mul3A_19 : i32
      %add3A_22 = arith.constant 0 : i32
      %add3A_23 = arith.addi %add3A_21, %add3A_22 : i32
      %add3A_24 = arith.constant 0 : i32
      %add3A_25 = arith.addi %add3A_21, %add3A_24 : i32
      %dma_start3A = arith.constant 0 : i32
      %dma_start3A_26 = tpu.memref_slice %arg7[%add3A_23, %dma_start3A] : memref<80x128xf32, #tpu.memory_space<vmem>> -> memref<1x128xf32, #tpu.memory_space<vmem>>
      %dma_start3A_27 = tpu.memref_squeeze %dma_start3A_26 : memref<1x128xf32, #tpu.memory_space<vmem>> -> memref<128xf32, #tpu.memory_space<vmem>>
      %dma_start3A_28 = arith.constant 0 : i32
      %dma_start3A_29 = tpu.memref_slice %arg6[%add3A_25, %dma_start3A_28] : memref<80x128xi32, #tpu.memory_space<vmem>> -> memref<1x128xi32, #tpu.memory_space<vmem>>
      %dma_start3A_30 = tpu.memref_squeeze %dma_start3A_29 : memref<1x128xi32, #tpu.memory_space<vmem>> -> memref<128xi32, #tpu.memory_space<vmem>>
      %dma_start3A_31 = arith.constant 0 : i32
      %dma_start3A_32 = tpu.memref_slice %arg9[%dma_start3A_31] : memref<10240xf32, #tpu.memory_space<vmem_shared>> -> memref<10240xf32, #tpu.memory_space<vmem_shared>>
      tpu.enqueue_indirect_dma source(%dma_start3A_27 : memref<128xf32, #tpu.memory_space<vmem>>) target(%dma_start3A_32 : memref<10240xf32, #tpu.memory_space<vmem_shared>>) offsets(%dma_start3A_30 : memref<128xi32, #tpu.memory_space<vmem>>) semaphore(%arg10 : memref<!tpu.dma_semaphore, #tpu.memory_space<semaphore_mem>>) {add = true}
      %add3A_33 = arith.constant 1 : i32
      %add3A_34 = arith.addi %add3A_21, %add3A_33 : i32
      %add3A_35 = arith.constant 1 : i32
      %add3A_36 = arith.addi %add3A_21, %add3A_35 : i32
      %dma_start3A_37 = arith.constant 0 : i32
      %dma_start3A_38 = tpu.memref_slice %arg7[%add3A_34, %dma_start3A_37] : memref<80x128xf32, #tpu.memory_space<vmem>> -> memref<1x128xf32, #tpu.memory_space<vmem>>
      %dma_start3A_39 = tpu.memref_squeeze %dma_start3A_38 : memref<1x128xf32, #tpu.memory_space<vmem>> -> memref<128xf32, #tpu.memory_space<vmem>>
      %dma_start3A_40 = arith.constant 0 : i32
      %dma_start3A_41 = tpu.memref_slice %arg6[%add3A_36, %dma_start3A_40] : memref<80x128xi32, #tpu.memory_space<vmem>> -> memref<1x128xi32, #tpu.memory_space<vmem>>
      %dma_start3A_42 = tpu.memref_squeeze %dma_start3A_41 : memref<1x128xi32, #tpu.memory_space<vmem>> -> memref<128xi32, #tpu.memory_space<vmem>>
      %dma_start3A_43 = arith.constant 0 : i32
      %dma_start3A_44 = tpu.memref_slice %arg9[%dma_start3A_43] : memref<10240xf32, #tpu.memory_space<vmem_shared>> -> memref<10240xf32, #tpu.memory_space<vmem_shared>>
      tpu.enqueue_indirect_dma source(%dma_start3A_39 : memref<128xf32, #tpu.memory_space<vmem>>) target(%dma_start3A_44 : memref<10240xf32, #tpu.memory_space<vmem_shared>>) offsets(%dma_start3A_42 : memref<128xi32, #tpu.memory_space<vmem>>) semaphore(%arg10 : memref<!tpu.dma_semaphore, #tpu.memory_space<semaphore_mem>>) {add = true}
      %add3A_45 = arith.constant 2 : i32
      %add3A_46 = arith.addi %add3A_21, %add3A_45 : i32
      %add3A_47 = arith.constant 2 : i32
      %add3A_48 = arith.addi %add3A_21, %add3A_47 : i32
      %dma_start3A_49 = arith.constant 0 : i32
      %dma_start3A_50 = tpu.memref_slice %arg7[%add3A_46, %dma_start3A_49] : memref<80x128xf32, #tpu.memory_space<vmem>> -> memref<1x128xf32, #tpu.memory_space<vmem>>
      %dma_start3A_51 = tpu.memref_squeeze %dma_start3A_50 : memref<1x128xf32, #tpu.memory_space<vmem>> -> memref<128xf32, #tpu.memory_space<vmem>>
      %dma_start3A_52 = arith.constant 0 : i32
      %dma_start3A_53 = tpu.memref_slice %arg6[%add3A_48, %dma_start3A_52] : memref<80x128xi32, #tpu.memory_space<vmem>> -> memref<1x128xi32, #tpu.memory_space<vmem>>
      %dma_start3A_54 = tpu.memref_squeeze %dma_start3A_53 : memref<1x128xi32, #tpu.memory_space<vmem>> -> memref<128xi32, #tpu.memory_space<vmem>>
      %dma_start3A_55 = arith.constant 0 : i32
      %dma_start3A_56 = tpu.memref_slice %arg9[%dma_start3A_55] : memref<10240xf32, #tpu.memory_space<vmem_shared>> -> memref<10240xf32, #tpu.memory_space<vmem_shared>>
      tpu.enqueue_indirect_dma source(%dma_start3A_51 : memref<128xf32, #tpu.memory_space<vmem>>) target(%dma_start3A_56 : memref<10240xf32, #tpu.memory_space<vmem_shared>>) offsets(%dma_start3A_54 : memref<128xi32, #tpu.memory_space<vmem>>) semaphore(%arg10 : memref<!tpu.dma_semaphore, #tpu.memory_space<semaphore_mem>>) {add = true}
      %add3A_57 = arith.constant 3 : i32
      %add3A_58 = arith.addi %add3A_21, %add3A_57 : i32
      %add3A_59 = arith.constant 3 : i32
      %add3A_60 = arith.addi %add3A_21, %add3A_59 : i32
      %dma_start3A_61 = arith.constant 0 : i32
      %dma_start3A_62 = tpu.memref_slice %arg7[%add3A_58, %dma_start3A_61] : memref<80x128xf32, #tpu.memory_space<vmem>> -> memref<1x128xf32, #tpu.memory_space<vmem>>
      %dma_start3A_63 = tpu.memref_squeeze %dma_start3A_62 : memref<1x128xf32, #tpu.memory_space<vmem>> -> memref<128xf32, #tpu.memory_space<vmem>>
      %dma_start3A_64 = arith.constant 0 : i32
      %dma_start3A_65 = tpu.memref_slice %arg6[%add3A_60, %dma_start3A_64] : memref<80x128xi32, #tpu.memory_space<vmem>> -> memref<1x128xi32, #tpu.memory_space<vmem>>
      %dma_start3A_66 = tpu.memref_squeeze %dma_start3A_65 : memref<1x128xi32, #tpu.memory_space<vmem>> -> memref<128xi32, #tpu.memory_space<vmem>>
      %dma_start3A_67 = arith.constant 0 : i32
      %dma_start3A_68 = tpu.memref_slice %arg9[%dma_start3A_67] : memref<10240xf32, #tpu.memory_space<vmem_shared>> -> memref<10240xf32, #tpu.memory_space<vmem_shared>>
      tpu.enqueue_indirect_dma source(%dma_start3A_63 : memref<128xf32, #tpu.memory_space<vmem>>) target(%dma_start3A_68 : memref<10240xf32, #tpu.memory_space<vmem_shared>>) offsets(%dma_start3A_66 : memref<128xi32, #tpu.memory_space<vmem>>) semaphore(%arg10 : memref<!tpu.dma_semaphore, #tpu.memory_space<semaphore_mem>>) {add = true}
      %add3A_69 = arith.constant 4 : i32
      %add3A_70 = arith.addi %add3A_21, %add3A_69 : i32
      %add3A_71 = arith.constant 4 : i32
      %add3A_72 = arith.addi %add3A_21, %add3A_71 : i32
      %dma_start3A_73 = arith.constant 0 : i32
      %dma_start3A_74 = tpu.memref_slice %arg7[%add3A_70, %dma_start3A_73] : memref<80x128xf32, #tpu.memory_space<vmem>> -> memref<1x128xf32, #tpu.memory_space<vmem>>
      %dma_start3A_75 = tpu.memref_squeeze %dma_start3A_74 : memref<1x128xf32, #tpu.memory_space<vmem>> -> memref<128xf32, #tpu.memory_space<vmem>>
      %dma_start3A_76 = arith.constant 0 : i32
      %dma_start3A_77 = tpu.memref_slice %arg6[%add3A_72, %dma_start3A_76] : memref<80x128xi32, #tpu.memory_space<vmem>> -> memref<1x128xi32, #tpu.memory_space<vmem>>
      %dma_start3A_78 = tpu.memref_squeeze %dma_start3A_77 : memref<1x128xi32, #tpu.memory_space<vmem>> -> memref<128xi32, #tpu.memory_space<vmem>>
      %dma_start3A_79 = arith.constant 0 : i32
      %dma_start3A_80 = tpu.memref_slice %arg9[%dma_start3A_79] : memref<10240xf32, #tpu.memory_space<vmem_shared>> -> memref<10240xf32, #tpu.memory_space<vmem_shared>>
      tpu.enqueue_indirect_dma source(%dma_start3A_75 : memref<128xf32, #tpu.memory_space<vmem>>) target(%dma_start3A_80 : memref<10240xf32, #tpu.memory_space<vmem_shared>>) offsets(%dma_start3A_78 : memref<128xi32, #tpu.memory_space<vmem>>) semaphore(%arg10 : memref<!tpu.dma_semaphore, #tpu.memory_space<semaphore_mem>>) {add = true}
      %add3A_81 = arith.constant 5 : i32
      %add3A_82 = arith.addi %add3A_21, %add3A_81 : i32
      %add3A_83 = arith.constant 5 : i32
      %add3A_84 = arith.addi %add3A_21, %add3A_83 : i32
      %dma_start3A_85 = arith.constant 0 : i32
      %dma_start3A_86 = tpu.memref_slice %arg7[%add3A_82, %dma_start3A_85] : memref<80x128xf32, #tpu.memory_space<vmem>> -> memref<1x128xf32, #tpu.memory_space<vmem>>
      %dma_start3A_87 = tpu.memref_squeeze %dma_start3A_86 : memref<1x128xf32, #tpu.memory_space<vmem>> -> memref<128xf32, #tpu.memory_space<vmem>>
      %dma_start3A_88 = arith.constant 0 : i32
      %dma_start3A_89 = tpu.memref_slice %arg6[%add3A_84, %dma_start3A_88] : memref<80x128xi32, #tpu.memory_space<vmem>> -> memref<1x128xi32, #tpu.memory_space<vmem>>
      %dma_start3A_90 = tpu.memref_squeeze %dma_start3A_89 : memref<1x128xi32, #tpu.memory_space<vmem>> -> memref<128xi32, #tpu.memory_space<vmem>>
      %dma_start3A_91 = arith.constant 0 : i32
      %dma_start3A_92 = tpu.memref_slice %arg9[%dma_start3A_91] : memref<10240xf32, #tpu.memory_space<vmem_shared>> -> memref<10240xf32, #tpu.memory_space<vmem_shared>>
      tpu.enqueue_indirect_dma source(%dma_start3A_87 : memref<128xf32, #tpu.memory_space<vmem>>) target(%dma_start3A_92 : memref<10240xf32, #tpu.memory_space<vmem_shared>>) offsets(%dma_start3A_90 : memref<128xi32, #tpu.memory_space<vmem>>) semaphore(%arg10 : memref<!tpu.dma_semaphore, #tpu.memory_space<semaphore_mem>>) {add = true}
      %add3A_93 = arith.constant 6 : i32
      %add3A_94 = arith.addi %add3A_21, %add3A_93 : i32
      %add3A_95 = arith.constant 6 : i32
      %add3A_96 = arith.addi %add3A_21, %add3A_95 : i32
      %dma_start3A_97 = arith.constant 0 : i32
      %dma_start3A_98 = tpu.memref_slice %arg7[%add3A_94, %dma_start3A_97] : memref<80x128xf32, #tpu.memory_space<vmem>> -> memref<1x128xf32, #tpu.memory_space<vmem>>
      %dma_start3A_99 = tpu.memref_squeeze %dma_start3A_98 : memref<1x128xf32, #tpu.memory_space<vmem>> -> memref<128xf32, #tpu.memory_space<vmem>>
      %dma_start3A_100 = arith.constant 0 : i32
      %dma_start3A_101 = tpu.memref_slice %arg6[%add3A_96, %dma_start3A_100] : memref<80x128xi32, #tpu.memory_space<vmem>> -> memref<1x128xi32, #tpu.memory_space<vmem>>
      %dma_start3A_102 = tpu.memref_squeeze %dma_start3A_101 : memref<1x128xi32, #tpu.memory_space<vmem>> -> memref<128xi32, #tpu.memory_space<vmem>>
      %dma_start3A_103 = arith.constant 0 : i32
      %dma_start3A_104 = tpu.memref_slice %arg9[%dma_start3A_103] : memref<10240xf32, #tpu.memory_space<vmem_shared>> -> memref<10240xf32, #tpu.memory_space<vmem_shared>>
      tpu.enqueue_indirect_dma source(%dma_start3A_99 : memref<128xf32, #tpu.memory_space<vmem>>) target(%dma_start3A_104 : memref<10240xf32, #tpu.memory_space<vmem_shared>>) offsets(%dma_start3A_102 : memref<128xi32, #tpu.memory_space<vmem>>) semaphore(%arg10 : memref<!tpu.dma_semaphore, #tpu.memory_space<semaphore_mem>>) {add = true}
      %add3A_105 = arith.constant 7 : i32
      %add3A_106 = arith.addi %add3A_21, %add3A_105 : i32
      %add3A_107 = arith.constant 7 : i32
      %add3A_108 = arith.addi %add3A_21, %add3A_107 : i32
      %dma_start3A_109 = arith.constant 0 : i32
      %dma_start3A_110 = tpu.memref_slice %arg7[%add3A_106, %dma_start3A_109] : memref<80x128xf32, #tpu.memory_space<vmem>> -> memref<1x128xf32, #tpu.memory_space<vmem>>
      %dma_start3A_111 = tpu.memref_squeeze %dma_start3A_110 : memref<1x128xf32, #tpu.memory_space<vmem>> -> memref<128xf32, #tpu.memory_space<vmem>>
      %dma_start3A_112 = arith.constant 0 : i32
      %dma_start3A_113 = tpu.memref_slice %arg6[%add3A_108, %dma_start3A_112] : memref<80x128xi32, #tpu.memory_space<vmem>> -> memref<1x128xi32, #tpu.memory_space<vmem>>
      %dma_start3A_114 = tpu.memref_squeeze %dma_start3A_113 : memref<1x128xi32, #tpu.memory_space<vmem>> -> memref<128xi32, #tpu.memory_space<vmem>>
      %dma_start3A_115 = arith.constant 0 : i32
      %dma_start3A_116 = tpu.memref_slice %arg9[%dma_start3A_115] : memref<10240xf32, #tpu.memory_space<vmem_shared>> -> memref<10240xf32, #tpu.memory_space<vmem_shared>>
      tpu.enqueue_indirect_dma source(%dma_start3A_111 : memref<128xf32, #tpu.memory_space<vmem>>) target(%dma_start3A_116 : memref<10240xf32, #tpu.memory_space<vmem_shared>>) offsets(%dma_start3A_114 : memref<128xi32, #tpu.memory_space<vmem>>) semaphore(%arg10 : memref<!tpu.dma_semaphore, #tpu.memory_space<semaphore_mem>>) {add = true}
      %add3A_117 = arith.constant 0 : i32
      %add3A_118 = arith.addi %add3A_21, %add3A_117 : i32
      %add3A_119 = arith.constant 0 : i32
      %add3A_120 = arith.addi %add3A_21, %add3A_119 : i32
      %dma_wait3A = arith.constant 0 : i32
      %dma_wait3A_121 = tpu.memref_slice %arg7[%add3A_118, %dma_wait3A] : memref<80x128xf32, #tpu.memory_space<vmem>> -> memref<1x128xf32, #tpu.memory_space<vmem>>
      %dma_wait3A_122 = tpu.memref_squeeze %dma_wait3A_121 : memref<1x128xf32, #tpu.memory_space<vmem>> -> memref<128xf32, #tpu.memory_space<vmem>>
      %dma_wait3A_123 = arith.constant 0 : i32
      %dma_wait3A_124 = tpu.memref_slice %arg6[%add3A_120, %dma_wait3A_123] : memref<80x128xi32, #tpu.memory_space<vmem>> -> memref<1x128xi32, #tpu.memory_space<vmem>>
      %dma_wait3A_125 = tpu.memref_squeeze %dma_wait3A_124 : memref<1x128xi32, #tpu.memory_space<vmem>> -> memref<128xi32, #tpu.memory_space<vmem>>
      %dma_wait3A_126 = arith.constant 0 : i32
      %dma_wait3A_127 = tpu.memref_slice %arg9[%dma_wait3A_126] : memref<10240xf32, #tpu.memory_space<vmem_shared>> -> memref<10240xf32, #tpu.memory_space<vmem_shared>>
      tpu.wait_indirect_dma semaphore(%arg10 : memref<!tpu.dma_semaphore, #tpu.memory_space<semaphore_mem>>) src(%dma_wait3A_122 : memref<128xf32, #tpu.memory_space<vmem>>) dst(%dma_wait3A_127 : memref<10240xf32, #tpu.memory_space<vmem_shared>>)
      %add3A_128 = arith.constant 1 : i32
      %add3A_129 = arith.addi %add3A_21, %add3A_128 : i32
      %add3A_130 = arith.constant 1 : i32
      %add3A_131 = arith.addi %add3A_21, %add3A_130 : i32
      %dma_wait3A_132 = arith.constant 0 : i32
      %dma_wait3A_133 = tpu.memref_slice %arg7[%add3A_129, %dma_wait3A_132] : memref<80x128xf32, #tpu.memory_space<vmem>> -> memref<1x128xf32, #tpu.memory_space<vmem>>
      %dma_wait3A_134 = tpu.memref_squeeze %dma_wait3A_133 : memref<1x128xf32, #tpu.memory_space<vmem>> -> memref<128xf32, #tpu.memory_space<vmem>>
      %dma_wait3A_135 = arith.constant 0 : i32
      %dma_wait3A_136 = tpu.memref_slice %arg6[%add3A_131, %dma_wait3A_135] : memref<80x128xi32, #tpu.memory_space<vmem>> -> memref<1x128xi32, #tpu.memory_space<vmem>>
      %dma_wait3A_137 = tpu.memref_squeeze %dma_wait3A_136 : memref<1x128xi32, #tpu.memory_space<vmem>> -> memref<128xi32, #tpu.memory_space<vmem>>
      %dma_wait3A_138 = arith.constant 0 : i32
      %dma_wait3A_139 = tpu.memref_slice %arg9[%dma_wait3A_138] : memref<10240xf32, #tpu.memory_space<vmem_shared>> -> memref<10240xf32, #tpu.memory_space<vmem_shared>>
      tpu.wait_indirect_dma semaphore(%arg10 : memref<!tpu.dma_semaphore, #tpu.memory_space<semaphore_mem>>) src(%dma_wait3A_134 : memref<128xf32, #tpu.memory_space<vmem>>) dst(%dma_wait3A_139 : memref<10240xf32, #tpu.memory_space<vmem_shared>>)
      %add3A_140 = arith.constant 2 : i32
      %add3A_141 = arith.addi %add3A_21, %add3A_140 : i32
      %add3A_142 = arith.constant 2 : i32
      %add3A_143 = arith.addi %add3A_21, %add3A_142 : i32
      %dma_wait3A_144 = arith.constant 0 : i32
      %dma_wait3A_145 = tpu.memref_slice %arg7[%add3A_141, %dma_wait3A_144] : memref<80x128xf32, #tpu.memory_space<vmem>> -> memref<1x128xf32, #tpu.memory_space<vmem>>
      %dma_wait3A_146 = tpu.memref_squeeze %dma_wait3A_145 : memref<1x128xf32, #tpu.memory_space<vmem>> -> memref<128xf32, #tpu.memory_space<vmem>>
      %dma_wait3A_147 = arith.constant 0 : i32
      %dma_wait3A_148 = tpu.memref_slice %arg6[%add3A_143, %dma_wait3A_147] : memref<80x128xi32, #tpu.memory_space<vmem>> -> memref<1x128xi32, #tpu.memory_space<vmem>>
      %dma_wait3A_149 = tpu.memref_squeeze %dma_wait3A_148 : memref<1x128xi32, #tpu.memory_space<vmem>> -> memref<128xi32, #tpu.memory_space<vmem>>
      %dma_wait3A_150 = arith.constant 0 : i32
      %dma_wait3A_151 = tpu.memref_slice %arg9[%dma_wait3A_150] : memref<10240xf32, #tpu.memory_space<vmem_shared>> -> memref<10240xf32, #tpu.memory_space<vmem_shared>>
      tpu.wait_indirect_dma semaphore(%arg10 : memref<!tpu.dma_semaphore, #tpu.memory_space<semaphore_mem>>) src(%dma_wait3A_146 : memref<128xf32, #tpu.memory_space<vmem>>) dst(%dma_wait3A_151 : memref<10240xf32, #tpu.memory_space<vmem_shared>>)
      %add3A_152 = arith.constant 3 : i32
      %add3A_153 = arith.addi %add3A_21, %add3A_152 : i32
      %add3A_154 = arith.constant 3 : i32
      %add3A_155 = arith.addi %add3A_21, %add3A_154 : i32
      %dma_wait3A_156 = arith.constant 0 : i32
      %dma_wait3A_157 = tpu.memref_slice %arg7[%add3A_153, %dma_wait3A_156] : memref<80x128xf32, #tpu.memory_space<vmem>> -> memref<1x128xf32, #tpu.memory_space<vmem>>
      %dma_wait3A_158 = tpu.memref_squeeze %dma_wait3A_157 : memref<1x128xf32, #tpu.memory_space<vmem>> -> memref<128xf32, #tpu.memory_space<vmem>>
      %dma_wait3A_159 = arith.constant 0 : i32
      %dma_wait3A_160 = tpu.memref_slice %arg6[%add3A_155, %dma_wait3A_159] : memref<80x128xi32, #tpu.memory_space<vmem>> -> memref<1x128xi32, #tpu.memory_space<vmem>>
      %dma_wait3A_161 = tpu.memref_squeeze %dma_wait3A_160 : memref<1x128xi32, #tpu.memory_space<vmem>> -> memref<128xi32, #tpu.memory_space<vmem>>
      %dma_wait3A_162 = arith.constant 0 : i32
      %dma_wait3A_163 = tpu.memref_slice %arg9[%dma_wait3A_162] : memref<10240xf32, #tpu.memory_space<vmem_shared>> -> memref<10240xf32, #tpu.memory_space<vmem_shared>>
      tpu.wait_indirect_dma semaphore(%arg10 : memref<!tpu.dma_semaphore, #tpu.memory_space<semaphore_mem>>) src(%dma_wait3A_158 : memref<128xf32, #tpu.memory_space<vmem>>) dst(%dma_wait3A_163 : memref<10240xf32, #tpu.memory_space<vmem_shared>>)
      %add3A_164 = arith.constant 4 : i32
      %add3A_165 = arith.addi %add3A_21, %add3A_164 : i32
      %add3A_166 = arith.constant 4 : i32
      %add3A_167 = arith.addi %add3A_21, %add3A_166 : i32
      %dma_wait3A_168 = arith.constant 0 : i32
      %dma_wait3A_169 = tpu.memref_slice %arg7[%add3A_165, %dma_wait3A_168] : memref<80x128xf32, #tpu.memory_space<vmem>> -> memref<1x128xf32, #tpu.memory_space<vmem>>
      %dma_wait3A_170 = tpu.memref_squeeze %dma_wait3A_169 : memref<1x128xf32, #tpu.memory_space<vmem>> -> memref<128xf32, #tpu.memory_space<vmem>>
      %dma_wait3A_171 = arith.constant 0 : i32
      %dma_wait3A_172 = tpu.memref_slice %arg6[%add3A_167, %dma_wait3A_171] : memref<80x128xi32, #tpu.memory_space<vmem>> -> memref<1x128xi32, #tpu.memory_space<vmem>>
      %dma_wait3A_173 = tpu.memref_squeeze %dma_wait3A_172 : memref<1x128xi32, #tpu.memory_space<vmem>> -> memref<128xi32, #tpu.memory_space<vmem>>
      %dma_wait3A_174 = arith.constant 0 : i32
      %dma_wait3A_175 = tpu.memref_slice %arg9[%dma_wait3A_174] : memref<10240xf32, #tpu.memory_space<vmem_shared>> -> memref<10240xf32, #tpu.memory_space<vmem_shared>>
      tpu.wait_indirect_dma semaphore(%arg10 : memref<!tpu.dma_semaphore, #tpu.memory_space<semaphore_mem>>) src(%dma_wait3A_170 : memref<128xf32, #tpu.memory_space<vmem>>) dst(%dma_wait3A_175 : memref<10240xf32, #tpu.memory_space<vmem_shared>>)
      %add3A_176 = arith.constant 5 : i32
      %add3A_177 = arith.addi %add3A_21, %add3A_176 : i32
      %add3A_178 = arith.constant 5 : i32
      %add3A_179 = arith.addi %add3A_21, %add3A_178 : i32
      %dma_wait3A_180 = arith.constant 0 : i32
      %dma_wait3A_181 = tpu.memref_slice %arg7[%add3A_177, %dma_wait3A_180] : memref<80x128xf32, #tpu.memory_space<vmem>> -> memref<1x128xf32, #tpu.memory_space<vmem>>
      %dma_wait3A_182 = tpu.memref_squeeze %dma_wait3A_181 : memref<1x128xf32, #tpu.memory_space<vmem>> -> memref<128xf32, #tpu.memory_space<vmem>>
      %dma_wait3A_183 = arith.constant 0 : i32
      %dma_wait3A_184 = tpu.memref_slice %arg6[%add3A_179, %dma_wait3A_183] : memref<80x128xi32, #tpu.memory_space<vmem>> -> memref<1x128xi32, #tpu.memory_space<vmem>>
      %dma_wait3A_185 = tpu.memref_squeeze %dma_wait3A_184 : memref<1x128xi32, #tpu.memory_space<vmem>> -> memref<128xi32, #tpu.memory_space<vmem>>
      %dma_wait3A_186 = arith.constant 0 : i32
      %dma_wait3A_187 = tpu.memref_slice %arg9[%dma_wait3A_186] : memref<10240xf32, #tpu.memory_space<vmem_shared>> -> memref<10240xf32, #tpu.memory_space<vmem_shared>>
      tpu.wait_indirect_dma semaphore(%arg10 : memref<!tpu.dma_semaphore, #tpu.memory_space<semaphore_mem>>) src(%dma_wait3A_182 : memref<128xf32, #tpu.memory_space<vmem>>) dst(%dma_wait3A_187 : memref<10240xf32, #tpu.memory_space<vmem_shared>>)
      %add3A_188 = arith.constant 6 : i32
      %add3A_189 = arith.addi %add3A_21, %add3A_188 : i32
      %add3A_190 = arith.constant 6 : i32
      %add3A_191 = arith.addi %add3A_21, %add3A_190 : i32
      %dma_wait3A_192 = arith.constant 0 : i32
      %dma_wait3A_193 = tpu.memref_slice %arg7[%add3A_189, %dma_wait3A_192] : memref<80x128xf32, #tpu.memory_space<vmem>> -> memref<1x128xf32, #tpu.memory_space<vmem>>
      %dma_wait3A_194 = tpu.memref_squeeze %dma_wait3A_193 : memref<1x128xf32, #tpu.memory_space<vmem>> -> memref<128xf32, #tpu.memory_space<vmem>>
      %dma_wait3A_195 = arith.constant 0 : i32
      %dma_wait3A_196 = tpu.memref_slice %arg6[%add3A_191, %dma_wait3A_195] : memref<80x128xi32, #tpu.memory_space<vmem>> -> memref<1x128xi32, #tpu.memory_space<vmem>>
      %dma_wait3A_197 = tpu.memref_squeeze %dma_wait3A_196 : memref<1x128xi32, #tpu.memory_space<vmem>> -> memref<128xi32, #tpu.memory_space<vmem>>
      %dma_wait3A_198 = arith.constant 0 : i32
      %dma_wait3A_199 = tpu.memref_slice %arg9[%dma_wait3A_198] : memref<10240xf32, #tpu.memory_space<vmem_shared>> -> memref<10240xf32, #tpu.memory_space<vmem_shared>>
      tpu.wait_indirect_dma semaphore(%arg10 : memref<!tpu.dma_semaphore, #tpu.memory_space<semaphore_mem>>) src(%dma_wait3A_194 : memref<128xf32, #tpu.memory_space<vmem>>) dst(%dma_wait3A_199 : memref<10240xf32, #tpu.memory_space<vmem_shared>>)
      %add3A_200 = arith.constant 7 : i32
      %add3A_201 = arith.addi %add3A_21, %add3A_200 : i32
      %add3A_202 = arith.constant 7 : i32
      %add3A_203 = arith.addi %add3A_21, %add3A_202 : i32
      %dma_wait3A_204 = arith.constant 0 : i32
      %dma_wait3A_205 = tpu.memref_slice %arg7[%add3A_201, %dma_wait3A_204] : memref<80x128xf32, #tpu.memory_space<vmem>> -> memref<1x128xf32, #tpu.memory_space<vmem>>
      %dma_wait3A_206 = tpu.memref_squeeze %dma_wait3A_205 : memref<1x128xf32, #tpu.memory_space<vmem>> -> memref<128xf32, #tpu.memory_space<vmem>>
      %dma_wait3A_207 = arith.constant 0 : i32
      %dma_wait3A_208 = tpu.memref_slice %arg6[%add3A_203, %dma_wait3A_207] : memref<80x128xi32, #tpu.memory_space<vmem>> -> memref<1x128xi32, #tpu.memory_space<vmem>>
      %dma_wait3A_209 = tpu.memref_squeeze %dma_wait3A_208 : memref<1x128xi32, #tpu.memory_space<vmem>> -> memref<128xi32, #tpu.memory_space<vmem>>
      %dma_wait3A_210 = arith.constant 0 : i32
      %dma_wait3A_211 = tpu.memref_slice %arg9[%dma_wait3A_210] : memref<10240xf32, #tpu.memory_space<vmem_shared>> -> memref<10240xf32, #tpu.memory_space<vmem_shared>>
      tpu.wait_indirect_dma semaphore(%arg10 : memref<!tpu.dma_semaphore, #tpu.memory_space<semaphore_mem>>) src(%dma_wait3A_206 : memref<128xf32, #tpu.memory_space<vmem>>) dst(%dma_wait3A_211 : memref<10240xf32, #tpu.memory_space<vmem_shared>>)
    }
    %scan3A_10 = arith.constant 10 : i32
    %barrier3A_11 = arith.constant 0 : index
    tpu.barrier barrier_id(%barrier3A_11)
    %mul3A_12 = arith.constant 640 : i32
    %mul3A_13 = arith.muli %arg1, %mul3A_12 : i32
    %mul3A_14 = arith.constant 640 : i32
    %mul3A_15 = arith.muli %arg1, %mul3A_14 : i32
    %run_scoped3A_16 = arith.constant 0 : i32
    "tpu.region"() ({
      %run_scoped3A_17 = tpu.sem_alloc : memref<!tpu.dma_semaphore, #tpu.memory_space<semaphore_mem>>
      %dma_start3A = tpu.memref_slice %arg5[%arg0, %run_scoped3A_16, %mul3A_15] : memref<2x1x10240xf32, #tpu.memory_space<hbm>> -> memref<1x1x640xf32, #tpu.memory_space<hbm>>
      %dma_start3A_18 = tpu.memref_squeeze %dma_start3A : memref<1x1x640xf32, #tpu.memory_space<hbm>> -> memref<640xf32, #tpu.memory_space<hbm>>
      %dma_start3A_19 = tpu.memref_slice %arg9[%mul3A_13] : memref<10240xf32, #tpu.memory_space<vmem_shared>> -> memref<640xf32, #tpu.memory_space<vmem_shared>>
      tpu.enqueue_dma source(%dma_start3A_19 : memref<640xf32, #tpu.memory_space<vmem_shared>>) target(%dma_start3A_18 : memref<640xf32, #tpu.memory_space<hbm>>) target_semaphore(%run_scoped3A_17 : memref<!tpu.dma_semaphore, #tpu.memory_space<semaphore_mem>>)
      %dma_wait3A = tpu.memref_slice %arg5[%arg0, %run_scoped3A_16, %mul3A_15] : memref<2x1x10240xf32, #tpu.memory_space<hbm>> -> memref<1x1x640xf32, #tpu.memory_space<hbm>>
      %dma_wait3A_20 = tpu.memref_squeeze %dma_wait3A : memref<1x1x640xf32, #tpu.memory_space<hbm>> -> memref<640xf32, #tpu.memory_space<hbm>>
      %dma_wait3A_21 = tpu.memref_slice %arg9[%mul3A_13] : memref<10240xf32, #tpu.memory_space<vmem_shared>> -> memref<640xf32, #tpu.memory_space<vmem_shared>>
      tpu.wait_dma2 semaphore(%run_scoped3A_17 : memref<!tpu.dma_semaphore, #tpu.memory_space<semaphore_mem>>) src(%dma_wait3A_21 : memref<640xf32, #tpu.memory_space<vmem_shared>>) dst(%dma_wait3A_20 : memref<640xf32, #tpu.memory_space<hbm>>)
      tpu.yield
    }) : () -> ()
    return
  }
}

#map = affine_map<(d0, d1) -> (0, 0)>
#map1 = affine_map<(d0, d1) -> (0, 0, 0)>
module attributes {stable_mosaic.version = 14 : i64} {
  func.func @_agg_kernel(%arg0: i32, %arg1: i32, %arg2: memref<10240x128xf32, #tpu.memory_space<hbm>>, %arg3: memref<2x2560x128xi32, #tpu.memory_space<hbm>>, %arg4: memref<2560x128xf32, #tpu.memory_space<hbm>>, %arg5: memref<128x128xf32, #tpu.memory_space<hbm>>, %arg6: memref<2x10240x128xf32, #tpu.memory_space<hbm>>, %arg7: memref<80x128xi32, #tpu.memory_space<vmem>>, %arg8: memref<16x128xi32, #tpu.memory_space<vmem>>, %arg9: memref<16x128xf32, #tpu.memory_space<vmem>>, %arg10: memref<128x128xf32, #tpu.memory_space<vmem>>, %arg11: memref<128x128xf32, #tpu.memory_space<vmem>>, %arg12: memref<10000x128xf32, #tpu.memory_space<vmem_shared>>, %arg13: memref<!tpu.dma_semaphore, #tpu.memory_space<semaphore_mem>>, %arg14: memref<!tpu.dma_semaphore, #tpu.memory_space<semaphore_mem>>) attributes {dimension_semantics = [#tpu.dimension_semantics<core_parallel>, #tpu.dimension_semantics<subcore_parallel>], iteration_bounds = array<i64: 2, 16>, scalar_prefetch = 0 : i64, scratch_operands = 8 : i64, tpu.core_type = #tpu.core_type<sc_vector_subcore>, window_params = [{transform_indices = #map}, {transform_indices = #map1}, {transform_indices = #map}, {transform_indices = #map}, {transform_indices = #map1}]} {
    %mul3A = arith.constant 16 : i32
    %mul3A_0 = arith.muli %arg0, %mul3A : i32
    %add3A = arith.addi %mul3A_0, %arg1 : i32
    "tpu.region"() ({
      %run_scoped3A_41 = tpu.sem_alloc : memref<!tpu.dma_semaphore, #tpu.memory_space<semaphore_mem>>
      tpu.enqueue_dma source(%arg5 : memref<128x128xf32, #tpu.memory_space<hbm>>) target(%arg10 : memref<128x128xf32, #tpu.memory_space<vmem>>) target_semaphore(%run_scoped3A_41 : memref<!tpu.dma_semaphore, #tpu.memory_space<semaphore_mem>>)
      tpu.wait_dma2 semaphore(%run_scoped3A_41 : memref<!tpu.dma_semaphore, #tpu.memory_space<semaphore_mem>>) src(%arg5 : memref<128x128xf32, #tpu.memory_space<hbm>>) dst(%arg10 : memref<128x128xf32, #tpu.memory_space<vmem>>)
      tpu.yield
    }) : () -> ()
    %mul3A_1 = arith.constant 640 : i32
    %mul3A_2 = arith.muli %arg1, %mul3A_1 : i32
    %lt3A = arith.constant 15 : i32
    %lt3A_3 = arith.cmpi slt, %arg1, %lt3A : i32
    %convert_element_type3A = arith.extui %lt3A_3 : i1 to i32
    %cond3A = arith.constant 0 : i32
    %cond3A_4 = arith.cmpi ne, %convert_element_type3A, %cond3A : i32
    scf.if %cond3A_4 {
      %scan3A_41 = arith.constant 0 : i32
      %scan3A_42 = arith.constant 5 : i32
      %scan3A_43 = arith.addi %scan3A_41, %scan3A_42 : i32
      %scan3A_44 = arith.constant 1 : i32
      scf.for %scan3A_46 = %scan3A_41 to %scan3A_43 step %scan3A_44  : i32 {
        %mul3A_47 = arith.constant 1 : i32
        %mul3A_48 = arith.muli %scan3A_46, %mul3A_47 : i32
        %add3A_49 = arith.constant 0 : i32
        %add3A_50 = arith.addi %add3A_49, %mul3A_48 : i32
        %mul3A_51 = arith.constant 128 : i32
        %mul3A_52 = arith.muli %add3A_50, %mul3A_51 : i32
        %add3A_53 = arith.addi %mul3A_2, %mul3A_52 : i32
        "tpu.region"() ({
          %run_scoped3A_54 = tpu.sem_alloc : memref<!tpu.dma_semaphore, #tpu.memory_space<semaphore_mem>>
          %dma_start3A_55 = arith.constant 0 : i32
          %dma_start3A_56 = arith.constant 0 : i32
          %dma_start3A_57 = tpu.memref_slice %arg10[%dma_start3A_55, %dma_start3A_56] : memref<128x128xf32, #tpu.memory_space<vmem>> -> memref<128x128xf32, #tpu.memory_space<vmem>>
          %dma_start3A_58 = arith.constant 0 : i32
          %dma_start3A_59 = tpu.memref_slice %arg12[%add3A_53, %dma_start3A_58] : memref<10000x128xf32, #tpu.memory_space<vmem_shared>> -> memref<128x128xf32, #tpu.memory_space<vmem_shared>>
          %dma_start3A_60 = arith.constant 0 : i32
          %dma_start3A_61 = tpu.memref_slice %arg12[%add3A_53, %dma_start3A_60] : memref<10000x128xf32, #tpu.memory_space<vmem_shared>> -> memref<128x128xf32, #tpu.memory_space<vmem_shared>>
          %dma_start3A_62 = arith.constant 0 : i32
          %dma_start3A_63 = arith.constant 0 : i32
          %dma_start3A_64 = tpu.memref_slice %arg10[%dma_start3A_62, %dma_start3A_63] : memref<128x128xf32, #tpu.memory_space<vmem>> -> memref<128x128xf32, #tpu.memory_space<vmem>>
          tpu.enqueue_dma source(%dma_start3A_64 : memref<128x128xf32, #tpu.memory_space<vmem>>) target(%dma_start3A_61 : memref<128x128xf32, #tpu.memory_space<vmem_shared>>) target_semaphore(%run_scoped3A_54 : memref<!tpu.dma_semaphore, #tpu.memory_space<semaphore_mem>>)
          %dma_wait3A = arith.constant 0 : i32
          %dma_wait3A_65 = arith.constant 0 : i32
          %dma_wait3A_66 = tpu.memref_slice %arg10[%dma_wait3A, %dma_wait3A_65] : memref<128x128xf32, #tpu.memory_space<vmem>> -> memref<128x128xf32, #tpu.memory_space<vmem>>
          %dma_wait3A_67 = arith.constant 0 : i32
          %dma_wait3A_68 = tpu.memref_slice %arg12[%add3A_53, %dma_wait3A_67] : memref<10000x128xf32, #tpu.memory_space<vmem_shared>> -> memref<128x128xf32, #tpu.memory_space<vmem_shared>>
          %dma_wait3A_69 = arith.constant 0 : i32
          %dma_wait3A_70 = tpu.memref_slice %arg12[%add3A_53, %dma_wait3A_69] : memref<10000x128xf32, #tpu.memory_space<vmem_shared>> -> memref<128x128xf32, #tpu.memory_space<vmem_shared>>
          %dma_wait3A_71 = arith.constant 0 : i32
          %dma_wait3A_72 = arith.constant 0 : i32
          %dma_wait3A_73 = tpu.memref_slice %arg10[%dma_wait3A_71, %dma_wait3A_72] : memref<128x128xf32, #tpu.memory_space<vmem>> -> memref<128x128xf32, #tpu.memory_space<vmem>>
          tpu.wait_dma2 semaphore(%run_scoped3A_54 : memref<!tpu.dma_semaphore, #tpu.memory_space<semaphore_mem>>) src(%dma_wait3A_73 : memref<128x128xf32, #tpu.memory_space<vmem>>) dst(%dma_wait3A_70 : memref<128x128xf32, #tpu.memory_space<vmem_shared>>)
          tpu.yield
        }) : () -> ()
      }
      %scan3A_45 = arith.constant 5 : i32
    } else {
    }
    %eq3A = arith.constant 15 : i32
    %eq3A_5 = arith.cmpi eq, %arg1, %eq3A : i32
    %convert_element_type3A_6 = arith.extui %eq3A_5 : i1 to i32
    %cond3A_7 = arith.constant 0 : i32
    %cond3A_8 = arith.cmpi ne, %convert_element_type3A_6, %cond3A_7 : i32
    scf.if %cond3A_8 {
      %scan3A_41 = arith.constant 0 : i32
      %scan3A_42 = arith.constant 3 : i32
      %scan3A_43 = arith.addi %scan3A_41, %scan3A_42 : i32
      %scan3A_44 = arith.constant 1 : i32
      scf.for %scan3A_48 = %scan3A_41 to %scan3A_43 step %scan3A_44  : i32 {
        %mul3A_49 = arith.constant 1 : i32
        %mul3A_50 = arith.muli %scan3A_48, %mul3A_49 : i32
        %add3A_51 = arith.constant 0 : i32
        %add3A_52 = arith.addi %add3A_51, %mul3A_50 : i32
        %mul3A_53 = arith.constant 128 : i32
        %mul3A_54 = arith.muli %add3A_52, %mul3A_53 : i32
        %add3A_55 = arith.addi %mul3A_2, %mul3A_54 : i32
        "tpu.region"() ({
          %run_scoped3A_56 = tpu.sem_alloc : memref<!tpu.dma_semaphore, #tpu.memory_space<semaphore_mem>>
          %dma_start3A_57 = arith.constant 0 : i32
          %dma_start3A_58 = arith.constant 0 : i32
          %dma_start3A_59 = tpu.memref_slice %arg10[%dma_start3A_57, %dma_start3A_58] : memref<128x128xf32, #tpu.memory_space<vmem>> -> memref<128x128xf32, #tpu.memory_space<vmem>>
          %dma_start3A_60 = arith.constant 0 : i32
          %dma_start3A_61 = tpu.memref_slice %arg12[%add3A_55, %dma_start3A_60] : memref<10000x128xf32, #tpu.memory_space<vmem_shared>> -> memref<128x128xf32, #tpu.memory_space<vmem_shared>>
          %dma_start3A_62 = arith.constant 0 : i32
          %dma_start3A_63 = tpu.memref_slice %arg12[%add3A_55, %dma_start3A_62] : memref<10000x128xf32, #tpu.memory_space<vmem_shared>> -> memref<128x128xf32, #tpu.memory_space<vmem_shared>>
          %dma_start3A_64 = arith.constant 0 : i32
          %dma_start3A_65 = arith.constant 0 : i32
          %dma_start3A_66 = tpu.memref_slice %arg10[%dma_start3A_64, %dma_start3A_65] : memref<128x128xf32, #tpu.memory_space<vmem>> -> memref<128x128xf32, #tpu.memory_space<vmem>>
          tpu.enqueue_dma source(%dma_start3A_66 : memref<128x128xf32, #tpu.memory_space<vmem>>) target(%dma_start3A_63 : memref<128x128xf32, #tpu.memory_space<vmem_shared>>) target_semaphore(%run_scoped3A_56 : memref<!tpu.dma_semaphore, #tpu.memory_space<semaphore_mem>>)
          %dma_wait3A = arith.constant 0 : i32
          %dma_wait3A_67 = arith.constant 0 : i32
          %dma_wait3A_68 = tpu.memref_slice %arg10[%dma_wait3A, %dma_wait3A_67] : memref<128x128xf32, #tpu.memory_space<vmem>> -> memref<128x128xf32, #tpu.memory_space<vmem>>
          %dma_wait3A_69 = arith.constant 0 : i32
          %dma_wait3A_70 = tpu.memref_slice %arg12[%add3A_55, %dma_wait3A_69] : memref<10000x128xf32, #tpu.memory_space<vmem_shared>> -> memref<128x128xf32, #tpu.memory_space<vmem_shared>>
          %dma_wait3A_71 = arith.constant 0 : i32
          %dma_wait3A_72 = tpu.memref_slice %arg12[%add3A_55, %dma_wait3A_71] : memref<10000x128xf32, #tpu.memory_space<vmem_shared>> -> memref<128x128xf32, #tpu.memory_space<vmem_shared>>
          %dma_wait3A_73 = arith.constant 0 : i32
          %dma_wait3A_74 = arith.constant 0 : i32
          %dma_wait3A_75 = tpu.memref_slice %arg10[%dma_wait3A_73, %dma_wait3A_74] : memref<128x128xf32, #tpu.memory_space<vmem>> -> memref<128x128xf32, #tpu.memory_space<vmem>>
          tpu.wait_dma2 semaphore(%run_scoped3A_56 : memref<!tpu.dma_semaphore, #tpu.memory_space<semaphore_mem>>) src(%dma_wait3A_75 : memref<128x128xf32, #tpu.memory_space<vmem>>) dst(%dma_wait3A_72 : memref<128x128xf32, #tpu.memory_space<vmem_shared>>)
          tpu.yield
        }) : () -> ()
      }
      %scan3A_45 = arith.constant 3 : i32
      %add3A_46 = arith.constant 384 : i32
      %add3A_47 = arith.addi %mul3A_2, %add3A_46 : i32
      "tpu.region"() ({
        %run_scoped3A_48 = tpu.sem_alloc : memref<!tpu.dma_semaphore, #tpu.memory_space<semaphore_mem>>
        %dma_start3A_49 = arith.constant 0 : i32
        %dma_start3A_50 = arith.constant 0 : i32
        %dma_start3A_51 = tpu.memref_slice %arg10[%dma_start3A_49, %dma_start3A_50] : memref<128x128xf32, #tpu.memory_space<vmem>> -> memref<16x128xf32, #tpu.memory_space<vmem>>
        %dma_start3A_52 = arith.constant 0 : i32
        %dma_start3A_53 = tpu.memref_slice %arg12[%add3A_47, %dma_start3A_52] : memref<10000x128xf32, #tpu.memory_space<vmem_shared>> -> memref<16x128xf32, #tpu.memory_space<vmem_shared>>
        %dma_start3A_54 = arith.constant 0 : i32
        %dma_start3A_55 = tpu.memref_slice %arg12[%add3A_47, %dma_start3A_54] : memref<10000x128xf32, #tpu.memory_space<vmem_shared>> -> memref<16x128xf32, #tpu.memory_space<vmem_shared>>
        %dma_start3A_56 = arith.constant 0 : i32
        %dma_start3A_57 = arith.constant 0 : i32
        %dma_start3A_58 = tpu.memref_slice %arg10[%dma_start3A_56, %dma_start3A_57] : memref<128x128xf32, #tpu.memory_space<vmem>> -> memref<16x128xf32, #tpu.memory_space<vmem>>
        tpu.enqueue_dma source(%dma_start3A_58 : memref<16x128xf32, #tpu.memory_space<vmem>>) target(%dma_start3A_55 : memref<16x128xf32, #tpu.memory_space<vmem_shared>>) target_semaphore(%run_scoped3A_48 : memref<!tpu.dma_semaphore, #tpu.memory_space<semaphore_mem>>)
        %dma_wait3A = arith.constant 0 : i32
        %dma_wait3A_59 = arith.constant 0 : i32
        %dma_wait3A_60 = tpu.memref_slice %arg10[%dma_wait3A, %dma_wait3A_59] : memref<128x128xf32, #tpu.memory_space<vmem>> -> memref<16x128xf32, #tpu.memory_space<vmem>>
        %dma_wait3A_61 = arith.constant 0 : i32
        %dma_wait3A_62 = tpu.memref_slice %arg12[%add3A_47, %dma_wait3A_61] : memref<10000x128xf32, #tpu.memory_space<vmem_shared>> -> memref<16x128xf32, #tpu.memory_space<vmem_shared>>
        %dma_wait3A_63 = arith.constant 0 : i32
        %dma_wait3A_64 = tpu.memref_slice %arg12[%add3A_47, %dma_wait3A_63] : memref<10000x128xf32, #tpu.memory_space<vmem_shared>> -> memref<16x128xf32, #tpu.memory_space<vmem_shared>>
        %dma_wait3A_65 = arith.constant 0 : i32
        %dma_wait3A_66 = arith.constant 0 : i32
        %dma_wait3A_67 = tpu.memref_slice %arg10[%dma_wait3A_65, %dma_wait3A_66] : memref<128x128xf32, #tpu.memory_space<vmem>> -> memref<16x128xf32, #tpu.memory_space<vmem>>
        tpu.wait_dma2 semaphore(%run_scoped3A_48 : memref<!tpu.dma_semaphore, #tpu.memory_space<semaphore_mem>>) src(%dma_wait3A_67 : memref<16x128xf32, #tpu.memory_space<vmem>>) dst(%dma_wait3A_64 : memref<16x128xf32, #tpu.memory_space<vmem_shared>>)
        tpu.yield
      }) : () -> ()
    } else {
    }
    %mul3A_9 = arith.constant 80 : i32
    %mul3A_10 = arith.muli %add3A, %mul3A_9 : i32
    %run_scoped3A = arith.constant 0 : i32
    "tpu.region"() ({
      %run_scoped3A_41 = tpu.sem_alloc : memref<!tpu.dma_semaphore, #tpu.memory_space<semaphore_mem>>
      %dma_start3A_42 = arith.constant 0 : i32
      %dma_start3A_43 = tpu.memref_slice %arg3[%run_scoped3A, %mul3A_10, %dma_start3A_42] : memref<2x2560x128xi32, #tpu.memory_space<hbm>> -> memref<1x80x128xi32, #tpu.memory_space<hbm>>
      %dma_start3A_44 = tpu.memref_squeeze %dma_start3A_43 : memref<1x80x128xi32, #tpu.memory_space<hbm>> -> memref<80x128xi32, #tpu.memory_space<hbm>>
      %dma_start3A_45 = arith.constant 0 : i32
      %dma_start3A_46 = tpu.memref_slice %arg3[%run_scoped3A, %mul3A_10, %dma_start3A_45] : memref<2x2560x128xi32, #tpu.memory_space<hbm>> -> memref<1x80x128xi32, #tpu.memory_space<hbm>>
      %dma_start3A_47 = tpu.memref_squeeze %dma_start3A_46 : memref<1x80x128xi32, #tpu.memory_space<hbm>> -> memref<80x128xi32, #tpu.memory_space<hbm>>
      tpu.enqueue_dma source(%dma_start3A_47 : memref<80x128xi32, #tpu.memory_space<hbm>>) target(%arg7 : memref<80x128xi32, #tpu.memory_space<vmem>>) target_semaphore(%run_scoped3A_41 : memref<!tpu.dma_semaphore, #tpu.memory_space<semaphore_mem>>)
      %dma_wait3A = arith.constant 0 : i32
      %dma_wait3A_48 = tpu.memref_slice %arg3[%run_scoped3A, %mul3A_10, %dma_wait3A] : memref<2x2560x128xi32, #tpu.memory_space<hbm>> -> memref<1x80x128xi32, #tpu.memory_space<hbm>>
      %dma_wait3A_49 = tpu.memref_squeeze %dma_wait3A_48 : memref<1x80x128xi32, #tpu.memory_space<hbm>> -> memref<80x128xi32, #tpu.memory_space<hbm>>
      %dma_wait3A_50 = arith.constant 0 : i32
      %dma_wait3A_51 = tpu.memref_slice %arg3[%run_scoped3A, %mul3A_10, %dma_wait3A_50] : memref<2x2560x128xi32, #tpu.memory_space<hbm>> -> memref<1x80x128xi32, #tpu.memory_space<hbm>>
      %dma_wait3A_52 = tpu.memref_squeeze %dma_wait3A_51 : memref<1x80x128xi32, #tpu.memory_space<hbm>> -> memref<80x128xi32, #tpu.memory_space<hbm>>
      tpu.wait_dma2 semaphore(%run_scoped3A_41 : memref<!tpu.dma_semaphore, #tpu.memory_space<semaphore_mem>>) src(%dma_wait3A_52 : memref<80x128xi32, #tpu.memory_space<hbm>>) dst(%arg7 : memref<80x128xi32, #tpu.memory_space<vmem>>)
      tpu.yield
    }) : () -> ()
    %barrier3A = arith.constant 0 : index
    tpu.barrier barrier_id(%barrier3A)
    %dma_start3A = arith.constant 0 : i32
    %dma_start3A_11 = arith.constant 0 : i32
    %dma_start3A_12 = tpu.memref_slice %arg7[%dma_start3A, %dma_start3A_11] : memref<80x128xi32, #tpu.memory_space<vmem>> -> memref<1x128xi32, #tpu.memory_space<vmem>>
    %dma_start3A_13 = tpu.memref_squeeze %dma_start3A_12 : memref<1x128xi32, #tpu.memory_space<vmem>> -> memref<128xi32, #tpu.memory_space<vmem>>
    %dma_start3A_14 = arith.constant 0 : i32
    %dma_start3A_15 = arith.constant 0 : i32
    %dma_start3A_16 = tpu.memref_slice %arg2[%dma_start3A_14, %dma_start3A_15] : memref<10240x128xf32, #tpu.memory_space<hbm>> -> memref<10240x128xf32, #tpu.memory_space<hbm>>
    tpu.enqueue_indirect_dma source(%dma_start3A_16 : memref<10240x128xf32, #tpu.memory_space<hbm>>) target(%arg10 : memref<128x128xf32, #tpu.memory_space<vmem>>) offsets(%dma_start3A_13 : memref<128xi32, #tpu.memory_space<vmem>>) semaphore(%arg13 : memref<!tpu.dma_semaphore, #tpu.memory_space<semaphore_mem>>)
    %dma_start3A_17 = arith.constant 1 : i32
    %dma_start3A_18 = arith.constant 0 : i32
    %dma_start3A_19 = tpu.memref_slice %arg7[%dma_start3A_17, %dma_start3A_18] : memref<80x128xi32, #tpu.memory_space<vmem>> -> memref<1x128xi32, #tpu.memory_space<vmem>>
    %dma_start3A_20 = tpu.memref_squeeze %dma_start3A_19 : memref<1x128xi32, #tpu.memory_space<vmem>> -> memref<128xi32, #tpu.memory_space<vmem>>
    %dma_start3A_21 = arith.constant 0 : i32
    %dma_start3A_22 = arith.constant 0 : i32
    %dma_start3A_23 = tpu.memref_slice %arg2[%dma_start3A_21, %dma_start3A_22] : memref<10240x128xf32, #tpu.memory_space<hbm>> -> memref<10240x128xf32, #tpu.memory_space<hbm>>
    tpu.enqueue_indirect_dma source(%dma_start3A_23 : memref<10240x128xf32, #tpu.memory_space<hbm>>) target(%arg11 : memref<128x128xf32, #tpu.memory_space<vmem>>) offsets(%dma_start3A_20 : memref<128xi32, #tpu.memory_space<vmem>>) semaphore(%arg14 : memref<!tpu.dma_semaphore, #tpu.memory_space<semaphore_mem>>)
    %scan3A = arith.constant 0 : i32
    %scan3A_24 = arith.constant 40 : i32
    %scan3A_25 = arith.addi %scan3A, %scan3A_24 : i32
    %scan3A_26 = arith.constant 1 : i32
    scf.for %scan3A_41 = %scan3A to %scan3A_25 step %scan3A_26  : i32 {
      %mul3A_42 = arith.constant 2 : i32
      %mul3A_43 = arith.muli %scan3A_41, %mul3A_42 : i32
      %add3A_44 = arith.constant 0 : i32
      %add3A_45 = arith.addi %add3A_44, %mul3A_43 : i32
      %rem3A = arith.constant 16 : i32
      %rem3A_46 = arith.remsi %add3A_45, %rem3A : i32
      %eq3A_47 = arith.constant 0 : i32
      %eq3A_48 = arith.cmpi eq, %rem3A_46, %eq3A_47 : i32
      %convert_element_type3A_49 = arith.extui %eq3A_48 : i1 to i32
      %cond3A_50 = arith.constant 0 : i32
      %cond3A_51 = arith.cmpi ne, %convert_element_type3A_49, %cond3A_50 : i32
      scf.if %cond3A_51 {
        %mul3A_93 = arith.constant 80 : i32
        %mul3A_94 = arith.muli %add3A, %mul3A_93 : i32
        %add3A_95 = arith.addi %mul3A_94, %add3A_45 : i32
        %multiple_of3A = tpu.assume_multiple %add3A_95, 16 : i32
        %run_scoped3A_96 = arith.constant 1 : i32
        "tpu.region"() ({
          %run_scoped3A_97 = tpu.sem_alloc : memref<!tpu.dma_semaphore, #tpu.memory_space<semaphore_mem>>
          %dma_start3A_98 = arith.constant 0 : i32
          %dma_start3A_99 = tpu.memref_slice %arg3[%run_scoped3A_96, %multiple_of3A, %dma_start3A_98] : memref<2x2560x128xi32, #tpu.memory_space<hbm>> -> memref<1x16x128xi32, #tpu.memory_space<hbm>>
          %dma_start3A_100 = tpu.memref_squeeze %dma_start3A_99 : memref<1x16x128xi32, #tpu.memory_space<hbm>> -> memref<16x128xi32, #tpu.memory_space<hbm>>
          %dma_start3A_101 = arith.constant 0 : i32
          %dma_start3A_102 = tpu.memref_slice %arg3[%run_scoped3A_96, %multiple_of3A, %dma_start3A_101] : memref<2x2560x128xi32, #tpu.memory_space<hbm>> -> memref<1x16x128xi32, #tpu.memory_space<hbm>>
          %dma_start3A_103 = tpu.memref_squeeze %dma_start3A_102 : memref<1x16x128xi32, #tpu.memory_space<hbm>> -> memref<16x128xi32, #tpu.memory_space<hbm>>
          tpu.enqueue_dma source(%dma_start3A_103 : memref<16x128xi32, #tpu.memory_space<hbm>>) target(%arg8 : memref<16x128xi32, #tpu.memory_space<vmem>>) target_semaphore(%run_scoped3A_97 : memref<!tpu.dma_semaphore, #tpu.memory_space<semaphore_mem>>)
          %dma_wait3A_104 = arith.constant 0 : i32
          %dma_wait3A_105 = tpu.memref_slice %arg3[%run_scoped3A_96, %multiple_of3A, %dma_wait3A_104] : memref<2x2560x128xi32, #tpu.memory_space<hbm>> -> memref<1x16x128xi32, #tpu.memory_space<hbm>>
          %dma_wait3A_106 = tpu.memref_squeeze %dma_wait3A_105 : memref<1x16x128xi32, #tpu.memory_space<hbm>> -> memref<16x128xi32, #tpu.memory_space<hbm>>
          %dma_wait3A_107 = arith.constant 0 : i32
          %dma_wait3A_108 = tpu.memref_slice %arg3[%run_scoped3A_96, %multiple_of3A, %dma_wait3A_107] : memref<2x2560x128xi32, #tpu.memory_space<hbm>> -> memref<1x16x128xi32, #tpu.memory_space<hbm>>
          %dma_wait3A_109 = tpu.memref_squeeze %dma_wait3A_108 : memref<1x16x128xi32, #tpu.memory_space<hbm>> -> memref<16x128xi32, #tpu.memory_space<hbm>>
          tpu.wait_dma2 semaphore(%run_scoped3A_97 : memref<!tpu.dma_semaphore, #tpu.memory_space<semaphore_mem>>) src(%dma_wait3A_109 : memref<16x128xi32, #tpu.memory_space<hbm>>) dst(%arg8 : memref<16x128xi32, #tpu.memory_space<vmem>>)
          tpu.yield
        }) : () -> ()
        "tpu.region"() ({
          %run_scoped3A_97 = tpu.sem_alloc : memref<!tpu.dma_semaphore, #tpu.memory_space<semaphore_mem>>
          %dma_start3A_98 = arith.constant 0 : i32
          %dma_start3A_99 = tpu.memref_slice %arg4[%multiple_of3A, %dma_start3A_98] : memref<2560x128xf32, #tpu.memory_space<hbm>> -> memref<16x128xf32, #tpu.memory_space<hbm>>
          %dma_start3A_100 = arith.constant 0 : i32
          %dma_start3A_101 = tpu.memref_slice %arg4[%multiple_of3A, %dma_start3A_100] : memref<2560x128xf32, #tpu.memory_space<hbm>> -> memref<16x128xf32, #tpu.memory_space<hbm>>
          tpu.enqueue_dma source(%dma_start3A_101 : memref<16x128xf32, #tpu.memory_space<hbm>>) target(%arg9 : memref<16x128xf32, #tpu.memory_space<vmem>>) target_semaphore(%run_scoped3A_97 : memref<!tpu.dma_semaphore, #tpu.memory_space<semaphore_mem>>)
          %dma_wait3A_102 = arith.constant 0 : i32
          %dma_wait3A_103 = tpu.memref_slice %arg4[%multiple_of3A, %dma_wait3A_102] : memref<2560x128xf32, #tpu.memory_space<hbm>> -> memref<16x128xf32, #tpu.memory_space<hbm>>
          %dma_wait3A_104 = arith.constant 0 : i32
          %dma_wait3A_105 = tpu.memref_slice %arg4[%multiple_of3A, %dma_wait3A_104] : memref<2560x128xf32, #tpu.memory_space<hbm>> -> memref<16x128xf32, #tpu.memory_space<hbm>>
          tpu.wait_dma2 semaphore(%run_scoped3A_97 : memref<!tpu.dma_semaphore, #tpu.memory_space<semaphore_mem>>) src(%dma_wait3A_105 : memref<16x128xf32, #tpu.memory_space<hbm>>) dst(%arg9 : memref<16x128xf32, #tpu.memory_space<vmem>>)
          tpu.yield
        }) : () -> ()
      } else {
      }
      %rem3A_52 = arith.constant 16 : i32
      %rem3A_53 = arith.remsi %add3A_45, %rem3A_52 : i32
      %dma_wait3A = arith.constant 0 : i32
      %dma_wait3A_54 = tpu.memref_slice %arg7[%add3A_45, %dma_wait3A] : memref<80x128xi32, #tpu.memory_space<vmem>> -> memref<1x128xi32, #tpu.memory_space<vmem>>
      %dma_wait3A_55 = tpu.memref_squeeze %dma_wait3A_54 : memref<1x128xi32, #tpu.memory_space<vmem>> -> memref<128xi32, #tpu.memory_space<vmem>>
      %dma_wait3A_56 = arith.constant 0 : i32
      %dma_wait3A_57 = arith.constant 0 : i32
      %dma_wait3A_58 = tpu.memref_slice %arg2[%dma_wait3A_56, %dma_wait3A_57] : memref<10240x128xf32, #tpu.memory_space<hbm>> -> memref<10240x128xf32, #tpu.memory_space<hbm>>
      tpu.wait_indirect_dma semaphore(%arg13 : memref<!tpu.dma_semaphore, #tpu.memory_space<semaphore_mem>>) src(%dma_wait3A_58 : memref<10240x128xf32, #tpu.memory_space<hbm>>) dst(%arg10 : memref<128x128xf32, #tpu.memory_space<vmem>>)
      %scan3A_59 = arith.constant 0 : i32
      %scan3A_60 = arith.constant 8 : i32
      %scan3A_61 = arith.addi %scan3A_59, %scan3A_60 : i32
      %scan3A_62 = arith.constant 1 : i32
      scf.for %scan3A_93 = %scan3A_59 to %scan3A_61 step %scan3A_62  : i32 {
        %mul3A_94 = arith.constant 1 : i32
        %mul3A_95 = arith.muli %scan3A_93, %mul3A_94 : i32
        %add3A_96 = arith.constant 0 : i32
        %add3A_97 = arith.addi %add3A_96, %mul3A_95 : i32
        %mul3A_98 = arith.constant 16 : i32
        %mul3A_99 = arith.muli %add3A_97, %mul3A_98 : i32
        %get3A = arith.index_cast %rem3A_53 : i32 to index
        %get3A_100 = arith.index_cast %mul3A_99 : i32 to index
        %get3A_101 = tpu.vector_load %arg9[%get3A, %get3A_100] {strides = array<i32>} : memref<16x128xf32, #tpu.memory_space<vmem>>, vector<1x16xf32>,
        %get3A_102 = vector.shape_cast %get3A_101 : vector<1x16xf32> to vector<16xf32>
        %broadcast_in_dim3A = arith.constant 0 : i32
        %broadcast_in_dim3A_103 = vector.broadcast %broadcast_in_dim3A : i32 to vector<16xi32>
        %lt3A_104 = arith.constant 0 : i32
        %lt3A_105 = vector.broadcast %lt3A_104 : i32 to vector<16xi32>
        %lt3A_106 = arith.cmpi slt, %broadcast_in_dim3A_103, %lt3A_105 : vector<16xi32>
        %add3A_107 = arith.constant 16 : i32
        %add3A_108 = vector.broadcast %add3A_107 : i32 to vector<16xi32>
        %add3A_109 = arith.addi %broadcast_in_dim3A_103, %add3A_108 : vector<16xi32>
        %select_n3A = arith.select %lt3A_106, %add3A_109, %broadcast_in_dim3A_103 : vector<16xi1>, vector<16xi32>
        %reshape3A = vector.shape_cast %select_n3A : vector<16xi32> to vector<16x1xi32>
        %gather3A = vector.shape_cast %reshape3A : vector<16x1xi32> to vector<16xi32>
        %gather3A_110 = tpu.dynamic_gather %get3A_102[%gather3A] in [0] : vector<16xf32>, vector<16xi32> -> vector<16xf32>
        %mul3A_111 = arith.constant 16 : i32
        %mul3A_112 = arith.muli %add3A_97, %mul3A_111 : i32
        %add3A_113 = arith.constant 0 : i32
        %add3A_114 = arith.addi %mul3A_112, %add3A_113 : i32
        %get3A_115 = arith.index_cast %add3A_114 : i32 to index
        %get3A_116 = arith.constant 0 : index
        %get3A_117 = tpu.vector_load %arg10[%get3A_115, %get3A_116] {strides = array<i32>} : memref<128x128xf32, #tpu.memory_space<vmem>>, vector<1x16xf32>,
        %get3A_118 = vector.shape_cast %get3A_117 : vector<1x16xf32> to vector<16xf32>
        %mul3A_119 = arith.mulf %get3A_118, %gather3A_110 : vector<16xf32>
        %swap3A = arith.index_cast %add3A_114 : i32 to index
        %swap3A_120 = arith.constant 0 : index
        %swap3A_121 = tpu.vector_load %arg10[%swap3A, %swap3A_120] {strides = array<i32>} : memref<128x128xf32, #tpu.memory_space<vmem>>, vector<1x16xf32>,
        %swap3A_122 = vector.shape_cast %swap3A_121 : vector<1x16xf32> to vector<16xf32>
        %swap3A_123 = vector.shape_cast %mul3A_119 : vector<16xf32> to vector<1x16xf32>
        tpu.vector_store %arg10[%swap3A, %swap3A_120], %swap3A_123 {strides = array<i32>} : memref<128x128xf32, #tpu.memory_space<vmem>>, vector<1x16xf32>,
        %get3A_124 = arith.index_cast %add3A_114 : i32 to index
        %get3A_125 = arith.constant 16 : index
        %get3A_126 = tpu.vector_load %arg10[%get3A_124, %get3A_125] {strides = array<i32>} : memref<128x128xf32, #tpu.memory_space<vmem>>, vector<1x16xf32>,
        %get3A_127 = vector.shape_cast %get3A_126 : vector<1x16xf32> to vector<16xf32>
        %mul3A_128 = arith.mulf %get3A_127, %gather3A_110 : vector<16xf32>
        %swap3A_129 = arith.index_cast %add3A_114 : i32 to index
        %swap3A_130 = arith.constant 16 : index
        %swap3A_131 = tpu.vector_load %arg10[%swap3A_129, %swap3A_130] {strides = array<i32>} : memref<128x128xf32, #tpu.memory_space<vmem>>, vector<1x16xf32>,
        %swap3A_132 = vector.shape_cast %swap3A_131 : vector<1x16xf32> to vector<16xf32>
        %swap3A_133 = vector.shape_cast %mul3A_128 : vector<16xf32> to vector<1x16xf32>
        tpu.vector_store %arg10[%swap3A_129, %swap3A_130], %swap3A_133 {strides = array<i32>} : memref<128x128xf32, #tpu.memory_space<vmem>>, vector<1x16xf32>,
        %get3A_134 = arith.index_cast %add3A_114 : i32 to index
        %get3A_135 = arith.constant 32 : index
        %get3A_136 = tpu.vector_load %arg10[%get3A_134, %get3A_135] {strides = array<i32>} : memref<128x128xf32, #tpu.memory_space<vmem>>, vector<1x16xf32>,
        %get3A_137 = vector.shape_cast %get3A_136 : vector<1x16xf32> to vector<16xf32>
        %mul3A_138 = arith.mulf %get3A_137, %gather3A_110 : vector<16xf32>
        %swap3A_139 = arith.index_cast %add3A_114 : i32 to index
        %swap3A_140 = arith.constant 32 : index
        %swap3A_141 = tpu.vector_load %arg10[%swap3A_139, %swap3A_140] {strides = array<i32>} : memref<128x128xf32, #tpu.memory_space<vmem>>, vector<1x16xf32>,
        %swap3A_142 = vector.shape_cast %swap3A_141 : vector<1x16xf32> to vector<16xf32>
        %swap3A_143 = vector.shape_cast %mul3A_138 : vector<16xf32> to vector<1x16xf32>
        tpu.vector_store %arg10[%swap3A_139, %swap3A_140], %swap3A_143 {strides = array<i32>} : memref<128x128xf32, #tpu.memory_space<vmem>>, vector<1x16xf32>,
        %get3A_144 = arith.index_cast %add3A_114 : i32 to index
        %get3A_145 = arith.constant 48 : index
        %get3A_146 = tpu.vector_load %arg10[%get3A_144, %get3A_145] {strides = array<i32>} : memref<128x128xf32, #tpu.memory_space<vmem>>, vector<1x16xf32>,
        %get3A_147 = vector.shape_cast %get3A_146 : vector<1x16xf32> to vector<16xf32>
        %mul3A_148 = arith.mulf %get3A_147, %gather3A_110 : vector<16xf32>
        %swap3A_149 = arith.index_cast %add3A_114 : i32 to index
        %swap3A_150 = arith.constant 48 : index
        %swap3A_151 = tpu.vector_load %arg10[%swap3A_149, %swap3A_150] {strides = array<i32>} : memref<128x128xf32, #tpu.memory_space<vmem>>, vector<1x16xf32>,
        %swap3A_152 = vector.shape_cast %swap3A_151 : vector<1x16xf32> to vector<16xf32>
        %swap3A_153 = vector.shape_cast %mul3A_148 : vector<16xf32> to vector<1x16xf32>
        tpu.vector_store %arg10[%swap3A_149, %swap3A_150], %swap3A_153 {strides = array<i32>} : memref<128x128xf32, #tpu.memory_space<vmem>>, vector<1x16xf32>,
        %get3A_154 = arith.index_cast %add3A_114 : i32 to index
        %get3A_155 = arith.constant 64 : index
        %get3A_156 = tpu.vector_load %arg10[%get3A_154, %get3A_155] {strides = array<i32>} : memref<128x128xf32, #tpu.memory_space<vmem>>, vector<1x16xf32>,
        %get3A_157 = vector.shape_cast %get3A_156 : vector<1x16xf32> to vector<16xf32>
        %mul3A_158 = arith.mulf %get3A_157, %gather3A_110 : vector<16xf32>
        %swap3A_159 = arith.index_cast %add3A_114 : i32 to index
        %swap3A_160 = arith.constant 64 : index
        %swap3A_161 = tpu.vector_load %arg10[%swap3A_159, %swap3A_160] {strides = array<i32>} : memref<128x128xf32, #tpu.memory_space<vmem>>, vector<1x16xf32>,
        %swap3A_162 = vector.shape_cast %swap3A_161 : vector<1x16xf32> to vector<16xf32>
        %swap3A_163 = vector.shape_cast %mul3A_158 : vector<16xf32> to vector<1x16xf32>
        tpu.vector_store %arg10[%swap3A_159, %swap3A_160], %swap3A_163 {strides = array<i32>} : memref<128x128xf32, #tpu.memory_space<vmem>>, vector<1x16xf32>,
        %get3A_164 = arith.index_cast %add3A_114 : i32 to index
        %get3A_165 = arith.constant 80 : index
        %get3A_166 = tpu.vector_load %arg10[%get3A_164, %get3A_165] {strides = array<i32>} : memref<128x128xf32, #tpu.memory_space<vmem>>, vector<1x16xf32>,
        %get3A_167 = vector.shape_cast %get3A_166 : vector<1x16xf32> to vector<16xf32>
        %mul3A_168 = arith.mulf %get3A_167, %gather3A_110 : vector<16xf32>
        %swap3A_169 = arith.index_cast %add3A_114 : i32 to index
        %swap3A_170 = arith.constant 80 : index
        %swap3A_171 = tpu.vector_load %arg10[%swap3A_169, %swap3A_170] {strides = array<i32>} : memref<128x128xf32, #tpu.memory_space<vmem>>, vector<1x16xf32>,
        %swap3A_172 = vector.shape_cast %swap3A_171 : vector<1x16xf32> to vector<16xf32>
        %swap3A_173 = vector.shape_cast %mul3A_168 : vector<16xf32> to vector<1x16xf32>
        tpu.vector_store %arg10[%swap3A_169, %swap3A_170], %swap3A_173 {strides = array<i32>} : memref<128x128xf32, #tpu.memory_space<vmem>>, vector<1x16xf32>,
        %get3A_174 = arith.index_cast %add3A_114 : i32 to index
        %get3A_175 = arith.constant 96 : index
        %get3A_176 = tpu.vector_load %arg10[%get3A_174, %get3A_175] {strides = array<i32>} : memref<128x128xf32, #tpu.memory_space<vmem>>, vector<1x16xf32>,
        %get3A_177 = vector.shape_cast %get3A_176 : vector<1x16xf32> to vector<16xf32>
        %mul3A_178 = arith.mulf %get3A_177, %gather3A_110 : vector<16xf32>
        %swap3A_179 = arith.index_cast %add3A_114 : i32 to index
        %swap3A_180 = arith.constant 96 : index
        %swap3A_181 = tpu.vector_load %arg10[%swap3A_179, %swap3A_180] {strides = array<i32>} : memref<128x128xf32, #tpu.memory_space<vmem>>, vector<1x16xf32>,
        %swap3A_182 = vector.shape_cast %swap3A_181 : vector<1x16xf32> to vector<16xf32>
        %swap3A_183 = vector.shape_cast %mul3A_178 : vector<16xf32> to vector<1x16xf32>
        tpu.vector_store %arg10[%swap3A_179, %swap3A_180], %swap3A_183 {strides = array<i32>} : memref<128x128xf32, #tpu.memory_space<vmem>>, vector<1x16xf32>,
        %get3A_184 = arith.index_cast %add3A_114 : i32 to index
        %get3A_185 = arith.constant 112 : index
        %get3A_186 = tpu.vector_load %arg10[%get3A_184, %get3A_185] {strides = array<i32>} : memref<128x128xf32, #tpu.memory_space<vmem>>, vector<1x16xf32>,
        %get3A_187 = vector.shape_cast %get3A_186 : vector<1x16xf32> to vector<16xf32>
        %mul3A_188 = arith.mulf %get3A_187, %gather3A_110 : vector<16xf32>
        %swap3A_189 = arith.index_cast %add3A_114 : i32 to index
        %swap3A_190 = arith.constant 112 : index
        %swap3A_191 = tpu.vector_load %arg10[%swap3A_189, %swap3A_190] {strides = array<i32>} : memref<128x128xf32, #tpu.memory_space<vmem>>, vector<1x16xf32>,
        %swap3A_192 = vector.shape_cast %swap3A_191 : vector<1x16xf32> to vector<16xf32>
        %swap3A_193 = vector.shape_cast %mul3A_188 : vector<16xf32> to vector<1x16xf32>
        tpu.vector_store %arg10[%swap3A_189, %swap3A_190], %swap3A_193 {strides = array<i32>} : memref<128x128xf32, #tpu.memory_space<vmem>>, vector<1x16xf32>,
        %broadcast_in_dim3A_194 = arith.constant 1 : i32
        %broadcast_in_dim3A_195 = vector.broadcast %broadcast_in_dim3A_194 : i32 to vector<16xi32>
        %lt3A_196 = arith.constant 0 : i32
        %lt3A_197 = vector.broadcast %lt3A_196 : i32 to vector<16xi32>
        %lt3A_198 = arith.cmpi slt, %broadcast_in_dim3A_195, %lt3A_197 : vector<16xi32>
        %add3A_199 = arith.constant 16 : i32
        %add3A_200 = vector.broadcast %add3A_199 : i32 to vector<16xi32>
        %add3A_201 = arith.addi %broadcast_in_dim3A_195, %add3A_200 : vector<16xi32>
        %select_n3A_202 = arith.select %lt3A_198, %add3A_201, %broadcast_in_dim3A_195 : vector<16xi1>, vector<16xi32>
        %reshape3A_203 = vector.shape_cast %select_n3A_202 : vector<16xi32> to vector<16x1xi32>
        %gather3A_204 = vector.shape_cast %reshape3A_203 : vector<16x1xi32> to vector<16xi32>
        %gather3A_205 = tpu.dynamic_gather %get3A_102[%gather3A_204] in [0] : vector<16xf32>, vector<16xi32> -> vector<16xf32>
        %mul3A_206 = arith.constant 16 : i32
        %mul3A_207 = arith.muli %add3A_97, %mul3A_206 : i32
        %add3A_208 = arith.constant 1 : i32
        %add3A_209 = arith.addi %mul3A_207, %add3A_208 : i32
        %get3A_210 = arith.index_cast %add3A_209 : i32 to index
        %get3A_211 = arith.constant 0 : index
        %get3A_212 = tpu.vector_load %arg10[%get3A_210, %get3A_211] {strides = array<i32>} : memref<128x128xf32, #tpu.memory_space<vmem>>, vector<1x16xf32>,
        %get3A_213 = vector.shape_cast %get3A_212 : vector<1x16xf32> to vector<16xf32>
        %mul3A_214 = arith.mulf %get3A_213, %gather3A_205 : vector<16xf32>
        %swap3A_215 = arith.index_cast %add3A_209 : i32 to index
        %swap3A_216 = arith.constant 0 : index
        %swap3A_217 = tpu.vector_load %arg10[%swap3A_215, %swap3A_216] {strides = array<i32>} : memref<128x128xf32, #tpu.memory_space<vmem>>, vector<1x16xf32>,
        %swap3A_218 = vector.shape_cast %swap3A_217 : vector<1x16xf32> to vector<16xf32>
        %swap3A_219 = vector.shape_cast %mul3A_214 : vector<16xf32> to vector<1x16xf32>
        tpu.vector_store %arg10[%swap3A_215, %swap3A_216], %swap3A_219 {strides = array<i32>} : memref<128x128xf32, #tpu.memory_space<vmem>>, vector<1x16xf32>,
        %get3A_220 = arith.index_cast %add3A_209 : i32 to index
        %get3A_221 = arith.constant 16 : index
        %get3A_222 = tpu.vector_load %arg10[%get3A_220, %get3A_221] {strides = array<i32>} : memref<128x128xf32, #tpu.memory_space<vmem>>, vector<1x16xf32>,
        %get3A_223 = vector.shape_cast %get3A_222 : vector<1x16xf32> to vector<16xf32>
        %mul3A_224 = arith.mulf %get3A_223, %gather3A_205 : vector<16xf32>
        %swap3A_225 = arith.index_cast %add3A_209 : i32 to index
        %swap3A_226 = arith.constant 16 : index
        %swap3A_227 = tpu.vector_load %arg10[%swap3A_225, %swap3A_226] {strides = array<i32>} : memref<128x128xf32, #tpu.memory_space<vmem>>, vector<1x16xf32>,
        %swap3A_228 = vector.shape_cast %swap3A_227 : vector<1x16xf32> to vector<16xf32>
        %swap3A_229 = vector.shape_cast %mul3A_224 : vector<16xf32> to vector<1x16xf32>
        tpu.vector_store %arg10[%swap3A_225, %swap3A_226], %swap3A_229 {strides = array<i32>} : memref<128x128xf32, #tpu.memory_space<vmem>>, vector<1x16xf32>,
        %get3A_230 = arith.index_cast %add3A_209 : i32 to index
        %get3A_231 = arith.constant 32 : index
        %get3A_232 = tpu.vector_load %arg10[%get3A_230, %get3A_231] {strides = array<i32>} : memref<128x128xf32, #tpu.memory_space<vmem>>, vector<1x16xf32>,
        %get3A_233 = vector.shape_cast %get3A_232 : vector<1x16xf32> to vector<16xf32>
        %mul3A_234 = arith.mulf %get3A_233, %gather3A_205 : vector<16xf32>
        %swap3A_235 = arith.index_cast %add3A_209 : i32 to index
        %swap3A_236 = arith.constant 32 : index
        %swap3A_237 = tpu.vector_load %arg10[%swap3A_235, %swap3A_236] {strides = array<i32>} : memref<128x128xf32, #tpu.memory_space<vmem>>, vector<1x16xf32>,
        %swap3A_238 = vector.shape_cast %swap3A_237 : vector<1x16xf32> to vector<16xf32>
        %swap3A_239 = vector.shape_cast %mul3A_234 : vector<16xf32> to vector<1x16xf32>
        tpu.vector_store %arg10[%swap3A_235, %swap3A_236], %swap3A_239 {strides = array<i32>} : memref<128x128xf32, #tpu.memory_space<vmem>>, vector<1x16xf32>,
        %get3A_240 = arith.index_cast %add3A_209 : i32 to index
        %get3A_241 = arith.constant 48 : index
        %get3A_242 = tpu.vector_load %arg10[%get3A_240, %get3A_241] {strides = array<i32>} : memref<128x128xf32, #tpu.memory_space<vmem>>, vector<1x16xf32>,
        %get3A_243 = vector.shape_cast %get3A_242 : vector<1x16xf32> to vector<16xf32>
        %mul3A_244 = arith.mulf %get3A_243, %gather3A_205 : vector<16xf32>
        %swap3A_245 = arith.index_cast %add3A_209 : i32 to index
        %swap3A_246 = arith.constant 48 : index
        %swap3A_247 = tpu.vector_load %arg10[%swap3A_245, %swap3A_246] {strides = array<i32>} : memref<128x128xf32, #tpu.memory_space<vmem>>, vector<1x16xf32>,
        %swap3A_248 = vector.shape_cast %swap3A_247 : vector<1x16xf32> to vector<16xf32>
        %swap3A_249 = vector.shape_cast %mul3A_244 : vector<16xf32> to vector<1x16xf32>
        tpu.vector_store %arg10[%swap3A_245, %swap3A_246], %swap3A_249 {strides = array<i32>} : memref<128x128xf32, #tpu.memory_space<vmem>>, vector<1x16xf32>,
        %get3A_250 = arith.index_cast %add3A_209 : i32 to index
        %get3A_251 = arith.constant 64 : index
        %get3A_252 = tpu.vector_load %arg10[%get3A_250, %get3A_251] {strides = array<i32>} : memref<128x128xf32, #tpu.memory_space<vmem>>, vector<1x16xf32>,
        %get3A_253 = vector.shape_cast %get3A_252 : vector<1x16xf32> to vector<16xf32>
        %mul3A_254 = arith.mulf %get3A_253, %gather3A_205 : vector<16xf32>
        %swap3A_255 = arith.index_cast %add3A_209 : i32 to index
        %swap3A_256 = arith.constant 64 : index
        %swap3A_257 = tpu.vector_load %arg10[%swap3A_255, %swap3A_256] {strides = array<i32>} : memref<128x128xf32, #tpu.memory_space<vmem>>, vector<1x16xf32>,
        %swap3A_258 = vector.shape_cast %swap3A_257 : vector<1x16xf32> to vector<16xf32>
        %swap3A_259 = vector.shape_cast %mul3A_254 : vector<16xf32> to vector<1x16xf32>
        tpu.vector_store %arg10[%swap3A_255, %swap3A_256], %swap3A_259 {strides = array<i32>} : memref<128x128xf32, #tpu.memory_space<vmem>>, vector<1x16xf32>,
        %get3A_260 = arith.index_cast %add3A_209 : i32 to index
        %get3A_261 = arith.constant 80 : index
        %get3A_262 = tpu.vector_load %arg10[%get3A_260, %get3A_261] {strides = array<i32>} : memref<128x128xf32, #tpu.memory_space<vmem>>, vector<1x16xf32>,
        %get3A_263 = vector.shape_cast %get3A_262 : vector<1x16xf32> to vector<16xf32>
        %mul3A_264 = arith.mulf %get3A_263, %gather3A_205 : vector<16xf32>
        %swap3A_265 = arith.index_cast %add3A_209 : i32 to index
        %swap3A_266 = arith.constant 80 : index
        %swap3A_267 = tpu.vector_load %arg10[%swap3A_265, %swap3A_266] {strides = array<i32>} : memref<128x128xf32, #tpu.memory_space<vmem>>, vector<1x16xf32>,
        %swap3A_268 = vector.shape_cast %swap3A_267 : vector<1x16xf32> to vector<16xf32>
        %swap3A_269 = vector.shape_cast %mul3A_264 : vector<16xf32> to vector<1x16xf32>
        tpu.vector_store %arg10[%swap3A_265, %swap3A_266], %swap3A_269 {strides = array<i32>} : memref<128x128xf32, #tpu.memory_space<vmem>>, vector<1x16xf32>,
        %get3A_270 = arith.index_cast %add3A_209 : i32 to index
        %get3A_271 = arith.constant 96 : index
        %get3A_272 = tpu.vector_load %arg10[%get3A_270, %get3A_271] {strides = array<i32>} : memref<128x128xf32, #tpu.memory_space<vmem>>, vector<1x16xf32>,
        %get3A_273 = vector.shape_cast %get3A_272 : vector<1x16xf32> to vector<16xf32>
        %mul3A_274 = arith.mulf %get3A_273, %gather3A_205 : vector<16xf32>
        %swap3A_275 = arith.index_cast %add3A_209 : i32 to index
        %swap3A_276 = arith.constant 96 : index
        %swap3A_277 = tpu.vector_load %arg10[%swap3A_275, %swap3A_276] {strides = array<i32>} : memref<128x128xf32, #tpu.memory_space<vmem>>, vector<1x16xf32>,
        %swap3A_278 = vector.shape_cast %swap3A_277 : vector<1x16xf32> to vector<16xf32>
        %swap3A_279 = vector.shape_cast %mul3A_274 : vector<16xf32> to vector<1x16xf32>
        tpu.vector_store %arg10[%swap3A_275, %swap3A_276], %swap3A_279 {strides = array<i32>} : memref<128x128xf32, #tpu.memory_space<vmem>>, vector<1x16xf32>,
        %get3A_280 = arith.index_cast %add3A_209 : i32 to index
        %get3A_281 = arith.constant 112 : index
        %get3A_282 = tpu.vector_load %arg10[%get3A_280, %get3A_281] {strides = array<i32>} : memref<128x128xf32, #tpu.memory_space<vmem>>, vector<1x16xf32>,
        %get3A_283 = vector.shape_cast %get3A_282 : vector<1x16xf32> to vector<16xf32>
        %mul3A_284 = arith.mulf %get3A_283, %gather3A_205 : vector<16xf32>
        %swap3A_285 = arith.index_cast %add3A_209 : i32 to index
        %swap3A_286 = arith.constant 112 : index
        %swap3A_287 = tpu.vector_load %arg10[%swap3A_285, %swap3A_286] {strides = array<i32>} : memref<128x128xf32, #tpu.memory_space<vmem>>, vector<1x16xf32>,
        %swap3A_288 = vector.shape_cast %swap3A_287 : vector<1x16xf32> to vector<16xf32>
        %swap3A_289 = vector.shape_cast %mul3A_284 : vector<16xf32> to vector<1x16xf32>
        tpu.vector_store %arg10[%swap3A_285, %swap3A_286], %swap3A_289 {strides = array<i32>} : memref<128x128xf32, #tpu.memory_space<vmem>>, vector<1x16xf32>,
        %broadcast_in_dim3A_290 = arith.constant 2 : i32
        %broadcast_in_dim3A_291 = vector.broadcast %broadcast_in_dim3A_290 : i32 to vector<16xi32>
        %lt3A_292 = arith.constant 0 : i32
        %lt3A_293 = vector.broadcast %lt3A_292 : i32 to vector<16xi32>
        %lt3A_294 = arith.cmpi slt, %broadcast_in_dim3A_291, %lt3A_293 : vector<16xi32>
        %add3A_295 = arith.constant 16 : i32
        %add3A_296 = vector.broadcast %add3A_295 : i32 to vector<16xi32>
        %add3A_297 = arith.addi %broadcast_in_dim3A_291, %add3A_296 : vector<16xi32>
        %select_n3A_298 = arith.select %lt3A_294, %add3A_297, %broadcast_in_dim3A_291 : vector<16xi1>, vector<16xi32>
        %reshape3A_299 = vector.shape_cast %select_n3A_298 : vector<16xi32> to vector<16x1xi32>
        %gather3A_300 = vector.shape_cast %reshape3A_299 : vector<16x1xi32> to vector<16xi32>
        %gather3A_301 = tpu.dynamic_gather %get3A_102[%gather3A_300] in [0] : vector<16xf32>, vector<16xi32> -> vector<16xf32>
        %mul3A_302 = arith.constant 16 : i32
        %mul3A_303 = arith.muli %add3A_97, %mul3A_302 : i32
        %add3A_304 = arith.constant 2 : i32
        %add3A_305 = arith.addi %mul3A_303, %add3A_304 : i32
        %get3A_306 = arith.index_cast %add3A_305 : i32 to index
        %get3A_307 = arith.constant 0 : index
        %get3A_308 = tpu.vector_load %arg10[%get3A_306, %get3A_307] {strides = array<i32>} : memref<128x128xf32, #tpu.memory_space<vmem>>, vector<1x16xf32>,
        %get3A_309 = vector.shape_cast %get3A_308 : vector<1x16xf32> to vector<16xf32>
        %mul3A_310 = arith.mulf %get3A_309, %gather3A_301 : vector<16xf32>
        %swap3A_311 = arith.index_cast %add3A_305 : i32 to index
        %swap3A_312 = arith.constant 0 : index
        %swap3A_313 = tpu.vector_load %arg10[%swap3A_311, %swap3A_312] {strides = array<i32>} : memref<128x128xf32, #tpu.memory_space<vmem>>, vector<1x16xf32>,
        %swap3A_314 = vector.shape_cast %swap3A_313 : vector<1x16xf32> to vector<16xf32>
        %swap3A_315 = vector.shape_cast %mul3A_310 : vector<16xf32> to vector<1x16xf32>
        tpu.vector_store %arg10[%swap3A_311, %swap3A_312], %swap3A_315 {strides = array<i32>} : memref<128x128xf32, #tpu.memory_space<vmem>>, vector<1x16xf32>,
        %get3A_316 = arith.index_cast %add3A_305 : i32 to index
        %get3A_317 = arith.constant 16 : index
        %get3A_318 = tpu.vector_load %arg10[%get3A_316, %get3A_317] {strides = array<i32>} : memref<128x128xf32, #tpu.memory_space<vmem>>, vector<1x16xf32>,
        %get3A_319 = vector.shape_cast %get3A_318 : vector<1x16xf32> to vector<16xf32>
        %mul3A_320 = arith.mulf %get3A_319, %gather3A_301 : vector<16xf32>
        %swap3A_321 = arith.index_cast %add3A_305 : i32 to index
        %swap3A_322 = arith.constant 16 : index
        %swap3A_323 = tpu.vector_load %arg10[%swap3A_321, %swap3A_322] {strides = array<i32>} : memref<128x128xf32, #tpu.memory_space<vmem>>, vector<1x16xf32>,
        %swap3A_324 = vector.shape_cast %swap3A_323 : vector<1x16xf32> to vector<16xf32>
        %swap3A_325 = vector.shape_cast %mul3A_320 : vector<16xf32> to vector<1x16xf32>
        tpu.vector_store %arg10[%swap3A_321, %swap3A_322], %swap3A_325 {strides = array<i32>} : memref<128x128xf32, #tpu.memory_space<vmem>>, vector<1x16xf32>,
        %get3A_326 = arith.index_cast %add3A_305 : i32 to index
        %get3A_327 = arith.constant 32 : index
        %get3A_328 = tpu.vector_load %arg10[%get3A_326, %get3A_327] {strides = array<i32>} : memref<128x128xf32, #tpu.memory_space<vmem>>, vector<1x16xf32>,
        %get3A_329 = vector.shape_cast %get3A_328 : vector<1x16xf32> to vector<16xf32>
        %mul3A_330 = arith.mulf %get3A_329, %gather3A_301 : vector<16xf32>
        %swap3A_331 = arith.index_cast %add3A_305 : i32 to index
        %swap3A_332 = arith.constant 32 : index
        %swap3A_333 = tpu.vector_load %arg10[%swap3A_331, %swap3A_332] {strides = array<i32>} : memref<128x128xf32, #tpu.memory_space<vmem>>, vector<1x16xf32>,
        %swap3A_334 = vector.shape_cast %swap3A_333 : vector<1x16xf32> to vector<16xf32>
        %swap3A_335 = vector.shape_cast %mul3A_330 : vector<16xf32> to vector<1x16xf32>
        tpu.vector_store %arg10[%swap3A_331, %swap3A_332], %swap3A_335 {strides = array<i32>} : memref<128x128xf32, #tpu.memory_space<vmem>>, vector<1x16xf32>,
        %get3A_336 = arith.index_cast %add3A_305 : i32 to index
        %get3A_337 = arith.constant 48 : index
        %get3A_338 = tpu.vector_load %arg10[%get3A_336, %get3A_337] {strides = array<i32>} : memref<128x128xf32, #tpu.memory_space<vmem>>, vector<1x16xf32>,
        %get3A_339 = vector.shape_cast %get3A_338 : vector<1x16xf32> to vector<16xf32>
        %mul3A_340 = arith.mulf %get3A_339, %gather3A_301 : vector<16xf32>
        %swap3A_341 = arith.index_cast %add3A_305 : i32 to index
        %swap3A_342 = arith.constant 48 : index
        %swap3A_343 = tpu.vector_load %arg10[%swap3A_341, %swap3A_342] {strides = array<i32>} : memref<128x128xf32, #tpu.memory_space<vmem>>, vector<1x16xf32>,
        %swap3A_344 = vector.shape_cast %swap3A_343 : vector<1x16xf32> to vector<16xf32>
        %swap3A_345 = vector.shape_cast %mul3A_340 : vector<16xf32> to vector<1x16xf32>
        tpu.vector_store %arg10[%swap3A_341, %swap3A_342], %swap3A_345 {strides = array<i32>} : memref<128x128xf32, #tpu.memory_space<vmem>>, vector<1x16xf32>,
        %get3A_346 = arith.index_cast %add3A_305 : i32 to index
        %get3A_347 = arith.constant 64 : index
        %get3A_348 = tpu.vector_load %arg10[%get3A_346, %get3A_347] {strides = array<i32>} : memref<128x128xf32, #tpu.memory_space<vmem>>, vector<1x16xf32>,
        %get3A_349 = vector.shape_cast %get3A_348 : vector<1x16xf32> to vector<16xf32>
        %mul3A_350 = arith.mulf %get3A_349, %gather3A_301 : vector<16xf32>
        %swap3A_351 = arith.index_cast %add3A_305 : i32 to index
        %swap3A_352 = arith.constant 64 : index
        %swap3A_353 = tpu.vector_load %arg10[%swap3A_351, %swap3A_352] {strides = array<i32>} : memref<128x128xf32, #tpu.memory_space<vmem>>, vector<1x16xf32>,
        %swap3A_354 = vector.shape_cast %swap3A_353 : vector<1x16xf32> to vector<16xf32>
        %swap3A_355 = vector.shape_cast %mul3A_350 : vector<16xf32> to vector<1x16xf32>
        tpu.vector_store %arg10[%swap3A_351, %swap3A_352], %swap3A_355 {strides = array<i32>} : memref<128x128xf32, #tpu.memory_space<vmem>>, vector<1x16xf32>,
        %get3A_356 = arith.index_cast %add3A_305 : i32 to index
        %get3A_357 = arith.constant 80 : index
        %get3A_358 = tpu.vector_load %arg10[%get3A_356, %get3A_357] {strides = array<i32>} : memref<128x128xf32, #tpu.memory_space<vmem>>, vector<1x16xf32>,
        %get3A_359 = vector.shape_cast %get3A_358 : vector<1x16xf32> to vector<16xf32>
        %mul3A_360 = arith.mulf %get3A_359, %gather3A_301 : vector<16xf32>
        %swap3A_361 = arith.index_cast %add3A_305 : i32 to index
        %swap3A_362 = arith.constant 80 : index
        %swap3A_363 = tpu.vector_load %arg10[%swap3A_361, %swap3A_362] {strides = array<i32>} : memref<128x128xf32, #tpu.memory_space<vmem>>, vector<1x16xf32>,
        %swap3A_364 = vector.shape_cast %swap3A_363 : vector<1x16xf32> to vector<16xf32>
        %swap3A_365 = vector.shape_cast %mul3A_360 : vector<16xf32> to vector<1x16xf32>
        tpu.vector_store %arg10[%swap3A_361, %swap3A_362], %swap3A_365 {strides = array<i32>} : memref<128x128xf32, #tpu.memory_space<vmem>>, vector<1x16xf32>,
        %get3A_366 = arith.index_cast %add3A_305 : i32 to index
        %get3A_367 = arith.constant 96 : index
        %get3A_368 = tpu.vector_load %arg10[%get3A_366, %get3A_367] {strides = array<i32>} : memref<128x128xf32, #tpu.memory_space<vmem>>, vector<1x16xf32>,
        %get3A_369 = vector.shape_cast %get3A_368 : vector<1x16xf32> to vector<16xf32>
        %mul3A_370 = arith.mulf %get3A_369, %gather3A_301 : vector<16xf32>
        %swap3A_371 = arith.index_cast %add3A_305 : i32 to index
        %swap3A_372 = arith.constant 96 : index
        %swap3A_373 = tpu.vector_load %arg10[%swap3A_371, %swap3A_372] {strides = array<i32>} : memref<128x128xf32, #tpu.memory_space<vmem>>, vector<1x16xf32>,
        %swap3A_374 = vector.shape_cast %swap3A_373 : vector<1x16xf32> to vector<16xf32>
        %swap3A_375 = vector.shape_cast %mul3A_370 : vector<16xf32> to vector<1x16xf32>
        tpu.vector_store %arg10[%swap3A_371, %swap3A_372], %swap3A_375 {strides = array<i32>} : memref<128x128xf32, #tpu.memory_space<vmem>>, vector<1x16xf32>,
        %get3A_376 = arith.index_cast %add3A_305 : i32 to index
        %get3A_377 = arith.constant 112 : index
        %get3A_378 = tpu.vector_load %arg10[%get3A_376, %get3A_377] {strides = array<i32>} : memref<128x128xf32, #tpu.memory_space<vmem>>, vector<1x16xf32>,
        %get3A_379 = vector.shape_cast %get3A_378 : vector<1x16xf32> to vector<16xf32>
        %mul3A_380 = arith.mulf %get3A_379, %gather3A_301 : vector<16xf32>
        %swap3A_381 = arith.index_cast %add3A_305 : i32 to index
        %swap3A_382 = arith.constant 112 : index
        %swap3A_383 = tpu.vector_load %arg10[%swap3A_381, %swap3A_382] {strides = array<i32>} : memref<128x128xf32, #tpu.memory_space<vmem>>, vector<1x16xf32>,
        %swap3A_384 = vector.shape_cast %swap3A_383 : vector<1x16xf32> to vector<16xf32>
        %swap3A_385 = vector.shape_cast %mul3A_380 : vector<16xf32> to vector<1x16xf32>
        tpu.vector_store %arg10[%swap3A_381, %swap3A_382], %swap3A_385 {strides = array<i32>} : memref<128x128xf32, #tpu.memory_space<vmem>>, vector<1x16xf32>,
        %broadcast_in_dim3A_386 = arith.constant 3 : i32
        %broadcast_in_dim3A_387 = vector.broadcast %broadcast_in_dim3A_386 : i32 to vector<16xi32>
        %lt3A_388 = arith.constant 0 : i32
        %lt3A_389 = vector.broadcast %lt3A_388 : i32 to vector<16xi32>
        %lt3A_390 = arith.cmpi slt, %broadcast_in_dim3A_387, %lt3A_389 : vector<16xi32>
        %add3A_391 = arith.constant 16 : i32
        %add3A_392 = vector.broadcast %add3A_391 : i32 to vector<16xi32>
        %add3A_393 = arith.addi %broadcast_in_dim3A_387, %add3A_392 : vector<16xi32>
        %select_n3A_394 = arith.select %lt3A_390, %add3A_393, %broadcast_in_dim3A_387 : vector<16xi1>, vector<16xi32>
        %reshape3A_395 = vector.shape_cast %select_n3A_394 : vector<16xi32> to vector<16x1xi32>
        %gather3A_396 = vector.shape_cast %reshape3A_395 : vector<16x1xi32> to vector<16xi32>
        %gather3A_397 = tpu.dynamic_gather %get3A_102[%gather3A_396] in [0] : vector<16xf32>, vector<16xi32> -> vector<16xf32>
        %mul3A_398 = arith.constant 16 : i32
        %mul3A_399 = arith.muli %add3A_97, %mul3A_398 : i32
        %add3A_400 = arith.constant 3 : i32
        %add3A_401 = arith.addi %mul3A_399, %add3A_400 : i32
        %get3A_402 = arith.index_cast %add3A_401 : i32 to index
        %get3A_403 = arith.constant 0 : index
        %get3A_404 = tpu.vector_load %arg10[%get3A_402, %get3A_403] {strides = array<i32>} : memref<128x128xf32, #tpu.memory_space<vmem>>, vector<1x16xf32>,
        %get3A_405 = vector.shape_cast %get3A_404 : vector<1x16xf32> to vector<16xf32>
        %mul3A_406 = arith.mulf %get3A_405, %gather3A_397 : vector<16xf32>
        %swap3A_407 = arith.index_cast %add3A_401 : i32 to index
        %swap3A_408 = arith.constant 0 : index
        %swap3A_409 = tpu.vector_load %arg10[%swap3A_407, %swap3A_408] {strides = array<i32>} : memref<128x128xf32, #tpu.memory_space<vmem>>, vector<1x16xf32>,
        %swap3A_410 = vector.shape_cast %swap3A_409 : vector<1x16xf32> to vector<16xf32>
        %swap3A_411 = vector.shape_cast %mul3A_406 : vector<16xf32> to vector<1x16xf32>
        tpu.vector_store %arg10[%swap3A_407, %swap3A_408], %swap3A_411 {strides = array<i32>} : memref<128x128xf32, #tpu.memory_space<vmem>>, vector<1x16xf32>,
        %get3A_412 = arith.index_cast %add3A_401 : i32 to index
        %get3A_413 = arith.constant 16 : index
        %get3A_414 = tpu.vector_load %arg10[%get3A_412, %get3A_413] {strides = array<i32>} : memref<128x128xf32, #tpu.memory_space<vmem>>, vector<1x16xf32>,
        %get3A_415 = vector.shape_cast %get3A_414 : vector<1x16xf32> to vector<16xf32>
        %mul3A_416 = arith.mulf %get3A_415, %gather3A_397 : vector<16xf32>
        %swap3A_417 = arith.index_cast %add3A_401 : i32 to index
        %swap3A_418 = arith.constant 16 : index
        %swap3A_419 = tpu.vector_load %arg10[%swap3A_417, %swap3A_418] {strides = array<i32>} : memref<128x128xf32, #tpu.memory_space<vmem>>, vector<1x16xf32>,
        %swap3A_420 = vector.shape_cast %swap3A_419 : vector<1x16xf32> to vector<16xf32>
        %swap3A_421 = vector.shape_cast %mul3A_416 : vector<16xf32> to vector<1x16xf32>
        tpu.vector_store %arg10[%swap3A_417, %swap3A_418], %swap3A_421 {strides = array<i32>} : memref<128x128xf32, #tpu.memory_space<vmem>>, vector<1x16xf32>,
        %get3A_422 = arith.index_cast %add3A_401 : i32 to index
        %get3A_423 = arith.constant 32 : index
        %get3A_424 = tpu.vector_load %arg10[%get3A_422, %get3A_423] {strides = array<i32>} : memref<128x128xf32, #tpu.memory_space<vmem>>, vector<1x16xf32>,
        %get3A_425 = vector.shape_cast %get3A_424 : vector<1x16xf32> to vector<16xf32>
        %mul3A_426 = arith.mulf %get3A_425, %gather3A_397 : vector<16xf32>
        %swap3A_427 = arith.index_cast %add3A_401 : i32 to index
        %swap3A_428 = arith.constant 32 : index
        %swap3A_429 = tpu.vector_load %arg10[%swap3A_427, %swap3A_428] {strides = array<i32>} : memref<128x128xf32, #tpu.memory_space<vmem>>, vector<1x16xf32>,
        %swap3A_430 = vector.shape_cast %swap3A_429 : vector<1x16xf32> to vector<16xf32>
        %swap3A_431 = vector.shape_cast %mul3A_426 : vector<16xf32> to vector<1x16xf32>
        tpu.vector_store %arg10[%swap3A_427, %swap3A_428], %swap3A_431 {strides = array<i32>} : memref<128x128xf32, #tpu.memory_space<vmem>>, vector<1x16xf32>,
        %get3A_432 = arith.index_cast %add3A_401 : i32 to index
        %get3A_433 = arith.constant 48 : index
        %get3A_434 = tpu.vector_load %arg10[%get3A_432, %get3A_433] {strides = array<i32>} : memref<128x128xf32, #tpu.memory_space<vmem>>, vector<1x16xf32>,
        %get3A_435 = vector.shape_cast %get3A_434 : vector<1x16xf32> to vector<16xf32>
        %mul3A_436 = arith.mulf %get3A_435, %gather3A_397 : vector<16xf32>
        %swap3A_437 = arith.index_cast %add3A_401 : i32 to index
        %swap3A_438 = arith.constant 48 : index
        %swap3A_439 = tpu.vector_load %arg10[%swap3A_437, %swap3A_438] {strides = array<i32>} : memref<128x128xf32, #tpu.memory_space<vmem>>, vector<1x16xf32>,
        %swap3A_440 = vector.shape_cast %swap3A_439 : vector<1x16xf32> to vector<16xf32>
        %swap3A_441 = vector.shape_cast %mul3A_436 : vector<16xf32> to vector<1x16xf32>
        tpu.vector_store %arg10[%swap3A_437, %swap3A_438], %swap3A_441 {strides = array<i32>} : memref<128x128xf32, #tpu.memory_space<vmem>>, vector<1x16xf32>,
        %get3A_442 = arith.index_cast %add3A_401 : i32 to index
        %get3A_443 = arith.constant 64 : index
        %get3A_444 = tpu.vector_load %arg10[%get3A_442, %get3A_443] {strides = array<i32>} : memref<128x128xf32, #tpu.memory_space<vmem>>, vector<1x16xf32>,
        %get3A_445 = vector.shape_cast %get3A_444 : vector<1x16xf32> to vector<16xf32>
        %mul3A_446 = arith.mulf %get3A_445, %gather3A_397 : vector<16xf32>
        %swap3A_447 = arith.index_cast %add3A_401 : i32 to index
        %swap3A_448 = arith.constant 64 : index
        %swap3A_449 = tpu.vector_load %arg10[%swap3A_447, %swap3A_448] {strides = array<i32>} : memref<128x128xf32, #tpu.memory_space<vmem>>, vector<1x16xf32>,
        %swap3A_450 = vector.shape_cast %swap3A_449 : vector<1x16xf32> to vector<16xf32>
        %swap3A_451 = vector.shape_cast %mul3A_446 : vector<16xf32> to vector<1x16xf32>
        tpu.vector_store %arg10[%swap3A_447, %swap3A_448], %swap3A_451 {strides = array<i32>} : memref<128x128xf32, #tpu.memory_space<vmem>>, vector<1x16xf32>,
        %get3A_452 = arith.index_cast %add3A_401 : i32 to index
        %get3A_453 = arith.constant 80 : index
        %get3A_454 = tpu.vector_load %arg10[%get3A_452, %get3A_453] {strides = array<i32>} : memref<128x128xf32, #tpu.memory_space<vmem>>, vector<1x16xf32>,
        %get3A_455 = vector.shape_cast %get3A_454 : vector<1x16xf32> to vector<16xf32>
        %mul3A_456 = arith.mulf %get3A_455, %gather3A_397 : vector<16xf32>
        %swap3A_457 = arith.index_cast %add3A_401 : i32 to index
        %swap3A_458 = arith.constant 80 : index
        %swap3A_459 = tpu.vector_load %arg10[%swap3A_457, %swap3A_458] {strides = array<i32>} : memref<128x128xf32, #tpu.memory_space<vmem>>, vector<1x16xf32>,
        %swap3A_460 = vector.shape_cast %swap3A_459 : vector<1x16xf32> to vector<16xf32>
        %swap3A_461 = vector.shape_cast %mul3A_456 : vector<16xf32> to vector<1x16xf32>
        tpu.vector_store %arg10[%swap3A_457, %swap3A_458], %swap3A_461 {strides = array<i32>} : memref<128x128xf32, #tpu.memory_space<vmem>>, vector<1x16xf32>,
        %get3A_462 = arith.index_cast %add3A_401 : i32 to index
        %get3A_463 = arith.constant 96 : index
        %get3A_464 = tpu.vector_load %arg10[%get3A_462, %get3A_463] {strides = array<i32>} : memref<128x128xf32, #tpu.memory_space<vmem>>, vector<1x16xf32>,
        %get3A_465 = vector.shape_cast %get3A_464 : vector<1x16xf32> to vector<16xf32>
        %mul3A_466 = arith.mulf %get3A_465, %gather3A_397 : vector<16xf32>
        %swap3A_467 = arith.index_cast %add3A_401 : i32 to index
        %swap3A_468 = arith.constant 96 : index
        %swap3A_469 = tpu.vector_load %arg10[%swap3A_467, %swap3A_468] {strides = array<i32>} : memref<128x128xf32, #tpu.memory_space<vmem>>, vector<1x16xf32>,
        %swap3A_470 = vector.shape_cast %swap3A_469 : vector<1x16xf32> to vector<16xf32>
        %swap3A_471 = vector.shape_cast %mul3A_466 : vector<16xf32> to vector<1x16xf32>
        tpu.vector_store %arg10[%swap3A_467, %swap3A_468], %swap3A_471 {strides = array<i32>} : memref<128x128xf32, #tpu.memory_space<vmem>>, vector<1x16xf32>,
        %get3A_472 = arith.index_cast %add3A_401 : i32 to index
        %get3A_473 = arith.constant 112 : index
        %get3A_474 = tpu.vector_load %arg10[%get3A_472, %get3A_473] {strides = array<i32>} : memref<128x128xf32, #tpu.memory_space<vmem>>, vector<1x16xf32>,
        %get3A_475 = vector.shape_cast %get3A_474 : vector<1x16xf32> to vector<16xf32>
        %mul3A_476 = arith.mulf %get3A_475, %gather3A_397 : vector<16xf32>
        %swap3A_477 = arith.index_cast %add3A_401 : i32 to index
        %swap3A_478 = arith.constant 112 : index
        %swap3A_479 = tpu.vector_load %arg10[%swap3A_477, %swap3A_478] {strides = array<i32>} : memref<128x128xf32, #tpu.memory_space<vmem>>, vector<1x16xf32>,
        %swap3A_480 = vector.shape_cast %swap3A_479 : vector<1x16xf32> to vector<16xf32>
        %swap3A_481 = vector.shape_cast %mul3A_476 : vector<16xf32> to vector<1x16xf32>
        tpu.vector_store %arg10[%swap3A_477, %swap3A_478], %swap3A_481 {strides = array<i32>} : memref<128x128xf32, #tpu.memory_space<vmem>>, vector<1x16xf32>,
        %broadcast_in_dim3A_482 = arith.constant 4 : i32
        %broadcast_in_dim3A_483 = vector.broadcast %broadcast_in_dim3A_482 : i32 to vector<16xi32>
        %lt3A_484 = arith.constant 0 : i32
        %lt3A_485 = vector.broadcast %lt3A_484 : i32 to vector<16xi32>
        %lt3A_486 = arith.cmpi slt, %broadcast_in_dim3A_483, %lt3A_485 : vector<16xi32>
        %add3A_487 = arith.constant 16 : i32
        %add3A_488 = vector.broadcast %add3A_487 : i32 to vector<16xi32>
        %add3A_489 = arith.addi %broadcast_in_dim3A_483, %add3A_488 : vector<16xi32>
        %select_n3A_490 = arith.select %lt3A_486, %add3A_489, %broadcast_in_dim3A_483 : vector<16xi1>, vector<16xi32>
        %reshape3A_491 = vector.shape_cast %select_n3A_490 : vector<16xi32> to vector<16x1xi32>
        %gather3A_492 = vector.shape_cast %reshape3A_491 : vector<16x1xi32> to vector<16xi32>
        %gather3A_493 = tpu.dynamic_gather %get3A_102[%gather3A_492] in [0] : vector<16xf32>, vector<16xi32> -> vector<16xf32>
        %mul3A_494 = arith.constant 16 : i32
        %mul3A_495 = arith.muli %add3A_97, %mul3A_494 : i32
        %add3A_496 = arith.constant 4 : i32
        %add3A_497 = arith.addi %mul3A_495, %add3A_496 : i32
        %get3A_498 = arith.index_cast %add3A_497 : i32 to index
        %get3A_499 = arith.constant 0 : index
        %get3A_500 = tpu.vector_load %arg10[%get3A_498, %get3A_499] {strides = array<i32>} : memref<128x128xf32, #tpu.memory_space<vmem>>, vector<1x16xf32>,
        %get3A_501 = vector.shape_cast %get3A_500 : vector<1x16xf32> to vector<16xf32>
        %mul3A_502 = arith.mulf %get3A_501, %gather3A_493 : vector<16xf32>
        %swap3A_503 = arith.index_cast %add3A_497 : i32 to index
        %swap3A_504 = arith.constant 0 : index
        %swap3A_505 = tpu.vector_load %arg10[%swap3A_503, %swap3A_504] {strides = array<i32>} : memref<128x128xf32, #tpu.memory_space<vmem>>, vector<1x16xf32>,
        %swap3A_506 = vector.shape_cast %swap3A_505 : vector<1x16xf32> to vector<16xf32>
        %swap3A_507 = vector.shape_cast %mul3A_502 : vector<16xf32> to vector<1x16xf32>
        tpu.vector_store %arg10[%swap3A_503, %swap3A_504], %swap3A_507 {strides = array<i32>} : memref<128x128xf32, #tpu.memory_space<vmem>>, vector<1x16xf32>,
        %get3A_508 = arith.index_cast %add3A_497 : i32 to index
        %get3A_509 = arith.constant 16 : index
        %get3A_510 = tpu.vector_load %arg10[%get3A_508, %get3A_509] {strides = array<i32>} : memref<128x128xf32, #tpu.memory_space<vmem>>, vector<1x16xf32>,
        %get3A_511 = vector.shape_cast %get3A_510 : vector<1x16xf32> to vector<16xf32>
        %mul3A_512 = arith.mulf %get3A_511, %gather3A_493 : vector<16xf32>
        %swap3A_513 = arith.index_cast %add3A_497 : i32 to index
        %swap3A_514 = arith.constant 16 : index
        %swap3A_515 = tpu.vector_load %arg10[%swap3A_513, %swap3A_514] {strides = array<i32>} : memref<128x128xf32, #tpu.memory_space<vmem>>, vector<1x16xf32>,
        %swap3A_516 = vector.shape_cast %swap3A_515 : vector<1x16xf32> to vector<16xf32>
        %swap3A_517 = vector.shape_cast %mul3A_512 : vector<16xf32> to vector<1x16xf32>
        tpu.vector_store %arg10[%swap3A_513, %swap3A_514], %swap3A_517 {strides = array<i32>} : memref<128x128xf32, #tpu.memory_space<vmem>>, vector<1x16xf32>,
        %get3A_518 = arith.index_cast %add3A_497 : i32 to index
        %get3A_519 = arith.constant 32 : index
        %get3A_520 = tpu.vector_load %arg10[%get3A_518, %get3A_519] {strides = array<i32>} : memref<128x128xf32, #tpu.memory_space<vmem>>, vector<1x16xf32>,
        %get3A_521 = vector.shape_cast %get3A_520 : vector<1x16xf32> to vector<16xf32>
        %mul3A_522 = arith.mulf %get3A_521, %gather3A_493 : vector<16xf32>
        %swap3A_523 = arith.index_cast %add3A_497 : i32 to index
        %swap3A_524 = arith.constant 32 : index
        %swap3A_525 = tpu.vector_load %arg10[%swap3A_523, %swap3A_524] {strides = array<i32>} : memref<128x128xf32, #tpu.memory_space<vmem>>, vector<1x16xf32>,
        %swap3A_526 = vector.shape_cast %swap3A_525 : vector<1x16xf32> to vector<16xf32>
        %swap3A_527 = vector.shape_cast %mul3A_522 : vector<16xf32> to vector<1x16xf32>
        tpu.vector_store %arg10[%swap3A_523, %swap3A_524], %swap3A_527 {strides = array<i32>} : memref<128x128xf32, #tpu.memory_space<vmem>>, vector<1x16xf32>,
        %get3A_528 = arith.index_cast %add3A_497 : i32 to index
        %get3A_529 = arith.constant 48 : index
        %get3A_530 = tpu.vector_load %arg10[%get3A_528, %get3A_529] {strides = array<i32>} : memref<128x128xf32, #tpu.memory_space<vmem>>, vector<1x16xf32>,
        %get3A_531 = vector.shape_cast %get3A_530 : vector<1x16xf32> to vector<16xf32>
        %mul3A_532 = arith.mulf %get3A_531, %gather3A_493 : vector<16xf32>
        %swap3A_533 = arith.index_cast %add3A_497 : i32 to index
        %swap3A_534 = arith.constant 48 : index
        %swap3A_535 = tpu.vector_load %arg10[%swap3A_533, %swap3A_534] {strides = array<i32>} : memref<128x128xf32, #tpu.memory_space<vmem>>, vector<1x16xf32>,
        %swap3A_536 = vector.shape_cast %swap3A_535 : vector<1x16xf32> to vector<16xf32>
        %swap3A_537 = vector.shape_cast %mul3A_532 : vector<16xf32> to vector<1x16xf32>
        tpu.vector_store %arg10[%swap3A_533, %swap3A_534], %swap3A_537 {strides = array<i32>} : memref<128x128xf32, #tpu.memory_space<vmem>>, vector<1x16xf32>,
        %get3A_538 = arith.index_cast %add3A_497 : i32 to index
        %get3A_539 = arith.constant 64 : index
        %get3A_540 = tpu.vector_load %arg10[%get3A_538, %get3A_539] {strides = array<i32>} : memref<128x128xf32, #tpu.memory_space<vmem>>, vector<1x16xf32>,
        %get3A_541 = vector.shape_cast %get3A_540 : vector<1x16xf32> to vector<16xf32>
        %mul3A_542 = arith.mulf %get3A_541, %gather3A_493 : vector<16xf32>
        %swap3A_543 = arith.index_cast %add3A_497 : i32 to index
        %swap3A_544 = arith.constant 64 : index
        %swap3A_545 = tpu.vector_load %arg10[%swap3A_543, %swap3A_544] {strides = array<i32>} : memref<128x128xf32, #tpu.memory_space<vmem>>, vector<1x16xf32>,
        %swap3A_546 = vector.shape_cast %swap3A_545 : vector<1x16xf32> to vector<16xf32>
        %swap3A_547 = vector.shape_cast %mul3A_542 : vector<16xf32> to vector<1x16xf32>
        tpu.vector_store %arg10[%swap3A_543, %swap3A_544], %swap3A_547 {strides = array<i32>} : memref<128x128xf32, #tpu.memory_space<vmem>>, vector<1x16xf32>,
        %get3A_548 = arith.index_cast %add3A_497 : i32 to index
        %get3A_549 = arith.constant 80 : index
        %get3A_550 = tpu.vector_load %arg10[%get3A_548, %get3A_549] {strides = array<i32>} : memref<128x128xf32, #tpu.memory_space<vmem>>, vector<1x16xf32>,
        %get3A_551 = vector.shape_cast %get3A_550 : vector<1x16xf32> to vector<16xf32>
        %mul3A_552 = arith.mulf %get3A_551, %gather3A_493 : vector<16xf32>
        %swap3A_553 = arith.index_cast %add3A_497 : i32 to index
        %swap3A_554 = arith.constant 80 : index
        %swap3A_555 = tpu.vector_load %arg10[%swap3A_553, %swap3A_554] {strides = array<i32>} : memref<128x128xf32, #tpu.memory_space<vmem>>, vector<1x16xf32>,
        %swap3A_556 = vector.shape_cast %swap3A_555 : vector<1x16xf32> to vector<16xf32>
        %swap3A_557 = vector.shape_cast %mul3A_552 : vector<16xf32> to vector<1x16xf32>
        tpu.vector_store %arg10[%swap3A_553, %swap3A_554], %swap3A_557 {strides = array<i32>} : memref<128x128xf32, #tpu.memory_space<vmem>>, vector<1x16xf32>,
        %get3A_558 = arith.index_cast %add3A_497 : i32 to index
        %get3A_559 = arith.constant 96 : index
        %get3A_560 = tpu.vector_load %arg10[%get3A_558, %get3A_559] {strides = array<i32>} : memref<128x128xf32, #tpu.memory_space<vmem>>, vector<1x16xf32>,
        %get3A_561 = vector.shape_cast %get3A_560 : vector<1x16xf32> to vector<16xf32>
        %mul3A_562 = arith.mulf %get3A_561, %gather3A_493 : vector<16xf32>
        %swap3A_563 = arith.index_cast %add3A_497 : i32 to index
        %swap3A_564 = arith.constant 96 : index
        %swap3A_565 = tpu.vector_load %arg10[%swap3A_563, %swap3A_564] {strides = array<i32>} : memref<128x128xf32, #tpu.memory_space<vmem>>, vector<1x16xf32>,
        %swap3A_566 = vector.shape_cast %swap3A_565 : vector<1x16xf32> to vector<16xf32>
        %swap3A_567 = vector.shape_cast %mul3A_562 : vector<16xf32> to vector<1x16xf32>
        tpu.vector_store %arg10[%swap3A_563, %swap3A_564], %swap3A_567 {strides = array<i32>} : memref<128x128xf32, #tpu.memory_space<vmem>>, vector<1x16xf32>,
        %get3A_568 = arith.index_cast %add3A_497 : i32 to index
        %get3A_569 = arith.constant 112 : index
        %get3A_570 = tpu.vector_load %arg10[%get3A_568, %get3A_569] {strides = array<i32>} : memref<128x128xf32, #tpu.memory_space<vmem>>, vector<1x16xf32>,
        %get3A_571 = vector.shape_cast %get3A_570 : vector<1x16xf32> to vector<16xf32>
        %mul3A_572 = arith.mulf %get3A_571, %gather3A_493 : vector<16xf32>
        %swap3A_573 = arith.index_cast %add3A_497 : i32 to index
        %swap3A_574 = arith.constant 112 : index
        %swap3A_575 = tpu.vector_load %arg10[%swap3A_573, %swap3A_574] {strides = array<i32>} : memref<128x128xf32, #tpu.memory_space<vmem>>, vector<1x16xf32>,
        %swap3A_576 = vector.shape_cast %swap3A_575 : vector<1x16xf32> to vector<16xf32>
        %swap3A_577 = vector.shape_cast %mul3A_572 : vector<16xf32> to vector<1x16xf32>
        tpu.vector_store %arg10[%swap3A_573, %swap3A_574], %swap3A_577 {strides = array<i32>} : memref<128x128xf32, #tpu.memory_space<vmem>>, vector<1x16xf32>,
        %broadcast_in_dim3A_578 = arith.constant 5 : i32
        %broadcast_in_dim3A_579 = vector.broadcast %broadcast_in_dim3A_578 : i32 to vector<16xi32>
        %lt3A_580 = arith.constant 0 : i32
        %lt3A_581 = vector.broadcast %lt3A_580 : i32 to vector<16xi32>
        %lt3A_582 = arith.cmpi slt, %broadcast_in_dim3A_579, %lt3A_581 : vector<16xi32>
        %add3A_583 = arith.constant 16 : i32
        %add3A_584 = vector.broadcast %add3A_583 : i32 to vector<16xi32>
        %add3A_585 = arith.addi %broadcast_in_dim3A_579, %add3A_584 : vector<16xi32>
        %select_n3A_586 = arith.select %lt3A_582, %add3A_585, %broadcast_in_dim3A_579 : vector<16xi1>, vector<16xi32>
        %reshape3A_587 = vector.shape_cast %select_n3A_586 : vector<16xi32> to vector<16x1xi32>
        %gather3A_588 = vector.shape_cast %reshape3A_587 : vector<16x1xi32> to vector<16xi32>
        %gather3A_589 = tpu.dynamic_gather %get3A_102[%gather3A_588] in [0] : vector<16xf32>, vector<16xi32> -> vector<16xf32>
        %mul3A_590 = arith.constant 16 : i32
        %mul3A_591 = arith.muli %add3A_97, %mul3A_590 : i32
        %add3A_592 = arith.constant 5 : i32
        %add3A_593 = arith.addi %mul3A_591, %add3A_592 : i32
        %get3A_594 = arith.index_cast %add3A_593 : i32 to index
        %get3A_595 = arith.constant 0 : index
        %get3A_596 = tpu.vector_load %arg10[%get3A_594, %get3A_595] {strides = array<i32>} : memref<128x128xf32, #tpu.memory_space<vmem>>, vector<1x16xf32>,
        %get3A_597 = vector.shape_cast %get3A_596 : vector<1x16xf32> to vector<16xf32>
        %mul3A_598 = arith.mulf %get3A_597, %gather3A_589 : vector<16xf32>
        %swap3A_599 = arith.index_cast %add3A_593 : i32 to index
        %swap3A_600 = arith.constant 0 : index
        %swap3A_601 = tpu.vector_load %arg10[%swap3A_599, %swap3A_600] {strides = array<i32>} : memref<128x128xf32, #tpu.memory_space<vmem>>, vector<1x16xf32>,
        %swap3A_602 = vector.shape_cast %swap3A_601 : vector<1x16xf32> to vector<16xf32>
        %swap3A_603 = vector.shape_cast %mul3A_598 : vector<16xf32> to vector<1x16xf32>
        tpu.vector_store %arg10[%swap3A_599, %swap3A_600], %swap3A_603 {strides = array<i32>} : memref<128x128xf32, #tpu.memory_space<vmem>>, vector<1x16xf32>,
        %get3A_604 = arith.index_cast %add3A_593 : i32 to index
        %get3A_605 = arith.constant 16 : index
        %get3A_606 = tpu.vector_load %arg10[%get3A_604, %get3A_605] {strides = array<i32>} : memref<128x128xf32, #tpu.memory_space<vmem>>, vector<1x16xf32>,
        %get3A_607 = vector.shape_cast %get3A_606 : vector<1x16xf32> to vector<16xf32>
        %mul3A_608 = arith.mulf %get3A_607, %gather3A_589 : vector<16xf32>
        %swap3A_609 = arith.index_cast %add3A_593 : i32 to index
        %swap3A_610 = arith.constant 16 : index
        %swap3A_611 = tpu.vector_load %arg10[%swap3A_609, %swap3A_610] {strides = array<i32>} : memref<128x128xf32, #tpu.memory_space<vmem>>, vector<1x16xf32>,
        %swap3A_612 = vector.shape_cast %swap3A_611 : vector<1x16xf32> to vector<16xf32>
        %swap3A_613 = vector.shape_cast %mul3A_608 : vector<16xf32> to vector<1x16xf32>
        tpu.vector_store %arg10[%swap3A_609, %swap3A_610], %swap3A_613 {strides = array<i32>} : memref<128x128xf32, #tpu.memory_space<vmem>>, vector<1x16xf32>,
        %get3A_614 = arith.index_cast %add3A_593 : i32 to index
        %get3A_615 = arith.constant 32 : index
        %get3A_616 = tpu.vector_load %arg10[%get3A_614, %get3A_615] {strides = array<i32>} : memref<128x128xf32, #tpu.memory_space<vmem>>, vector<1x16xf32>,
        %get3A_617 = vector.shape_cast %get3A_616 : vector<1x16xf32> to vector<16xf32>
        %mul3A_618 = arith.mulf %get3A_617, %gather3A_589 : vector<16xf32>
        %swap3A_619 = arith.index_cast %add3A_593 : i32 to index
        %swap3A_620 = arith.constant 32 : index
        %swap3A_621 = tpu.vector_load %arg10[%swap3A_619, %swap3A_620] {strides = array<i32>} : memref<128x128xf32, #tpu.memory_space<vmem>>, vector<1x16xf32>,
        %swap3A_622 = vector.shape_cast %swap3A_621 : vector<1x16xf32> to vector<16xf32>
        %swap3A_623 = vector.shape_cast %mul3A_618 : vector<16xf32> to vector<1x16xf32>
        tpu.vector_store %arg10[%swap3A_619, %swap3A_620], %swap3A_623 {strides = array<i32>} : memref<128x128xf32, #tpu.memory_space<vmem>>, vector<1x16xf32>,
        %get3A_624 = arith.index_cast %add3A_593 : i32 to index
        %get3A_625 = arith.constant 48 : index
        %get3A_626 = tpu.vector_load %arg10[%get3A_624, %get3A_625] {strides = array<i32>} : memref<128x128xf32, #tpu.memory_space<vmem>>, vector<1x16xf32>,
        %get3A_627 = vector.shape_cast %get3A_626 : vector<1x16xf32> to vector<16xf32>
        %mul3A_628 = arith.mulf %get3A_627, %gather3A_589 : vector<16xf32>
        %swap3A_629 = arith.index_cast %add3A_593 : i32 to index
        %swap3A_630 = arith.constant 48 : index
        %swap3A_631 = tpu.vector_load %arg10[%swap3A_629, %swap3A_630] {strides = array<i32>} : memref<128x128xf32, #tpu.memory_space<vmem>>, vector<1x16xf32>,
        %swap3A_632 = vector.shape_cast %swap3A_631 : vector<1x16xf32> to vector<16xf32>
        %swap3A_633 = vector.shape_cast %mul3A_628 : vector<16xf32> to vector<1x16xf32>
        tpu.vector_store %arg10[%swap3A_629, %swap3A_630], %swap3A_633 {strides = array<i32>} : memref<128x128xf32, #tpu.memory_space<vmem>>, vector<1x16xf32>,
        %get3A_634 = arith.index_cast %add3A_593 : i32 to index
        %get3A_635 = arith.constant 64 : index
        %get3A_636 = tpu.vector_load %arg10[%get3A_634, %get3A_635] {strides = array<i32>} : memref<128x128xf32, #tpu.memory_space<vmem>>, vector<1x16xf32>,
        %get3A_637 = vector.shape_cast %get3A_636 : vector<1x16xf32> to vector<16xf32>
        %mul3A_638 = arith.mulf %get3A_637, %gather3A_589 : vector<16xf32>
        %swap3A_639 = arith.index_cast %add3A_593 : i32 to index
        %swap3A_640 = arith.constant 64 : index
        %swap3A_641 = tpu.vector_load %arg10[%swap3A_639, %swap3A_640] {strides = array<i32>} : memref<128x128xf32, #tpu.memory_space<vmem>>, vector<1x16xf32>,
        %swap3A_642 = vector.shape_cast %swap3A_641 : vector<1x16xf32> to vector<16xf32>
        %swap3A_643 = vector.shape_cast %mul3A_638 : vector<16xf32> to vector<1x16xf32>
        tpu.vector_store %arg10[%swap3A_639, %swap3A_640], %swap3A_643 {strides = array<i32>} : memref<128x128xf32, #tpu.memory_space<vmem>>, vector<1x16xf32>,
        %get3A_644 = arith.index_cast %add3A_593 : i32 to index
        %get3A_645 = arith.constant 80 : index
        %get3A_646 = tpu.vector_load %arg10[%get3A_644, %get3A_645] {strides = array<i32>} : memref<128x128xf32, #tpu.memory_space<vmem>>, vector<1x16xf32>,
        %get3A_647 = vector.shape_cast %get3A_646 : vector<1x16xf32> to vector<16xf32>
        %mul3A_648 = arith.mulf %get3A_647, %gather3A_589 : vector<16xf32>
        %swap3A_649 = arith.index_cast %add3A_593 : i32 to index
        %swap3A_650 = arith.constant 80 : index
        %swap3A_651 = tpu.vector_load %arg10[%swap3A_649, %swap3A_650] {strides = array<i32>} : memref<128x128xf32, #tpu.memory_space<vmem>>, vector<1x16xf32>,
        %swap3A_652 = vector.shape_cast %swap3A_651 : vector<1x16xf32> to vector<16xf32>
        %swap3A_653 = vector.shape_cast %mul3A_648 : vector<16xf32> to vector<1x16xf32>
        tpu.vector_store %arg10[%swap3A_649, %swap3A_650], %swap3A_653 {strides = array<i32>} : memref<128x128xf32, #tpu.memory_space<vmem>>, vector<1x16xf32>,
        %get3A_654 = arith.index_cast %add3A_593 : i32 to index
        %get3A_655 = arith.constant 96 : index
        %get3A_656 = tpu.vector_load %arg10[%get3A_654, %get3A_655] {strides = array<i32>} : memref<128x128xf32, #tpu.memory_space<vmem>>, vector<1x16xf32>,
        %get3A_657 = vector.shape_cast %get3A_656 : vector<1x16xf32> to vector<16xf32>
        %mul3A_658 = arith.mulf %get3A_657, %gather3A_589 : vector<16xf32>
        %swap3A_659 = arith.index_cast %add3A_593 : i32 to index
        %swap3A_660 = arith.constant 96 : index
        %swap3A_661 = tpu.vector_load %arg10[%swap3A_659, %swap3A_660] {strides = array<i32>} : memref<128x128xf32, #tpu.memory_space<vmem>>, vector<1x16xf32>,
        %swap3A_662 = vector.shape_cast %swap3A_661 : vector<1x16xf32> to vector<16xf32>
        %swap3A_663 = vector.shape_cast %mul3A_658 : vector<16xf32> to vector<1x16xf32>
        tpu.vector_store %arg10[%swap3A_659, %swap3A_660], %swap3A_663 {strides = array<i32>} : memref<128x128xf32, #tpu.memory_space<vmem>>, vector<1x16xf32>,
        %get3A_664 = arith.index_cast %add3A_593 : i32 to index
        %get3A_665 = arith.constant 112 : index
        %get3A_666 = tpu.vector_load %arg10[%get3A_664, %get3A_665] {strides = array<i32>} : memref<128x128xf32, #tpu.memory_space<vmem>>, vector<1x16xf32>,
        %get3A_667 = vector.shape_cast %get3A_666 : vector<1x16xf32> to vector<16xf32>
        %mul3A_668 = arith.mulf %get3A_667, %gather3A_589 : vector<16xf32>
        %swap3A_669 = arith.index_cast %add3A_593 : i32 to index
        %swap3A_670 = arith.constant 112 : index
        %swap3A_671 = tpu.vector_load %arg10[%swap3A_669, %swap3A_670] {strides = array<i32>} : memref<128x128xf32, #tpu.memory_space<vmem>>, vector<1x16xf32>,
        %swap3A_672 = vector.shape_cast %swap3A_671 : vector<1x16xf32> to vector<16xf32>
        %swap3A_673 = vector.shape_cast %mul3A_668 : vector<16xf32> to vector<1x16xf32>
        tpu.vector_store %arg10[%swap3A_669, %swap3A_670], %swap3A_673 {strides = array<i32>} : memref<128x128xf32, #tpu.memory_space<vmem>>, vector<1x16xf32>,
        %broadcast_in_dim3A_674 = arith.constant 6 : i32
        %broadcast_in_dim3A_675 = vector.broadcast %broadcast_in_dim3A_674 : i32 to vector<16xi32>
        %lt3A_676 = arith.constant 0 : i32
        %lt3A_677 = vector.broadcast %lt3A_676 : i32 to vector<16xi32>
        %lt3A_678 = arith.cmpi slt, %broadcast_in_dim3A_675, %lt3A_677 : vector<16xi32>
        %add3A_679 = arith.constant 16 : i32
        %add3A_680 = vector.broadcast %add3A_679 : i32 to vector<16xi32>
        %add3A_681 = arith.addi %broadcast_in_dim3A_675, %add3A_680 : vector<16xi32>
        %select_n3A_682 = arith.select %lt3A_678, %add3A_681, %broadcast_in_dim3A_675 : vector<16xi1>, vector<16xi32>
        %reshape3A_683 = vector.shape_cast %select_n3A_682 : vector<16xi32> to vector<16x1xi32>
        %gather3A_684 = vector.shape_cast %reshape3A_683 : vector<16x1xi32> to vector<16xi32>
        %gather3A_685 = tpu.dynamic_gather %get3A_102[%gather3A_684] in [0] : vector<16xf32>, vector<16xi32> -> vector<16xf32>
        %mul3A_686 = arith.constant 16 : i32
        %mul3A_687 = arith.muli %add3A_97, %mul3A_686 : i32
        %add3A_688 = arith.constant 6 : i32
        %add3A_689 = arith.addi %mul3A_687, %add3A_688 : i32
        %get3A_690 = arith.index_cast %add3A_689 : i32 to index
        %get3A_691 = arith.constant 0 : index
        %get3A_692 = tpu.vector_load %arg10[%get3A_690, %get3A_691] {strides = array<i32>} : memref<128x128xf32, #tpu.memory_space<vmem>>, vector<1x16xf32>,
        %get3A_693 = vector.shape_cast %get3A_692 : vector<1x16xf32> to vector<16xf32>
        %mul3A_694 = arith.mulf %get3A_693, %gather3A_685 : vector<16xf32>
        %swap3A_695 = arith.index_cast %add3A_689 : i32 to index
        %swap3A_696 = arith.constant 0 : index
        %swap3A_697 = tpu.vector_load %arg10[%swap3A_695, %swap3A_696] {strides = array<i32>} : memref<128x128xf32, #tpu.memory_space<vmem>>, vector<1x16xf32>,
        %swap3A_698 = vector.shape_cast %swap3A_697 : vector<1x16xf32> to vector<16xf32>
        %swap3A_699 = vector.shape_cast %mul3A_694 : vector<16xf32> to vector<1x16xf32>
        tpu.vector_store %arg10[%swap3A_695, %swap3A_696], %swap3A_699 {strides = array<i32>} : memref<128x128xf32, #tpu.memory_space<vmem>>, vector<1x16xf32>,
        %get3A_700 = arith.index_cast %add3A_689 : i32 to index
        %get3A_701 = arith.constant 16 : index
        %get3A_702 = tpu.vector_load %arg10[%get3A_700, %get3A_701] {strides = array<i32>} : memref<128x128xf32, #tpu.memory_space<vmem>>, vector<1x16xf32>,
        %get3A_703 = vector.shape_cast %get3A_702 : vector<1x16xf32> to vector<16xf32>
        %mul3A_704 = arith.mulf %get3A_703, %gather3A_685 : vector<16xf32>
        %swap3A_705 = arith.index_cast %add3A_689 : i32 to index
        %swap3A_706 = arith.constant 16 : index
        %swap3A_707 = tpu.vector_load %arg10[%swap3A_705, %swap3A_706] {strides = array<i32>} : memref<128x128xf32, #tpu.memory_space<vmem>>, vector<1x16xf32>,
        %swap3A_708 = vector.shape_cast %swap3A_707 : vector<1x16xf32> to vector<16xf32>
        %swap3A_709 = vector.shape_cast %mul3A_704 : vector<16xf32> to vector<1x16xf32>
        tpu.vector_store %arg10[%swap3A_705, %swap3A_706], %swap3A_709 {strides = array<i32>} : memref<128x128xf32, #tpu.memory_space<vmem>>, vector<1x16xf32>,
        %get3A_710 = arith.index_cast %add3A_689 : i32 to index
        %get3A_711 = arith.constant 32 : index
        %get3A_712 = tpu.vector_load %arg10[%get3A_710, %get3A_711] {strides = array<i32>} : memref<128x128xf32, #tpu.memory_space<vmem>>, vector<1x16xf32>,
        %get3A_713 = vector.shape_cast %get3A_712 : vector<1x16xf32> to vector<16xf32>
        %mul3A_714 = arith.mulf %get3A_713, %gather3A_685 : vector<16xf32>
        %swap3A_715 = arith.index_cast %add3A_689 : i32 to index
        %swap3A_716 = arith.constant 32 : index
        %swap3A_717 = tpu.vector_load %arg10[%swap3A_715, %swap3A_716] {strides = array<i32>} : memref<128x128xf32, #tpu.memory_space<vmem>>, vector<1x16xf32>,
        %swap3A_718 = vector.shape_cast %swap3A_717 : vector<1x16xf32> to vector<16xf32>
        %swap3A_719 = vector.shape_cast %mul3A_714 : vector<16xf32> to vector<1x16xf32>
        tpu.vector_store %arg10[%swap3A_715, %swap3A_716], %swap3A_719 {strides = array<i32>} : memref<128x128xf32, #tpu.memory_space<vmem>>, vector<1x16xf32>,
        %get3A_720 = arith.index_cast %add3A_689 : i32 to index
        %get3A_721 = arith.constant 48 : index
        %get3A_722 = tpu.vector_load %arg10[%get3A_720, %get3A_721] {strides = array<i32>} : memref<128x128xf32, #tpu.memory_space<vmem>>, vector<1x16xf32>,
        %get3A_723 = vector.shape_cast %get3A_722 : vector<1x16xf32> to vector<16xf32>
        %mul3A_724 = arith.mulf %get3A_723, %gather3A_685 : vector<16xf32>
        %swap3A_725 = arith.index_cast %add3A_689 : i32 to index
        %swap3A_726 = arith.constant 48 : index
        %swap3A_727 = tpu.vector_load %arg10[%swap3A_725, %swap3A_726] {strides = array<i32>} : memref<128x128xf32, #tpu.memory_space<vmem>>, vector<1x16xf32>,
        %swap3A_728 = vector.shape_cast %swap3A_727 : vector<1x16xf32> to vector<16xf32>
        %swap3A_729 = vector.shape_cast %mul3A_724 : vector<16xf32> to vector<1x16xf32>
        tpu.vector_store %arg10[%swap3A_725, %swap3A_726], %swap3A_729 {strides = array<i32>} : memref<128x128xf32, #tpu.memory_space<vmem>>, vector<1x16xf32>,
        %get3A_730 = arith.index_cast %add3A_689 : i32 to index
        %get3A_731 = arith.constant 64 : index
        %get3A_732 = tpu.vector_load %arg10[%get3A_730, %get3A_731] {strides = array<i32>} : memref<128x128xf32, #tpu.memory_space<vmem>>, vector<1x16xf32>,
        %get3A_733 = vector.shape_cast %get3A_732 : vector<1x16xf32> to vector<16xf32>
        %mul3A_734 = arith.mulf %get3A_733, %gather3A_685 : vector<16xf32>
        %swap3A_735 = arith.index_cast %add3A_689 : i32 to index
        %swap3A_736 = arith.constant 64 : index
        %swap3A_737 = tpu.vector_load %arg10[%swap3A_735, %swap3A_736] {strides = array<i32>} : memref<128x128xf32, #tpu.memory_space<vmem>>, vector<1x16xf32>,
        %swap3A_738 = vector.shape_cast %swap3A_737 : vector<1x16xf32> to vector<16xf32>
        %swap3A_739 = vector.shape_cast %mul3A_734 : vector<16xf32> to vector<1x16xf32>
        tpu.vector_store %arg10[%swap3A_735, %swap3A_736], %swap3A_739 {strides = array<i32>} : memref<128x128xf32, #tpu.memory_space<vmem>>, vector<1x16xf32>,
        %get3A_740 = arith.index_cast %add3A_689 : i32 to index
        %get3A_741 = arith.constant 80 : index
        %get3A_742 = tpu.vector_load %arg10[%get3A_740, %get3A_741] {strides = array<i32>} : memref<128x128xf32, #tpu.memory_space<vmem>>, vector<1x16xf32>,
        %get3A_743 = vector.shape_cast %get3A_742 : vector<1x16xf32> to vector<16xf32>
        %mul3A_744 = arith.mulf %get3A_743, %gather3A_685 : vector<16xf32>
        %swap3A_745 = arith.index_cast %add3A_689 : i32 to index
        %swap3A_746 = arith.constant 80 : index
        %swap3A_747 = tpu.vector_load %arg10[%swap3A_745, %swap3A_746] {strides = array<i32>} : memref<128x128xf32, #tpu.memory_space<vmem>>, vector<1x16xf32>,
        %swap3A_748 = vector.shape_cast %swap3A_747 : vector<1x16xf32> to vector<16xf32>
        %swap3A_749 = vector.shape_cast %mul3A_744 : vector<16xf32> to vector<1x16xf32>
        tpu.vector_store %arg10[%swap3A_745, %swap3A_746], %swap3A_749 {strides = array<i32>} : memref<128x128xf32, #tpu.memory_space<vmem>>, vector<1x16xf32>,
        %get3A_750 = arith.index_cast %add3A_689 : i32 to index
        %get3A_751 = arith.constant 96 : index
        %get3A_752 = tpu.vector_load %arg10[%get3A_750, %get3A_751] {strides = array<i32>} : memref<128x128xf32, #tpu.memory_space<vmem>>, vector<1x16xf32>,
        %get3A_753 = vector.shape_cast %get3A_752 : vector<1x16xf32> to vector<16xf32>
        %mul3A_754 = arith.mulf %get3A_753, %gather3A_685 : vector<16xf32>
        %swap3A_755 = arith.index_cast %add3A_689 : i32 to index
        %swap3A_756 = arith.constant 96 : index
        %swap3A_757 = tpu.vector_load %arg10[%swap3A_755, %swap3A_756] {strides = array<i32>} : memref<128x128xf32, #tpu.memory_space<vmem>>, vector<1x16xf32>,
        %swap3A_758 = vector.shape_cast %swap3A_757 : vector<1x16xf32> to vector<16xf32>
        %swap3A_759 = vector.shape_cast %mul3A_754 : vector<16xf32> to vector<1x16xf32>
        tpu.vector_store %arg10[%swap3A_755, %swap3A_756], %swap3A_759 {strides = array<i32>} : memref<128x128xf32, #tpu.memory_space<vmem>>, vector<1x16xf32>,
        %get3A_760 = arith.index_cast %add3A_689 : i32 to index
        %get3A_761 = arith.constant 112 : index
        %get3A_762 = tpu.vector_load %arg10[%get3A_760, %get3A_761] {strides = array<i32>} : memref<128x128xf32, #tpu.memory_space<vmem>>, vector<1x16xf32>,
        %get3A_763 = vector.shape_cast %get3A_762 : vector<1x16xf32> to vector<16xf32>
        %mul3A_764 = arith.mulf %get3A_763, %gather3A_685 : vector<16xf32>
        %swap3A_765 = arith.index_cast %add3A_689 : i32 to index
        %swap3A_766 = arith.constant 112 : index
        %swap3A_767 = tpu.vector_load %arg10[%swap3A_765, %swap3A_766] {strides = array<i32>} : memref<128x128xf32, #tpu.memory_space<vmem>>, vector<1x16xf32>,
        %swap3A_768 = vector.shape_cast %swap3A_767 : vector<1x16xf32> to vector<16xf32>
        %swap3A_769 = vector.shape_cast %mul3A_764 : vector<16xf32> to vector<1x16xf32>
        tpu.vector_store %arg10[%swap3A_765, %swap3A_766], %swap3A_769 {strides = array<i32>} : memref<128x128xf32, #tpu.memory_space<vmem>>, vector<1x16xf32>,
        %broadcast_in_dim3A_770 = arith.constant 7 : i32
        %broadcast_in_dim3A_771 = vector.broadcast %broadcast_in_dim3A_770 : i32 to vector<16xi32>
        %lt3A_772 = arith.constant 0 : i32
        %lt3A_773 = vector.broadcast %lt3A_772 : i32 to vector<16xi32>
        %lt3A_774 = arith.cmpi slt, %broadcast_in_dim3A_771, %lt3A_773 : vector<16xi32>
        %add3A_775 = arith.constant 16 : i32
        %add3A_776 = vector.broadcast %add3A_775 : i32 to vector<16xi32>
        %add3A_777 = arith.addi %broadcast_in_dim3A_771, %add3A_776 : vector<16xi32>
        %select_n3A_778 = arith.select %lt3A_774, %add3A_777, %broadcast_in_dim3A_771 : vector<16xi1>, vector<16xi32>
        %reshape3A_779 = vector.shape_cast %select_n3A_778 : vector<16xi32> to vector<16x1xi32>
        %gather3A_780 = vector.shape_cast %reshape3A_779 : vector<16x1xi32> to vector<16xi32>
        %gather3A_781 = tpu.dynamic_gather %get3A_102[%gather3A_780] in [0] : vector<16xf32>, vector<16xi32> -> vector<16xf32>
        %mul3A_782 = arith.constant 16 : i32
        %mul3A_783 = arith.muli %add3A_97, %mul3A_782 : i32
        %add3A_784 = arith.constant 7 : i32
        %add3A_785 = arith.addi %mul3A_783, %add3A_784 : i32
        %get3A_786 = arith.index_cast %add3A_785 : i32 to index
        %get3A_787 = arith.constant 0 : index
        %get3A_788 = tpu.vector_load %arg10[%get3A_786, %get3A_787] {strides = array<i32>} : memref<128x128xf32, #tpu.memory_space<vmem>>, vector<1x16xf32>,
        %get3A_789 = vector.shape_cast %get3A_788 : vector<1x16xf32> to vector<16xf32>
        %mul3A_790 = arith.mulf %get3A_789, %gather3A_781 : vector<16xf32>
        %swap3A_791 = arith.index_cast %add3A_785 : i32 to index
        %swap3A_792 = arith.constant 0 : index
        %swap3A_793 = tpu.vector_load %arg10[%swap3A_791, %swap3A_792] {strides = array<i32>} : memref<128x128xf32, #tpu.memory_space<vmem>>, vector<1x16xf32>,
        %swap3A_794 = vector.shape_cast %swap3A_793 : vector<1x16xf32> to vector<16xf32>
        %swap3A_795 = vector.shape_cast %mul3A_790 : vector<16xf32> to vector<1x16xf32>
        tpu.vector_store %arg10[%swap3A_791, %swap3A_792], %swap3A_795 {strides = array<i32>} : memref<128x128xf32, #tpu.memory_space<vmem>>, vector<1x16xf32>,
        %get3A_796 = arith.index_cast %add3A_785 : i32 to index
        %get3A_797 = arith.constant 16 : index
        %get3A_798 = tpu.vector_load %arg10[%get3A_796, %get3A_797] {strides = array<i32>} : memref<128x128xf32, #tpu.memory_space<vmem>>, vector<1x16xf32>,
        %get3A_799 = vector.shape_cast %get3A_798 : vector<1x16xf32> to vector<16xf32>
        %mul3A_800 = arith.mulf %get3A_799, %gather3A_781 : vector<16xf32>
        %swap3A_801 = arith.index_cast %add3A_785 : i32 to index
        %swap3A_802 = arith.constant 16 : index
        %swap3A_803 = tpu.vector_load %arg10[%swap3A_801, %swap3A_802] {strides = array<i32>} : memref<128x128xf32, #tpu.memory_space<vmem>>, vector<1x16xf32>,
        %swap3A_804 = vector.shape_cast %swap3A_803 : vector<1x16xf32> to vector<16xf32>
        %swap3A_805 = vector.shape_cast %mul3A_800 : vector<16xf32> to vector<1x16xf32>
        tpu.vector_store %arg10[%swap3A_801, %swap3A_802], %swap3A_805 {strides = array<i32>} : memref<128x128xf32, #tpu.memory_space<vmem>>, vector<1x16xf32>,
        %get3A_806 = arith.index_cast %add3A_785 : i32 to index
        %get3A_807 = arith.constant 32 : index
        %get3A_808 = tpu.vector_load %arg10[%get3A_806, %get3A_807] {strides = array<i32>} : memref<128x128xf32, #tpu.memory_space<vmem>>, vector<1x16xf32>,
        %get3A_809 = vector.shape_cast %get3A_808 : vector<1x16xf32> to vector<16xf32>
        %mul3A_810 = arith.mulf %get3A_809, %gather3A_781 : vector<16xf32>
        %swap3A_811 = arith.index_cast %add3A_785 : i32 to index
        %swap3A_812 = arith.constant 32 : index
        %swap3A_813 = tpu.vector_load %arg10[%swap3A_811, %swap3A_812] {strides = array<i32>} : memref<128x128xf32, #tpu.memory_space<vmem>>, vector<1x16xf32>,
        %swap3A_814 = vector.shape_cast %swap3A_813 : vector<1x16xf32> to vector<16xf32>
        %swap3A_815 = vector.shape_cast %mul3A_810 : vector<16xf32> to vector<1x16xf32>
        tpu.vector_store %arg10[%swap3A_811, %swap3A_812], %swap3A_815 {strides = array<i32>} : memref<128x128xf32, #tpu.memory_space<vmem>>, vector<1x16xf32>,
        %get3A_816 = arith.index_cast %add3A_785 : i32 to index
        %get3A_817 = arith.constant 48 : index
        %get3A_818 = tpu.vector_load %arg10[%get3A_816, %get3A_817] {strides = array<i32>} : memref<128x128xf32, #tpu.memory_space<vmem>>, vector<1x16xf32>,
        %get3A_819 = vector.shape_cast %get3A_818 : vector<1x16xf32> to vector<16xf32>
        %mul3A_820 = arith.mulf %get3A_819, %gather3A_781 : vector<16xf32>
        %swap3A_821 = arith.index_cast %add3A_785 : i32 to index
        %swap3A_822 = arith.constant 48 : index
        %swap3A_823 = tpu.vector_load %arg10[%swap3A_821, %swap3A_822] {strides = array<i32>} : memref<128x128xf32, #tpu.memory_space<vmem>>, vector<1x16xf32>,
        %swap3A_824 = vector.shape_cast %swap3A_823 : vector<1x16xf32> to vector<16xf32>
        %swap3A_825 = vector.shape_cast %mul3A_820 : vector<16xf32> to vector<1x16xf32>
        tpu.vector_store %arg10[%swap3A_821, %swap3A_822], %swap3A_825 {strides = array<i32>} : memref<128x128xf32, #tpu.memory_space<vmem>>, vector<1x16xf32>,
        %get3A_826 = arith.index_cast %add3A_785 : i32 to index
        %get3A_827 = arith.constant 64 : index
        %get3A_828 = tpu.vector_load %arg10[%get3A_826, %get3A_827] {strides = array<i32>} : memref<128x128xf32, #tpu.memory_space<vmem>>, vector<1x16xf32>,
        %get3A_829 = vector.shape_cast %get3A_828 : vector<1x16xf32> to vector<16xf32>
        %mul3A_830 = arith.mulf %get3A_829, %gather3A_781 : vector<16xf32>
        %swap3A_831 = arith.index_cast %add3A_785 : i32 to index
        %swap3A_832 = arith.constant 64 : index
        %swap3A_833 = tpu.vector_load %arg10[%swap3A_831, %swap3A_832] {strides = array<i32>} : memref<128x128xf32, #tpu.memory_space<vmem>>, vector<1x16xf32>,
        %swap3A_834 = vector.shape_cast %swap3A_833 : vector<1x16xf32> to vector<16xf32>
        %swap3A_835 = vector.shape_cast %mul3A_830 : vector<16xf32> to vector<1x16xf32>
        tpu.vector_store %arg10[%swap3A_831, %swap3A_832], %swap3A_835 {strides = array<i32>} : memref<128x128xf32, #tpu.memory_space<vmem>>, vector<1x16xf32>,
        %get3A_836 = arith.index_cast %add3A_785 : i32 to index
        %get3A_837 = arith.constant 80 : index
        %get3A_838 = tpu.vector_load %arg10[%get3A_836, %get3A_837] {strides = array<i32>} : memref<128x128xf32, #tpu.memory_space<vmem>>, vector<1x16xf32>,
        %get3A_839 = vector.shape_cast %get3A_838 : vector<1x16xf32> to vector<16xf32>
        %mul3A_840 = arith.mulf %get3A_839, %gather3A_781 : vector<16xf32>
        %swap3A_841 = arith.index_cast %add3A_785 : i32 to index
        %swap3A_842 = arith.constant 80 : index
        %swap3A_843 = tpu.vector_load %arg10[%swap3A_841, %swap3A_842] {strides = array<i32>} : memref<128x128xf32, #tpu.memory_space<vmem>>, vector<1x16xf32>,
        %swap3A_844 = vector.shape_cast %swap3A_843 : vector<1x16xf32> to vector<16xf32>
        %swap3A_845 = vector.shape_cast %mul3A_840 : vector<16xf32> to vector<1x16xf32>
        tpu.vector_store %arg10[%swap3A_841, %swap3A_842], %swap3A_845 {strides = array<i32>} : memref<128x128xf32, #tpu.memory_space<vmem>>, vector<1x16xf32>,
        %get3A_846 = arith.index_cast %add3A_785 : i32 to index
        %get3A_847 = arith.constant 96 : index
        %get3A_848 = tpu.vector_load %arg10[%get3A_846, %get3A_847] {strides = array<i32>} : memref<128x128xf32, #tpu.memory_space<vmem>>, vector<1x16xf32>,
        %get3A_849 = vector.shape_cast %get3A_848 : vector<1x16xf32> to vector<16xf32>
        %mul3A_850 = arith.mulf %get3A_849, %gather3A_781 : vector<16xf32>
        %swap3A_851 = arith.index_cast %add3A_785 : i32 to index
        %swap3A_852 = arith.constant 96 : index
        %swap3A_853 = tpu.vector_load %arg10[%swap3A_851, %swap3A_852] {strides = array<i32>} : memref<128x128xf32, #tpu.memory_space<vmem>>, vector<1x16xf32>,
        %swap3A_854 = vector.shape_cast %swap3A_853 : vector<1x16xf32> to vector<16xf32>
        %swap3A_855 = vector.shape_cast %mul3A_850 : vector<16xf32> to vector<1x16xf32>
        tpu.vector_store %arg10[%swap3A_851, %swap3A_852], %swap3A_855 {strides = array<i32>} : memref<128x128xf32, #tpu.memory_space<vmem>>, vector<1x16xf32>,
        %get3A_856 = arith.index_cast %add3A_785 : i32 to index
        %get3A_857 = arith.constant 112 : index
        %get3A_858 = tpu.vector_load %arg10[%get3A_856, %get3A_857] {strides = array<i32>} : memref<128x128xf32, #tpu.memory_space<vmem>>, vector<1x16xf32>,
        %get3A_859 = vector.shape_cast %get3A_858 : vector<1x16xf32> to vector<16xf32>
        %mul3A_860 = arith.mulf %get3A_859, %gather3A_781 : vector<16xf32>
        %swap3A_861 = arith.index_cast %add3A_785 : i32 to index
        %swap3A_862 = arith.constant 112 : index
        %swap3A_863 = tpu.vector_load %arg10[%swap3A_861, %swap3A_862] {strides = array<i32>} : memref<128x128xf32, #tpu.memory_space<vmem>>, vector<1x16xf32>,
        %swap3A_864 = vector.shape_cast %swap3A_863 : vector<1x16xf32> to vector<16xf32>
        %swap3A_865 = vector.shape_cast %mul3A_860 : vector<16xf32> to vector<1x16xf32>
        tpu.vector_store %arg10[%swap3A_861, %swap3A_862], %swap3A_865 {strides = array<i32>} : memref<128x128xf32, #tpu.memory_space<vmem>>, vector<1x16xf32>,
        %broadcast_in_dim3A_866 = arith.constant 8 : i32
        %broadcast_in_dim3A_867 = vector.broadcast %broadcast_in_dim3A_866 : i32 to vector<16xi32>
        %lt3A_868 = arith.constant 0 : i32
        %lt3A_869 = vector.broadcast %lt3A_868 : i32 to vector<16xi32>
        %lt3A_870 = arith.cmpi slt, %broadcast_in_dim3A_867, %lt3A_869 : vector<16xi32>
        %add3A_871 = arith.constant 16 : i32
        %add3A_872 = vector.broadcast %add3A_871 : i32 to vector<16xi32>
        %add3A_873 = arith.addi %broadcast_in_dim3A_867, %add3A_872 : vector<16xi32>
        %select_n3A_874 = arith.select %lt3A_870, %add3A_873, %broadcast_in_dim3A_867 : vector<16xi1>, vector<16xi32>
        %reshape3A_875 = vector.shape_cast %select_n3A_874 : vector<16xi32> to vector<16x1xi32>
        %gather3A_876 = vector.shape_cast %reshape3A_875 : vector<16x1xi32> to vector<16xi32>
        %gather3A_877 = tpu.dynamic_gather %get3A_102[%gather3A_876] in [0] : vector<16xf32>, vector<16xi32> -> vector<16xf32>
        %mul3A_878 = arith.constant 16 : i32
        %mul3A_879 = arith.muli %add3A_97, %mul3A_878 : i32
        %add3A_880 = arith.constant 8 : i32
        %add3A_881 = arith.addi %mul3A_879, %add3A_880 : i32
        %get3A_882 = arith.index_cast %add3A_881 : i32 to index
        %get3A_883 = arith.constant 0 : index
        %get3A_884 = tpu.vector_load %arg10[%get3A_882, %get3A_883] {strides = array<i32>} : memref<128x128xf32, #tpu.memory_space<vmem>>, vector<1x16xf32>,
        %get3A_885 = vector.shape_cast %get3A_884 : vector<1x16xf32> to vector<16xf32>
        %mul3A_886 = arith.mulf %get3A_885, %gather3A_877 : vector<16xf32>
        %swap3A_887 = arith.index_cast %add3A_881 : i32 to index
        %swap3A_888 = arith.constant 0 : index
        %swap3A_889 = tpu.vector_load %arg10[%swap3A_887, %swap3A_888] {strides = array<i32>} : memref<128x128xf32, #tpu.memory_space<vmem>>, vector<1x16xf32>,
        %swap3A_890 = vector.shape_cast %swap3A_889 : vector<1x16xf32> to vector<16xf32>
        %swap3A_891 = vector.shape_cast %mul3A_886 : vector<16xf32> to vector<1x16xf32>
        tpu.vector_store %arg10[%swap3A_887, %swap3A_888], %swap3A_891 {strides = array<i32>} : memref<128x128xf32, #tpu.memory_space<vmem>>, vector<1x16xf32>,
        %get3A_892 = arith.index_cast %add3A_881 : i32 to index
        %get3A_893 = arith.constant 16 : index
        %get3A_894 = tpu.vector_load %arg10[%get3A_892, %get3A_893] {strides = array<i32>} : memref<128x128xf32, #tpu.memory_space<vmem>>, vector<1x16xf32>,
        %get3A_895 = vector.shape_cast %get3A_894 : vector<1x16xf32> to vector<16xf32>
        %mul3A_896 = arith.mulf %get3A_895, %gather3A_877 : vector<16xf32>
        %swap3A_897 = arith.index_cast %add3A_881 : i32 to index
        %swap3A_898 = arith.constant 16 : index
        %swap3A_899 = tpu.vector_load %arg10[%swap3A_897, %swap3A_898] {strides = array<i32>} : memref<128x128xf32, #tpu.memory_space<vmem>>, vector<1x16xf32>,
        %swap3A_900 = vector.shape_cast %swap3A_899 : vector<1x16xf32> to vector<16xf32>
        %swap3A_901 = vector.shape_cast %mul3A_896 : vector<16xf32> to vector<1x16xf32>
        tpu.vector_store %arg10[%swap3A_897, %swap3A_898], %swap3A_901 {strides = array<i32>} : memref<128x128xf32, #tpu.memory_space<vmem>>, vector<1x16xf32>,
        %get3A_902 = arith.index_cast %add3A_881 : i32 to index
        %get3A_903 = arith.constant 32 : index
        %get3A_904 = tpu.vector_load %arg10[%get3A_902, %get3A_903] {strides = array<i32>} : memref<128x128xf32, #tpu.memory_space<vmem>>, vector<1x16xf32>,
        %get3A_905 = vector.shape_cast %get3A_904 : vector<1x16xf32> to vector<16xf32>
        %mul3A_906 = arith.mulf %get3A_905, %gather3A_877 : vector<16xf32>
        %swap3A_907 = arith.index_cast %add3A_881 : i32 to index
        %swap3A_908 = arith.constant 32 : index
        %swap3A_909 = tpu.vector_load %arg10[%swap3A_907, %swap3A_908] {strides = array<i32>} : memref<128x128xf32, #tpu.memory_space<vmem>>, vector<1x16xf32>,
        %swap3A_910 = vector.shape_cast %swap3A_909 : vector<1x16xf32> to vector<16xf32>
        %swap3A_911 = vector.shape_cast %mul3A_906 : vector<16xf32> to vector<1x16xf32>
        tpu.vector_store %arg10[%swap3A_907, %swap3A_908], %swap3A_911 {strides = array<i32>} : memref<128x128xf32, #tpu.memory_space<vmem>>, vector<1x16xf32>,
        %get3A_912 = arith.index_cast %add3A_881 : i32 to index
        %get3A_913 = arith.constant 48 : index
        %get3A_914 = tpu.vector_load %arg10[%get3A_912, %get3A_913] {strides = array<i32>} : memref<128x128xf32, #tpu.memory_space<vmem>>, vector<1x16xf32>,
        %get3A_915 = vector.shape_cast %get3A_914 : vector<1x16xf32> to vector<16xf32>
        %mul3A_916 = arith.mulf %get3A_915, %gather3A_877 : vector<16xf32>
        %swap3A_917 = arith.index_cast %add3A_881 : i32 to index
        %swap3A_918 = arith.constant 48 : index
        %swap3A_919 = tpu.vector_load %arg10[%swap3A_917, %swap3A_918] {strides = array<i32>} : memref<128x128xf32, #tpu.memory_space<vmem>>, vector<1x16xf32>,
        %swap3A_920 = vector.shape_cast %swap3A_919 : vector<1x16xf32> to vector<16xf32>
        %swap3A_921 = vector.shape_cast %mul3A_916 : vector<16xf32> to vector<1x16xf32>
        tpu.vector_store %arg10[%swap3A_917, %swap3A_918], %swap3A_921 {strides = array<i32>} : memref<128x128xf32, #tpu.memory_space<vmem>>, vector<1x16xf32>,
        %get3A_922 = arith.index_cast %add3A_881 : i32 to index
        %get3A_923 = arith.constant 64 : index
        %get3A_924 = tpu.vector_load %arg10[%get3A_922, %get3A_923] {strides = array<i32>} : memref<128x128xf32, #tpu.memory_space<vmem>>, vector<1x16xf32>,
        %get3A_925 = vector.shape_cast %get3A_924 : vector<1x16xf32> to vector<16xf32>
        %mul3A_926 = arith.mulf %get3A_925, %gather3A_877 : vector<16xf32>
        %swap3A_927 = arith.index_cast %add3A_881 : i32 to index
        %swap3A_928 = arith.constant 64 : index
        %swap3A_929 = tpu.vector_load %arg10[%swap3A_927, %swap3A_928] {strides = array<i32>} : memref<128x128xf32, #tpu.memory_space<vmem>>, vector<1x16xf32>,
        %swap3A_930 = vector.shape_cast %swap3A_929 : vector<1x16xf32> to vector<16xf32>
        %swap3A_931 = vector.shape_cast %mul3A_926 : vector<16xf32> to vector<1x16xf32>
        tpu.vector_store %arg10[%swap3A_927, %swap3A_928], %swap3A_931 {strides = array<i32>} : memref<128x128xf32, #tpu.memory_space<vmem>>, vector<1x16xf32>,
        %get3A_932 = arith.index_cast %add3A_881 : i32 to index
        %get3A_933 = arith.constant 80 : index
        %get3A_934 = tpu.vector_load %arg10[%get3A_932, %get3A_933] {strides = array<i32>} : memref<128x128xf32, #tpu.memory_space<vmem>>, vector<1x16xf32>,
        %get3A_935 = vector.shape_cast %get3A_934 : vector<1x16xf32> to vector<16xf32>
        %mul3A_936 = arith.mulf %get3A_935, %gather3A_877 : vector<16xf32>
        %swap3A_937 = arith.index_cast %add3A_881 : i32 to index
        %swap3A_938 = arith.constant 80 : index
        %swap3A_939 = tpu.vector_load %arg10[%swap3A_937, %swap3A_938] {strides = array<i32>} : memref<128x128xf32, #tpu.memory_space<vmem>>, vector<1x16xf32>,
        %swap3A_940 = vector.shape_cast %swap3A_939 : vector<1x16xf32> to vector<16xf32>
        %swap3A_941 = vector.shape_cast %mul3A_936 : vector<16xf32> to vector<1x16xf32>
        tpu.vector_store %arg10[%swap3A_937, %swap3A_938], %swap3A_941 {strides = array<i32>} : memref<128x128xf32, #tpu.memory_space<vmem>>, vector<1x16xf32>,
        %get3A_942 = arith.index_cast %add3A_881 : i32 to index
        %get3A_943 = arith.constant 96 : index
        %get3A_944 = tpu.vector_load %arg10[%get3A_942, %get3A_943] {strides = array<i32>} : memref<128x128xf32, #tpu.memory_space<vmem>>, vector<1x16xf32>,
        %get3A_945 = vector.shape_cast %get3A_944 : vector<1x16xf32> to vector<16xf32>
        %mul3A_946 = arith.mulf %get3A_945, %gather3A_877 : vector<16xf32>
        %swap3A_947 = arith.index_cast %add3A_881 : i32 to index
        %swap3A_948 = arith.constant 96 : index
        %swap3A_949 = tpu.vector_load %arg10[%swap3A_947, %swap3A_948] {strides = array<i32>} : memref<128x128xf32, #tpu.memory_space<vmem>>, vector<1x16xf32>,
        %swap3A_950 = vector.shape_cast %swap3A_949 : vector<1x16xf32> to vector<16xf32>
        %swap3A_951 = vector.shape_cast %mul3A_946 : vector<16xf32> to vector<1x16xf32>
        tpu.vector_store %arg10[%swap3A_947, %swap3A_948], %swap3A_951 {strides = array<i32>} : memref<128x128xf32, #tpu.memory_space<vmem>>, vector<1x16xf32>,
        %get3A_952 = arith.index_cast %add3A_881 : i32 to index
        %get3A_953 = arith.constant 112 : index
        %get3A_954 = tpu.vector_load %arg10[%get3A_952, %get3A_953] {strides = array<i32>} : memref<128x128xf32, #tpu.memory_space<vmem>>, vector<1x16xf32>,
        %get3A_955 = vector.shape_cast %get3A_954 : vector<1x16xf32> to vector<16xf32>
        %mul3A_956 = arith.mulf %get3A_955, %gather3A_877 : vector<16xf32>
        %swap3A_957 = arith.index_cast %add3A_881 : i32 to index
        %swap3A_958 = arith.constant 112 : index
        %swap3A_959 = tpu.vector_load %arg10[%swap3A_957, %swap3A_958] {strides = array<i32>} : memref<128x128xf32, #tpu.memory_space<vmem>>, vector<1x16xf32>,
        %swap3A_960 = vector.shape_cast %swap3A_959 : vector<1x16xf32> to vector<16xf32>
        %swap3A_961 = vector.shape_cast %mul3A_956 : vector<16xf32> to vector<1x16xf32>
        tpu.vector_store %arg10[%swap3A_957, %swap3A_958], %swap3A_961 {strides = array<i32>} : memref<128x128xf32, #tpu.memory_space<vmem>>, vector<1x16xf32>,
        %broadcast_in_dim3A_962 = arith.constant 9 : i32
        %broadcast_in_dim3A_963 = vector.broadcast %broadcast_in_dim3A_962 : i32 to vector<16xi32>
        %lt3A_964 = arith.constant 0 : i32
        %lt3A_965 = vector.broadcast %lt3A_964 : i32 to vector<16xi32>
        %lt3A_966 = arith.cmpi slt, %broadcast_in_dim3A_963, %lt3A_965 : vector<16xi32>
        %add3A_967 = arith.constant 16 : i32
        %add3A_968 = vector.broadcast %add3A_967 : i32 to vector<16xi32>
        %add3A_969 = arith.addi %broadcast_in_dim3A_963, %add3A_968 : vector<16xi32>
        %select_n3A_970 = arith.select %lt3A_966, %add3A_969, %broadcast_in_dim3A_963 : vector<16xi1>, vector<16xi32>
        %reshape3A_971 = vector.shape_cast %select_n3A_970 : vector<16xi32> to vector<16x1xi32>
        %gather3A_972 = vector.shape_cast %reshape3A_971 : vector<16x1xi32> to vector<16xi32>
        %gather3A_973 = tpu.dynamic_gather %get3A_102[%gather3A_972] in [0] : vector<16xf32>, vector<16xi32> -> vector<16xf32>
        %mul3A_974 = arith.constant 16 : i32
        %mul3A_975 = arith.muli %add3A_97, %mul3A_974 : i32
        %add3A_976 = arith.constant 9 : i32
        %add3A_977 = arith.addi %mul3A_975, %add3A_976 : i32
        %get3A_978 = arith.index_cast %add3A_977 : i32 to index
        %get3A_979 = arith.constant 0 : index
        %get3A_980 = tpu.vector_load %arg10[%get3A_978, %get3A_979] {strides = array<i32>} : memref<128x128xf32, #tpu.memory_space<vmem>>, vector<1x16xf32>,
        %get3A_981 = vector.shape_cast %get3A_980 : vector<1x16xf32> to vector<16xf32>
        %mul3A_982 = arith.mulf %get3A_981, %gather3A_973 : vector<16xf32>
        %swap3A_983 = arith.index_cast %add3A_977 : i32 to index
        %swap3A_984 = arith.constant 0 : index
        %swap3A_985 = tpu.vector_load %arg10[%swap3A_983, %swap3A_984] {strides = array<i32>} : memref<128x128xf32, #tpu.memory_space<vmem>>, vector<1x16xf32>,
        %swap3A_986 = vector.shape_cast %swap3A_985 : vector<1x16xf32> to vector<16xf32>
        %swap3A_987 = vector.shape_cast %mul3A_982 : vector<16xf32> to vector<1x16xf32>
        tpu.vector_store %arg10[%swap3A_983, %swap3A_984], %swap3A_987 {strides = array<i32>} : memref<128x128xf32, #tpu.memory_space<vmem>>, vector<1x16xf32>,
        %get3A_988 = arith.index_cast %add3A_977 : i32 to index
        %get3A_989 = arith.constant 16 : index
        %get3A_990 = tpu.vector_load %arg10[%get3A_988, %get3A_989] {strides = array<i32>} : memref<128x128xf32, #tpu.memory_space<vmem>>, vector<1x16xf32>,
        %get3A_991 = vector.shape_cast %get3A_990 : vector<1x16xf32> to vector<16xf32>
        %mul3A_992 = arith.mulf %get3A_991, %gather3A_973 : vector<16xf32>
        %swap3A_993 = arith.index_cast %add3A_977 : i32 to index
        %swap3A_994 = arith.constant 16 : index
        %swap3A_995 = tpu.vector_load %arg10[%swap3A_993, %swap3A_994] {strides = array<i32>} : memref<128x128xf32, #tpu.memory_space<vmem>>, vector<1x16xf32>,
        %swap3A_996 = vector.shape_cast %swap3A_995 : vector<1x16xf32> to vector<16xf32>
        %swap3A_997 = vector.shape_cast %mul3A_992 : vector<16xf32> to vector<1x16xf32>
        tpu.vector_store %arg10[%swap3A_993, %swap3A_994], %swap3A_997 {strides = array<i32>} : memref<128x128xf32, #tpu.memory_space<vmem>>, vector<1x16xf32>,
        %get3A_998 = arith.index_cast %add3A_977 : i32 to index
        %get3A_999 = arith.constant 32 : index
        %get3A_1000 = tpu.vector_load %arg10[%get3A_998, %get3A_999] {strides = array<i32>} : memref<128x128xf32, #tpu.memory_space<vmem>>, vector<1x16xf32>,
        %get3A_1001 = vector.shape_cast %get3A_1000 : vector<1x16xf32> to vector<16xf32>
        %mul3A_1002 = arith.mulf %get3A_1001, %gather3A_973 : vector<16xf32>
        %swap3A_1003 = arith.index_cast %add3A_977 : i32 to index
        %swap3A_1004 = arith.constant 32 : index
        %swap3A_1005 = tpu.vector_load %arg10[%swap3A_1003, %swap3A_1004] {strides = array<i32>} : memref<128x128xf32, #tpu.memory_space<vmem>>, vector<1x16xf32>,
        %swap3A_1006 = vector.shape_cast %swap3A_1005 : vector<1x16xf32> to vector<16xf32>
        %swap3A_1007 = vector.shape_cast %mul3A_1002 : vector<16xf32> to vector<1x16xf32>
        tpu.vector_store %arg10[%swap3A_1003, %swap3A_1004], %swap3A_1007 {strides = array<i32>} : memref<128x128xf32, #tpu.memory_space<vmem>>, vector<1x16xf32>,
        %get3A_1008 = arith.index_cast %add3A_977 : i32 to index
        %get3A_1009 = arith.constant 48 : index
        %get3A_1010 = tpu.vector_load %arg10[%get3A_1008, %get3A_1009] {strides = array<i32>} : memref<128x128xf32, #tpu.memory_space<vmem>>, vector<1x16xf32>,
        %get3A_1011 = vector.shape_cast %get3A_1010 : vector<1x16xf32> to vector<16xf32>
        %mul3A_1012 = arith.mulf %get3A_1011, %gather3A_973 : vector<16xf32>
        %swap3A_1013 = arith.index_cast %add3A_977 : i32 to index
        %swap3A_1014 = arith.constant 48 : index
        %swap3A_1015 = tpu.vector_load %arg10[%swap3A_1013, %swap3A_1014] {strides = array<i32>} : memref<128x128xf32, #tpu.memory_space<vmem>>, vector<1x16xf32>,
        %swap3A_1016 = vector.shape_cast %swap3A_1015 : vector<1x16xf32> to vector<16xf32>
        %swap3A_1017 = vector.shape_cast %mul3A_1012 : vector<16xf32> to vector<1x16xf32>
        tpu.vector_store %arg10[%swap3A_1013, %swap3A_1014], %swap3A_1017 {strides = array<i32>} : memref<128x128xf32, #tpu.memory_space<vmem>>, vector<1x16xf32>,
        %get3A_1018 = arith.index_cast %add3A_977 : i32 to index
        %get3A_1019 = arith.constant 64 : index
        %get3A_1020 = tpu.vector_load %arg10[%get3A_1018, %get3A_1019] {strides = array<i32>} : memref<128x128xf32, #tpu.memory_space<vmem>>, vector<1x16xf32>,
        %get3A_1021 = vector.shape_cast %get3A_1020 : vector<1x16xf32> to vector<16xf32>
        %mul3A_1022 = arith.mulf %get3A_1021, %gather3A_973 : vector<16xf32>
        %swap3A_1023 = arith.index_cast %add3A_977 : i32 to index
        %swap3A_1024 = arith.constant 64 : index
        %swap3A_1025 = tpu.vector_load %arg10[%swap3A_1023, %swap3A_1024] {strides = array<i32>} : memref<128x128xf32, #tpu.memory_space<vmem>>, vector<1x16xf32>,
        %swap3A_1026 = vector.shape_cast %swap3A_1025 : vector<1x16xf32> to vector<16xf32>
        %swap3A_1027 = vector.shape_cast %mul3A_1022 : vector<16xf32> to vector<1x16xf32>
        tpu.vector_store %arg10[%swap3A_1023, %swap3A_1024], %swap3A_1027 {strides = array<i32>} : memref<128x128xf32, #tpu.memory_space<vmem>>, vector<1x16xf32>,
        %get3A_1028 = arith.index_cast %add3A_977 : i32 to index
        %get3A_1029 = arith.constant 80 : index
        %get3A_1030 = tpu.vector_load %arg10[%get3A_1028, %get3A_1029] {strides = array<i32>} : memref<128x128xf32, #tpu.memory_space<vmem>>, vector<1x16xf32>,
        %get3A_1031 = vector.shape_cast %get3A_1030 : vector<1x16xf32> to vector<16xf32>
        %mul3A_1032 = arith.mulf %get3A_1031, %gather3A_973 : vector<16xf32>
        %swap3A_1033 = arith.index_cast %add3A_977 : i32 to index
        %swap3A_1034 = arith.constant 80 : index
        %swap3A_1035 = tpu.vector_load %arg10[%swap3A_1033, %swap3A_1034] {strides = array<i32>} : memref<128x128xf32, #tpu.memory_space<vmem>>, vector<1x16xf32>,
        %swap3A_1036 = vector.shape_cast %swap3A_1035 : vector<1x16xf32> to vector<16xf32>
        %swap3A_1037 = vector.shape_cast %mul3A_1032 : vector<16xf32> to vector<1x16xf32>
        tpu.vector_store %arg10[%swap3A_1033, %swap3A_1034], %swap3A_1037 {strides = array<i32>} : memref<128x128xf32, #tpu.memory_space<vmem>>, vector<1x16xf32>,
        %get3A_1038 = arith.index_cast %add3A_977 : i32 to index
        %get3A_1039 = arith.constant 96 : index
        %get3A_1040 = tpu.vector_load %arg10[%get3A_1038, %get3A_1039] {strides = array<i32>} : memref<128x128xf32, #tpu.memory_space<vmem>>, vector<1x16xf32>,
        %get3A_1041 = vector.shape_cast %get3A_1040 : vector<1x16xf32> to vector<16xf32>
        %mul3A_1042 = arith.mulf %get3A_1041, %gather3A_973 : vector<16xf32>
        %swap3A_1043 = arith.index_cast %add3A_977 : i32 to index
        %swap3A_1044 = arith.constant 96 : index
        %swap3A_1045 = tpu.vector_load %arg10[%swap3A_1043, %swap3A_1044] {strides = array<i32>} : memref<128x128xf32, #tpu.memory_space<vmem>>, vector<1x16xf32>,
        %swap3A_1046 = vector.shape_cast %swap3A_1045 : vector<1x16xf32> to vector<16xf32>
        %swap3A_1047 = vector.shape_cast %mul3A_1042 : vector<16xf32> to vector<1x16xf32>
        tpu.vector_store %arg10[%swap3A_1043, %swap3A_1044], %swap3A_1047 {strides = array<i32>} : memref<128x128xf32, #tpu.memory_space<vmem>>, vector<1x16xf32>,
        %get3A_1048 = arith.index_cast %add3A_977 : i32 to index
        %get3A_1049 = arith.constant 112 : index
        %get3A_1050 = tpu.vector_load %arg10[%get3A_1048, %get3A_1049] {strides = array<i32>} : memref<128x128xf32, #tpu.memory_space<vmem>>, vector<1x16xf32>,
        %get3A_1051 = vector.shape_cast %get3A_1050 : vector<1x16xf32> to vector<16xf32>
        %mul3A_1052 = arith.mulf %get3A_1051, %gather3A_973 : vector<16xf32>
        %swap3A_1053 = arith.index_cast %add3A_977 : i32 to index
        %swap3A_1054 = arith.constant 112 : index
        %swap3A_1055 = tpu.vector_load %arg10[%swap3A_1053, %swap3A_1054] {strides = array<i32>} : memref<128x128xf32, #tpu.memory_space<vmem>>, vector<1x16xf32>,
        %swap3A_1056 = vector.shape_cast %swap3A_1055 : vector<1x16xf32> to vector<16xf32>
        %swap3A_1057 = vector.shape_cast %mul3A_1052 : vector<16xf32> to vector<1x16xf32>
        tpu.vector_store %arg10[%swap3A_1053, %swap3A_1054], %swap3A_1057 {strides = array<i32>} : memref<128x128xf32, #tpu.memory_space<vmem>>, vector<1x16xf32>,
        %broadcast_in_dim3A_1058 = arith.constant 10 : i32
        %broadcast_in_dim3A_1059 = vector.broadcast %broadcast_in_dim3A_1058 : i32 to vector<16xi32>
        %lt3A_1060 = arith.constant 0 : i32
        %lt3A_1061 = vector.broadcast %lt3A_1060 : i32 to vector<16xi32>
        %lt3A_1062 = arith.cmpi slt, %broadcast_in_dim3A_1059, %lt3A_1061 : vector<16xi32>
        %add3A_1063 = arith.constant 16 : i32
        %add3A_1064 = vector.broadcast %add3A_1063 : i32 to vector<16xi32>
        %add3A_1065 = arith.addi %broadcast_in_dim3A_1059, %add3A_1064 : vector<16xi32>
        %select_n3A_1066 = arith.select %lt3A_1062, %add3A_1065, %broadcast_in_dim3A_1059 : vector<16xi1>, vector<16xi32>
        %reshape3A_1067 = vector.shape_cast %select_n3A_1066 : vector<16xi32> to vector<16x1xi32>
        %gather3A_1068 = vector.shape_cast %reshape3A_1067 : vector<16x1xi32> to vector<16xi32>
        %gather3A_1069 = tpu.dynamic_gather %get3A_102[%gather3A_1068] in [0] : vector<16xf32>, vector<16xi32> -> vector<16xf32>
        %mul3A_1070 = arith.constant 16 : i32
        %mul3A_1071 = arith.muli %add3A_97, %mul3A_1070 : i32
        %add3A_1072 = arith.constant 10 : i32
        %add3A_1073 = arith.addi %mul3A_1071, %add3A_1072 : i32
        %get3A_1074 = arith.index_cast %add3A_1073 : i32 to index
        %get3A_1075 = arith.constant 0 : index
        %get3A_1076 = tpu.vector_load %arg10[%get3A_1074, %get3A_1075] {strides = array<i32>} : memref<128x128xf32, #tpu.memory_space<vmem>>, vector<1x16xf32>,
        %get3A_1077 = vector.shape_cast %get3A_1076 : vector<1x16xf32> to vector<16xf32>
        %mul3A_1078 = arith.mulf %get3A_1077, %gather3A_1069 : vector<16xf32>
        %swap3A_1079 = arith.index_cast %add3A_1073 : i32 to index
        %swap3A_1080 = arith.constant 0 : index
        %swap3A_1081 = tpu.vector_load %arg10[%swap3A_1079, %swap3A_1080] {strides = array<i32>} : memref<128x128xf32, #tpu.memory_space<vmem>>, vector<1x16xf32>,
        %swap3A_1082 = vector.shape_cast %swap3A_1081 : vector<1x16xf32> to vector<16xf32>
        %swap3A_1083 = vector.shape_cast %mul3A_1078 : vector<16xf32> to vector<1x16xf32>
        tpu.vector_store %arg10[%swap3A_1079, %swap3A_1080], %swap3A_1083 {strides = array<i32>} : memref<128x128xf32, #tpu.memory_space<vmem>>, vector<1x16xf32>,
        %get3A_1084 = arith.index_cast %add3A_1073 : i32 to index
        %get3A_1085 = arith.constant 16 : index
        %get3A_1086 = tpu.vector_load %arg10[%get3A_1084, %get3A_1085] {strides = array<i32>} : memref<128x128xf32, #tpu.memory_space<vmem>>, vector<1x16xf32>,
        %get3A_1087 = vector.shape_cast %get3A_1086 : vector<1x16xf32> to vector<16xf32>
        %mul3A_1088 = arith.mulf %get3A_1087, %gather3A_1069 : vector<16xf32>
        %swap3A_1089 = arith.index_cast %add3A_1073 : i32 to index
        %swap3A_1090 = arith.constant 16 : index
        %swap3A_1091 = tpu.vector_load %arg10[%swap3A_1089, %swap3A_1090] {strides = array<i32>} : memref<128x128xf32, #tpu.memory_space<vmem>>, vector<1x16xf32>,
        %swap3A_1092 = vector.shape_cast %swap3A_1091 : vector<1x16xf32> to vector<16xf32>
        %swap3A_1093 = vector.shape_cast %mul3A_1088 : vector<16xf32> to vector<1x16xf32>
        tpu.vector_store %arg10[%swap3A_1089, %swap3A_1090], %swap3A_1093 {strides = array<i32>} : memref<128x128xf32, #tpu.memory_space<vmem>>, vector<1x16xf32>,
        %get3A_1094 = arith.index_cast %add3A_1073 : i32 to index
        %get3A_1095 = arith.constant 32 : index
        %get3A_1096 = tpu.vector_load %arg10[%get3A_1094, %get3A_1095] {strides = array<i32>} : memref<128x128xf32, #tpu.memory_space<vmem>>, vector<1x16xf32>,
        %get3A_1097 = vector.shape_cast %get3A_1096 : vector<1x16xf32> to vector<16xf32>
        %mul3A_1098 = arith.mulf %get3A_1097, %gather3A_1069 : vector<16xf32>
        %swap3A_1099 = arith.index_cast %add3A_1073 : i32 to index
        %swap3A_1100 = arith.constant 32 : index
        %swap3A_1101 = tpu.vector_load %arg10[%swap3A_1099, %swap3A_1100] {strides = array<i32>} : memref<128x128xf32, #tpu.memory_space<vmem>>, vector<1x16xf32>,
        %swap3A_1102 = vector.shape_cast %swap3A_1101 : vector<1x16xf32> to vector<16xf32>
        %swap3A_1103 = vector.shape_cast %mul3A_1098 : vector<16xf32> to vector<1x16xf32>
        tpu.vector_store %arg10[%swap3A_1099, %swap3A_1100], %swap3A_1103 {strides = array<i32>} : memref<128x128xf32, #tpu.memory_space<vmem>>, vector<1x16xf32>,
        %get3A_1104 = arith.index_cast %add3A_1073 : i32 to index
        %get3A_1105 = arith.constant 48 : index
        %get3A_1106 = tpu.vector_load %arg10[%get3A_1104, %get3A_1105] {strides = array<i32>} : memref<128x128xf32, #tpu.memory_space<vmem>>, vector<1x16xf32>,
        %get3A_1107 = vector.shape_cast %get3A_1106 : vector<1x16xf32> to vector<16xf32>
        %mul3A_1108 = arith.mulf %get3A_1107, %gather3A_1069 : vector<16xf32>
        %swap3A_1109 = arith.index_cast %add3A_1073 : i32 to index
        %swap3A_1110 = arith.constant 48 : index
        %swap3A_1111 = tpu.vector_load %arg10[%swap3A_1109, %swap3A_1110] {strides = array<i32>} : memref<128x128xf32, #tpu.memory_space<vmem>>, vector<1x16xf32>,
        %swap3A_1112 = vector.shape_cast %swap3A_1111 : vector<1x16xf32> to vector<16xf32>
        %swap3A_1113 = vector.shape_cast %mul3A_1108 : vector<16xf32> to vector<1x16xf32>
        tpu.vector_store %arg10[%swap3A_1109, %swap3A_1110], %swap3A_1113 {strides = array<i32>} : memref<128x128xf32, #tpu.memory_space<vmem>>, vector<1x16xf32>,
        %get3A_1114 = arith.index_cast %add3A_1073 : i32 to index
        %get3A_1115 = arith.constant 64 : index
        %get3A_1116 = tpu.vector_load %arg10[%get3A_1114, %get3A_1115] {strides = array<i32>} : memref<128x128xf32, #tpu.memory_space<vmem>>, vector<1x16xf32>,
        %get3A_1117 = vector.shape_cast %get3A_1116 : vector<1x16xf32> to vector<16xf32>
        %mul3A_1118 = arith.mulf %get3A_1117, %gather3A_1069 : vector<16xf32>
        %swap3A_1119 = arith.index_cast %add3A_1073 : i32 to index
        %swap3A_1120 = arith.constant 64 : index
        %swap3A_1121 = tpu.vector_load %arg10[%swap3A_1119, %swap3A_1120] {strides = array<i32>} : memref<128x128xf32, #tpu.memory_space<vmem>>, vector<1x16xf32>,
        %swap3A_1122 = vector.shape_cast %swap3A_1121 : vector<1x16xf32> to vector<16xf32>
        %swap3A_1123 = vector.shape_cast %mul3A_1118 : vector<16xf32> to vector<1x16xf32>
        tpu.vector_store %arg10[%swap3A_1119, %swap3A_1120], %swap3A_1123 {strides = array<i32>} : memref<128x128xf32, #tpu.memory_space<vmem>>, vector<1x16xf32>,
        %get3A_1124 = arith.index_cast %add3A_1073 : i32 to index
        %get3A_1125 = arith.constant 80 : index
        %get3A_1126 = tpu.vector_load %arg10[%get3A_1124, %get3A_1125] {strides = array<i32>} : memref<128x128xf32, #tpu.memory_space<vmem>>, vector<1x16xf32>,
        %get3A_1127 = vector.shape_cast %get3A_1126 : vector<1x16xf32> to vector<16xf32>
        %mul3A_1128 = arith.mulf %get3A_1127, %gather3A_1069 : vector<16xf32>
        %swap3A_1129 = arith.index_cast %add3A_1073 : i32 to index
        %swap3A_1130 = arith.constant 80 : index
        %swap3A_1131 = tpu.vector_load %arg10[%swap3A_1129, %swap3A_1130] {strides = array<i32>} : memref<128x128xf32, #tpu.memory_space<vmem>>, vector<1x16xf32>,
        %swap3A_1132 = vector.shape_cast %swap3A_1131 : vector<1x16xf32> to vector<16xf32>
        %swap3A_1133 = vector.shape_cast %mul3A_1128 : vector<16xf32> to vector<1x16xf32>
        tpu.vector_store %arg10[%swap3A_1129, %swap3A_1130], %swap3A_1133 {strides = array<i32>} : memref<128x128xf32, #tpu.memory_space<vmem>>, vector<1x16xf32>,
        %get3A_1134 = arith.index_cast %add3A_1073 : i32 to index
        %get3A_1135 = arith.constant 96 : index
        %get3A_1136 = tpu.vector_load %arg10[%get3A_1134, %get3A_1135] {strides = array<i32>} : memref<128x128xf32, #tpu.memory_space<vmem>>, vector<1x16xf32>,
        %get3A_1137 = vector.shape_cast %get3A_1136 : vector<1x16xf32> to vector<16xf32>
        %mul3A_1138 = arith.mulf %get3A_1137, %gather3A_1069 : vector<16xf32>
        %swap3A_1139 = arith.index_cast %add3A_1073 : i32 to index
        %swap3A_1140 = arith.constant 96 : index
        %swap3A_1141 = tpu.vector_load %arg10[%swap3A_1139, %swap3A_1140] {strides = array<i32>} : memref<128x128xf32, #tpu.memory_space<vmem>>, vector<1x16xf32>,
        %swap3A_1142 = vector.shape_cast %swap3A_1141 : vector<1x16xf32> to vector<16xf32>
        %swap3A_1143 = vector.shape_cast %mul3A_1138 : vector<16xf32> to vector<1x16xf32>
        tpu.vector_store %arg10[%swap3A_1139, %swap3A_1140], %swap3A_1143 {strides = array<i32>} : memref<128x128xf32, #tpu.memory_space<vmem>>, vector<1x16xf32>,
        %get3A_1144 = arith.index_cast %add3A_1073 : i32 to index
        %get3A_1145 = arith.constant 112 : index
        %get3A_1146 = tpu.vector_load %arg10[%get3A_1144, %get3A_1145] {strides = array<i32>} : memref<128x128xf32, #tpu.memory_space<vmem>>, vector<1x16xf32>,
        %get3A_1147 = vector.shape_cast %get3A_1146 : vector<1x16xf32> to vector<16xf32>
        %mul3A_1148 = arith.mulf %get3A_1147, %gather3A_1069 : vector<16xf32>
        %swap3A_1149 = arith.index_cast %add3A_1073 : i32 to index
        %swap3A_1150 = arith.constant 112 : index
        %swap3A_1151 = tpu.vector_load %arg10[%swap3A_1149, %swap3A_1150] {strides = array<i32>} : memref<128x128xf32, #tpu.memory_space<vmem>>, vector<1x16xf32>,
        %swap3A_1152 = vector.shape_cast %swap3A_1151 : vector<1x16xf32> to vector<16xf32>
        %swap3A_1153 = vector.shape_cast %mul3A_1148 : vector<16xf32> to vector<1x16xf32>
        tpu.vector_store %arg10[%swap3A_1149, %swap3A_1150], %swap3A_1153 {strides = array<i32>} : memref<128x128xf32, #tpu.memory_space<vmem>>, vector<1x16xf32>,
        %broadcast_in_dim3A_1154 = arith.constant 11 : i32
        %broadcast_in_dim3A_1155 = vector.broadcast %broadcast_in_dim3A_1154 : i32 to vector<16xi32>
        %lt3A_1156 = arith.constant 0 : i32
        %lt3A_1157 = vector.broadcast %lt3A_1156 : i32 to vector<16xi32>
        %lt3A_1158 = arith.cmpi slt, %broadcast_in_dim3A_1155, %lt3A_1157 : vector<16xi32>
        %add3A_1159 = arith.constant 16 : i32
        %add3A_1160 = vector.broadcast %add3A_1159 : i32 to vector<16xi32>
        %add3A_1161 = arith.addi %broadcast_in_dim3A_1155, %add3A_1160 : vector<16xi32>
        %select_n3A_1162 = arith.select %lt3A_1158, %add3A_1161, %broadcast_in_dim3A_1155 : vector<16xi1>, vector<16xi32>
        %reshape3A_1163 = vector.shape_cast %select_n3A_1162 : vector<16xi32> to vector<16x1xi32>
        %gather3A_1164 = vector.shape_cast %reshape3A_1163 : vector<16x1xi32> to vector<16xi32>
        %gather3A_1165 = tpu.dynamic_gather %get3A_102[%gather3A_1164] in [0] : vector<16xf32>, vector<16xi32> -> vector<16xf32>
        %mul3A_1166 = arith.constant 16 : i32
        %mul3A_1167 = arith.muli %add3A_97, %mul3A_1166 : i32
        %add3A_1168 = arith.constant 11 : i32
        %add3A_1169 = arith.addi %mul3A_1167, %add3A_1168 : i32
        %get3A_1170 = arith.index_cast %add3A_1169 : i32 to index
        %get3A_1171 = arith.constant 0 : index
        %get3A_1172 = tpu.vector_load %arg10[%get3A_1170, %get3A_1171] {strides = array<i32>} : memref<128x128xf32, #tpu.memory_space<vmem>>, vector<1x16xf32>,
        %get3A_1173 = vector.shape_cast %get3A_1172 : vector<1x16xf32> to vector<16xf32>
        %mul3A_1174 = arith.mulf %get3A_1173, %gather3A_1165 : vector<16xf32>
        %swap3A_1175 = arith.index_cast %add3A_1169 : i32 to index
        %swap3A_1176 = arith.constant 0 : index
        %swap3A_1177 = tpu.vector_load %arg10[%swap3A_1175, %swap3A_1176] {strides = array<i32>} : memref<128x128xf32, #tpu.memory_space<vmem>>, vector<1x16xf32>,
        %swap3A_1178 = vector.shape_cast %swap3A_1177 : vector<1x16xf32> to vector<16xf32>
        %swap3A_1179 = vector.shape_cast %mul3A_1174 : vector<16xf32> to vector<1x16xf32>
        tpu.vector_store %arg10[%swap3A_1175, %swap3A_1176], %swap3A_1179 {strides = array<i32>} : memref<128x128xf32, #tpu.memory_space<vmem>>, vector<1x16xf32>,
        %get3A_1180 = arith.index_cast %add3A_1169 : i32 to index
        %get3A_1181 = arith.constant 16 : index
        %get3A_1182 = tpu.vector_load %arg10[%get3A_1180, %get3A_1181] {strides = array<i32>} : memref<128x128xf32, #tpu.memory_space<vmem>>, vector<1x16xf32>,
        %get3A_1183 = vector.shape_cast %get3A_1182 : vector<1x16xf32> to vector<16xf32>
        %mul3A_1184 = arith.mulf %get3A_1183, %gather3A_1165 : vector<16xf32>
        %swap3A_1185 = arith.index_cast %add3A_1169 : i32 to index
        %swap3A_1186 = arith.constant 16 : index
        %swap3A_1187 = tpu.vector_load %arg10[%swap3A_1185, %swap3A_1186] {strides = array<i32>} : memref<128x128xf32, #tpu.memory_space<vmem>>, vector<1x16xf32>,
        %swap3A_1188 = vector.shape_cast %swap3A_1187 : vector<1x16xf32> to vector<16xf32>
        %swap3A_1189 = vector.shape_cast %mul3A_1184 : vector<16xf32> to vector<1x16xf32>
        tpu.vector_store %arg10[%swap3A_1185, %swap3A_1186], %swap3A_1189 {strides = array<i32>} : memref<128x128xf32, #tpu.memory_space<vmem>>, vector<1x16xf32>,
        %get3A_1190 = arith.index_cast %add3A_1169 : i32 to index
        %get3A_1191 = arith.constant 32 : index
        %get3A_1192 = tpu.vector_load %arg10[%get3A_1190, %get3A_1191] {strides = array<i32>} : memref<128x128xf32, #tpu.memory_space<vmem>>, vector<1x16xf32>,
        %get3A_1193 = vector.shape_cast %get3A_1192 : vector<1x16xf32> to vector<16xf32>
        %mul3A_1194 = arith.mulf %get3A_1193, %gather3A_1165 : vector<16xf32>
        %swap3A_1195 = arith.index_cast %add3A_1169 : i32 to index
        %swap3A_1196 = arith.constant 32 : index
        %swap3A_1197 = tpu.vector_load %arg10[%swap3A_1195, %swap3A_1196] {strides = array<i32>} : memref<128x128xf32, #tpu.memory_space<vmem>>, vector<1x16xf32>,
        %swap3A_1198 = vector.shape_cast %swap3A_1197 : vector<1x16xf32> to vector<16xf32>
        %swap3A_1199 = vector.shape_cast %mul3A_1194 : vector<16xf32> to vector<1x16xf32>
        tpu.vector_store %arg10[%swap3A_1195, %swap3A_1196], %swap3A_1199 {strides = array<i32>} : memref<128x128xf32, #tpu.memory_space<vmem>>, vector<1x16xf32>,
        %get3A_1200 = arith.index_cast %add3A_1169 : i32 to index
        %get3A_1201 = arith.constant 48 : index
        %get3A_1202 = tpu.vector_load %arg10[%get3A_1200, %get3A_1201] {strides = array<i32>} : memref<128x128xf32, #tpu.memory_space<vmem>>, vector<1x16xf32>,
        %get3A_1203 = vector.shape_cast %get3A_1202 : vector<1x16xf32> to vector<16xf32>
        %mul3A_1204 = arith.mulf %get3A_1203, %gather3A_1165 : vector<16xf32>
        %swap3A_1205 = arith.index_cast %add3A_1169 : i32 to index
        %swap3A_1206 = arith.constant 48 : index
        %swap3A_1207 = tpu.vector_load %arg10[%swap3A_1205, %swap3A_1206] {strides = array<i32>} : memref<128x128xf32, #tpu.memory_space<vmem>>, vector<1x16xf32>,
        %swap3A_1208 = vector.shape_cast %swap3A_1207 : vector<1x16xf32> to vector<16xf32>
        %swap3A_1209 = vector.shape_cast %mul3A_1204 : vector<16xf32> to vector<1x16xf32>
        tpu.vector_store %arg10[%swap3A_1205, %swap3A_1206], %swap3A_1209 {strides = array<i32>} : memref<128x128xf32, #tpu.memory_space<vmem>>, vector<1x16xf32>,
        %get3A_1210 = arith.index_cast %add3A_1169 : i32 to index
        %get3A_1211 = arith.constant 64 : index
        %get3A_1212 = tpu.vector_load %arg10[%get3A_1210, %get3A_1211] {strides = array<i32>} : memref<128x128xf32, #tpu.memory_space<vmem>>, vector<1x16xf32>,
        %get3A_1213 = vector.shape_cast %get3A_1212 : vector<1x16xf32> to vector<16xf32>
        %mul3A_1214 = arith.mulf %get3A_1213, %gather3A_1165 : vector<16xf32>
        %swap3A_1215 = arith.index_cast %add3A_1169 : i32 to index
        %swap3A_1216 = arith.constant 64 : index
        %swap3A_1217 = tpu.vector_load %arg10[%swap3A_1215, %swap3A_1216] {strides = array<i32>} : memref<128x128xf32, #tpu.memory_space<vmem>>, vector<1x16xf32>,
        %swap3A_1218 = vector.shape_cast %swap3A_1217 : vector<1x16xf32> to vector<16xf32>
        %swap3A_1219 = vector.shape_cast %mul3A_1214 : vector<16xf32> to vector<1x16xf32>
        tpu.vector_store %arg10[%swap3A_1215, %swap3A_1216], %swap3A_1219 {strides = array<i32>} : memref<128x128xf32, #tpu.memory_space<vmem>>, vector<1x16xf32>,
        %get3A_1220 = arith.index_cast %add3A_1169 : i32 to index
        %get3A_1221 = arith.constant 80 : index
        %get3A_1222 = tpu.vector_load %arg10[%get3A_1220, %get3A_1221] {strides = array<i32>} : memref<128x128xf32, #tpu.memory_space<vmem>>, vector<1x16xf32>,
        %get3A_1223 = vector.shape_cast %get3A_1222 : vector<1x16xf32> to vector<16xf32>
        %mul3A_1224 = arith.mulf %get3A_1223, %gather3A_1165 : vector<16xf32>
        %swap3A_1225 = arith.index_cast %add3A_1169 : i32 to index
        %swap3A_1226 = arith.constant 80 : index
        %swap3A_1227 = tpu.vector_load %arg10[%swap3A_1225, %swap3A_1226] {strides = array<i32>} : memref<128x128xf32, #tpu.memory_space<vmem>>, vector<1x16xf32>,
        %swap3A_1228 = vector.shape_cast %swap3A_1227 : vector<1x16xf32> to vector<16xf32>
        %swap3A_1229 = vector.shape_cast %mul3A_1224 : vector<16xf32> to vector<1x16xf32>
        tpu.vector_store %arg10[%swap3A_1225, %swap3A_1226], %swap3A_1229 {strides = array<i32>} : memref<128x128xf32, #tpu.memory_space<vmem>>, vector<1x16xf32>,
        %get3A_1230 = arith.index_cast %add3A_1169 : i32 to index
        %get3A_1231 = arith.constant 96 : index
        %get3A_1232 = tpu.vector_load %arg10[%get3A_1230, %get3A_1231] {strides = array<i32>} : memref<128x128xf32, #tpu.memory_space<vmem>>, vector<1x16xf32>,
        %get3A_1233 = vector.shape_cast %get3A_1232 : vector<1x16xf32> to vector<16xf32>
        %mul3A_1234 = arith.mulf %get3A_1233, %gather3A_1165 : vector<16xf32>
        %swap3A_1235 = arith.index_cast %add3A_1169 : i32 to index
        %swap3A_1236 = arith.constant 96 : index
        %swap3A_1237 = tpu.vector_load %arg10[%swap3A_1235, %swap3A_1236] {strides = array<i32>} : memref<128x128xf32, #tpu.memory_space<vmem>>, vector<1x16xf32>,
        %swap3A_1238 = vector.shape_cast %swap3A_1237 : vector<1x16xf32> to vector<16xf32>
        %swap3A_1239 = vector.shape_cast %mul3A_1234 : vector<16xf32> to vector<1x16xf32>
        tpu.vector_store %arg10[%swap3A_1235, %swap3A_1236], %swap3A_1239 {strides = array<i32>} : memref<128x128xf32, #tpu.memory_space<vmem>>, vector<1x16xf32>,
        %get3A_1240 = arith.index_cast %add3A_1169 : i32 to index
        %get3A_1241 = arith.constant 112 : index
        %get3A_1242 = tpu.vector_load %arg10[%get3A_1240, %get3A_1241] {strides = array<i32>} : memref<128x128xf32, #tpu.memory_space<vmem>>, vector<1x16xf32>,
        %get3A_1243 = vector.shape_cast %get3A_1242 : vector<1x16xf32> to vector<16xf32>
        %mul3A_1244 = arith.mulf %get3A_1243, %gather3A_1165 : vector<16xf32>
        %swap3A_1245 = arith.index_cast %add3A_1169 : i32 to index
        %swap3A_1246 = arith.constant 112 : index
        %swap3A_1247 = tpu.vector_load %arg10[%swap3A_1245, %swap3A_1246] {strides = array<i32>} : memref<128x128xf32, #tpu.memory_space<vmem>>, vector<1x16xf32>,
        %swap3A_1248 = vector.shape_cast %swap3A_1247 : vector<1x16xf32> to vector<16xf32>
        %swap3A_1249 = vector.shape_cast %mul3A_1244 : vector<16xf32> to vector<1x16xf32>
        tpu.vector_store %arg10[%swap3A_1245, %swap3A_1246], %swap3A_1249 {strides = array<i32>} : memref<128x128xf32, #tpu.memory_space<vmem>>, vector<1x16xf32>,
        %broadcast_in_dim3A_1250 = arith.constant 12 : i32
        %broadcast_in_dim3A_1251 = vector.broadcast %broadcast_in_dim3A_1250 : i32 to vector<16xi32>
        %lt3A_1252 = arith.constant 0 : i32
        %lt3A_1253 = vector.broadcast %lt3A_1252 : i32 to vector<16xi32>
        %lt3A_1254 = arith.cmpi slt, %broadcast_in_dim3A_1251, %lt3A_1253 : vector<16xi32>
        %add3A_1255 = arith.constant 16 : i32
        %add3A_1256 = vector.broadcast %add3A_1255 : i32 to vector<16xi32>
        %add3A_1257 = arith.addi %broadcast_in_dim3A_1251, %add3A_1256 : vector<16xi32>
        %select_n3A_1258 = arith.select %lt3A_1254, %add3A_1257, %broadcast_in_dim3A_1251 : vector<16xi1>, vector<16xi32>
        %reshape3A_1259 = vector.shape_cast %select_n3A_1258 : vector<16xi32> to vector<16x1xi32>
        %gather3A_1260 = vector.shape_cast %reshape3A_1259 : vector<16x1xi32> to vector<16xi32>
        %gather3A_1261 = tpu.dynamic_gather %get3A_102[%gather3A_1260] in [0] : vector<16xf32>, vector<16xi32> -> vector<16xf32>
        %mul3A_1262 = arith.constant 16 : i32
        %mul3A_1263 = arith.muli %add3A_97, %mul3A_1262 : i32
        %add3A_1264 = arith.constant 12 : i32
        %add3A_1265 = arith.addi %mul3A_1263, %add3A_1264 : i32
        %get3A_1266 = arith.index_cast %add3A_1265 : i32 to index
        %get3A_1267 = arith.constant 0 : index
        %get3A_1268 = tpu.vector_load %arg10[%get3A_1266, %get3A_1267] {strides = array<i32>} : memref<128x128xf32, #tpu.memory_space<vmem>>, vector<1x16xf32>,
        %get3A_1269 = vector.shape_cast %get3A_1268 : vector<1x16xf32> to vector<16xf32>
        %mul3A_1270 = arith.mulf %get3A_1269, %gather3A_1261 : vector<16xf32>
        %swap3A_1271 = arith.index_cast %add3A_1265 : i32 to index
        %swap3A_1272 = arith.constant 0 : index
        %swap3A_1273 = tpu.vector_load %arg10[%swap3A_1271, %swap3A_1272] {strides = array<i32>} : memref<128x128xf32, #tpu.memory_space<vmem>>, vector<1x16xf32>,
        %swap3A_1274 = vector.shape_cast %swap3A_1273 : vector<1x16xf32> to vector<16xf32>
        %swap3A_1275 = vector.shape_cast %mul3A_1270 : vector<16xf32> to vector<1x16xf32>
        tpu.vector_store %arg10[%swap3A_1271, %swap3A_1272], %swap3A_1275 {strides = array<i32>} : memref<128x128xf32, #tpu.memory_space<vmem>>, vector<1x16xf32>,
        %get3A_1276 = arith.index_cast %add3A_1265 : i32 to index
        %get3A_1277 = arith.constant 16 : index
        %get3A_1278 = tpu.vector_load %arg10[%get3A_1276, %get3A_1277] {strides = array<i32>} : memref<128x128xf32, #tpu.memory_space<vmem>>, vector<1x16xf32>,
        %get3A_1279 = vector.shape_cast %get3A_1278 : vector<1x16xf32> to vector<16xf32>
        %mul3A_1280 = arith.mulf %get3A_1279, %gather3A_1261 : vector<16xf32>
        %swap3A_1281 = arith.index_cast %add3A_1265 : i32 to index
        %swap3A_1282 = arith.constant 16 : index
        %swap3A_1283 = tpu.vector_load %arg10[%swap3A_1281, %swap3A_1282] {strides = array<i32>} : memref<128x128xf32, #tpu.memory_space<vmem>>, vector<1x16xf32>,
        %swap3A_1284 = vector.shape_cast %swap3A_1283 : vector<1x16xf32> to vector<16xf32>
        %swap3A_1285 = vector.shape_cast %mul3A_1280 : vector<16xf32> to vector<1x16xf32>
        tpu.vector_store %arg10[%swap3A_1281, %swap3A_1282], %swap3A_1285 {strides = array<i32>} : memref<128x128xf32, #tpu.memory_space<vmem>>, vector<1x16xf32>,
        %get3A_1286 = arith.index_cast %add3A_1265 : i32 to index
        %get3A_1287 = arith.constant 32 : index
        %get3A_1288 = tpu.vector_load %arg10[%get3A_1286, %get3A_1287] {strides = array<i32>} : memref<128x128xf32, #tpu.memory_space<vmem>>, vector<1x16xf32>,
        %get3A_1289 = vector.shape_cast %get3A_1288 : vector<1x16xf32> to vector<16xf32>
        %mul3A_1290 = arith.mulf %get3A_1289, %gather3A_1261 : vector<16xf32>
        %swap3A_1291 = arith.index_cast %add3A_1265 : i32 to index
        %swap3A_1292 = arith.constant 32 : index
        %swap3A_1293 = tpu.vector_load %arg10[%swap3A_1291, %swap3A_1292] {strides = array<i32>} : memref<128x128xf32, #tpu.memory_space<vmem>>, vector<1x16xf32>,
        %swap3A_1294 = vector.shape_cast %swap3A_1293 : vector<1x16xf32> to vector<16xf32>
        %swap3A_1295 = vector.shape_cast %mul3A_1290 : vector<16xf32> to vector<1x16xf32>
        tpu.vector_store %arg10[%swap3A_1291, %swap3A_1292], %swap3A_1295 {strides = array<i32>} : memref<128x128xf32, #tpu.memory_space<vmem>>, vector<1x16xf32>,
        %get3A_1296 = arith.index_cast %add3A_1265 : i32 to index
        %get3A_1297 = arith.constant 48 : index
        %get3A_1298 = tpu.vector_load %arg10[%get3A_1296, %get3A_1297] {strides = array<i32>} : memref<128x128xf32, #tpu.memory_space<vmem>>, vector<1x16xf32>,
        %get3A_1299 = vector.shape_cast %get3A_1298 : vector<1x16xf32> to vector<16xf32>
        %mul3A_1300 = arith.mulf %get3A_1299, %gather3A_1261 : vector<16xf32>
        %swap3A_1301 = arith.index_cast %add3A_1265 : i32 to index
        %swap3A_1302 = arith.constant 48 : index
        %swap3A_1303 = tpu.vector_load %arg10[%swap3A_1301, %swap3A_1302] {strides = array<i32>} : memref<128x128xf32, #tpu.memory_space<vmem>>, vector<1x16xf32>,
        %swap3A_1304 = vector.shape_cast %swap3A_1303 : vector<1x16xf32> to vector<16xf32>
        %swap3A_1305 = vector.shape_cast %mul3A_1300 : vector<16xf32> to vector<1x16xf32>
        tpu.vector_store %arg10[%swap3A_1301, %swap3A_1302], %swap3A_1305 {strides = array<i32>} : memref<128x128xf32, #tpu.memory_space<vmem>>, vector<1x16xf32>,
        %get3A_1306 = arith.index_cast %add3A_1265 : i32 to index
        %get3A_1307 = arith.constant 64 : index
        %get3A_1308 = tpu.vector_load %arg10[%get3A_1306, %get3A_1307] {strides = array<i32>} : memref<128x128xf32, #tpu.memory_space<vmem>>, vector<1x16xf32>,
        %get3A_1309 = vector.shape_cast %get3A_1308 : vector<1x16xf32> to vector<16xf32>
        %mul3A_1310 = arith.mulf %get3A_1309, %gather3A_1261 : vector<16xf32>
        %swap3A_1311 = arith.index_cast %add3A_1265 : i32 to index
        %swap3A_1312 = arith.constant 64 : index
        %swap3A_1313 = tpu.vector_load %arg10[%swap3A_1311, %swap3A_1312] {strides = array<i32>} : memref<128x128xf32, #tpu.memory_space<vmem>>, vector<1x16xf32>,
        %swap3A_1314 = vector.shape_cast %swap3A_1313 : vector<1x16xf32> to vector<16xf32>
        %swap3A_1315 = vector.shape_cast %mul3A_1310 : vector<16xf32> to vector<1x16xf32>
        tpu.vector_store %arg10[%swap3A_1311, %swap3A_1312], %swap3A_1315 {strides = array<i32>} : memref<128x128xf32, #tpu.memory_space<vmem>>, vector<1x16xf32>,
        %get3A_1316 = arith.index_cast %add3A_1265 : i32 to index
        %get3A_1317 = arith.constant 80 : index
        %get3A_1318 = tpu.vector_load %arg10[%get3A_1316, %get3A_1317] {strides = array<i32>} : memref<128x128xf32, #tpu.memory_space<vmem>>, vector<1x16xf32>,
        %get3A_1319 = vector.shape_cast %get3A_1318 : vector<1x16xf32> to vector<16xf32>
        %mul3A_1320 = arith.mulf %get3A_1319, %gather3A_1261 : vector<16xf32>
        %swap3A_1321 = arith.index_cast %add3A_1265 : i32 to index
        %swap3A_1322 = arith.constant 80 : index
        %swap3A_1323 = tpu.vector_load %arg10[%swap3A_1321, %swap3A_1322] {strides = array<i32>} : memref<128x128xf32, #tpu.memory_space<vmem>>, vector<1x16xf32>,
        %swap3A_1324 = vector.shape_cast %swap3A_1323 : vector<1x16xf32> to vector<16xf32>
        %swap3A_1325 = vector.shape_cast %mul3A_1320 : vector<16xf32> to vector<1x16xf32>
        tpu.vector_store %arg10[%swap3A_1321, %swap3A_1322], %swap3A_1325 {strides = array<i32>} : memref<128x128xf32, #tpu.memory_space<vmem>>, vector<1x16xf32>,
        %get3A_1326 = arith.index_cast %add3A_1265 : i32 to index
        %get3A_1327 = arith.constant 96 : index
        %get3A_1328 = tpu.vector_load %arg10[%get3A_1326, %get3A_1327] {strides = array<i32>} : memref<128x128xf32, #tpu.memory_space<vmem>>, vector<1x16xf32>,
        %get3A_1329 = vector.shape_cast %get3A_1328 : vector<1x16xf32> to vector<16xf32>
        %mul3A_1330 = arith.mulf %get3A_1329, %gather3A_1261 : vector<16xf32>
        %swap3A_1331 = arith.index_cast %add3A_1265 : i32 to index
        %swap3A_1332 = arith.constant 96 : index
        %swap3A_1333 = tpu.vector_load %arg10[%swap3A_1331, %swap3A_1332] {strides = array<i32>} : memref<128x128xf32, #tpu.memory_space<vmem>>, vector<1x16xf32>,
        %swap3A_1334 = vector.shape_cast %swap3A_1333 : vector<1x16xf32> to vector<16xf32>
        %swap3A_1335 = vector.shape_cast %mul3A_1330 : vector<16xf32> to vector<1x16xf32>
        tpu.vector_store %arg10[%swap3A_1331, %swap3A_1332], %swap3A_1335 {strides = array<i32>} : memref<128x128xf32, #tpu.memory_space<vmem>>, vector<1x16xf32>,
        %get3A_1336 = arith.index_cast %add3A_1265 : i32 to index
        %get3A_1337 = arith.constant 112 : index
        %get3A_1338 = tpu.vector_load %arg10[%get3A_1336, %get3A_1337] {strides = array<i32>} : memref<128x128xf32, #tpu.memory_space<vmem>>, vector<1x16xf32>,
        %get3A_1339 = vector.shape_cast %get3A_1338 : vector<1x16xf32> to vector<16xf32>
        %mul3A_1340 = arith.mulf %get3A_1339, %gather3A_1261 : vector<16xf32>
        %swap3A_1341 = arith.index_cast %add3A_1265 : i32 to index
        %swap3A_1342 = arith.constant 112 : index
        %swap3A_1343 = tpu.vector_load %arg10[%swap3A_1341, %swap3A_1342] {strides = array<i32>} : memref<128x128xf32, #tpu.memory_space<vmem>>, vector<1x16xf32>,
        %swap3A_1344 = vector.shape_cast %swap3A_1343 : vector<1x16xf32> to vector<16xf32>
        %swap3A_1345 = vector.shape_cast %mul3A_1340 : vector<16xf32> to vector<1x16xf32>
        tpu.vector_store %arg10[%swap3A_1341, %swap3A_1342], %swap3A_1345 {strides = array<i32>} : memref<128x128xf32, #tpu.memory_space<vmem>>, vector<1x16xf32>,
        %broadcast_in_dim3A_1346 = arith.constant 13 : i32
        %broadcast_in_dim3A_1347 = vector.broadcast %broadcast_in_dim3A_1346 : i32 to vector<16xi32>
        %lt3A_1348 = arith.constant 0 : i32
        %lt3A_1349 = vector.broadcast %lt3A_1348 : i32 to vector<16xi32>
        %lt3A_1350 = arith.cmpi slt, %broadcast_in_dim3A_1347, %lt3A_1349 : vector<16xi32>
        %add3A_1351 = arith.constant 16 : i32
        %add3A_1352 = vector.broadcast %add3A_1351 : i32 to vector<16xi32>
        %add3A_1353 = arith.addi %broadcast_in_dim3A_1347, %add3A_1352 : vector<16xi32>
        %select_n3A_1354 = arith.select %lt3A_1350, %add3A_1353, %broadcast_in_dim3A_1347 : vector<16xi1>, vector<16xi32>
        %reshape3A_1355 = vector.shape_cast %select_n3A_1354 : vector<16xi32> to vector<16x1xi32>
        %gather3A_1356 = vector.shape_cast %reshape3A_1355 : vector<16x1xi32> to vector<16xi32>
        %gather3A_1357 = tpu.dynamic_gather %get3A_102[%gather3A_1356] in [0] : vector<16xf32>, vector<16xi32> -> vector<16xf32>
        %mul3A_1358 = arith.constant 16 : i32
        %mul3A_1359 = arith.muli %add3A_97, %mul3A_1358 : i32
        %add3A_1360 = arith.constant 13 : i32
        %add3A_1361 = arith.addi %mul3A_1359, %add3A_1360 : i32
        %get3A_1362 = arith.index_cast %add3A_1361 : i32 to index
        %get3A_1363 = arith.constant 0 : index
        %get3A_1364 = tpu.vector_load %arg10[%get3A_1362, %get3A_1363] {strides = array<i32>} : memref<128x128xf32, #tpu.memory_space<vmem>>, vector<1x16xf32>,
        %get3A_1365 = vector.shape_cast %get3A_1364 : vector<1x16xf32> to vector<16xf32>
        %mul3A_1366 = arith.mulf %get3A_1365, %gather3A_1357 : vector<16xf32>
        %swap3A_1367 = arith.index_cast %add3A_1361 : i32 to index
        %swap3A_1368 = arith.constant 0 : index
        %swap3A_1369 = tpu.vector_load %arg10[%swap3A_1367, %swap3A_1368] {strides = array<i32>} : memref<128x128xf32, #tpu.memory_space<vmem>>, vector<1x16xf32>,
        %swap3A_1370 = vector.shape_cast %swap3A_1369 : vector<1x16xf32> to vector<16xf32>
        %swap3A_1371 = vector.shape_cast %mul3A_1366 : vector<16xf32> to vector<1x16xf32>
        tpu.vector_store %arg10[%swap3A_1367, %swap3A_1368], %swap3A_1371 {strides = array<i32>} : memref<128x128xf32, #tpu.memory_space<vmem>>, vector<1x16xf32>,
        %get3A_1372 = arith.index_cast %add3A_1361 : i32 to index
        %get3A_1373 = arith.constant 16 : index
        %get3A_1374 = tpu.vector_load %arg10[%get3A_1372, %get3A_1373] {strides = array<i32>} : memref<128x128xf32, #tpu.memory_space<vmem>>, vector<1x16xf32>,
        %get3A_1375 = vector.shape_cast %get3A_1374 : vector<1x16xf32> to vector<16xf32>
        %mul3A_1376 = arith.mulf %get3A_1375, %gather3A_1357 : vector<16xf32>
        %swap3A_1377 = arith.index_cast %add3A_1361 : i32 to index
        %swap3A_1378 = arith.constant 16 : index
        %swap3A_1379 = tpu.vector_load %arg10[%swap3A_1377, %swap3A_1378] {strides = array<i32>} : memref<128x128xf32, #tpu.memory_space<vmem>>, vector<1x16xf32>,
        %swap3A_1380 = vector.shape_cast %swap3A_1379 : vector<1x16xf32> to vector<16xf32>
        %swap3A_1381 = vector.shape_cast %mul3A_1376 : vector<16xf32> to vector<1x16xf32>
        tpu.vector_store %arg10[%swap3A_1377, %swap3A_1378], %swap3A_1381 {strides = array<i32>} : memref<128x128xf32, #tpu.memory_space<vmem>>, vector<1x16xf32>,
        %get3A_1382 = arith.index_cast %add3A_1361 : i32 to index
        %get3A_1383 = arith.constant 32 : index
        %get3A_1384 = tpu.vector_load %arg10[%get3A_1382, %get3A_1383] {strides = array<i32>} : memref<128x128xf32, #tpu.memory_space<vmem>>, vector<1x16xf32>,
        %get3A_1385 = vector.shape_cast %get3A_1384 : vector<1x16xf32> to vector<16xf32>
        %mul3A_1386 = arith.mulf %get3A_1385, %gather3A_1357 : vector<16xf32>
        %swap3A_1387 = arith.index_cast %add3A_1361 : i32 to index
        %swap3A_1388 = arith.constant 32 : index
        %swap3A_1389 = tpu.vector_load %arg10[%swap3A_1387, %swap3A_1388] {strides = array<i32>} : memref<128x128xf32, #tpu.memory_space<vmem>>, vector<1x16xf32>,
        %swap3A_1390 = vector.shape_cast %swap3A_1389 : vector<1x16xf32> to vector<16xf32>
        %swap3A_1391 = vector.shape_cast %mul3A_1386 : vector<16xf32> to vector<1x16xf32>
        tpu.vector_store %arg10[%swap3A_1387, %swap3A_1388], %swap3A_1391 {strides = array<i32>} : memref<128x128xf32, #tpu.memory_space<vmem>>, vector<1x16xf32>,
        %get3A_1392 = arith.index_cast %add3A_1361 : i32 to index
        %get3A_1393 = arith.constant 48 : index
        %get3A_1394 = tpu.vector_load %arg10[%get3A_1392, %get3A_1393] {strides = array<i32>} : memref<128x128xf32, #tpu.memory_space<vmem>>, vector<1x16xf32>,
        %get3A_1395 = vector.shape_cast %get3A_1394 : vector<1x16xf32> to vector<16xf32>
        %mul3A_1396 = arith.mulf %get3A_1395, %gather3A_1357 : vector<16xf32>
        %swap3A_1397 = arith.index_cast %add3A_1361 : i32 to index
        %swap3A_1398 = arith.constant 48 : index
        %swap3A_1399 = tpu.vector_load %arg10[%swap3A_1397, %swap3A_1398] {strides = array<i32>} : memref<128x128xf32, #tpu.memory_space<vmem>>, vector<1x16xf32>,
        %swap3A_1400 = vector.shape_cast %swap3A_1399 : vector<1x16xf32> to vector<16xf32>
        %swap3A_1401 = vector.shape_cast %mul3A_1396 : vector<16xf32> to vector<1x16xf32>
        tpu.vector_store %arg10[%swap3A_1397, %swap3A_1398], %swap3A_1401 {strides = array<i32>} : memref<128x128xf32, #tpu.memory_space<vmem>>, vector<1x16xf32>,
        %get3A_1402 = arith.index_cast %add3A_1361 : i32 to index
        %get3A_1403 = arith.constant 64 : index
        %get3A_1404 = tpu.vector_load %arg10[%get3A_1402, %get3A_1403] {strides = array<i32>} : memref<128x128xf32, #tpu.memory_space<vmem>>, vector<1x16xf32>,
        %get3A_1405 = vector.shape_cast %get3A_1404 : vector<1x16xf32> to vector<16xf32>
        %mul3A_1406 = arith.mulf %get3A_1405, %gather3A_1357 : vector<16xf32>
        %swap3A_1407 = arith.index_cast %add3A_1361 : i32 to index
        %swap3A_1408 = arith.constant 64 : index
        %swap3A_1409 = tpu.vector_load %arg10[%swap3A_1407, %swap3A_1408] {strides = array<i32>} : memref<128x128xf32, #tpu.memory_space<vmem>>, vector<1x16xf32>,
        %swap3A_1410 = vector.shape_cast %swap3A_1409 : vector<1x16xf32> to vector<16xf32>
        %swap3A_1411 = vector.shape_cast %mul3A_1406 : vector<16xf32> to vector<1x16xf32>
        tpu.vector_store %arg10[%swap3A_1407, %swap3A_1408], %swap3A_1411 {strides = array<i32>} : memref<128x128xf32, #tpu.memory_space<vmem>>, vector<1x16xf32>,
        %get3A_1412 = arith.index_cast %add3A_1361 : i32 to index
        %get3A_1413 = arith.constant 80 : index
        %get3A_1414 = tpu.vector_load %arg10[%get3A_1412, %get3A_1413] {strides = array<i32>} : memref<128x128xf32, #tpu.memory_space<vmem>>, vector<1x16xf32>,
        %get3A_1415 = vector.shape_cast %get3A_1414 : vector<1x16xf32> to vector<16xf32>
        %mul3A_1416 = arith.mulf %get3A_1415, %gather3A_1357 : vector<16xf32>
        %swap3A_1417 = arith.index_cast %add3A_1361 : i32 to index
        %swap3A_1418 = arith.constant 80 : index
        %swap3A_1419 = tpu.vector_load %arg10[%swap3A_1417, %swap3A_1418] {strides = array<i32>} : memref<128x128xf32, #tpu.memory_space<vmem>>, vector<1x16xf32>,
        %swap3A_1420 = vector.shape_cast %swap3A_1419 : vector<1x16xf32> to vector<16xf32>
        %swap3A_1421 = vector.shape_cast %mul3A_1416 : vector<16xf32> to vector<1x16xf32>
        tpu.vector_store %arg10[%swap3A_1417, %swap3A_1418], %swap3A_1421 {strides = array<i32>} : memref<128x128xf32, #tpu.memory_space<vmem>>, vector<1x16xf32>,
        %get3A_1422 = arith.index_cast %add3A_1361 : i32 to index
        %get3A_1423 = arith.constant 96 : index
        %get3A_1424 = tpu.vector_load %arg10[%get3A_1422, %get3A_1423] {strides = array<i32>} : memref<128x128xf32, #tpu.memory_space<vmem>>, vector<1x16xf32>,
        %get3A_1425 = vector.shape_cast %get3A_1424 : vector<1x16xf32> to vector<16xf32>
        %mul3A_1426 = arith.mulf %get3A_1425, %gather3A_1357 : vector<16xf32>
        %swap3A_1427 = arith.index_cast %add3A_1361 : i32 to index
        %swap3A_1428 = arith.constant 96 : index
        %swap3A_1429 = tpu.vector_load %arg10[%swap3A_1427, %swap3A_1428] {strides = array<i32>} : memref<128x128xf32, #tpu.memory_space<vmem>>, vector<1x16xf32>,
        %swap3A_1430 = vector.shape_cast %swap3A_1429 : vector<1x16xf32> to vector<16xf32>
        %swap3A_1431 = vector.shape_cast %mul3A_1426 : vector<16xf32> to vector<1x16xf32>
        tpu.vector_store %arg10[%swap3A_1427, %swap3A_1428], %swap3A_1431 {strides = array<i32>} : memref<128x128xf32, #tpu.memory_space<vmem>>, vector<1x16xf32>,
        %get3A_1432 = arith.index_cast %add3A_1361 : i32 to index
        %get3A_1433 = arith.constant 112 : index
        %get3A_1434 = tpu.vector_load %arg10[%get3A_1432, %get3A_1433] {strides = array<i32>} : memref<128x128xf32, #tpu.memory_space<vmem>>, vector<1x16xf32>,
        %get3A_1435 = vector.shape_cast %get3A_1434 : vector<1x16xf32> to vector<16xf32>
        %mul3A_1436 = arith.mulf %get3A_1435, %gather3A_1357 : vector<16xf32>
        %swap3A_1437 = arith.index_cast %add3A_1361 : i32 to index
        %swap3A_1438 = arith.constant 112 : index
        %swap3A_1439 = tpu.vector_load %arg10[%swap3A_1437, %swap3A_1438] {strides = array<i32>} : memref<128x128xf32, #tpu.memory_space<vmem>>, vector<1x16xf32>,
        %swap3A_1440 = vector.shape_cast %swap3A_1439 : vector<1x16xf32> to vector<16xf32>
        %swap3A_1441 = vector.shape_cast %mul3A_1436 : vector<16xf32> to vector<1x16xf32>
        tpu.vector_store %arg10[%swap3A_1437, %swap3A_1438], %swap3A_1441 {strides = array<i32>} : memref<128x128xf32, #tpu.memory_space<vmem>>, vector<1x16xf32>,
        %broadcast_in_dim3A_1442 = arith.constant 14 : i32
        %broadcast_in_dim3A_1443 = vector.broadcast %broadcast_in_dim3A_1442 : i32 to vector<16xi32>
        %lt3A_1444 = arith.constant 0 : i32
        %lt3A_1445 = vector.broadcast %lt3A_1444 : i32 to vector<16xi32>
        %lt3A_1446 = arith.cmpi slt, %broadcast_in_dim3A_1443, %lt3A_1445 : vector<16xi32>
        %add3A_1447 = arith.constant 16 : i32
        %add3A_1448 = vector.broadcast %add3A_1447 : i32 to vector<16xi32>
        %add3A_1449 = arith.addi %broadcast_in_dim3A_1443, %add3A_1448 : vector<16xi32>
        %select_n3A_1450 = arith.select %lt3A_1446, %add3A_1449, %broadcast_in_dim3A_1443 : vector<16xi1>, vector<16xi32>
        %reshape3A_1451 = vector.shape_cast %select_n3A_1450 : vector<16xi32> to vector<16x1xi32>
        %gather3A_1452 = vector.shape_cast %reshape3A_1451 : vector<16x1xi32> to vector<16xi32>
        %gather3A_1453 = tpu.dynamic_gather %get3A_102[%gather3A_1452] in [0] : vector<16xf32>, vector<16xi32> -> vector<16xf32>
        %mul3A_1454 = arith.constant 16 : i32
        %mul3A_1455 = arith.muli %add3A_97, %mul3A_1454 : i32
        %add3A_1456 = arith.constant 14 : i32
        %add3A_1457 = arith.addi %mul3A_1455, %add3A_1456 : i32
        %get3A_1458 = arith.index_cast %add3A_1457 : i32 to index
        %get3A_1459 = arith.constant 0 : index
        %get3A_1460 = tpu.vector_load %arg10[%get3A_1458, %get3A_1459] {strides = array<i32>} : memref<128x128xf32, #tpu.memory_space<vmem>>, vector<1x16xf32>,
        %get3A_1461 = vector.shape_cast %get3A_1460 : vector<1x16xf32> to vector<16xf32>
        %mul3A_1462 = arith.mulf %get3A_1461, %gather3A_1453 : vector<16xf32>
        %swap3A_1463 = arith.index_cast %add3A_1457 : i32 to index
        %swap3A_1464 = arith.constant 0 : index
        %swap3A_1465 = tpu.vector_load %arg10[%swap3A_1463, %swap3A_1464] {strides = array<i32>} : memref<128x128xf32, #tpu.memory_space<vmem>>, vector<1x16xf32>,
        %swap3A_1466 = vector.shape_cast %swap3A_1465 : vector<1x16xf32> to vector<16xf32>
        %swap3A_1467 = vector.shape_cast %mul3A_1462 : vector<16xf32> to vector<1x16xf32>
        tpu.vector_store %arg10[%swap3A_1463, %swap3A_1464], %swap3A_1467 {strides = array<i32>} : memref<128x128xf32, #tpu.memory_space<vmem>>, vector<1x16xf32>,
        %get3A_1468 = arith.index_cast %add3A_1457 : i32 to index
        %get3A_1469 = arith.constant 16 : index
        %get3A_1470 = tpu.vector_load %arg10[%get3A_1468, %get3A_1469] {strides = array<i32>} : memref<128x128xf32, #tpu.memory_space<vmem>>, vector<1x16xf32>,
        %get3A_1471 = vector.shape_cast %get3A_1470 : vector<1x16xf32> to vector<16xf32>
        %mul3A_1472 = arith.mulf %get3A_1471, %gather3A_1453 : vector<16xf32>
        %swap3A_1473 = arith.index_cast %add3A_1457 : i32 to index
        %swap3A_1474 = arith.constant 16 : index
        %swap3A_1475 = tpu.vector_load %arg10[%swap3A_1473, %swap3A_1474] {strides = array<i32>} : memref<128x128xf32, #tpu.memory_space<vmem>>, vector<1x16xf32>,
        %swap3A_1476 = vector.shape_cast %swap3A_1475 : vector<1x16xf32> to vector<16xf32>
        %swap3A_1477 = vector.shape_cast %mul3A_1472 : vector<16xf32> to vector<1x16xf32>
        tpu.vector_store %arg10[%swap3A_1473, %swap3A_1474], %swap3A_1477 {strides = array<i32>} : memref<128x128xf32, #tpu.memory_space<vmem>>, vector<1x16xf32>,
        %get3A_1478 = arith.index_cast %add3A_1457 : i32 to index
        %get3A_1479 = arith.constant 32 : index
        %get3A_1480 = tpu.vector_load %arg10[%get3A_1478, %get3A_1479] {strides = array<i32>} : memref<128x128xf32, #tpu.memory_space<vmem>>, vector<1x16xf32>,
        %get3A_1481 = vector.shape_cast %get3A_1480 : vector<1x16xf32> to vector<16xf32>
        %mul3A_1482 = arith.mulf %get3A_1481, %gather3A_1453 : vector<16xf32>
        %swap3A_1483 = arith.index_cast %add3A_1457 : i32 to index
        %swap3A_1484 = arith.constant 32 : index
        %swap3A_1485 = tpu.vector_load %arg10[%swap3A_1483, %swap3A_1484] {strides = array<i32>} : memref<128x128xf32, #tpu.memory_space<vmem>>, vector<1x16xf32>,
        %swap3A_1486 = vector.shape_cast %swap3A_1485 : vector<1x16xf32> to vector<16xf32>
        %swap3A_1487 = vector.shape_cast %mul3A_1482 : vector<16xf32> to vector<1x16xf32>
        tpu.vector_store %arg10[%swap3A_1483, %swap3A_1484], %swap3A_1487 {strides = array<i32>} : memref<128x128xf32, #tpu.memory_space<vmem>>, vector<1x16xf32>,
        %get3A_1488 = arith.index_cast %add3A_1457 : i32 to index
        %get3A_1489 = arith.constant 48 : index
        %get3A_1490 = tpu.vector_load %arg10[%get3A_1488, %get3A_1489] {strides = array<i32>} : memref<128x128xf32, #tpu.memory_space<vmem>>, vector<1x16xf32>,
        %get3A_1491 = vector.shape_cast %get3A_1490 : vector<1x16xf32> to vector<16xf32>
        %mul3A_1492 = arith.mulf %get3A_1491, %gather3A_1453 : vector<16xf32>
        %swap3A_1493 = arith.index_cast %add3A_1457 : i32 to index
        %swap3A_1494 = arith.constant 48 : index
        %swap3A_1495 = tpu.vector_load %arg10[%swap3A_1493, %swap3A_1494] {strides = array<i32>} : memref<128x128xf32, #tpu.memory_space<vmem>>, vector<1x16xf32>,
        %swap3A_1496 = vector.shape_cast %swap3A_1495 : vector<1x16xf32> to vector<16xf32>
        %swap3A_1497 = vector.shape_cast %mul3A_1492 : vector<16xf32> to vector<1x16xf32>
        tpu.vector_store %arg10[%swap3A_1493, %swap3A_1494], %swap3A_1497 {strides = array<i32>} : memref<128x128xf32, #tpu.memory_space<vmem>>, vector<1x16xf32>,
        %get3A_1498 = arith.index_cast %add3A_1457 : i32 to index
        %get3A_1499 = arith.constant 64 : index
        %get3A_1500 = tpu.vector_load %arg10[%get3A_1498, %get3A_1499] {strides = array<i32>} : memref<128x128xf32, #tpu.memory_space<vmem>>, vector<1x16xf32>,
        %get3A_1501 = vector.shape_cast %get3A_1500 : vector<1x16xf32> to vector<16xf32>
        %mul3A_1502 = arith.mulf %get3A_1501, %gather3A_1453 : vector<16xf32>
        %swap3A_1503 = arith.index_cast %add3A_1457 : i32 to index
        %swap3A_1504 = arith.constant 64 : index
        %swap3A_1505 = tpu.vector_load %arg10[%swap3A_1503, %swap3A_1504] {strides = array<i32>} : memref<128x128xf32, #tpu.memory_space<vmem>>, vector<1x16xf32>,
        %swap3A_1506 = vector.shape_cast %swap3A_1505 : vector<1x16xf32> to vector<16xf32>
        %swap3A_1507 = vector.shape_cast %mul3A_1502 : vector<16xf32> to vector<1x16xf32>
        tpu.vector_store %arg10[%swap3A_1503, %swap3A_1504], %swap3A_1507 {strides = array<i32>} : memref<128x128xf32, #tpu.memory_space<vmem>>, vector<1x16xf32>,
        %get3A_1508 = arith.index_cast %add3A_1457 : i32 to index
        %get3A_1509 = arith.constant 80 : index
        %get3A_1510 = tpu.vector_load %arg10[%get3A_1508, %get3A_1509] {strides = array<i32>} : memref<128x128xf32, #tpu.memory_space<vmem>>, vector<1x16xf32>,
        %get3A_1511 = vector.shape_cast %get3A_1510 : vector<1x16xf32> to vector<16xf32>
        %mul3A_1512 = arith.mulf %get3A_1511, %gather3A_1453 : vector<16xf32>
        %swap3A_1513 = arith.index_cast %add3A_1457 : i32 to index
        %swap3A_1514 = arith.constant 80 : index
        %swap3A_1515 = tpu.vector_load %arg10[%swap3A_1513, %swap3A_1514] {strides = array<i32>} : memref<128x128xf32, #tpu.memory_space<vmem>>, vector<1x16xf32>,
        %swap3A_1516 = vector.shape_cast %swap3A_1515 : vector<1x16xf32> to vector<16xf32>
        %swap3A_1517 = vector.shape_cast %mul3A_1512 : vector<16xf32> to vector<1x16xf32>
        tpu.vector_store %arg10[%swap3A_1513, %swap3A_1514], %swap3A_1517 {strides = array<i32>} : memref<128x128xf32, #tpu.memory_space<vmem>>, vector<1x16xf32>,
        %get3A_1518 = arith.index_cast %add3A_1457 : i32 to index
        %get3A_1519 = arith.constant 96 : index
        %get3A_1520 = tpu.vector_load %arg10[%get3A_1518, %get3A_1519] {strides = array<i32>} : memref<128x128xf32, #tpu.memory_space<vmem>>, vector<1x16xf32>,
        %get3A_1521 = vector.shape_cast %get3A_1520 : vector<1x16xf32> to vector<16xf32>
        %mul3A_1522 = arith.mulf %get3A_1521, %gather3A_1453 : vector<16xf32>
        %swap3A_1523 = arith.index_cast %add3A_1457 : i32 to index
        %swap3A_1524 = arith.constant 96 : index
        %swap3A_1525 = tpu.vector_load %arg10[%swap3A_1523, %swap3A_1524] {strides = array<i32>} : memref<128x128xf32, #tpu.memory_space<vmem>>, vector<1x16xf32>,
        %swap3A_1526 = vector.shape_cast %swap3A_1525 : vector<1x16xf32> to vector<16xf32>
        %swap3A_1527 = vector.shape_cast %mul3A_1522 : vector<16xf32> to vector<1x16xf32>
        tpu.vector_store %arg10[%swap3A_1523, %swap3A_1524], %swap3A_1527 {strides = array<i32>} : memref<128x128xf32, #tpu.memory_space<vmem>>, vector<1x16xf32>,
        %get3A_1528 = arith.index_cast %add3A_1457 : i32 to index
        %get3A_1529 = arith.constant 112 : index
        %get3A_1530 = tpu.vector_load %arg10[%get3A_1528, %get3A_1529] {strides = array<i32>} : memref<128x128xf32, #tpu.memory_space<vmem>>, vector<1x16xf32>,
        %get3A_1531 = vector.shape_cast %get3A_1530 : vector<1x16xf32> to vector<16xf32>
        %mul3A_1532 = arith.mulf %get3A_1531, %gather3A_1453 : vector<16xf32>
        %swap3A_1533 = arith.index_cast %add3A_1457 : i32 to index
        %swap3A_1534 = arith.constant 112 : index
        %swap3A_1535 = tpu.vector_load %arg10[%swap3A_1533, %swap3A_1534] {strides = array<i32>} : memref<128x128xf32, #tpu.memory_space<vmem>>, vector<1x16xf32>,
        %swap3A_1536 = vector.shape_cast %swap3A_1535 : vector<1x16xf32> to vector<16xf32>
        %swap3A_1537 = vector.shape_cast %mul3A_1532 : vector<16xf32> to vector<1x16xf32>
        tpu.vector_store %arg10[%swap3A_1533, %swap3A_1534], %swap3A_1537 {strides = array<i32>} : memref<128x128xf32, #tpu.memory_space<vmem>>, vector<1x16xf32>,
        %broadcast_in_dim3A_1538 = arith.constant 15 : i32
        %broadcast_in_dim3A_1539 = vector.broadcast %broadcast_in_dim3A_1538 : i32 to vector<16xi32>
        %lt3A_1540 = arith.constant 0 : i32
        %lt3A_1541 = vector.broadcast %lt3A_1540 : i32 to vector<16xi32>
        %lt3A_1542 = arith.cmpi slt, %broadcast_in_dim3A_1539, %lt3A_1541 : vector<16xi32>
        %add3A_1543 = arith.constant 16 : i32
        %add3A_1544 = vector.broadcast %add3A_1543 : i32 to vector<16xi32>
        %add3A_1545 = arith.addi %broadcast_in_dim3A_1539, %add3A_1544 : vector<16xi32>
        %select_n3A_1546 = arith.select %lt3A_1542, %add3A_1545, %broadcast_in_dim3A_1539 : vector<16xi1>, vector<16xi32>
        %reshape3A_1547 = vector.shape_cast %select_n3A_1546 : vector<16xi32> to vector<16x1xi32>
        %gather3A_1548 = vector.shape_cast %reshape3A_1547 : vector<16x1xi32> to vector<16xi32>
        %gather3A_1549 = tpu.dynamic_gather %get3A_102[%gather3A_1548] in [0] : vector<16xf32>, vector<16xi32> -> vector<16xf32>
        %mul3A_1550 = arith.constant 16 : i32
        %mul3A_1551 = arith.muli %add3A_97, %mul3A_1550 : i32
        %add3A_1552 = arith.constant 15 : i32
        %add3A_1553 = arith.addi %mul3A_1551, %add3A_1552 : i32
        %get3A_1554 = arith.index_cast %add3A_1553 : i32 to index
        %get3A_1555 = arith.constant 0 : index
        %get3A_1556 = tpu.vector_load %arg10[%get3A_1554, %get3A_1555] {strides = array<i32>} : memref<128x128xf32, #tpu.memory_space<vmem>>, vector<1x16xf32>,
        %get3A_1557 = vector.shape_cast %get3A_1556 : vector<1x16xf32> to vector<16xf32>
        %mul3A_1558 = arith.mulf %get3A_1557, %gather3A_1549 : vector<16xf32>
        %swap3A_1559 = arith.index_cast %add3A_1553 : i32 to index
        %swap3A_1560 = arith.constant 0 : index
        %swap3A_1561 = tpu.vector_load %arg10[%swap3A_1559, %swap3A_1560] {strides = array<i32>} : memref<128x128xf32, #tpu.memory_space<vmem>>, vector<1x16xf32>,
        %swap3A_1562 = vector.shape_cast %swap3A_1561 : vector<1x16xf32> to vector<16xf32>
        %swap3A_1563 = vector.shape_cast %mul3A_1558 : vector<16xf32> to vector<1x16xf32>
        tpu.vector_store %arg10[%swap3A_1559, %swap3A_1560], %swap3A_1563 {strides = array<i32>} : memref<128x128xf32, #tpu.memory_space<vmem>>, vector<1x16xf32>,
        %get3A_1564 = arith.index_cast %add3A_1553 : i32 to index
        %get3A_1565 = arith.constant 16 : index
        %get3A_1566 = tpu.vector_load %arg10[%get3A_1564, %get3A_1565] {strides = array<i32>} : memref<128x128xf32, #tpu.memory_space<vmem>>, vector<1x16xf32>,
        %get3A_1567 = vector.shape_cast %get3A_1566 : vector<1x16xf32> to vector<16xf32>
        %mul3A_1568 = arith.mulf %get3A_1567, %gather3A_1549 : vector<16xf32>
        %swap3A_1569 = arith.index_cast %add3A_1553 : i32 to index
        %swap3A_1570 = arith.constant 16 : index
        %swap3A_1571 = tpu.vector_load %arg10[%swap3A_1569, %swap3A_1570] {strides = array<i32>} : memref<128x128xf32, #tpu.memory_space<vmem>>, vector<1x16xf32>,
        %swap3A_1572 = vector.shape_cast %swap3A_1571 : vector<1x16xf32> to vector<16xf32>
        %swap3A_1573 = vector.shape_cast %mul3A_1568 : vector<16xf32> to vector<1x16xf32>
        tpu.vector_store %arg10[%swap3A_1569, %swap3A_1570], %swap3A_1573 {strides = array<i32>} : memref<128x128xf32, #tpu.memory_space<vmem>>, vector<1x16xf32>,
        %get3A_1574 = arith.index_cast %add3A_1553 : i32 to index
        %get3A_1575 = arith.constant 32 : index
        %get3A_1576 = tpu.vector_load %arg10[%get3A_1574, %get3A_1575] {strides = array<i32>} : memref<128x128xf32, #tpu.memory_space<vmem>>, vector<1x16xf32>,
        %get3A_1577 = vector.shape_cast %get3A_1576 : vector<1x16xf32> to vector<16xf32>
        %mul3A_1578 = arith.mulf %get3A_1577, %gather3A_1549 : vector<16xf32>
        %swap3A_1579 = arith.index_cast %add3A_1553 : i32 to index
        %swap3A_1580 = arith.constant 32 : index
        %swap3A_1581 = tpu.vector_load %arg10[%swap3A_1579, %swap3A_1580] {strides = array<i32>} : memref<128x128xf32, #tpu.memory_space<vmem>>, vector<1x16xf32>,
        %swap3A_1582 = vector.shape_cast %swap3A_1581 : vector<1x16xf32> to vector<16xf32>
        %swap3A_1583 = vector.shape_cast %mul3A_1578 : vector<16xf32> to vector<1x16xf32>
        tpu.vector_store %arg10[%swap3A_1579, %swap3A_1580], %swap3A_1583 {strides = array<i32>} : memref<128x128xf32, #tpu.memory_space<vmem>>, vector<1x16xf32>,
        %get3A_1584 = arith.index_cast %add3A_1553 : i32 to index
        %get3A_1585 = arith.constant 48 : index
        %get3A_1586 = tpu.vector_load %arg10[%get3A_1584, %get3A_1585] {strides = array<i32>} : memref<128x128xf32, #tpu.memory_space<vmem>>, vector<1x16xf32>,
        %get3A_1587 = vector.shape_cast %get3A_1586 : vector<1x16xf32> to vector<16xf32>
        %mul3A_1588 = arith.mulf %get3A_1587, %gather3A_1549 : vector<16xf32>
        %swap3A_1589 = arith.index_cast %add3A_1553 : i32 to index
        %swap3A_1590 = arith.constant 48 : index
        %swap3A_1591 = tpu.vector_load %arg10[%swap3A_1589, %swap3A_1590] {strides = array<i32>} : memref<128x128xf32, #tpu.memory_space<vmem>>, vector<1x16xf32>,
        %swap3A_1592 = vector.shape_cast %swap3A_1591 : vector<1x16xf32> to vector<16xf32>
        %swap3A_1593 = vector.shape_cast %mul3A_1588 : vector<16xf32> to vector<1x16xf32>
        tpu.vector_store %arg10[%swap3A_1589, %swap3A_1590], %swap3A_1593 {strides = array<i32>} : memref<128x128xf32, #tpu.memory_space<vmem>>, vector<1x16xf32>,
        %get3A_1594 = arith.index_cast %add3A_1553 : i32 to index
        %get3A_1595 = arith.constant 64 : index
        %get3A_1596 = tpu.vector_load %arg10[%get3A_1594, %get3A_1595] {strides = array<i32>} : memref<128x128xf32, #tpu.memory_space<vmem>>, vector<1x16xf32>,
        %get3A_1597 = vector.shape_cast %get3A_1596 : vector<1x16xf32> to vector<16xf32>
        %mul3A_1598 = arith.mulf %get3A_1597, %gather3A_1549 : vector<16xf32>
        %swap3A_1599 = arith.index_cast %add3A_1553 : i32 to index
        %swap3A_1600 = arith.constant 64 : index
        %swap3A_1601 = tpu.vector_load %arg10[%swap3A_1599, %swap3A_1600] {strides = array<i32>} : memref<128x128xf32, #tpu.memory_space<vmem>>, vector<1x16xf32>,
        %swap3A_1602 = vector.shape_cast %swap3A_1601 : vector<1x16xf32> to vector<16xf32>
        %swap3A_1603 = vector.shape_cast %mul3A_1598 : vector<16xf32> to vector<1x16xf32>
        tpu.vector_store %arg10[%swap3A_1599, %swap3A_1600], %swap3A_1603 {strides = array<i32>} : memref<128x128xf32, #tpu.memory_space<vmem>>, vector<1x16xf32>,
        %get3A_1604 = arith.index_cast %add3A_1553 : i32 to index
        %get3A_1605 = arith.constant 80 : index
        %get3A_1606 = tpu.vector_load %arg10[%get3A_1604, %get3A_1605] {strides = array<i32>} : memref<128x128xf32, #tpu.memory_space<vmem>>, vector<1x16xf32>,
        %get3A_1607 = vector.shape_cast %get3A_1606 : vector<1x16xf32> to vector<16xf32>
        %mul3A_1608 = arith.mulf %get3A_1607, %gather3A_1549 : vector<16xf32>
        %swap3A_1609 = arith.index_cast %add3A_1553 : i32 to index
        %swap3A_1610 = arith.constant 80 : index
        %swap3A_1611 = tpu.vector_load %arg10[%swap3A_1609, %swap3A_1610] {strides = array<i32>} : memref<128x128xf32, #tpu.memory_space<vmem>>, vector<1x16xf32>,
        %swap3A_1612 = vector.shape_cast %swap3A_1611 : vector<1x16xf32> to vector<16xf32>
        %swap3A_1613 = vector.shape_cast %mul3A_1608 : vector<16xf32> to vector<1x16xf32>
        tpu.vector_store %arg10[%swap3A_1609, %swap3A_1610], %swap3A_1613 {strides = array<i32>} : memref<128x128xf32, #tpu.memory_space<vmem>>, vector<1x16xf32>,
        %get3A_1614 = arith.index_cast %add3A_1553 : i32 to index
        %get3A_1615 = arith.constant 96 : index
        %get3A_1616 = tpu.vector_load %arg10[%get3A_1614, %get3A_1615] {strides = array<i32>} : memref<128x128xf32, #tpu.memory_space<vmem>>, vector<1x16xf32>,
        %get3A_1617 = vector.shape_cast %get3A_1616 : vector<1x16xf32> to vector<16xf32>
        %mul3A_1618 = arith.mulf %get3A_1617, %gather3A_1549 : vector<16xf32>
        %swap3A_1619 = arith.index_cast %add3A_1553 : i32 to index
        %swap3A_1620 = arith.constant 96 : index
        %swap3A_1621 = tpu.vector_load %arg10[%swap3A_1619, %swap3A_1620] {strides = array<i32>} : memref<128x128xf32, #tpu.memory_space<vmem>>, vector<1x16xf32>,
        %swap3A_1622 = vector.shape_cast %swap3A_1621 : vector<1x16xf32> to vector<16xf32>
        %swap3A_1623 = vector.shape_cast %mul3A_1618 : vector<16xf32> to vector<1x16xf32>
        tpu.vector_store %arg10[%swap3A_1619, %swap3A_1620], %swap3A_1623 {strides = array<i32>} : memref<128x128xf32, #tpu.memory_space<vmem>>, vector<1x16xf32>,
        %get3A_1624 = arith.index_cast %add3A_1553 : i32 to index
        %get3A_1625 = arith.constant 112 : index
        %get3A_1626 = tpu.vector_load %arg10[%get3A_1624, %get3A_1625] {strides = array<i32>} : memref<128x128xf32, #tpu.memory_space<vmem>>, vector<1x16xf32>,
        %get3A_1627 = vector.shape_cast %get3A_1626 : vector<1x16xf32> to vector<16xf32>
        %mul3A_1628 = arith.mulf %get3A_1627, %gather3A_1549 : vector<16xf32>
        %swap3A_1629 = arith.index_cast %add3A_1553 : i32 to index
        %swap3A_1630 = arith.constant 112 : index
        %swap3A_1631 = tpu.vector_load %arg10[%swap3A_1629, %swap3A_1630] {strides = array<i32>} : memref<128x128xf32, #tpu.memory_space<vmem>>, vector<1x16xf32>,
        %swap3A_1632 = vector.shape_cast %swap3A_1631 : vector<1x16xf32> to vector<16xf32>
        %swap3A_1633 = vector.shape_cast %mul3A_1628 : vector<16xf32> to vector<1x16xf32>
        tpu.vector_store %arg10[%swap3A_1629, %swap3A_1630], %swap3A_1633 {strides = array<i32>} : memref<128x128xf32, #tpu.memory_space<vmem>>, vector<1x16xf32>,
      }
      %scan3A_63 = arith.constant 8 : i32
      "tpu.region"() ({
        %run_scoped3A_93 = tpu.sem_alloc : memref<!tpu.dma_semaphore, #tpu.memory_space<semaphore_mem>>
        %dma_start3A_94 = arith.constant 0 : i32
        %dma_start3A_95 = tpu.memref_slice %arg8[%rem3A_53, %dma_start3A_94] : memref<16x128xi32, #tpu.memory_space<vmem>> -> memref<1x128xi32, #tpu.memory_space<vmem>>
        %dma_start3A_96 = tpu.memref_squeeze %dma_start3A_95 : memref<1x128xi32, #tpu.memory_space<vmem>> -> memref<128xi32, #tpu.memory_space<vmem>>
        %dma_start3A_97 = arith.constant 0 : i32
        %dma_start3A_98 = arith.constant 0 : i32
        %dma_start3A_99 = tpu.memref_slice %arg12[%dma_start3A_97, %dma_start3A_98] : memref<10000x128xf32, #tpu.memory_space<vmem_shared>> -> memref<10000x128xf32, #tpu.memory_space<vmem_shared>>
        tpu.enqueue_indirect_dma source(%arg10 : memref<128x128xf32, #tpu.memory_space<vmem>>) target(%dma_start3A_99 : memref<10000x128xf32, #tpu.memory_space<vmem_shared>>) offsets(%dma_start3A_96 : memref<128xi32, #tpu.memory_space<vmem>>) semaphore(%run_scoped3A_93 : memref<!tpu.dma_semaphore, #tpu.memory_space<semaphore_mem>>) {add = true}
        %dma_wait3A_100 = arith.constant 0 : i32
        %dma_wait3A_101 = tpu.memref_slice %arg8[%rem3A_53, %dma_wait3A_100] : memref<16x128xi32, #tpu.memory_space<vmem>> -> memref<1x128xi32, #tpu.memory_space<vmem>>
        %dma_wait3A_102 = tpu.memref_squeeze %dma_wait3A_101 : memref<1x128xi32, #tpu.memory_space<vmem>> -> memref<128xi32, #tpu.memory_space<vmem>>
        %dma_wait3A_103 = arith.constant 0 : i32
        %dma_wait3A_104 = arith.constant 0 : i32
        %dma_wait3A_105 = tpu.memref_slice %arg12[%dma_wait3A_103, %dma_wait3A_104] : memref<10000x128xf32, #tpu.memory_space<vmem_shared>> -> memref<10000x128xf32, #tpu.memory_space<vmem_shared>>
        tpu.wait_indirect_dma semaphore(%run_scoped3A_93 : memref<!tpu.dma_semaphore, #tpu.memory_space<semaphore_mem>>) src(%arg10 : memref<128x128xf32, #tpu.memory_space<vmem>>) dst(%dma_wait3A_105 : memref<10000x128xf32, #tpu.memory_space<vmem_shared>>)
        tpu.yield
      }) : () -> ()
      %add3A_64 = arith.constant 2 : i32
      %add3A_65 = arith.addi %add3A_45, %add3A_64 : i32
      %lt3A_66 = arith.constant 80 : i32
      %lt3A_67 = arith.cmpi slt, %add3A_65, %lt3A_66 : i32
      %convert_element_type3A_68 = arith.extui %lt3A_67 : i1 to i32
      %cond3A_69 = arith.constant 0 : i32
      %cond3A_70 = arith.cmpi ne, %convert_element_type3A_68, %cond3A_69 : i32
      scf.if %cond3A_70 {
        %add3A_93 = arith.constant 2 : i32
        %add3A_94 = arith.addi %add3A_45, %add3A_93 : i32
        %dma_start3A_95 = arith.constant 0 : i32
        %dma_start3A_96 = tpu.memref_slice %arg7[%add3A_94, %dma_start3A_95] : memref<80x128xi32, #tpu.memory_space<vmem>> -> memref<1x128xi32, #tpu.memory_space<vmem>>
        %dma_start3A_97 = tpu.memref_squeeze %dma_start3A_96 : memref<1x128xi32, #tpu.memory_space<vmem>> -> memref<128xi32, #tpu.memory_space<vmem>>
        %dma_start3A_98 = arith.constant 0 : i32
        %dma_start3A_99 = arith.constant 0 : i32
        %dma_start3A_100 = tpu.memref_slice %arg2[%dma_start3A_98, %dma_start3A_99] : memref<10240x128xf32, #tpu.memory_space<hbm>> -> memref<10240x128xf32, #tpu.memory_space<hbm>>
        tpu.enqueue_indirect_dma source(%dma_start3A_100 : memref<10240x128xf32, #tpu.memory_space<hbm>>) target(%arg10 : memref<128x128xf32, #tpu.memory_space<vmem>>) offsets(%dma_start3A_97 : memref<128xi32, #tpu.memory_space<vmem>>) semaphore(%arg13 : memref<!tpu.dma_semaphore, #tpu.memory_space<semaphore_mem>>)
      } else {
      }
      %add3A_71 = arith.constant 1 : i32
      %add3A_72 = arith.addi %add3A_45, %add3A_71 : i32
      %rem3A_73 = arith.constant 16 : i32
      %rem3A_74 = arith.remsi %add3A_72, %rem3A_73 : i32
      %dma_wait3A_75 = arith.constant 0 : i32
      %dma_wait3A_76 = tpu.memref_slice %arg7[%add3A_72, %dma_wait3A_75] : memref<80x128xi32, #tpu.memory_space<vmem>> -> memref<1x128xi32, #tpu.memory_space<vmem>>
      %dma_wait3A_77 = tpu.memref_squeeze %dma_wait3A_76 : memref<1x128xi32, #tpu.memory_space<vmem>> -> memref<128xi32, #tpu.memory_space<vmem>>
      %dma_wait3A_78 = arith.constant 0 : i32
      %dma_wait3A_79 = arith.constant 0 : i32
      %dma_wait3A_80 = tpu.memref_slice %arg2[%dma_wait3A_78, %dma_wait3A_79] : memref<10240x128xf32, #tpu.memory_space<hbm>> -> memref<10240x128xf32, #tpu.memory_space<hbm>>
      tpu.wait_indirect_dma semaphore(%arg14 : memref<!tpu.dma_semaphore, #tpu.memory_space<semaphore_mem>>) src(%dma_wait3A_80 : memref<10240x128xf32, #tpu.memory_space<hbm>>) dst(%arg11 : memref<128x128xf32, #tpu.memory_space<vmem>>)
      %scan3A_81 = arith.constant 0 : i32
      %scan3A_82 = arith.constant 8 : i32
      %scan3A_83 = arith.addi %scan3A_81, %scan3A_82 : i32
      %scan3A_84 = arith.constant 1 : i32
      scf.for %scan3A_93 = %scan3A_81 to %scan3A_83 step %scan3A_84  : i32 {
        %mul3A_94 = arith.constant 1 : i32
        %mul3A_95 = arith.muli %scan3A_93, %mul3A_94 : i32
        %add3A_96 = arith.constant 0 : i32
        %add3A_97 = arith.addi %add3A_96, %mul3A_95 : i32
        %mul3A_98 = arith.constant 16 : i32
        %mul3A_99 = arith.muli %add3A_97, %mul3A_98 : i32
        %get3A = arith.index_cast %rem3A_74 : i32 to index
        %get3A_100 = arith.index_cast %mul3A_99 : i32 to index
        %get3A_101 = tpu.vector_load %arg9[%get3A, %get3A_100] {strides = array<i32>} : memref<16x128xf32, #tpu.memory_space<vmem>>, vector<1x16xf32>,
        %get3A_102 = vector.shape_cast %get3A_101 : vector<1x16xf32> to vector<16xf32>
        %broadcast_in_dim3A = arith.constant 0 : i32
        %broadcast_in_dim3A_103 = vector.broadcast %broadcast_in_dim3A : i32 to vector<16xi32>
        %lt3A_104 = arith.constant 0 : i32
        %lt3A_105 = vector.broadcast %lt3A_104 : i32 to vector<16xi32>
        %lt3A_106 = arith.cmpi slt, %broadcast_in_dim3A_103, %lt3A_105 : vector<16xi32>
        %add3A_107 = arith.constant 16 : i32
        %add3A_108 = vector.broadcast %add3A_107 : i32 to vector<16xi32>
        %add3A_109 = arith.addi %broadcast_in_dim3A_103, %add3A_108 : vector<16xi32>
        %select_n3A = arith.select %lt3A_106, %add3A_109, %broadcast_in_dim3A_103 : vector<16xi1>, vector<16xi32>
        %reshape3A = vector.shape_cast %select_n3A : vector<16xi32> to vector<16x1xi32>
        %gather3A = vector.shape_cast %reshape3A : vector<16x1xi32> to vector<16xi32>
        %gather3A_110 = tpu.dynamic_gather %get3A_102[%gather3A] in [0] : vector<16xf32>, vector<16xi32> -> vector<16xf32>
        %mul3A_111 = arith.constant 16 : i32
        %mul3A_112 = arith.muli %add3A_97, %mul3A_111 : i32
        %add3A_113 = arith.constant 0 : i32
        %add3A_114 = arith.addi %mul3A_112, %add3A_113 : i32
        %get3A_115 = arith.index_cast %add3A_114 : i32 to index
        %get3A_116 = arith.constant 0 : index
        %get3A_117 = tpu.vector_load %arg11[%get3A_115, %get3A_116] {strides = array<i32>} : memref<128x128xf32, #tpu.memory_space<vmem>>, vector<1x16xf32>,
        %get3A_118 = vector.shape_cast %get3A_117 : vector<1x16xf32> to vector<16xf32>
        %mul3A_119 = arith.mulf %get3A_118, %gather3A_110 : vector<16xf32>
        %swap3A = arith.index_cast %add3A_114 : i32 to index
        %swap3A_120 = arith.constant 0 : index
        %swap3A_121 = tpu.vector_load %arg11[%swap3A, %swap3A_120] {strides = array<i32>} : memref<128x128xf32, #tpu.memory_space<vmem>>, vector<1x16xf32>,
        %swap3A_122 = vector.shape_cast %swap3A_121 : vector<1x16xf32> to vector<16xf32>
        %swap3A_123 = vector.shape_cast %mul3A_119 : vector<16xf32> to vector<1x16xf32>
        tpu.vector_store %arg11[%swap3A, %swap3A_120], %swap3A_123 {strides = array<i32>} : memref<128x128xf32, #tpu.memory_space<vmem>>, vector<1x16xf32>,
        %get3A_124 = arith.index_cast %add3A_114 : i32 to index
        %get3A_125 = arith.constant 16 : index
        %get3A_126 = tpu.vector_load %arg11[%get3A_124, %get3A_125] {strides = array<i32>} : memref<128x128xf32, #tpu.memory_space<vmem>>, vector<1x16xf32>,
        %get3A_127 = vector.shape_cast %get3A_126 : vector<1x16xf32> to vector<16xf32>
        %mul3A_128 = arith.mulf %get3A_127, %gather3A_110 : vector<16xf32>
        %swap3A_129 = arith.index_cast %add3A_114 : i32 to index
        %swap3A_130 = arith.constant 16 : index
        %swap3A_131 = tpu.vector_load %arg11[%swap3A_129, %swap3A_130] {strides = array<i32>} : memref<128x128xf32, #tpu.memory_space<vmem>>, vector<1x16xf32>,
        %swap3A_132 = vector.shape_cast %swap3A_131 : vector<1x16xf32> to vector<16xf32>
        %swap3A_133 = vector.shape_cast %mul3A_128 : vector<16xf32> to vector<1x16xf32>
        tpu.vector_store %arg11[%swap3A_129, %swap3A_130], %swap3A_133 {strides = array<i32>} : memref<128x128xf32, #tpu.memory_space<vmem>>, vector<1x16xf32>,
        %get3A_134 = arith.index_cast %add3A_114 : i32 to index
        %get3A_135 = arith.constant 32 : index
        %get3A_136 = tpu.vector_load %arg11[%get3A_134, %get3A_135] {strides = array<i32>} : memref<128x128xf32, #tpu.memory_space<vmem>>, vector<1x16xf32>,
        %get3A_137 = vector.shape_cast %get3A_136 : vector<1x16xf32> to vector<16xf32>
        %mul3A_138 = arith.mulf %get3A_137, %gather3A_110 : vector<16xf32>
        %swap3A_139 = arith.index_cast %add3A_114 : i32 to index
        %swap3A_140 = arith.constant 32 : index
        %swap3A_141 = tpu.vector_load %arg11[%swap3A_139, %swap3A_140] {strides = array<i32>} : memref<128x128xf32, #tpu.memory_space<vmem>>, vector<1x16xf32>,
        %swap3A_142 = vector.shape_cast %swap3A_141 : vector<1x16xf32> to vector<16xf32>
        %swap3A_143 = vector.shape_cast %mul3A_138 : vector<16xf32> to vector<1x16xf32>
        tpu.vector_store %arg11[%swap3A_139, %swap3A_140], %swap3A_143 {strides = array<i32>} : memref<128x128xf32, #tpu.memory_space<vmem>>, vector<1x16xf32>,
        %get3A_144 = arith.index_cast %add3A_114 : i32 to index
        %get3A_145 = arith.constant 48 : index
        %get3A_146 = tpu.vector_load %arg11[%get3A_144, %get3A_145] {strides = array<i32>} : memref<128x128xf32, #tpu.memory_space<vmem>>, vector<1x16xf32>,
        %get3A_147 = vector.shape_cast %get3A_146 : vector<1x16xf32> to vector<16xf32>
        %mul3A_148 = arith.mulf %get3A_147, %gather3A_110 : vector<16xf32>
        %swap3A_149 = arith.index_cast %add3A_114 : i32 to index
        %swap3A_150 = arith.constant 48 : index
        %swap3A_151 = tpu.vector_load %arg11[%swap3A_149, %swap3A_150] {strides = array<i32>} : memref<128x128xf32, #tpu.memory_space<vmem>>, vector<1x16xf32>,
        %swap3A_152 = vector.shape_cast %swap3A_151 : vector<1x16xf32> to vector<16xf32>
        %swap3A_153 = vector.shape_cast %mul3A_148 : vector<16xf32> to vector<1x16xf32>
        tpu.vector_store %arg11[%swap3A_149, %swap3A_150], %swap3A_153 {strides = array<i32>} : memref<128x128xf32, #tpu.memory_space<vmem>>, vector<1x16xf32>,
        %get3A_154 = arith.index_cast %add3A_114 : i32 to index
        %get3A_155 = arith.constant 64 : index
        %get3A_156 = tpu.vector_load %arg11[%get3A_154, %get3A_155] {strides = array<i32>} : memref<128x128xf32, #tpu.memory_space<vmem>>, vector<1x16xf32>,
        %get3A_157 = vector.shape_cast %get3A_156 : vector<1x16xf32> to vector<16xf32>
        %mul3A_158 = arith.mulf %get3A_157, %gather3A_110 : vector<16xf32>
        %swap3A_159 = arith.index_cast %add3A_114 : i32 to index
        %swap3A_160 = arith.constant 64 : index
        %swap3A_161 = tpu.vector_load %arg11[%swap3A_159, %swap3A_160] {strides = array<i32>} : memref<128x128xf32, #tpu.memory_space<vmem>>, vector<1x16xf32>,
        %swap3A_162 = vector.shape_cast %swap3A_161 : vector<1x16xf32> to vector<16xf32>
        %swap3A_163 = vector.shape_cast %mul3A_158 : vector<16xf32> to vector<1x16xf32>
        tpu.vector_store %arg11[%swap3A_159, %swap3A_160], %swap3A_163 {strides = array<i32>} : memref<128x128xf32, #tpu.memory_space<vmem>>, vector<1x16xf32>,
        %get3A_164 = arith.index_cast %add3A_114 : i32 to index
        %get3A_165 = arith.constant 80 : index
        %get3A_166 = tpu.vector_load %arg11[%get3A_164, %get3A_165] {strides = array<i32>} : memref<128x128xf32, #tpu.memory_space<vmem>>, vector<1x16xf32>,
        %get3A_167 = vector.shape_cast %get3A_166 : vector<1x16xf32> to vector<16xf32>
        %mul3A_168 = arith.mulf %get3A_167, %gather3A_110 : vector<16xf32>
        %swap3A_169 = arith.index_cast %add3A_114 : i32 to index
        %swap3A_170 = arith.constant 80 : index
        %swap3A_171 = tpu.vector_load %arg11[%swap3A_169, %swap3A_170] {strides = array<i32>} : memref<128x128xf32, #tpu.memory_space<vmem>>, vector<1x16xf32>,
        %swap3A_172 = vector.shape_cast %swap3A_171 : vector<1x16xf32> to vector<16xf32>
        %swap3A_173 = vector.shape_cast %mul3A_168 : vector<16xf32> to vector<1x16xf32>
        tpu.vector_store %arg11[%swap3A_169, %swap3A_170], %swap3A_173 {strides = array<i32>} : memref<128x128xf32, #tpu.memory_space<vmem>>, vector<1x16xf32>,
        %get3A_174 = arith.index_cast %add3A_114 : i32 to index
        %get3A_175 = arith.constant 96 : index
        %get3A_176 = tpu.vector_load %arg11[%get3A_174, %get3A_175] {strides = array<i32>} : memref<128x128xf32, #tpu.memory_space<vmem>>, vector<1x16xf32>,
        %get3A_177 = vector.shape_cast %get3A_176 : vector<1x16xf32> to vector<16xf32>
        %mul3A_178 = arith.mulf %get3A_177, %gather3A_110 : vector<16xf32>
        %swap3A_179 = arith.index_cast %add3A_114 : i32 to index
        %swap3A_180 = arith.constant 96 : index
        %swap3A_181 = tpu.vector_load %arg11[%swap3A_179, %swap3A_180] {strides = array<i32>} : memref<128x128xf32, #tpu.memory_space<vmem>>, vector<1x16xf32>,
        %swap3A_182 = vector.shape_cast %swap3A_181 : vector<1x16xf32> to vector<16xf32>
        %swap3A_183 = vector.shape_cast %mul3A_178 : vector<16xf32> to vector<1x16xf32>
        tpu.vector_store %arg11[%swap3A_179, %swap3A_180], %swap3A_183 {strides = array<i32>} : memref<128x128xf32, #tpu.memory_space<vmem>>, vector<1x16xf32>,
        %get3A_184 = arith.index_cast %add3A_114 : i32 to index
        %get3A_185 = arith.constant 112 : index
        %get3A_186 = tpu.vector_load %arg11[%get3A_184, %get3A_185] {strides = array<i32>} : memref<128x128xf32, #tpu.memory_space<vmem>>, vector<1x16xf32>,
        %get3A_187 = vector.shape_cast %get3A_186 : vector<1x16xf32> to vector<16xf32>
        %mul3A_188 = arith.mulf %get3A_187, %gather3A_110 : vector<16xf32>
        %swap3A_189 = arith.index_cast %add3A_114 : i32 to index
        %swap3A_190 = arith.constant 112 : index
        %swap3A_191 = tpu.vector_load %arg11[%swap3A_189, %swap3A_190] {strides = array<i32>} : memref<128x128xf32, #tpu.memory_space<vmem>>, vector<1x16xf32>,
        %swap3A_192 = vector.shape_cast %swap3A_191 : vector<1x16xf32> to vector<16xf32>
        %swap3A_193 = vector.shape_cast %mul3A_188 : vector<16xf32> to vector<1x16xf32>
        tpu.vector_store %arg11[%swap3A_189, %swap3A_190], %swap3A_193 {strides = array<i32>} : memref<128x128xf32, #tpu.memory_space<vmem>>, vector<1x16xf32>,
        %broadcast_in_dim3A_194 = arith.constant 1 : i32
        %broadcast_in_dim3A_195 = vector.broadcast %broadcast_in_dim3A_194 : i32 to vector<16xi32>
        %lt3A_196 = arith.constant 0 : i32
        %lt3A_197 = vector.broadcast %lt3A_196 : i32 to vector<16xi32>
        %lt3A_198 = arith.cmpi slt, %broadcast_in_dim3A_195, %lt3A_197 : vector<16xi32>
        %add3A_199 = arith.constant 16 : i32
        %add3A_200 = vector.broadcast %add3A_199 : i32 to vector<16xi32>
        %add3A_201 = arith.addi %broadcast_in_dim3A_195, %add3A_200 : vector<16xi32>
        %select_n3A_202 = arith.select %lt3A_198, %add3A_201, %broadcast_in_dim3A_195 : vector<16xi1>, vector<16xi32>
        %reshape3A_203 = vector.shape_cast %select_n3A_202 : vector<16xi32> to vector<16x1xi32>
        %gather3A_204 = vector.shape_cast %reshape3A_203 : vector<16x1xi32> to vector<16xi32>
        %gather3A_205 = tpu.dynamic_gather %get3A_102[%gather3A_204] in [0] : vector<16xf32>, vector<16xi32> -> vector<16xf32>
        %mul3A_206 = arith.constant 16 : i32
        %mul3A_207 = arith.muli %add3A_97, %mul3A_206 : i32
        %add3A_208 = arith.constant 1 : i32
        %add3A_209 = arith.addi %mul3A_207, %add3A_208 : i32
        %get3A_210 = arith.index_cast %add3A_209 : i32 to index
        %get3A_211 = arith.constant 0 : index
        %get3A_212 = tpu.vector_load %arg11[%get3A_210, %get3A_211] {strides = array<i32>} : memref<128x128xf32, #tpu.memory_space<vmem>>, vector<1x16xf32>,
        %get3A_213 = vector.shape_cast %get3A_212 : vector<1x16xf32> to vector<16xf32>
        %mul3A_214 = arith.mulf %get3A_213, %gather3A_205 : vector<16xf32>
        %swap3A_215 = arith.index_cast %add3A_209 : i32 to index
        %swap3A_216 = arith.constant 0 : index
        %swap3A_217 = tpu.vector_load %arg11[%swap3A_215, %swap3A_216] {strides = array<i32>} : memref<128x128xf32, #tpu.memory_space<vmem>>, vector<1x16xf32>,
        %swap3A_218 = vector.shape_cast %swap3A_217 : vector<1x16xf32> to vector<16xf32>
        %swap3A_219 = vector.shape_cast %mul3A_214 : vector<16xf32> to vector<1x16xf32>
        tpu.vector_store %arg11[%swap3A_215, %swap3A_216], %swap3A_219 {strides = array<i32>} : memref<128x128xf32, #tpu.memory_space<vmem>>, vector<1x16xf32>,
        %get3A_220 = arith.index_cast %add3A_209 : i32 to index
        %get3A_221 = arith.constant 16 : index
        %get3A_222 = tpu.vector_load %arg11[%get3A_220, %get3A_221] {strides = array<i32>} : memref<128x128xf32, #tpu.memory_space<vmem>>, vector<1x16xf32>,
        %get3A_223 = vector.shape_cast %get3A_222 : vector<1x16xf32> to vector<16xf32>
        %mul3A_224 = arith.mulf %get3A_223, %gather3A_205 : vector<16xf32>
        %swap3A_225 = arith.index_cast %add3A_209 : i32 to index
        %swap3A_226 = arith.constant 16 : index
        %swap3A_227 = tpu.vector_load %arg11[%swap3A_225, %swap3A_226] {strides = array<i32>} : memref<128x128xf32, #tpu.memory_space<vmem>>, vector<1x16xf32>,
        %swap3A_228 = vector.shape_cast %swap3A_227 : vector<1x16xf32> to vector<16xf32>
        %swap3A_229 = vector.shape_cast %mul3A_224 : vector<16xf32> to vector<1x16xf32>
        tpu.vector_store %arg11[%swap3A_225, %swap3A_226], %swap3A_229 {strides = array<i32>} : memref<128x128xf32, #tpu.memory_space<vmem>>, vector<1x16xf32>,
        %get3A_230 = arith.index_cast %add3A_209 : i32 to index
        %get3A_231 = arith.constant 32 : index
        %get3A_232 = tpu.vector_load %arg11[%get3A_230, %get3A_231] {strides = array<i32>} : memref<128x128xf32, #tpu.memory_space<vmem>>, vector<1x16xf32>,
        %get3A_233 = vector.shape_cast %get3A_232 : vector<1x16xf32> to vector<16xf32>
        %mul3A_234 = arith.mulf %get3A_233, %gather3A_205 : vector<16xf32>
        %swap3A_235 = arith.index_cast %add3A_209 : i32 to index
        %swap3A_236 = arith.constant 32 : index
        %swap3A_237 = tpu.vector_load %arg11[%swap3A_235, %swap3A_236] {strides = array<i32>} : memref<128x128xf32, #tpu.memory_space<vmem>>, vector<1x16xf32>,
        %swap3A_238 = vector.shape_cast %swap3A_237 : vector<1x16xf32> to vector<16xf32>
        %swap3A_239 = vector.shape_cast %mul3A_234 : vector<16xf32> to vector<1x16xf32>
        tpu.vector_store %arg11[%swap3A_235, %swap3A_236], %swap3A_239 {strides = array<i32>} : memref<128x128xf32, #tpu.memory_space<vmem>>, vector<1x16xf32>,
        %get3A_240 = arith.index_cast %add3A_209 : i32 to index
        %get3A_241 = arith.constant 48 : index
        %get3A_242 = tpu.vector_load %arg11[%get3A_240, %get3A_241] {strides = array<i32>} : memref<128x128xf32, #tpu.memory_space<vmem>>, vector<1x16xf32>,
        %get3A_243 = vector.shape_cast %get3A_242 : vector<1x16xf32> to vector<16xf32>
        %mul3A_244 = arith.mulf %get3A_243, %gather3A_205 : vector<16xf32>
        %swap3A_245 = arith.index_cast %add3A_209 : i32 to index
        %swap3A_246 = arith.constant 48 : index
        %swap3A_247 = tpu.vector_load %arg11[%swap3A_245, %swap3A_246] {strides = array<i32>} : memref<128x128xf32, #tpu.memory_space<vmem>>, vector<1x16xf32>,
        %swap3A_248 = vector.shape_cast %swap3A_247 : vector<1x16xf32> to vector<16xf32>
        %swap3A_249 = vector.shape_cast %mul3A_244 : vector<16xf32> to vector<1x16xf32>
        tpu.vector_store %arg11[%swap3A_245, %swap3A_246], %swap3A_249 {strides = array<i32>} : memref<128x128xf32, #tpu.memory_space<vmem>>, vector<1x16xf32>,
        %get3A_250 = arith.index_cast %add3A_209 : i32 to index
        %get3A_251 = arith.constant 64 : index
        %get3A_252 = tpu.vector_load %arg11[%get3A_250, %get3A_251] {strides = array<i32>} : memref<128x128xf32, #tpu.memory_space<vmem>>, vector<1x16xf32>,
        %get3A_253 = vector.shape_cast %get3A_252 : vector<1x16xf32> to vector<16xf32>
        %mul3A_254 = arith.mulf %get3A_253, %gather3A_205 : vector<16xf32>
        %swap3A_255 = arith.index_cast %add3A_209 : i32 to index
        %swap3A_256 = arith.constant 64 : index
        %swap3A_257 = tpu.vector_load %arg11[%swap3A_255, %swap3A_256] {strides = array<i32>} : memref<128x128xf32, #tpu.memory_space<vmem>>, vector<1x16xf32>,
        %swap3A_258 = vector.shape_cast %swap3A_257 : vector<1x16xf32> to vector<16xf32>
        %swap3A_259 = vector.shape_cast %mul3A_254 : vector<16xf32> to vector<1x16xf32>
        tpu.vector_store %arg11[%swap3A_255, %swap3A_256], %swap3A_259 {strides = array<i32>} : memref<128x128xf32, #tpu.memory_space<vmem>>, vector<1x16xf32>,
        %get3A_260 = arith.index_cast %add3A_209 : i32 to index
        %get3A_261 = arith.constant 80 : index
        %get3A_262 = tpu.vector_load %arg11[%get3A_260, %get3A_261] {strides = array<i32>} : memref<128x128xf32, #tpu.memory_space<vmem>>, vector<1x16xf32>,
        %get3A_263 = vector.shape_cast %get3A_262 : vector<1x16xf32> to vector<16xf32>
        %mul3A_264 = arith.mulf %get3A_263, %gather3A_205 : vector<16xf32>
        %swap3A_265 = arith.index_cast %add3A_209 : i32 to index
        %swap3A_266 = arith.constant 80 : index
        %swap3A_267 = tpu.vector_load %arg11[%swap3A_265, %swap3A_266] {strides = array<i32>} : memref<128x128xf32, #tpu.memory_space<vmem>>, vector<1x16xf32>,
        %swap3A_268 = vector.shape_cast %swap3A_267 : vector<1x16xf32> to vector<16xf32>
        %swap3A_269 = vector.shape_cast %mul3A_264 : vector<16xf32> to vector<1x16xf32>
        tpu.vector_store %arg11[%swap3A_265, %swap3A_266], %swap3A_269 {strides = array<i32>} : memref<128x128xf32, #tpu.memory_space<vmem>>, vector<1x16xf32>,
        %get3A_270 = arith.index_cast %add3A_209 : i32 to index
        %get3A_271 = arith.constant 96 : index
        %get3A_272 = tpu.vector_load %arg11[%get3A_270, %get3A_271] {strides = array<i32>} : memref<128x128xf32, #tpu.memory_space<vmem>>, vector<1x16xf32>,
        %get3A_273 = vector.shape_cast %get3A_272 : vector<1x16xf32> to vector<16xf32>
        %mul3A_274 = arith.mulf %get3A_273, %gather3A_205 : vector<16xf32>
        %swap3A_275 = arith.index_cast %add3A_209 : i32 to index
        %swap3A_276 = arith.constant 96 : index
        %swap3A_277 = tpu.vector_load %arg11[%swap3A_275, %swap3A_276] {strides = array<i32>} : memref<128x128xf32, #tpu.memory_space<vmem>>, vector<1x16xf32>,
        %swap3A_278 = vector.shape_cast %swap3A_277 : vector<1x16xf32> to vector<16xf32>
        %swap3A_279 = vector.shape_cast %mul3A_274 : vector<16xf32> to vector<1x16xf32>
        tpu.vector_store %arg11[%swap3A_275, %swap3A_276], %swap3A_279 {strides = array<i32>} : memref<128x128xf32, #tpu.memory_space<vmem>>, vector<1x16xf32>,
        %get3A_280 = arith.index_cast %add3A_209 : i32 to index
        %get3A_281 = arith.constant 112 : index
        %get3A_282 = tpu.vector_load %arg11[%get3A_280, %get3A_281] {strides = array<i32>} : memref<128x128xf32, #tpu.memory_space<vmem>>, vector<1x16xf32>,
        %get3A_283 = vector.shape_cast %get3A_282 : vector<1x16xf32> to vector<16xf32>
        %mul3A_284 = arith.mulf %get3A_283, %gather3A_205 : vector<16xf32>
        %swap3A_285 = arith.index_cast %add3A_209 : i32 to index
        %swap3A_286 = arith.constant 112 : index
        %swap3A_287 = tpu.vector_load %arg11[%swap3A_285, %swap3A_286] {strides = array<i32>} : memref<128x128xf32, #tpu.memory_space<vmem>>, vector<1x16xf32>,
        %swap3A_288 = vector.shape_cast %swap3A_287 : vector<1x16xf32> to vector<16xf32>
        %swap3A_289 = vector.shape_cast %mul3A_284 : vector<16xf32> to vector<1x16xf32>
        tpu.vector_store %arg11[%swap3A_285, %swap3A_286], %swap3A_289 {strides = array<i32>} : memref<128x128xf32, #tpu.memory_space<vmem>>, vector<1x16xf32>,
        %broadcast_in_dim3A_290 = arith.constant 2 : i32
        %broadcast_in_dim3A_291 = vector.broadcast %broadcast_in_dim3A_290 : i32 to vector<16xi32>
        %lt3A_292 = arith.constant 0 : i32
        %lt3A_293 = vector.broadcast %lt3A_292 : i32 to vector<16xi32>
        %lt3A_294 = arith.cmpi slt, %broadcast_in_dim3A_291, %lt3A_293 : vector<16xi32>
        %add3A_295 = arith.constant 16 : i32
        %add3A_296 = vector.broadcast %add3A_295 : i32 to vector<16xi32>
        %add3A_297 = arith.addi %broadcast_in_dim3A_291, %add3A_296 : vector<16xi32>
        %select_n3A_298 = arith.select %lt3A_294, %add3A_297, %broadcast_in_dim3A_291 : vector<16xi1>, vector<16xi32>
        %reshape3A_299 = vector.shape_cast %select_n3A_298 : vector<16xi32> to vector<16x1xi32>
        %gather3A_300 = vector.shape_cast %reshape3A_299 : vector<16x1xi32> to vector<16xi32>
        %gather3A_301 = tpu.dynamic_gather %get3A_102[%gather3A_300] in [0] : vector<16xf32>, vector<16xi32> -> vector<16xf32>
        %mul3A_302 = arith.constant 16 : i32
        %mul3A_303 = arith.muli %add3A_97, %mul3A_302 : i32
        %add3A_304 = arith.constant 2 : i32
        %add3A_305 = arith.addi %mul3A_303, %add3A_304 : i32
        %get3A_306 = arith.index_cast %add3A_305 : i32 to index
        %get3A_307 = arith.constant 0 : index
        %get3A_308 = tpu.vector_load %arg11[%get3A_306, %get3A_307] {strides = array<i32>} : memref<128x128xf32, #tpu.memory_space<vmem>>, vector<1x16xf32>,
        %get3A_309 = vector.shape_cast %get3A_308 : vector<1x16xf32> to vector<16xf32>
        %mul3A_310 = arith.mulf %get3A_309, %gather3A_301 : vector<16xf32>
        %swap3A_311 = arith.index_cast %add3A_305 : i32 to index
        %swap3A_312 = arith.constant 0 : index
        %swap3A_313 = tpu.vector_load %arg11[%swap3A_311, %swap3A_312] {strides = array<i32>} : memref<128x128xf32, #tpu.memory_space<vmem>>, vector<1x16xf32>,
        %swap3A_314 = vector.shape_cast %swap3A_313 : vector<1x16xf32> to vector<16xf32>
        %swap3A_315 = vector.shape_cast %mul3A_310 : vector<16xf32> to vector<1x16xf32>
        tpu.vector_store %arg11[%swap3A_311, %swap3A_312], %swap3A_315 {strides = array<i32>} : memref<128x128xf32, #tpu.memory_space<vmem>>, vector<1x16xf32>,
        %get3A_316 = arith.index_cast %add3A_305 : i32 to index
        %get3A_317 = arith.constant 16 : index
        %get3A_318 = tpu.vector_load %arg11[%get3A_316, %get3A_317] {strides = array<i32>} : memref<128x128xf32, #tpu.memory_space<vmem>>, vector<1x16xf32>,
        %get3A_319 = vector.shape_cast %get3A_318 : vector<1x16xf32> to vector<16xf32>
        %mul3A_320 = arith.mulf %get3A_319, %gather3A_301 : vector<16xf32>
        %swap3A_321 = arith.index_cast %add3A_305 : i32 to index
        %swap3A_322 = arith.constant 16 : index
        %swap3A_323 = tpu.vector_load %arg11[%swap3A_321, %swap3A_322] {strides = array<i32>} : memref<128x128xf32, #tpu.memory_space<vmem>>, vector<1x16xf32>,
        %swap3A_324 = vector.shape_cast %swap3A_323 : vector<1x16xf32> to vector<16xf32>
        %swap3A_325 = vector.shape_cast %mul3A_320 : vector<16xf32> to vector<1x16xf32>
        tpu.vector_store %arg11[%swap3A_321, %swap3A_322], %swap3A_325 {strides = array<i32>} : memref<128x128xf32, #tpu.memory_space<vmem>>, vector<1x16xf32>,
        %get3A_326 = arith.index_cast %add3A_305 : i32 to index
        %get3A_327 = arith.constant 32 : index
        %get3A_328 = tpu.vector_load %arg11[%get3A_326, %get3A_327] {strides = array<i32>} : memref<128x128xf32, #tpu.memory_space<vmem>>, vector<1x16xf32>,
        %get3A_329 = vector.shape_cast %get3A_328 : vector<1x16xf32> to vector<16xf32>
        %mul3A_330 = arith.mulf %get3A_329, %gather3A_301 : vector<16xf32>
        %swap3A_331 = arith.index_cast %add3A_305 : i32 to index
        %swap3A_332 = arith.constant 32 : index
        %swap3A_333 = tpu.vector_load %arg11[%swap3A_331, %swap3A_332] {strides = array<i32>} : memref<128x128xf32, #tpu.memory_space<vmem>>, vector<1x16xf32>,
        %swap3A_334 = vector.shape_cast %swap3A_333 : vector<1x16xf32> to vector<16xf32>
        %swap3A_335 = vector.shape_cast %mul3A_330 : vector<16xf32> to vector<1x16xf32>
        tpu.vector_store %arg11[%swap3A_331, %swap3A_332], %swap3A_335 {strides = array<i32>} : memref<128x128xf32, #tpu.memory_space<vmem>>, vector<1x16xf32>,
        %get3A_336 = arith.index_cast %add3A_305 : i32 to index
        %get3A_337 = arith.constant 48 : index
        %get3A_338 = tpu.vector_load %arg11[%get3A_336, %get3A_337] {strides = array<i32>} : memref<128x128xf32, #tpu.memory_space<vmem>>, vector<1x16xf32>,
        %get3A_339 = vector.shape_cast %get3A_338 : vector<1x16xf32> to vector<16xf32>
        %mul3A_340 = arith.mulf %get3A_339, %gather3A_301 : vector<16xf32>
        %swap3A_341 = arith.index_cast %add3A_305 : i32 to index
        %swap3A_342 = arith.constant 48 : index
        %swap3A_343 = tpu.vector_load %arg11[%swap3A_341, %swap3A_342] {strides = array<i32>} : memref<128x128xf32, #tpu.memory_space<vmem>>, vector<1x16xf32>,
        %swap3A_344 = vector.shape_cast %swap3A_343 : vector<1x16xf32> to vector<16xf32>
        %swap3A_345 = vector.shape_cast %mul3A_340 : vector<16xf32> to vector<1x16xf32>
        tpu.vector_store %arg11[%swap3A_341, %swap3A_342], %swap3A_345 {strides = array<i32>} : memref<128x128xf32, #tpu.memory_space<vmem>>, vector<1x16xf32>,
        %get3A_346 = arith.index_cast %add3A_305 : i32 to index
        %get3A_347 = arith.constant 64 : index
        %get3A_348 = tpu.vector_load %arg11[%get3A_346, %get3A_347] {strides = array<i32>} : memref<128x128xf32, #tpu.memory_space<vmem>>, vector<1x16xf32>,
        %get3A_349 = vector.shape_cast %get3A_348 : vector<1x16xf32> to vector<16xf32>
        %mul3A_350 = arith.mulf %get3A_349, %gather3A_301 : vector<16xf32>
        %swap3A_351 = arith.index_cast %add3A_305 : i32 to index
        %swap3A_352 = arith.constant 64 : index
        %swap3A_353 = tpu.vector_load %arg11[%swap3A_351, %swap3A_352] {strides = array<i32>} : memref<128x128xf32, #tpu.memory_space<vmem>>, vector<1x16xf32>,
        %swap3A_354 = vector.shape_cast %swap3A_353 : vector<1x16xf32> to vector<16xf32>
        %swap3A_355 = vector.shape_cast %mul3A_350 : vector<16xf32> to vector<1x16xf32>
        tpu.vector_store %arg11[%swap3A_351, %swap3A_352], %swap3A_355 {strides = array<i32>} : memref<128x128xf32, #tpu.memory_space<vmem>>, vector<1x16xf32>,
        %get3A_356 = arith.index_cast %add3A_305 : i32 to index
        %get3A_357 = arith.constant 80 : index
        %get3A_358 = tpu.vector_load %arg11[%get3A_356, %get3A_357] {strides = array<i32>} : memref<128x128xf32, #tpu.memory_space<vmem>>, vector<1x16xf32>,
        %get3A_359 = vector.shape_cast %get3A_358 : vector<1x16xf32> to vector<16xf32>
        %mul3A_360 = arith.mulf %get3A_359, %gather3A_301 : vector<16xf32>
        %swap3A_361 = arith.index_cast %add3A_305 : i32 to index
        %swap3A_362 = arith.constant 80 : index
        %swap3A_363 = tpu.vector_load %arg11[%swap3A_361, %swap3A_362] {strides = array<i32>} : memref<128x128xf32, #tpu.memory_space<vmem>>, vector<1x16xf32>,
        %swap3A_364 = vector.shape_cast %swap3A_363 : vector<1x16xf32> to vector<16xf32>
        %swap3A_365 = vector.shape_cast %mul3A_360 : vector<16xf32> to vector<1x16xf32>
        tpu.vector_store %arg11[%swap3A_361, %swap3A_362], %swap3A_365 {strides = array<i32>} : memref<128x128xf32, #tpu.memory_space<vmem>>, vector<1x16xf32>,
        %get3A_366 = arith.index_cast %add3A_305 : i32 to index
        %get3A_367 = arith.constant 96 : index
        %get3A_368 = tpu.vector_load %arg11[%get3A_366, %get3A_367] {strides = array<i32>} : memref<128x128xf32, #tpu.memory_space<vmem>>, vector<1x16xf32>,
        %get3A_369 = vector.shape_cast %get3A_368 : vector<1x16xf32> to vector<16xf32>
        %mul3A_370 = arith.mulf %get3A_369, %gather3A_301 : vector<16xf32>
        %swap3A_371 = arith.index_cast %add3A_305 : i32 to index
        %swap3A_372 = arith.constant 96 : index
        %swap3A_373 = tpu.vector_load %arg11[%swap3A_371, %swap3A_372] {strides = array<i32>} : memref<128x128xf32, #tpu.memory_space<vmem>>, vector<1x16xf32>,
        %swap3A_374 = vector.shape_cast %swap3A_373 : vector<1x16xf32> to vector<16xf32>
        %swap3A_375 = vector.shape_cast %mul3A_370 : vector<16xf32> to vector<1x16xf32>
        tpu.vector_store %arg11[%swap3A_371, %swap3A_372], %swap3A_375 {strides = array<i32>} : memref<128x128xf32, #tpu.memory_space<vmem>>, vector<1x16xf32>,
        %get3A_376 = arith.index_cast %add3A_305 : i32 to index
        %get3A_377 = arith.constant 112 : index
        %get3A_378 = tpu.vector_load %arg11[%get3A_376, %get3A_377] {strides = array<i32>} : memref<128x128xf32, #tpu.memory_space<vmem>>, vector<1x16xf32>,
        %get3A_379 = vector.shape_cast %get3A_378 : vector<1x16xf32> to vector<16xf32>
        %mul3A_380 = arith.mulf %get3A_379, %gather3A_301 : vector<16xf32>
        %swap3A_381 = arith.index_cast %add3A_305 : i32 to index
        %swap3A_382 = arith.constant 112 : index
        %swap3A_383 = tpu.vector_load %arg11[%swap3A_381, %swap3A_382] {strides = array<i32>} : memref<128x128xf32, #tpu.memory_space<vmem>>, vector<1x16xf32>,
        %swap3A_384 = vector.shape_cast %swap3A_383 : vector<1x16xf32> to vector<16xf32>
        %swap3A_385 = vector.shape_cast %mul3A_380 : vector<16xf32> to vector<1x16xf32>
        tpu.vector_store %arg11[%swap3A_381, %swap3A_382], %swap3A_385 {strides = array<i32>} : memref<128x128xf32, #tpu.memory_space<vmem>>, vector<1x16xf32>,
        %broadcast_in_dim3A_386 = arith.constant 3 : i32
        %broadcast_in_dim3A_387 = vector.broadcast %broadcast_in_dim3A_386 : i32 to vector<16xi32>
        %lt3A_388 = arith.constant 0 : i32
        %lt3A_389 = vector.broadcast %lt3A_388 : i32 to vector<16xi32>
        %lt3A_390 = arith.cmpi slt, %broadcast_in_dim3A_387, %lt3A_389 : vector<16xi32>
        %add3A_391 = arith.constant 16 : i32
        %add3A_392 = vector.broadcast %add3A_391 : i32 to vector<16xi32>
        %add3A_393 = arith.addi %broadcast_in_dim3A_387, %add3A_392 : vector<16xi32>
        %select_n3A_394 = arith.select %lt3A_390, %add3A_393, %broadcast_in_dim3A_387 : vector<16xi1>, vector<16xi32>
        %reshape3A_395 = vector.shape_cast %select_n3A_394 : vector<16xi32> to vector<16x1xi32>
        %gather3A_396 = vector.shape_cast %reshape3A_395 : vector<16x1xi32> to vector<16xi32>
        %gather3A_397 = tpu.dynamic_gather %get3A_102[%gather3A_396] in [0] : vector<16xf32>, vector<16xi32> -> vector<16xf32>
        %mul3A_398 = arith.constant 16 : i32
        %mul3A_399 = arith.muli %add3A_97, %mul3A_398 : i32
        %add3A_400 = arith.constant 3 : i32
        %add3A_401 = arith.addi %mul3A_399, %add3A_400 : i32
        %get3A_402 = arith.index_cast %add3A_401 : i32 to index
        %get3A_403 = arith.constant 0 : index
        %get3A_404 = tpu.vector_load %arg11[%get3A_402, %get3A_403] {strides = array<i32>} : memref<128x128xf32, #tpu.memory_space<vmem>>, vector<1x16xf32>,
        %get3A_405 = vector.shape_cast %get3A_404 : vector<1x16xf32> to vector<16xf32>
        %mul3A_406 = arith.mulf %get3A_405, %gather3A_397 : vector<16xf32>
        %swap3A_407 = arith.index_cast %add3A_401 : i32 to index
        %swap3A_408 = arith.constant 0 : index
        %swap3A_409 = tpu.vector_load %arg11[%swap3A_407, %swap3A_408] {strides = array<i32>} : memref<128x128xf32, #tpu.memory_space<vmem>>, vector<1x16xf32>,
        %swap3A_410 = vector.shape_cast %swap3A_409 : vector<1x16xf32> to vector<16xf32>
        %swap3A_411 = vector.shape_cast %mul3A_406 : vector<16xf32> to vector<1x16xf32>
        tpu.vector_store %arg11[%swap3A_407, %swap3A_408], %swap3A_411 {strides = array<i32>} : memref<128x128xf32, #tpu.memory_space<vmem>>, vector<1x16xf32>,
        %get3A_412 = arith.index_cast %add3A_401 : i32 to index
        %get3A_413 = arith.constant 16 : index
        %get3A_414 = tpu.vector_load %arg11[%get3A_412, %get3A_413] {strides = array<i32>} : memref<128x128xf32, #tpu.memory_space<vmem>>, vector<1x16xf32>,
        %get3A_415 = vector.shape_cast %get3A_414 : vector<1x16xf32> to vector<16xf32>
        %mul3A_416 = arith.mulf %get3A_415, %gather3A_397 : vector<16xf32>
        %swap3A_417 = arith.index_cast %add3A_401 : i32 to index
        %swap3A_418 = arith.constant 16 : index
        %swap3A_419 = tpu.vector_load %arg11[%swap3A_417, %swap3A_418] {strides = array<i32>} : memref<128x128xf32, #tpu.memory_space<vmem>>, vector<1x16xf32>,
        %swap3A_420 = vector.shape_cast %swap3A_419 : vector<1x16xf32> to vector<16xf32>
        %swap3A_421 = vector.shape_cast %mul3A_416 : vector<16xf32> to vector<1x16xf32>
        tpu.vector_store %arg11[%swap3A_417, %swap3A_418], %swap3A_421 {strides = array<i32>} : memref<128x128xf32, #tpu.memory_space<vmem>>, vector<1x16xf32>,
        %get3A_422 = arith.index_cast %add3A_401 : i32 to index
        %get3A_423 = arith.constant 32 : index
        %get3A_424 = tpu.vector_load %arg11[%get3A_422, %get3A_423] {strides = array<i32>} : memref<128x128xf32, #tpu.memory_space<vmem>>, vector<1x16xf32>,
        %get3A_425 = vector.shape_cast %get3A_424 : vector<1x16xf32> to vector<16xf32>
        %mul3A_426 = arith.mulf %get3A_425, %gather3A_397 : vector<16xf32>
        %swap3A_427 = arith.index_cast %add3A_401 : i32 to index
        %swap3A_428 = arith.constant 32 : index
        %swap3A_429 = tpu.vector_load %arg11[%swap3A_427, %swap3A_428] {strides = array<i32>} : memref<128x128xf32, #tpu.memory_space<vmem>>, vector<1x16xf32>,
        %swap3A_430 = vector.shape_cast %swap3A_429 : vector<1x16xf32> to vector<16xf32>
        %swap3A_431 = vector.shape_cast %mul3A_426 : vector<16xf32> to vector<1x16xf32>
        tpu.vector_store %arg11[%swap3A_427, %swap3A_428], %swap3A_431 {strides = array<i32>} : memref<128x128xf32, #tpu.memory_space<vmem>>, vector<1x16xf32>,
        %get3A_432 = arith.index_cast %add3A_401 : i32 to index
        %get3A_433 = arith.constant 48 : index
        %get3A_434 = tpu.vector_load %arg11[%get3A_432, %get3A_433] {strides = array<i32>} : memref<128x128xf32, #tpu.memory_space<vmem>>, vector<1x16xf32>,
        %get3A_435 = vector.shape_cast %get3A_434 : vector<1x16xf32> to vector<16xf32>
        %mul3A_436 = arith.mulf %get3A_435, %gather3A_397 : vector<16xf32>
        %swap3A_437 = arith.index_cast %add3A_401 : i32 to index
        %swap3A_438 = arith.constant 48 : index
        %swap3A_439 = tpu.vector_load %arg11[%swap3A_437, %swap3A_438] {strides = array<i32>} : memref<128x128xf32, #tpu.memory_space<vmem>>, vector<1x16xf32>,
        %swap3A_440 = vector.shape_cast %swap3A_439 : vector<1x16xf32> to vector<16xf32>
        %swap3A_441 = vector.shape_cast %mul3A_436 : vector<16xf32> to vector<1x16xf32>
        tpu.vector_store %arg11[%swap3A_437, %swap3A_438], %swap3A_441 {strides = array<i32>} : memref<128x128xf32, #tpu.memory_space<vmem>>, vector<1x16xf32>,
        %get3A_442 = arith.index_cast %add3A_401 : i32 to index
        %get3A_443 = arith.constant 64 : index
        %get3A_444 = tpu.vector_load %arg11[%get3A_442, %get3A_443] {strides = array<i32>} : memref<128x128xf32, #tpu.memory_space<vmem>>, vector<1x16xf32>,
        %get3A_445 = vector.shape_cast %get3A_444 : vector<1x16xf32> to vector<16xf32>
        %mul3A_446 = arith.mulf %get3A_445, %gather3A_397 : vector<16xf32>
        %swap3A_447 = arith.index_cast %add3A_401 : i32 to index
        %swap3A_448 = arith.constant 64 : index
        %swap3A_449 = tpu.vector_load %arg11[%swap3A_447, %swap3A_448] {strides = array<i32>} : memref<128x128xf32, #tpu.memory_space<vmem>>, vector<1x16xf32>,
        %swap3A_450 = vector.shape_cast %swap3A_449 : vector<1x16xf32> to vector<16xf32>
        %swap3A_451 = vector.shape_cast %mul3A_446 : vector<16xf32> to vector<1x16xf32>
        tpu.vector_store %arg11[%swap3A_447, %swap3A_448], %swap3A_451 {strides = array<i32>} : memref<128x128xf32, #tpu.memory_space<vmem>>, vector<1x16xf32>,
        %get3A_452 = arith.index_cast %add3A_401 : i32 to index
        %get3A_453 = arith.constant 80 : index
        %get3A_454 = tpu.vector_load %arg11[%get3A_452, %get3A_453] {strides = array<i32>} : memref<128x128xf32, #tpu.memory_space<vmem>>, vector<1x16xf32>,
        %get3A_455 = vector.shape_cast %get3A_454 : vector<1x16xf32> to vector<16xf32>
        %mul3A_456 = arith.mulf %get3A_455, %gather3A_397 : vector<16xf32>
        %swap3A_457 = arith.index_cast %add3A_401 : i32 to index
        %swap3A_458 = arith.constant 80 : index
        %swap3A_459 = tpu.vector_load %arg11[%swap3A_457, %swap3A_458] {strides = array<i32>} : memref<128x128xf32, #tpu.memory_space<vmem>>, vector<1x16xf32>,
        %swap3A_460 = vector.shape_cast %swap3A_459 : vector<1x16xf32> to vector<16xf32>
        %swap3A_461 = vector.shape_cast %mul3A_456 : vector<16xf32> to vector<1x16xf32>
        tpu.vector_store %arg11[%swap3A_457, %swap3A_458], %swap3A_461 {strides = array<i32>} : memref<128x128xf32, #tpu.memory_space<vmem>>, vector<1x16xf32>,
        %get3A_462 = arith.index_cast %add3A_401 : i32 to index
        %get3A_463 = arith.constant 96 : index
        %get3A_464 = tpu.vector_load %arg11[%get3A_462, %get3A_463] {strides = array<i32>} : memref<128x128xf32, #tpu.memory_space<vmem>>, vector<1x16xf32>,
        %get3A_465 = vector.shape_cast %get3A_464 : vector<1x16xf32> to vector<16xf32>
        %mul3A_466 = arith.mulf %get3A_465, %gather3A_397 : vector<16xf32>
        %swap3A_467 = arith.index_cast %add3A_401 : i32 to index
        %swap3A_468 = arith.constant 96 : index
        %swap3A_469 = tpu.vector_load %arg11[%swap3A_467, %swap3A_468] {strides = array<i32>} : memref<128x128xf32, #tpu.memory_space<vmem>>, vector<1x16xf32>,
        %swap3A_470 = vector.shape_cast %swap3A_469 : vector<1x16xf32> to vector<16xf32>
        %swap3A_471 = vector.shape_cast %mul3A_466 : vector<16xf32> to vector<1x16xf32>
        tpu.vector_store %arg11[%swap3A_467, %swap3A_468], %swap3A_471 {strides = array<i32>} : memref<128x128xf32, #tpu.memory_space<vmem>>, vector<1x16xf32>,
        %get3A_472 = arith.index_cast %add3A_401 : i32 to index
        %get3A_473 = arith.constant 112 : index
        %get3A_474 = tpu.vector_load %arg11[%get3A_472, %get3A_473] {strides = array<i32>} : memref<128x128xf32, #tpu.memory_space<vmem>>, vector<1x16xf32>,
        %get3A_475 = vector.shape_cast %get3A_474 : vector<1x16xf32> to vector<16xf32>
        %mul3A_476 = arith.mulf %get3A_475, %gather3A_397 : vector<16xf32>
        %swap3A_477 = arith.index_cast %add3A_401 : i32 to index
        %swap3A_478 = arith.constant 112 : index
        %swap3A_479 = tpu.vector_load %arg11[%swap3A_477, %swap3A_478] {strides = array<i32>} : memref<128x128xf32, #tpu.memory_space<vmem>>, vector<1x16xf32>,
        %swap3A_480 = vector.shape_cast %swap3A_479 : vector<1x16xf32> to vector<16xf32>
        %swap3A_481 = vector.shape_cast %mul3A_476 : vector<16xf32> to vector<1x16xf32>
        tpu.vector_store %arg11[%swap3A_477, %swap3A_478], %swap3A_481 {strides = array<i32>} : memref<128x128xf32, #tpu.memory_space<vmem>>, vector<1x16xf32>,
        %broadcast_in_dim3A_482 = arith.constant 4 : i32
        %broadcast_in_dim3A_483 = vector.broadcast %broadcast_in_dim3A_482 : i32 to vector<16xi32>
        %lt3A_484 = arith.constant 0 : i32
        %lt3A_485 = vector.broadcast %lt3A_484 : i32 to vector<16xi32>
        %lt3A_486 = arith.cmpi slt, %broadcast_in_dim3A_483, %lt3A_485 : vector<16xi32>
        %add3A_487 = arith.constant 16 : i32
        %add3A_488 = vector.broadcast %add3A_487 : i32 to vector<16xi32>
        %add3A_489 = arith.addi %broadcast_in_dim3A_483, %add3A_488 : vector<16xi32>
        %select_n3A_490 = arith.select %lt3A_486, %add3A_489, %broadcast_in_dim3A_483 : vector<16xi1>, vector<16xi32>
        %reshape3A_491 = vector.shape_cast %select_n3A_490 : vector<16xi32> to vector<16x1xi32>
        %gather3A_492 = vector.shape_cast %reshape3A_491 : vector<16x1xi32> to vector<16xi32>
        %gather3A_493 = tpu.dynamic_gather %get3A_102[%gather3A_492] in [0] : vector<16xf32>, vector<16xi32> -> vector<16xf32>
        %mul3A_494 = arith.constant 16 : i32
        %mul3A_495 = arith.muli %add3A_97, %mul3A_494 : i32
        %add3A_496 = arith.constant 4 : i32
        %add3A_497 = arith.addi %mul3A_495, %add3A_496 : i32
        %get3A_498 = arith.index_cast %add3A_497 : i32 to index
        %get3A_499 = arith.constant 0 : index
        %get3A_500 = tpu.vector_load %arg11[%get3A_498, %get3A_499] {strides = array<i32>} : memref<128x128xf32, #tpu.memory_space<vmem>>, vector<1x16xf32>,
        %get3A_501 = vector.shape_cast %get3A_500 : vector<1x16xf32> to vector<16xf32>
        %mul3A_502 = arith.mulf %get3A_501, %gather3A_493 : vector<16xf32>
        %swap3A_503 = arith.index_cast %add3A_497 : i32 to index
        %swap3A_504 = arith.constant 0 : index
        %swap3A_505 = tpu.vector_load %arg11[%swap3A_503, %swap3A_504] {strides = array<i32>} : memref<128x128xf32, #tpu.memory_space<vmem>>, vector<1x16xf32>,
        %swap3A_506 = vector.shape_cast %swap3A_505 : vector<1x16xf32> to vector<16xf32>
        %swap3A_507 = vector.shape_cast %mul3A_502 : vector<16xf32> to vector<1x16xf32>
        tpu.vector_store %arg11[%swap3A_503, %swap3A_504], %swap3A_507 {strides = array<i32>} : memref<128x128xf32, #tpu.memory_space<vmem>>, vector<1x16xf32>,
        %get3A_508 = arith.index_cast %add3A_497 : i32 to index
        %get3A_509 = arith.constant 16 : index
        %get3A_510 = tpu.vector_load %arg11[%get3A_508, %get3A_509] {strides = array<i32>} : memref<128x128xf32, #tpu.memory_space<vmem>>, vector<1x16xf32>,
        %get3A_511 = vector.shape_cast %get3A_510 : vector<1x16xf32> to vector<16xf32>
        %mul3A_512 = arith.mulf %get3A_511, %gather3A_493 : vector<16xf32>
        %swap3A_513 = arith.index_cast %add3A_497 : i32 to index
        %swap3A_514 = arith.constant 16 : index
        %swap3A_515 = tpu.vector_load %arg11[%swap3A_513, %swap3A_514] {strides = array<i32>} : memref<128x128xf32, #tpu.memory_space<vmem>>, vector<1x16xf32>,
        %swap3A_516 = vector.shape_cast %swap3A_515 : vector<1x16xf32> to vector<16xf32>
        %swap3A_517 = vector.shape_cast %mul3A_512 : vector<16xf32> to vector<1x16xf32>
        tpu.vector_store %arg11[%swap3A_513, %swap3A_514], %swap3A_517 {strides = array<i32>} : memref<128x128xf32, #tpu.memory_space<vmem>>, vector<1x16xf32>,
        %get3A_518 = arith.index_cast %add3A_497 : i32 to index
        %get3A_519 = arith.constant 32 : index
        %get3A_520 = tpu.vector_load %arg11[%get3A_518, %get3A_519] {strides = array<i32>} : memref<128x128xf32, #tpu.memory_space<vmem>>, vector<1x16xf32>,
        %get3A_521 = vector.shape_cast %get3A_520 : vector<1x16xf32> to vector<16xf32>
        %mul3A_522 = arith.mulf %get3A_521, %gather3A_493 : vector<16xf32>
        %swap3A_523 = arith.index_cast %add3A_497 : i32 to index
        %swap3A_524 = arith.constant 32 : index
        %swap3A_525 = tpu.vector_load %arg11[%swap3A_523, %swap3A_524] {strides = array<i32>} : memref<128x128xf32, #tpu.memory_space<vmem>>, vector<1x16xf32>,
        %swap3A_526 = vector.shape_cast %swap3A_525 : vector<1x16xf32> to vector<16xf32>
        %swap3A_527 = vector.shape_cast %mul3A_522 : vector<16xf32> to vector<1x16xf32>
        tpu.vector_store %arg11[%swap3A_523, %swap3A_524], %swap3A_527 {strides = array<i32>} : memref<128x128xf32, #tpu.memory_space<vmem>>, vector<1x16xf32>,
        %get3A_528 = arith.index_cast %add3A_497 : i32 to index
        %get3A_529 = arith.constant 48 : index
        %get3A_530 = tpu.vector_load %arg11[%get3A_528, %get3A_529] {strides = array<i32>} : memref<128x128xf32, #tpu.memory_space<vmem>>, vector<1x16xf32>,
        %get3A_531 = vector.shape_cast %get3A_530 : vector<1x16xf32> to vector<16xf32>
        %mul3A_532 = arith.mulf %get3A_531, %gather3A_493 : vector<16xf32>
        %swap3A_533 = arith.index_cast %add3A_497 : i32 to index
        %swap3A_534 = arith.constant 48 : index
        %swap3A_535 = tpu.vector_load %arg11[%swap3A_533, %swap3A_534] {strides = array<i32>} : memref<128x128xf32, #tpu.memory_space<vmem>>, vector<1x16xf32>,
        %swap3A_536 = vector.shape_cast %swap3A_535 : vector<1x16xf32> to vector<16xf32>
        %swap3A_537 = vector.shape_cast %mul3A_532 : vector<16xf32> to vector<1x16xf32>
        tpu.vector_store %arg11[%swap3A_533, %swap3A_534], %swap3A_537 {strides = array<i32>} : memref<128x128xf32, #tpu.memory_space<vmem>>, vector<1x16xf32>,
        %get3A_538 = arith.index_cast %add3A_497 : i32 to index
        %get3A_539 = arith.constant 64 : index
        %get3A_540 = tpu.vector_load %arg11[%get3A_538, %get3A_539] {strides = array<i32>} : memref<128x128xf32, #tpu.memory_space<vmem>>, vector<1x16xf32>,
        %get3A_541 = vector.shape_cast %get3A_540 : vector<1x16xf32> to vector<16xf32>
        %mul3A_542 = arith.mulf %get3A_541, %gather3A_493 : vector<16xf32>
        %swap3A_543 = arith.index_cast %add3A_497 : i32 to index
        %swap3A_544 = arith.constant 64 : index
        %swap3A_545 = tpu.vector_load %arg11[%swap3A_543, %swap3A_544] {strides = array<i32>} : memref<128x128xf32, #tpu.memory_space<vmem>>, vector<1x16xf32>,
        %swap3A_546 = vector.shape_cast %swap3A_545 : vector<1x16xf32> to vector<16xf32>
        %swap3A_547 = vector.shape_cast %mul3A_542 : vector<16xf32> to vector<1x16xf32>
        tpu.vector_store %arg11[%swap3A_543, %swap3A_544], %swap3A_547 {strides = array<i32>} : memref<128x128xf32, #tpu.memory_space<vmem>>, vector<1x16xf32>,
        %get3A_548 = arith.index_cast %add3A_497 : i32 to index
        %get3A_549 = arith.constant 80 : index
        %get3A_550 = tpu.vector_load %arg11[%get3A_548, %get3A_549] {strides = array<i32>} : memref<128x128xf32, #tpu.memory_space<vmem>>, vector<1x16xf32>,
        %get3A_551 = vector.shape_cast %get3A_550 : vector<1x16xf32> to vector<16xf32>
        %mul3A_552 = arith.mulf %get3A_551, %gather3A_493 : vector<16xf32>
        %swap3A_553 = arith.index_cast %add3A_497 : i32 to index
        %swap3A_554 = arith.constant 80 : index
        %swap3A_555 = tpu.vector_load %arg11[%swap3A_553, %swap3A_554] {strides = array<i32>} : memref<128x128xf32, #tpu.memory_space<vmem>>, vector<1x16xf32>,
        %swap3A_556 = vector.shape_cast %swap3A_555 : vector<1x16xf32> to vector<16xf32>
        %swap3A_557 = vector.shape_cast %mul3A_552 : vector<16xf32> to vector<1x16xf32>
        tpu.vector_store %arg11[%swap3A_553, %swap3A_554], %swap3A_557 {strides = array<i32>} : memref<128x128xf32, #tpu.memory_space<vmem>>, vector<1x16xf32>,
        %get3A_558 = arith.index_cast %add3A_497 : i32 to index
        %get3A_559 = arith.constant 96 : index
        %get3A_560 = tpu.vector_load %arg11[%get3A_558, %get3A_559] {strides = array<i32>} : memref<128x128xf32, #tpu.memory_space<vmem>>, vector<1x16xf32>,
        %get3A_561 = vector.shape_cast %get3A_560 : vector<1x16xf32> to vector<16xf32>
        %mul3A_562 = arith.mulf %get3A_561, %gather3A_493 : vector<16xf32>
        %swap3A_563 = arith.index_cast %add3A_497 : i32 to index
        %swap3A_564 = arith.constant 96 : index
        %swap3A_565 = tpu.vector_load %arg11[%swap3A_563, %swap3A_564] {strides = array<i32>} : memref<128x128xf32, #tpu.memory_space<vmem>>, vector<1x16xf32>,
        %swap3A_566 = vector.shape_cast %swap3A_565 : vector<1x16xf32> to vector<16xf32>
        %swap3A_567 = vector.shape_cast %mul3A_562 : vector<16xf32> to vector<1x16xf32>
        tpu.vector_store %arg11[%swap3A_563, %swap3A_564], %swap3A_567 {strides = array<i32>} : memref<128x128xf32, #tpu.memory_space<vmem>>, vector<1x16xf32>,
        %get3A_568 = arith.index_cast %add3A_497 : i32 to index
        %get3A_569 = arith.constant 112 : index
        %get3A_570 = tpu.vector_load %arg11[%get3A_568, %get3A_569] {strides = array<i32>} : memref<128x128xf32, #tpu.memory_space<vmem>>, vector<1x16xf32>,
        %get3A_571 = vector.shape_cast %get3A_570 : vector<1x16xf32> to vector<16xf32>
        %mul3A_572 = arith.mulf %get3A_571, %gather3A_493 : vector<16xf32>
        %swap3A_573 = arith.index_cast %add3A_497 : i32 to index
        %swap3A_574 = arith.constant 112 : index
        %swap3A_575 = tpu.vector_load %arg11[%swap3A_573, %swap3A_574] {strides = array<i32>} : memref<128x128xf32, #tpu.memory_space<vmem>>, vector<1x16xf32>,
        %swap3A_576 = vector.shape_cast %swap3A_575 : vector<1x16xf32> to vector<16xf32>
        %swap3A_577 = vector.shape_cast %mul3A_572 : vector<16xf32> to vector<1x16xf32>
        tpu.vector_store %arg11[%swap3A_573, %swap3A_574], %swap3A_577 {strides = array<i32>} : memref<128x128xf32, #tpu.memory_space<vmem>>, vector<1x16xf32>,
        %broadcast_in_dim3A_578 = arith.constant 5 : i32
        %broadcast_in_dim3A_579 = vector.broadcast %broadcast_in_dim3A_578 : i32 to vector<16xi32>
        %lt3A_580 = arith.constant 0 : i32
        %lt3A_581 = vector.broadcast %lt3A_580 : i32 to vector<16xi32>
        %lt3A_582 = arith.cmpi slt, %broadcast_in_dim3A_579, %lt3A_581 : vector<16xi32>
        %add3A_583 = arith.constant 16 : i32
        %add3A_584 = vector.broadcast %add3A_583 : i32 to vector<16xi32>
        %add3A_585 = arith.addi %broadcast_in_dim3A_579, %add3A_584 : vector<16xi32>
        %select_n3A_586 = arith.select %lt3A_582, %add3A_585, %broadcast_in_dim3A_579 : vector<16xi1>, vector<16xi32>
        %reshape3A_587 = vector.shape_cast %select_n3A_586 : vector<16xi32> to vector<16x1xi32>
        %gather3A_588 = vector.shape_cast %reshape3A_587 : vector<16x1xi32> to vector<16xi32>
        %gather3A_589 = tpu.dynamic_gather %get3A_102[%gather3A_588] in [0] : vector<16xf32>, vector<16xi32> -> vector<16xf32>
        %mul3A_590 = arith.constant 16 : i32
        %mul3A_591 = arith.muli %add3A_97, %mul3A_590 : i32
        %add3A_592 = arith.constant 5 : i32
        %add3A_593 = arith.addi %mul3A_591, %add3A_592 : i32
        %get3A_594 = arith.index_cast %add3A_593 : i32 to index
        %get3A_595 = arith.constant 0 : index
        %get3A_596 = tpu.vector_load %arg11[%get3A_594, %get3A_595] {strides = array<i32>} : memref<128x128xf32, #tpu.memory_space<vmem>>, vector<1x16xf32>,
        %get3A_597 = vector.shape_cast %get3A_596 : vector<1x16xf32> to vector<16xf32>
        %mul3A_598 = arith.mulf %get3A_597, %gather3A_589 : vector<16xf32>
        %swap3A_599 = arith.index_cast %add3A_593 : i32 to index
        %swap3A_600 = arith.constant 0 : index
        %swap3A_601 = tpu.vector_load %arg11[%swap3A_599, %swap3A_600] {strides = array<i32>} : memref<128x128xf32, #tpu.memory_space<vmem>>, vector<1x16xf32>,
        %swap3A_602 = vector.shape_cast %swap3A_601 : vector<1x16xf32> to vector<16xf32>
        %swap3A_603 = vector.shape_cast %mul3A_598 : vector<16xf32> to vector<1x16xf32>
        tpu.vector_store %arg11[%swap3A_599, %swap3A_600], %swap3A_603 {strides = array<i32>} : memref<128x128xf32, #tpu.memory_space<vmem>>, vector<1x16xf32>,
        %get3A_604 = arith.index_cast %add3A_593 : i32 to index
        %get3A_605 = arith.constant 16 : index
        %get3A_606 = tpu.vector_load %arg11[%get3A_604, %get3A_605] {strides = array<i32>} : memref<128x128xf32, #tpu.memory_space<vmem>>, vector<1x16xf32>,
        %get3A_607 = vector.shape_cast %get3A_606 : vector<1x16xf32> to vector<16xf32>
        %mul3A_608 = arith.mulf %get3A_607, %gather3A_589 : vector<16xf32>
        %swap3A_609 = arith.index_cast %add3A_593 : i32 to index
        %swap3A_610 = arith.constant 16 : index
        %swap3A_611 = tpu.vector_load %arg11[%swap3A_609, %swap3A_610] {strides = array<i32>} : memref<128x128xf32, #tpu.memory_space<vmem>>, vector<1x16xf32>,
        %swap3A_612 = vector.shape_cast %swap3A_611 : vector<1x16xf32> to vector<16xf32>
        %swap3A_613 = vector.shape_cast %mul3A_608 : vector<16xf32> to vector<1x16xf32>
        tpu.vector_store %arg11[%swap3A_609, %swap3A_610], %swap3A_613 {strides = array<i32>} : memref<128x128xf32, #tpu.memory_space<vmem>>, vector<1x16xf32>,
        %get3A_614 = arith.index_cast %add3A_593 : i32 to index
        %get3A_615 = arith.constant 32 : index
        %get3A_616 = tpu.vector_load %arg11[%get3A_614, %get3A_615] {strides = array<i32>} : memref<128x128xf32, #tpu.memory_space<vmem>>, vector<1x16xf32>,
        %get3A_617 = vector.shape_cast %get3A_616 : vector<1x16xf32> to vector<16xf32>
        %mul3A_618 = arith.mulf %get3A_617, %gather3A_589 : vector<16xf32>
        %swap3A_619 = arith.index_cast %add3A_593 : i32 to index
        %swap3A_620 = arith.constant 32 : index
        %swap3A_621 = tpu.vector_load %arg11[%swap3A_619, %swap3A_620] {strides = array<i32>} : memref<128x128xf32, #tpu.memory_space<vmem>>, vector<1x16xf32>,
        %swap3A_622 = vector.shape_cast %swap3A_621 : vector<1x16xf32> to vector<16xf32>
        %swap3A_623 = vector.shape_cast %mul3A_618 : vector<16xf32> to vector<1x16xf32>
        tpu.vector_store %arg11[%swap3A_619, %swap3A_620], %swap3A_623 {strides = array<i32>} : memref<128x128xf32, #tpu.memory_space<vmem>>, vector<1x16xf32>,
        %get3A_624 = arith.index_cast %add3A_593 : i32 to index
        %get3A_625 = arith.constant 48 : index
        %get3A_626 = tpu.vector_load %arg11[%get3A_624, %get3A_625] {strides = array<i32>} : memref<128x128xf32, #tpu.memory_space<vmem>>, vector<1x16xf32>,
        %get3A_627 = vector.shape_cast %get3A_626 : vector<1x16xf32> to vector<16xf32>
        %mul3A_628 = arith.mulf %get3A_627, %gather3A_589 : vector<16xf32>
        %swap3A_629 = arith.index_cast %add3A_593 : i32 to index
        %swap3A_630 = arith.constant 48 : index
        %swap3A_631 = tpu.vector_load %arg11[%swap3A_629, %swap3A_630] {strides = array<i32>} : memref<128x128xf32, #tpu.memory_space<vmem>>, vector<1x16xf32>,
        %swap3A_632 = vector.shape_cast %swap3A_631 : vector<1x16xf32> to vector<16xf32>
        %swap3A_633 = vector.shape_cast %mul3A_628 : vector<16xf32> to vector<1x16xf32>
        tpu.vector_store %arg11[%swap3A_629, %swap3A_630], %swap3A_633 {strides = array<i32>} : memref<128x128xf32, #tpu.memory_space<vmem>>, vector<1x16xf32>,
        %get3A_634 = arith.index_cast %add3A_593 : i32 to index
        %get3A_635 = arith.constant 64 : index
        %get3A_636 = tpu.vector_load %arg11[%get3A_634, %get3A_635] {strides = array<i32>} : memref<128x128xf32, #tpu.memory_space<vmem>>, vector<1x16xf32>,
        %get3A_637 = vector.shape_cast %get3A_636 : vector<1x16xf32> to vector<16xf32>
        %mul3A_638 = arith.mulf %get3A_637, %gather3A_589 : vector<16xf32>
        %swap3A_639 = arith.index_cast %add3A_593 : i32 to index
        %swap3A_640 = arith.constant 64 : index
        %swap3A_641 = tpu.vector_load %arg11[%swap3A_639, %swap3A_640] {strides = array<i32>} : memref<128x128xf32, #tpu.memory_space<vmem>>, vector<1x16xf32>,
        %swap3A_642 = vector.shape_cast %swap3A_641 : vector<1x16xf32> to vector<16xf32>
        %swap3A_643 = vector.shape_cast %mul3A_638 : vector<16xf32> to vector<1x16xf32>
        tpu.vector_store %arg11[%swap3A_639, %swap3A_640], %swap3A_643 {strides = array<i32>} : memref<128x128xf32, #tpu.memory_space<vmem>>, vector<1x16xf32>,
        %get3A_644 = arith.index_cast %add3A_593 : i32 to index
        %get3A_645 = arith.constant 80 : index
        %get3A_646 = tpu.vector_load %arg11[%get3A_644, %get3A_645] {strides = array<i32>} : memref<128x128xf32, #tpu.memory_space<vmem>>, vector<1x16xf32>,
        %get3A_647 = vector.shape_cast %get3A_646 : vector<1x16xf32> to vector<16xf32>
        %mul3A_648 = arith.mulf %get3A_647, %gather3A_589 : vector<16xf32>
        %swap3A_649 = arith.index_cast %add3A_593 : i32 to index
        %swap3A_650 = arith.constant 80 : index
        %swap3A_651 = tpu.vector_load %arg11[%swap3A_649, %swap3A_650] {strides = array<i32>} : memref<128x128xf32, #tpu.memory_space<vmem>>, vector<1x16xf32>,
        %swap3A_652 = vector.shape_cast %swap3A_651 : vector<1x16xf32> to vector<16xf32>
        %swap3A_653 = vector.shape_cast %mul3A_648 : vector<16xf32> to vector<1x16xf32>
        tpu.vector_store %arg11[%swap3A_649, %swap3A_650], %swap3A_653 {strides = array<i32>} : memref<128x128xf32, #tpu.memory_space<vmem>>, vector<1x16xf32>,
        %get3A_654 = arith.index_cast %add3A_593 : i32 to index
        %get3A_655 = arith.constant 96 : index
        %get3A_656 = tpu.vector_load %arg11[%get3A_654, %get3A_655] {strides = array<i32>} : memref<128x128xf32, #tpu.memory_space<vmem>>, vector<1x16xf32>,
        %get3A_657 = vector.shape_cast %get3A_656 : vector<1x16xf32> to vector<16xf32>
        %mul3A_658 = arith.mulf %get3A_657, %gather3A_589 : vector<16xf32>
        %swap3A_659 = arith.index_cast %add3A_593 : i32 to index
        %swap3A_660 = arith.constant 96 : index
        %swap3A_661 = tpu.vector_load %arg11[%swap3A_659, %swap3A_660] {strides = array<i32>} : memref<128x128xf32, #tpu.memory_space<vmem>>, vector<1x16xf32>,
        %swap3A_662 = vector.shape_cast %swap3A_661 : vector<1x16xf32> to vector<16xf32>
        %swap3A_663 = vector.shape_cast %mul3A_658 : vector<16xf32> to vector<1x16xf32>
        tpu.vector_store %arg11[%swap3A_659, %swap3A_660], %swap3A_663 {strides = array<i32>} : memref<128x128xf32, #tpu.memory_space<vmem>>, vector<1x16xf32>,
        %get3A_664 = arith.index_cast %add3A_593 : i32 to index
        %get3A_665 = arith.constant 112 : index
        %get3A_666 = tpu.vector_load %arg11[%get3A_664, %get3A_665] {strides = array<i32>} : memref<128x128xf32, #tpu.memory_space<vmem>>, vector<1x16xf32>,
        %get3A_667 = vector.shape_cast %get3A_666 : vector<1x16xf32> to vector<16xf32>
        %mul3A_668 = arith.mulf %get3A_667, %gather3A_589 : vector<16xf32>
        %swap3A_669 = arith.index_cast %add3A_593 : i32 to index
        %swap3A_670 = arith.constant 112 : index
        %swap3A_671 = tpu.vector_load %arg11[%swap3A_669, %swap3A_670] {strides = array<i32>} : memref<128x128xf32, #tpu.memory_space<vmem>>, vector<1x16xf32>,
        %swap3A_672 = vector.shape_cast %swap3A_671 : vector<1x16xf32> to vector<16xf32>
        %swap3A_673 = vector.shape_cast %mul3A_668 : vector<16xf32> to vector<1x16xf32>
        tpu.vector_store %arg11[%swap3A_669, %swap3A_670], %swap3A_673 {strides = array<i32>} : memref<128x128xf32, #tpu.memory_space<vmem>>, vector<1x16xf32>,
        %broadcast_in_dim3A_674 = arith.constant 6 : i32
        %broadcast_in_dim3A_675 = vector.broadcast %broadcast_in_dim3A_674 : i32 to vector<16xi32>
        %lt3A_676 = arith.constant 0 : i32
        %lt3A_677 = vector.broadcast %lt3A_676 : i32 to vector<16xi32>
        %lt3A_678 = arith.cmpi slt, %broadcast_in_dim3A_675, %lt3A_677 : vector<16xi32>
        %add3A_679 = arith.constant 16 : i32
        %add3A_680 = vector.broadcast %add3A_679 : i32 to vector<16xi32>
        %add3A_681 = arith.addi %broadcast_in_dim3A_675, %add3A_680 : vector<16xi32>
        %select_n3A_682 = arith.select %lt3A_678, %add3A_681, %broadcast_in_dim3A_675 : vector<16xi1>, vector<16xi32>
        %reshape3A_683 = vector.shape_cast %select_n3A_682 : vector<16xi32> to vector<16x1xi32>
        %gather3A_684 = vector.shape_cast %reshape3A_683 : vector<16x1xi32> to vector<16xi32>
        %gather3A_685 = tpu.dynamic_gather %get3A_102[%gather3A_684] in [0] : vector<16xf32>, vector<16xi32> -> vector<16xf32>
        %mul3A_686 = arith.constant 16 : i32
        %mul3A_687 = arith.muli %add3A_97, %mul3A_686 : i32
        %add3A_688 = arith.constant 6 : i32
        %add3A_689 = arith.addi %mul3A_687, %add3A_688 : i32
        %get3A_690 = arith.index_cast %add3A_689 : i32 to index
        %get3A_691 = arith.constant 0 : index
        %get3A_692 = tpu.vector_load %arg11[%get3A_690, %get3A_691] {strides = array<i32>} : memref<128x128xf32, #tpu.memory_space<vmem>>, vector<1x16xf32>,
        %get3A_693 = vector.shape_cast %get3A_692 : vector<1x16xf32> to vector<16xf32>
        %mul3A_694 = arith.mulf %get3A_693, %gather3A_685 : vector<16xf32>
        %swap3A_695 = arith.index_cast %add3A_689 : i32 to index
        %swap3A_696 = arith.constant 0 : index
        %swap3A_697 = tpu.vector_load %arg11[%swap3A_695, %swap3A_696] {strides = array<i32>} : memref<128x128xf32, #tpu.memory_space<vmem>>, vector<1x16xf32>,
        %swap3A_698 = vector.shape_cast %swap3A_697 : vector<1x16xf32> to vector<16xf32>
        %swap3A_699 = vector.shape_cast %mul3A_694 : vector<16xf32> to vector<1x16xf32>
        tpu.vector_store %arg11[%swap3A_695, %swap3A_696], %swap3A_699 {strides = array<i32>} : memref<128x128xf32, #tpu.memory_space<vmem>>, vector<1x16xf32>,
        %get3A_700 = arith.index_cast %add3A_689 : i32 to index
        %get3A_701 = arith.constant 16 : index
        %get3A_702 = tpu.vector_load %arg11[%get3A_700, %get3A_701] {strides = array<i32>} : memref<128x128xf32, #tpu.memory_space<vmem>>, vector<1x16xf32>,
        %get3A_703 = vector.shape_cast %get3A_702 : vector<1x16xf32> to vector<16xf32>
        %mul3A_704 = arith.mulf %get3A_703, %gather3A_685 : vector<16xf32>
        %swap3A_705 = arith.index_cast %add3A_689 : i32 to index
        %swap3A_706 = arith.constant 16 : index
        %swap3A_707 = tpu.vector_load %arg11[%swap3A_705, %swap3A_706] {strides = array<i32>} : memref<128x128xf32, #tpu.memory_space<vmem>>, vector<1x16xf32>,
        %swap3A_708 = vector.shape_cast %swap3A_707 : vector<1x16xf32> to vector<16xf32>
        %swap3A_709 = vector.shape_cast %mul3A_704 : vector<16xf32> to vector<1x16xf32>
        tpu.vector_store %arg11[%swap3A_705, %swap3A_706], %swap3A_709 {strides = array<i32>} : memref<128x128xf32, #tpu.memory_space<vmem>>, vector<1x16xf32>,
        %get3A_710 = arith.index_cast %add3A_689 : i32 to index
        %get3A_711 = arith.constant 32 : index
        %get3A_712 = tpu.vector_load %arg11[%get3A_710, %get3A_711] {strides = array<i32>} : memref<128x128xf32, #tpu.memory_space<vmem>>, vector<1x16xf32>,
        %get3A_713 = vector.shape_cast %get3A_712 : vector<1x16xf32> to vector<16xf32>
        %mul3A_714 = arith.mulf %get3A_713, %gather3A_685 : vector<16xf32>
        %swap3A_715 = arith.index_cast %add3A_689 : i32 to index
        %swap3A_716 = arith.constant 32 : index
        %swap3A_717 = tpu.vector_load %arg11[%swap3A_715, %swap3A_716] {strides = array<i32>} : memref<128x128xf32, #tpu.memory_space<vmem>>, vector<1x16xf32>,
        %swap3A_718 = vector.shape_cast %swap3A_717 : vector<1x16xf32> to vector<16xf32>
        %swap3A_719 = vector.shape_cast %mul3A_714 : vector<16xf32> to vector<1x16xf32>
        tpu.vector_store %arg11[%swap3A_715, %swap3A_716], %swap3A_719 {strides = array<i32>} : memref<128x128xf32, #tpu.memory_space<vmem>>, vector<1x16xf32>,
        %get3A_720 = arith.index_cast %add3A_689 : i32 to index
        %get3A_721 = arith.constant 48 : index
        %get3A_722 = tpu.vector_load %arg11[%get3A_720, %get3A_721] {strides = array<i32>} : memref<128x128xf32, #tpu.memory_space<vmem>>, vector<1x16xf32>,
        %get3A_723 = vector.shape_cast %get3A_722 : vector<1x16xf32> to vector<16xf32>
        %mul3A_724 = arith.mulf %get3A_723, %gather3A_685 : vector<16xf32>
        %swap3A_725 = arith.index_cast %add3A_689 : i32 to index
        %swap3A_726 = arith.constant 48 : index
        %swap3A_727 = tpu.vector_load %arg11[%swap3A_725, %swap3A_726] {strides = array<i32>} : memref<128x128xf32, #tpu.memory_space<vmem>>, vector<1x16xf32>,
        %swap3A_728 = vector.shape_cast %swap3A_727 : vector<1x16xf32> to vector<16xf32>
        %swap3A_729 = vector.shape_cast %mul3A_724 : vector<16xf32> to vector<1x16xf32>
        tpu.vector_store %arg11[%swap3A_725, %swap3A_726], %swap3A_729 {strides = array<i32>} : memref<128x128xf32, #tpu.memory_space<vmem>>, vector<1x16xf32>,
        %get3A_730 = arith.index_cast %add3A_689 : i32 to index
        %get3A_731 = arith.constant 64 : index
        %get3A_732 = tpu.vector_load %arg11[%get3A_730, %get3A_731] {strides = array<i32>} : memref<128x128xf32, #tpu.memory_space<vmem>>, vector<1x16xf32>,
        %get3A_733 = vector.shape_cast %get3A_732 : vector<1x16xf32> to vector<16xf32>
        %mul3A_734 = arith.mulf %get3A_733, %gather3A_685 : vector<16xf32>
        %swap3A_735 = arith.index_cast %add3A_689 : i32 to index
        %swap3A_736 = arith.constant 64 : index
        %swap3A_737 = tpu.vector_load %arg11[%swap3A_735, %swap3A_736] {strides = array<i32>} : memref<128x128xf32, #tpu.memory_space<vmem>>, vector<1x16xf32>,
        %swap3A_738 = vector.shape_cast %swap3A_737 : vector<1x16xf32> to vector<16xf32>
        %swap3A_739 = vector.shape_cast %mul3A_734 : vector<16xf32> to vector<1x16xf32>
        tpu.vector_store %arg11[%swap3A_735, %swap3A_736], %swap3A_739 {strides = array<i32>} : memref<128x128xf32, #tpu.memory_space<vmem>>, vector<1x16xf32>,
        %get3A_740 = arith.index_cast %add3A_689 : i32 to index
        %get3A_741 = arith.constant 80 : index
        %get3A_742 = tpu.vector_load %arg11[%get3A_740, %get3A_741] {strides = array<i32>} : memref<128x128xf32, #tpu.memory_space<vmem>>, vector<1x16xf32>,
        %get3A_743 = vector.shape_cast %get3A_742 : vector<1x16xf32> to vector<16xf32>
        %mul3A_744 = arith.mulf %get3A_743, %gather3A_685 : vector<16xf32>
        %swap3A_745 = arith.index_cast %add3A_689 : i32 to index
        %swap3A_746 = arith.constant 80 : index
        %swap3A_747 = tpu.vector_load %arg11[%swap3A_745, %swap3A_746] {strides = array<i32>} : memref<128x128xf32, #tpu.memory_space<vmem>>, vector<1x16xf32>,
        %swap3A_748 = vector.shape_cast %swap3A_747 : vector<1x16xf32> to vector<16xf32>
        %swap3A_749 = vector.shape_cast %mul3A_744 : vector<16xf32> to vector<1x16xf32>
        tpu.vector_store %arg11[%swap3A_745, %swap3A_746], %swap3A_749 {strides = array<i32>} : memref<128x128xf32, #tpu.memory_space<vmem>>, vector<1x16xf32>,
        %get3A_750 = arith.index_cast %add3A_689 : i32 to index
        %get3A_751 = arith.constant 96 : index
        %get3A_752 = tpu.vector_load %arg11[%get3A_750, %get3A_751] {strides = array<i32>} : memref<128x128xf32, #tpu.memory_space<vmem>>, vector<1x16xf32>,
        %get3A_753 = vector.shape_cast %get3A_752 : vector<1x16xf32> to vector<16xf32>
        %mul3A_754 = arith.mulf %get3A_753, %gather3A_685 : vector<16xf32>
        %swap3A_755 = arith.index_cast %add3A_689 : i32 to index
        %swap3A_756 = arith.constant 96 : index
        %swap3A_757 = tpu.vector_load %arg11[%swap3A_755, %swap3A_756] {strides = array<i32>} : memref<128x128xf32, #tpu.memory_space<vmem>>, vector<1x16xf32>,
        %swap3A_758 = vector.shape_cast %swap3A_757 : vector<1x16xf32> to vector<16xf32>
        %swap3A_759 = vector.shape_cast %mul3A_754 : vector<16xf32> to vector<1x16xf32>
        tpu.vector_store %arg11[%swap3A_755, %swap3A_756], %swap3A_759 {strides = array<i32>} : memref<128x128xf32, #tpu.memory_space<vmem>>, vector<1x16xf32>,
        %get3A_760 = arith.index_cast %add3A_689 : i32 to index
        %get3A_761 = arith.constant 112 : index
        %get3A_762 = tpu.vector_load %arg11[%get3A_760, %get3A_761] {strides = array<i32>} : memref<128x128xf32, #tpu.memory_space<vmem>>, vector<1x16xf32>,
        %get3A_763 = vector.shape_cast %get3A_762 : vector<1x16xf32> to vector<16xf32>
        %mul3A_764 = arith.mulf %get3A_763, %gather3A_685 : vector<16xf32>
        %swap3A_765 = arith.index_cast %add3A_689 : i32 to index
        %swap3A_766 = arith.constant 112 : index
        %swap3A_767 = tpu.vector_load %arg11[%swap3A_765, %swap3A_766] {strides = array<i32>} : memref<128x128xf32, #tpu.memory_space<vmem>>, vector<1x16xf32>,
        %swap3A_768 = vector.shape_cast %swap3A_767 : vector<1x16xf32> to vector<16xf32>
        %swap3A_769 = vector.shape_cast %mul3A_764 : vector<16xf32> to vector<1x16xf32>
        tpu.vector_store %arg11[%swap3A_765, %swap3A_766], %swap3A_769 {strides = array<i32>} : memref<128x128xf32, #tpu.memory_space<vmem>>, vector<1x16xf32>,
        %broadcast_in_dim3A_770 = arith.constant 7 : i32
        %broadcast_in_dim3A_771 = vector.broadcast %broadcast_in_dim3A_770 : i32 to vector<16xi32>
        %lt3A_772 = arith.constant 0 : i32
        %lt3A_773 = vector.broadcast %lt3A_772 : i32 to vector<16xi32>
        %lt3A_774 = arith.cmpi slt, %broadcast_in_dim3A_771, %lt3A_773 : vector<16xi32>
        %add3A_775 = arith.constant 16 : i32
        %add3A_776 = vector.broadcast %add3A_775 : i32 to vector<16xi32>
        %add3A_777 = arith.addi %broadcast_in_dim3A_771, %add3A_776 : vector<16xi32>
        %select_n3A_778 = arith.select %lt3A_774, %add3A_777, %broadcast_in_dim3A_771 : vector<16xi1>, vector<16xi32>
        %reshape3A_779 = vector.shape_cast %select_n3A_778 : vector<16xi32> to vector<16x1xi32>
        %gather3A_780 = vector.shape_cast %reshape3A_779 : vector<16x1xi32> to vector<16xi32>
        %gather3A_781 = tpu.dynamic_gather %get3A_102[%gather3A_780] in [0] : vector<16xf32>, vector<16xi32> -> vector<16xf32>
        %mul3A_782 = arith.constant 16 : i32
        %mul3A_783 = arith.muli %add3A_97, %mul3A_782 : i32
        %add3A_784 = arith.constant 7 : i32
        %add3A_785 = arith.addi %mul3A_783, %add3A_784 : i32
        %get3A_786 = arith.index_cast %add3A_785 : i32 to index
        %get3A_787 = arith.constant 0 : index
        %get3A_788 = tpu.vector_load %arg11[%get3A_786, %get3A_787] {strides = array<i32>} : memref<128x128xf32, #tpu.memory_space<vmem>>, vector<1x16xf32>,
        %get3A_789 = vector.shape_cast %get3A_788 : vector<1x16xf32> to vector<16xf32>
        %mul3A_790 = arith.mulf %get3A_789, %gather3A_781 : vector<16xf32>
        %swap3A_791 = arith.index_cast %add3A_785 : i32 to index
        %swap3A_792 = arith.constant 0 : index
        %swap3A_793 = tpu.vector_load %arg11[%swap3A_791, %swap3A_792] {strides = array<i32>} : memref<128x128xf32, #tpu.memory_space<vmem>>, vector<1x16xf32>,
        %swap3A_794 = vector.shape_cast %swap3A_793 : vector<1x16xf32> to vector<16xf32>
        %swap3A_795 = vector.shape_cast %mul3A_790 : vector<16xf32> to vector<1x16xf32>
        tpu.vector_store %arg11[%swap3A_791, %swap3A_792], %swap3A_795 {strides = array<i32>} : memref<128x128xf32, #tpu.memory_space<vmem>>, vector<1x16xf32>,
        %get3A_796 = arith.index_cast %add3A_785 : i32 to index
        %get3A_797 = arith.constant 16 : index
        %get3A_798 = tpu.vector_load %arg11[%get3A_796, %get3A_797] {strides = array<i32>} : memref<128x128xf32, #tpu.memory_space<vmem>>, vector<1x16xf32>,
        %get3A_799 = vector.shape_cast %get3A_798 : vector<1x16xf32> to vector<16xf32>
        %mul3A_800 = arith.mulf %get3A_799, %gather3A_781 : vector<16xf32>
        %swap3A_801 = arith.index_cast %add3A_785 : i32 to index
        %swap3A_802 = arith.constant 16 : index
        %swap3A_803 = tpu.vector_load %arg11[%swap3A_801, %swap3A_802] {strides = array<i32>} : memref<128x128xf32, #tpu.memory_space<vmem>>, vector<1x16xf32>,
        %swap3A_804 = vector.shape_cast %swap3A_803 : vector<1x16xf32> to vector<16xf32>
        %swap3A_805 = vector.shape_cast %mul3A_800 : vector<16xf32> to vector<1x16xf32>
        tpu.vector_store %arg11[%swap3A_801, %swap3A_802], %swap3A_805 {strides = array<i32>} : memref<128x128xf32, #tpu.memory_space<vmem>>, vector<1x16xf32>,
        %get3A_806 = arith.index_cast %add3A_785 : i32 to index
        %get3A_807 = arith.constant 32 : index
        %get3A_808 = tpu.vector_load %arg11[%get3A_806, %get3A_807] {strides = array<i32>} : memref<128x128xf32, #tpu.memory_space<vmem>>, vector<1x16xf32>,
        %get3A_809 = vector.shape_cast %get3A_808 : vector<1x16xf32> to vector<16xf32>
        %mul3A_810 = arith.mulf %get3A_809, %gather3A_781 : vector<16xf32>
        %swap3A_811 = arith.index_cast %add3A_785 : i32 to index
        %swap3A_812 = arith.constant 32 : index
        %swap3A_813 = tpu.vector_load %arg11[%swap3A_811, %swap3A_812] {strides = array<i32>} : memref<128x128xf32, #tpu.memory_space<vmem>>, vector<1x16xf32>,
        %swap3A_814 = vector.shape_cast %swap3A_813 : vector<1x16xf32> to vector<16xf32>
        %swap3A_815 = vector.shape_cast %mul3A_810 : vector<16xf32> to vector<1x16xf32>
        tpu.vector_store %arg11[%swap3A_811, %swap3A_812], %swap3A_815 {strides = array<i32>} : memref<128x128xf32, #tpu.memory_space<vmem>>, vector<1x16xf32>,
        %get3A_816 = arith.index_cast %add3A_785 : i32 to index
        %get3A_817 = arith.constant 48 : index
        %get3A_818 = tpu.vector_load %arg11[%get3A_816, %get3A_817] {strides = array<i32>} : memref<128x128xf32, #tpu.memory_space<vmem>>, vector<1x16xf32>,
        %get3A_819 = vector.shape_cast %get3A_818 : vector<1x16xf32> to vector<16xf32>
        %mul3A_820 = arith.mulf %get3A_819, %gather3A_781 : vector<16xf32>
        %swap3A_821 = arith.index_cast %add3A_785 : i32 to index
        %swap3A_822 = arith.constant 48 : index
        %swap3A_823 = tpu.vector_load %arg11[%swap3A_821, %swap3A_822] {strides = array<i32>} : memref<128x128xf32, #tpu.memory_space<vmem>>, vector<1x16xf32>,
        %swap3A_824 = vector.shape_cast %swap3A_823 : vector<1x16xf32> to vector<16xf32>
        %swap3A_825 = vector.shape_cast %mul3A_820 : vector<16xf32> to vector<1x16xf32>
        tpu.vector_store %arg11[%swap3A_821, %swap3A_822], %swap3A_825 {strides = array<i32>} : memref<128x128xf32, #tpu.memory_space<vmem>>, vector<1x16xf32>,
        %get3A_826 = arith.index_cast %add3A_785 : i32 to index
        %get3A_827 = arith.constant 64 : index
        %get3A_828 = tpu.vector_load %arg11[%get3A_826, %get3A_827] {strides = array<i32>} : memref<128x128xf32, #tpu.memory_space<vmem>>, vector<1x16xf32>,
        %get3A_829 = vector.shape_cast %get3A_828 : vector<1x16xf32> to vector<16xf32>
        %mul3A_830 = arith.mulf %get3A_829, %gather3A_781 : vector<16xf32>
        %swap3A_831 = arith.index_cast %add3A_785 : i32 to index
        %swap3A_832 = arith.constant 64 : index
        %swap3A_833 = tpu.vector_load %arg11[%swap3A_831, %swap3A_832] {strides = array<i32>} : memref<128x128xf32, #tpu.memory_space<vmem>>, vector<1x16xf32>,
        %swap3A_834 = vector.shape_cast %swap3A_833 : vector<1x16xf32> to vector<16xf32>
        %swap3A_835 = vector.shape_cast %mul3A_830 : vector<16xf32> to vector<1x16xf32>
        tpu.vector_store %arg11[%swap3A_831, %swap3A_832], %swap3A_835 {strides = array<i32>} : memref<128x128xf32, #tpu.memory_space<vmem>>, vector<1x16xf32>,
        %get3A_836 = arith.index_cast %add3A_785 : i32 to index
        %get3A_837 = arith.constant 80 : index
        %get3A_838 = tpu.vector_load %arg11[%get3A_836, %get3A_837] {strides = array<i32>} : memref<128x128xf32, #tpu.memory_space<vmem>>, vector<1x16xf32>,
        %get3A_839 = vector.shape_cast %get3A_838 : vector<1x16xf32> to vector<16xf32>
        %mul3A_840 = arith.mulf %get3A_839, %gather3A_781 : vector<16xf32>
        %swap3A_841 = arith.index_cast %add3A_785 : i32 to index
        %swap3A_842 = arith.constant 80 : index
        %swap3A_843 = tpu.vector_load %arg11[%swap3A_841, %swap3A_842] {strides = array<i32>} : memref<128x128xf32, #tpu.memory_space<vmem>>, vector<1x16xf32>,
        %swap3A_844 = vector.shape_cast %swap3A_843 : vector<1x16xf32> to vector<16xf32>
        %swap3A_845 = vector.shape_cast %mul3A_840 : vector<16xf32> to vector<1x16xf32>
        tpu.vector_store %arg11[%swap3A_841, %swap3A_842], %swap3A_845 {strides = array<i32>} : memref<128x128xf32, #tpu.memory_space<vmem>>, vector<1x16xf32>,
        %get3A_846 = arith.index_cast %add3A_785 : i32 to index
        %get3A_847 = arith.constant 96 : index
        %get3A_848 = tpu.vector_load %arg11[%get3A_846, %get3A_847] {strides = array<i32>} : memref<128x128xf32, #tpu.memory_space<vmem>>, vector<1x16xf32>,
        %get3A_849 = vector.shape_cast %get3A_848 : vector<1x16xf32> to vector<16xf32>
        %mul3A_850 = arith.mulf %get3A_849, %gather3A_781 : vector<16xf32>
        %swap3A_851 = arith.index_cast %add3A_785 : i32 to index
        %swap3A_852 = arith.constant 96 : index
        %swap3A_853 = tpu.vector_load %arg11[%swap3A_851, %swap3A_852] {strides = array<i32>} : memref<128x128xf32, #tpu.memory_space<vmem>>, vector<1x16xf32>,
        %swap3A_854 = vector.shape_cast %swap3A_853 : vector<1x16xf32> to vector<16xf32>
        %swap3A_855 = vector.shape_cast %mul3A_850 : vector<16xf32> to vector<1x16xf32>
        tpu.vector_store %arg11[%swap3A_851, %swap3A_852], %swap3A_855 {strides = array<i32>} : memref<128x128xf32, #tpu.memory_space<vmem>>, vector<1x16xf32>,
        %get3A_856 = arith.index_cast %add3A_785 : i32 to index
        %get3A_857 = arith.constant 112 : index
        %get3A_858 = tpu.vector_load %arg11[%get3A_856, %get3A_857] {strides = array<i32>} : memref<128x128xf32, #tpu.memory_space<vmem>>, vector<1x16xf32>,
        %get3A_859 = vector.shape_cast %get3A_858 : vector<1x16xf32> to vector<16xf32>
        %mul3A_860 = arith.mulf %get3A_859, %gather3A_781 : vector<16xf32>
        %swap3A_861 = arith.index_cast %add3A_785 : i32 to index
        %swap3A_862 = arith.constant 112 : index
        %swap3A_863 = tpu.vector_load %arg11[%swap3A_861, %swap3A_862] {strides = array<i32>} : memref<128x128xf32, #tpu.memory_space<vmem>>, vector<1x16xf32>,
        %swap3A_864 = vector.shape_cast %swap3A_863 : vector<1x16xf32> to vector<16xf32>
        %swap3A_865 = vector.shape_cast %mul3A_860 : vector<16xf32> to vector<1x16xf32>
        tpu.vector_store %arg11[%swap3A_861, %swap3A_862], %swap3A_865 {strides = array<i32>} : memref<128x128xf32, #tpu.memory_space<vmem>>, vector<1x16xf32>,
        %broadcast_in_dim3A_866 = arith.constant 8 : i32
        %broadcast_in_dim3A_867 = vector.broadcast %broadcast_in_dim3A_866 : i32 to vector<16xi32>
        %lt3A_868 = arith.constant 0 : i32
        %lt3A_869 = vector.broadcast %lt3A_868 : i32 to vector<16xi32>
        %lt3A_870 = arith.cmpi slt, %broadcast_in_dim3A_867, %lt3A_869 : vector<16xi32>
        %add3A_871 = arith.constant 16 : i32
        %add3A_872 = vector.broadcast %add3A_871 : i32 to vector<16xi32>
        %add3A_873 = arith.addi %broadcast_in_dim3A_867, %add3A_872 : vector<16xi32>
        %select_n3A_874 = arith.select %lt3A_870, %add3A_873, %broadcast_in_dim3A_867 : vector<16xi1>, vector<16xi32>
        %reshape3A_875 = vector.shape_cast %select_n3A_874 : vector<16xi32> to vector<16x1xi32>
        %gather3A_876 = vector.shape_cast %reshape3A_875 : vector<16x1xi32> to vector<16xi32>
        %gather3A_877 = tpu.dynamic_gather %get3A_102[%gather3A_876] in [0] : vector<16xf32>, vector<16xi32> -> vector<16xf32>
        %mul3A_878 = arith.constant 16 : i32
        %mul3A_879 = arith.muli %add3A_97, %mul3A_878 : i32
        %add3A_880 = arith.constant 8 : i32
        %add3A_881 = arith.addi %mul3A_879, %add3A_880 : i32
        %get3A_882 = arith.index_cast %add3A_881 : i32 to index
        %get3A_883 = arith.constant 0 : index
        %get3A_884 = tpu.vector_load %arg11[%get3A_882, %get3A_883] {strides = array<i32>} : memref<128x128xf32, #tpu.memory_space<vmem>>, vector<1x16xf32>,
        %get3A_885 = vector.shape_cast %get3A_884 : vector<1x16xf32> to vector<16xf32>
        %mul3A_886 = arith.mulf %get3A_885, %gather3A_877 : vector<16xf32>
        %swap3A_887 = arith.index_cast %add3A_881 : i32 to index
        %swap3A_888 = arith.constant 0 : index
        %swap3A_889 = tpu.vector_load %arg11[%swap3A_887, %swap3A_888] {strides = array<i32>} : memref<128x128xf32, #tpu.memory_space<vmem>>, vector<1x16xf32>,
        %swap3A_890 = vector.shape_cast %swap3A_889 : vector<1x16xf32> to vector<16xf32>
        %swap3A_891 = vector.shape_cast %mul3A_886 : vector<16xf32> to vector<1x16xf32>
        tpu.vector_store %arg11[%swap3A_887, %swap3A_888], %swap3A_891 {strides = array<i32>} : memref<128x128xf32, #tpu.memory_space<vmem>>, vector<1x16xf32>,
        %get3A_892 = arith.index_cast %add3A_881 : i32 to index
        %get3A_893 = arith.constant 16 : index
        %get3A_894 = tpu.vector_load %arg11[%get3A_892, %get3A_893] {strides = array<i32>} : memref<128x128xf32, #tpu.memory_space<vmem>>, vector<1x16xf32>,
        %get3A_895 = vector.shape_cast %get3A_894 : vector<1x16xf32> to vector<16xf32>
        %mul3A_896 = arith.mulf %get3A_895, %gather3A_877 : vector<16xf32>
        %swap3A_897 = arith.index_cast %add3A_881 : i32 to index
        %swap3A_898 = arith.constant 16 : index
        %swap3A_899 = tpu.vector_load %arg11[%swap3A_897, %swap3A_898] {strides = array<i32>} : memref<128x128xf32, #tpu.memory_space<vmem>>, vector<1x16xf32>,
        %swap3A_900 = vector.shape_cast %swap3A_899 : vector<1x16xf32> to vector<16xf32>
        %swap3A_901 = vector.shape_cast %mul3A_896 : vector<16xf32> to vector<1x16xf32>
        tpu.vector_store %arg11[%swap3A_897, %swap3A_898], %swap3A_901 {strides = array<i32>} : memref<128x128xf32, #tpu.memory_space<vmem>>, vector<1x16xf32>,
        %get3A_902 = arith.index_cast %add3A_881 : i32 to index
        %get3A_903 = arith.constant 32 : index
        %get3A_904 = tpu.vector_load %arg11[%get3A_902, %get3A_903] {strides = array<i32>} : memref<128x128xf32, #tpu.memory_space<vmem>>, vector<1x16xf32>,
        %get3A_905 = vector.shape_cast %get3A_904 : vector<1x16xf32> to vector<16xf32>
        %mul3A_906 = arith.mulf %get3A_905, %gather3A_877 : vector<16xf32>
        %swap3A_907 = arith.index_cast %add3A_881 : i32 to index
        %swap3A_908 = arith.constant 32 : index
        %swap3A_909 = tpu.vector_load %arg11[%swap3A_907, %swap3A_908] {strides = array<i32>} : memref<128x128xf32, #tpu.memory_space<vmem>>, vector<1x16xf32>,
        %swap3A_910 = vector.shape_cast %swap3A_909 : vector<1x16xf32> to vector<16xf32>
        %swap3A_911 = vector.shape_cast %mul3A_906 : vector<16xf32> to vector<1x16xf32>
        tpu.vector_store %arg11[%swap3A_907, %swap3A_908], %swap3A_911 {strides = array<i32>} : memref<128x128xf32, #tpu.memory_space<vmem>>, vector<1x16xf32>,
        %get3A_912 = arith.index_cast %add3A_881 : i32 to index
        %get3A_913 = arith.constant 48 : index
        %get3A_914 = tpu.vector_load %arg11[%get3A_912, %get3A_913] {strides = array<i32>} : memref<128x128xf32, #tpu.memory_space<vmem>>, vector<1x16xf32>,
        %get3A_915 = vector.shape_cast %get3A_914 : vector<1x16xf32> to vector<16xf32>
        %mul3A_916 = arith.mulf %get3A_915, %gather3A_877 : vector<16xf32>
        %swap3A_917 = arith.index_cast %add3A_881 : i32 to index
        %swap3A_918 = arith.constant 48 : index
        %swap3A_919 = tpu.vector_load %arg11[%swap3A_917, %swap3A_918] {strides = array<i32>} : memref<128x128xf32, #tpu.memory_space<vmem>>, vector<1x16xf32>,
        %swap3A_920 = vector.shape_cast %swap3A_919 : vector<1x16xf32> to vector<16xf32>
        %swap3A_921 = vector.shape_cast %mul3A_916 : vector<16xf32> to vector<1x16xf32>
        tpu.vector_store %arg11[%swap3A_917, %swap3A_918], %swap3A_921 {strides = array<i32>} : memref<128x128xf32, #tpu.memory_space<vmem>>, vector<1x16xf32>,
        %get3A_922 = arith.index_cast %add3A_881 : i32 to index
        %get3A_923 = arith.constant 64 : index
        %get3A_924 = tpu.vector_load %arg11[%get3A_922, %get3A_923] {strides = array<i32>} : memref<128x128xf32, #tpu.memory_space<vmem>>, vector<1x16xf32>,
        %get3A_925 = vector.shape_cast %get3A_924 : vector<1x16xf32> to vector<16xf32>
        %mul3A_926 = arith.mulf %get3A_925, %gather3A_877 : vector<16xf32>
        %swap3A_927 = arith.index_cast %add3A_881 : i32 to index
        %swap3A_928 = arith.constant 64 : index
        %swap3A_929 = tpu.vector_load %arg11[%swap3A_927, %swap3A_928] {strides = array<i32>} : memref<128x128xf32, #tpu.memory_space<vmem>>, vector<1x16xf32>,
        %swap3A_930 = vector.shape_cast %swap3A_929 : vector<1x16xf32> to vector<16xf32>
        %swap3A_931 = vector.shape_cast %mul3A_926 : vector<16xf32> to vector<1x16xf32>
        tpu.vector_store %arg11[%swap3A_927, %swap3A_928], %swap3A_931 {strides = array<i32>} : memref<128x128xf32, #tpu.memory_space<vmem>>, vector<1x16xf32>,
        %get3A_932 = arith.index_cast %add3A_881 : i32 to index
        %get3A_933 = arith.constant 80 : index
        %get3A_934 = tpu.vector_load %arg11[%get3A_932, %get3A_933] {strides = array<i32>} : memref<128x128xf32, #tpu.memory_space<vmem>>, vector<1x16xf32>,
        %get3A_935 = vector.shape_cast %get3A_934 : vector<1x16xf32> to vector<16xf32>
        %mul3A_936 = arith.mulf %get3A_935, %gather3A_877 : vector<16xf32>
        %swap3A_937 = arith.index_cast %add3A_881 : i32 to index
        %swap3A_938 = arith.constant 80 : index
        %swap3A_939 = tpu.vector_load %arg11[%swap3A_937, %swap3A_938] {strides = array<i32>} : memref<128x128xf32, #tpu.memory_space<vmem>>, vector<1x16xf32>,
        %swap3A_940 = vector.shape_cast %swap3A_939 : vector<1x16xf32> to vector<16xf32>
        %swap3A_941 = vector.shape_cast %mul3A_936 : vector<16xf32> to vector<1x16xf32>
        tpu.vector_store %arg11[%swap3A_937, %swap3A_938], %swap3A_941 {strides = array<i32>} : memref<128x128xf32, #tpu.memory_space<vmem>>, vector<1x16xf32>,
        %get3A_942 = arith.index_cast %add3A_881 : i32 to index
        %get3A_943 = arith.constant 96 : index
        %get3A_944 = tpu.vector_load %arg11[%get3A_942, %get3A_943] {strides = array<i32>} : memref<128x128xf32, #tpu.memory_space<vmem>>, vector<1x16xf32>,
        %get3A_945 = vector.shape_cast %get3A_944 : vector<1x16xf32> to vector<16xf32>
        %mul3A_946 = arith.mulf %get3A_945, %gather3A_877 : vector<16xf32>
        %swap3A_947 = arith.index_cast %add3A_881 : i32 to index
        %swap3A_948 = arith.constant 96 : index
        %swap3A_949 = tpu.vector_load %arg11[%swap3A_947, %swap3A_948] {strides = array<i32>} : memref<128x128xf32, #tpu.memory_space<vmem>>, vector<1x16xf32>,
        %swap3A_950 = vector.shape_cast %swap3A_949 : vector<1x16xf32> to vector<16xf32>
        %swap3A_951 = vector.shape_cast %mul3A_946 : vector<16xf32> to vector<1x16xf32>
        tpu.vector_store %arg11[%swap3A_947, %swap3A_948], %swap3A_951 {strides = array<i32>} : memref<128x128xf32, #tpu.memory_space<vmem>>, vector<1x16xf32>,
        %get3A_952 = arith.index_cast %add3A_881 : i32 to index
        %get3A_953 = arith.constant 112 : index
        %get3A_954 = tpu.vector_load %arg11[%get3A_952, %get3A_953] {strides = array<i32>} : memref<128x128xf32, #tpu.memory_space<vmem>>, vector<1x16xf32>,
        %get3A_955 = vector.shape_cast %get3A_954 : vector<1x16xf32> to vector<16xf32>
        %mul3A_956 = arith.mulf %get3A_955, %gather3A_877 : vector<16xf32>
        %swap3A_957 = arith.index_cast %add3A_881 : i32 to index
        %swap3A_958 = arith.constant 112 : index
        %swap3A_959 = tpu.vector_load %arg11[%swap3A_957, %swap3A_958] {strides = array<i32>} : memref<128x128xf32, #tpu.memory_space<vmem>>, vector<1x16xf32>,
        %swap3A_960 = vector.shape_cast %swap3A_959 : vector<1x16xf32> to vector<16xf32>
        %swap3A_961 = vector.shape_cast %mul3A_956 : vector<16xf32> to vector<1x16xf32>
        tpu.vector_store %arg11[%swap3A_957, %swap3A_958], %swap3A_961 {strides = array<i32>} : memref<128x128xf32, #tpu.memory_space<vmem>>, vector<1x16xf32>,
        %broadcast_in_dim3A_962 = arith.constant 9 : i32
        %broadcast_in_dim3A_963 = vector.broadcast %broadcast_in_dim3A_962 : i32 to vector<16xi32>
        %lt3A_964 = arith.constant 0 : i32
        %lt3A_965 = vector.broadcast %lt3A_964 : i32 to vector<16xi32>
        %lt3A_966 = arith.cmpi slt, %broadcast_in_dim3A_963, %lt3A_965 : vector<16xi32>
        %add3A_967 = arith.constant 16 : i32
        %add3A_968 = vector.broadcast %add3A_967 : i32 to vector<16xi32>
        %add3A_969 = arith.addi %broadcast_in_dim3A_963, %add3A_968 : vector<16xi32>
        %select_n3A_970 = arith.select %lt3A_966, %add3A_969, %broadcast_in_dim3A_963 : vector<16xi1>, vector<16xi32>
        %reshape3A_971 = vector.shape_cast %select_n3A_970 : vector<16xi32> to vector<16x1xi32>
        %gather3A_972 = vector.shape_cast %reshape3A_971 : vector<16x1xi32> to vector<16xi32>
        %gather3A_973 = tpu.dynamic_gather %get3A_102[%gather3A_972] in [0] : vector<16xf32>, vector<16xi32> -> vector<16xf32>
        %mul3A_974 = arith.constant 16 : i32
        %mul3A_975 = arith.muli %add3A_97, %mul3A_974 : i32
        %add3A_976 = arith.constant 9 : i32
        %add3A_977 = arith.addi %mul3A_975, %add3A_976 : i32
        %get3A_978 = arith.index_cast %add3A_977 : i32 to index
        %get3A_979 = arith.constant 0 : index
        %get3A_980 = tpu.vector_load %arg11[%get3A_978, %get3A_979] {strides = array<i32>} : memref<128x128xf32, #tpu.memory_space<vmem>>, vector<1x16xf32>,
        %get3A_981 = vector.shape_cast %get3A_980 : vector<1x16xf32> to vector<16xf32>
        %mul3A_982 = arith.mulf %get3A_981, %gather3A_973 : vector<16xf32>
        %swap3A_983 = arith.index_cast %add3A_977 : i32 to index
        %swap3A_984 = arith.constant 0 : index
        %swap3A_985 = tpu.vector_load %arg11[%swap3A_983, %swap3A_984] {strides = array<i32>} : memref<128x128xf32, #tpu.memory_space<vmem>>, vector<1x16xf32>,
        %swap3A_986 = vector.shape_cast %swap3A_985 : vector<1x16xf32> to vector<16xf32>
        %swap3A_987 = vector.shape_cast %mul3A_982 : vector<16xf32> to vector<1x16xf32>
        tpu.vector_store %arg11[%swap3A_983, %swap3A_984], %swap3A_987 {strides = array<i32>} : memref<128x128xf32, #tpu.memory_space<vmem>>, vector<1x16xf32>,
        %get3A_988 = arith.index_cast %add3A_977 : i32 to index
        %get3A_989 = arith.constant 16 : index
        %get3A_990 = tpu.vector_load %arg11[%get3A_988, %get3A_989] {strides = array<i32>} : memref<128x128xf32, #tpu.memory_space<vmem>>, vector<1x16xf32>,
        %get3A_991 = vector.shape_cast %get3A_990 : vector<1x16xf32> to vector<16xf32>
        %mul3A_992 = arith.mulf %get3A_991, %gather3A_973 : vector<16xf32>
        %swap3A_993 = arith.index_cast %add3A_977 : i32 to index
        %swap3A_994 = arith.constant 16 : index
        %swap3A_995 = tpu.vector_load %arg11[%swap3A_993, %swap3A_994] {strides = array<i32>} : memref<128x128xf32, #tpu.memory_space<vmem>>, vector<1x16xf32>,
        %swap3A_996 = vector.shape_cast %swap3A_995 : vector<1x16xf32> to vector<16xf32>
        %swap3A_997 = vector.shape_cast %mul3A_992 : vector<16xf32> to vector<1x16xf32>
        tpu.vector_store %arg11[%swap3A_993, %swap3A_994], %swap3A_997 {strides = array<i32>} : memref<128x128xf32, #tpu.memory_space<vmem>>, vector<1x16xf32>,
        %get3A_998 = arith.index_cast %add3A_977 : i32 to index
        %get3A_999 = arith.constant 32 : index
        %get3A_1000 = tpu.vector_load %arg11[%get3A_998, %get3A_999] {strides = array<i32>} : memref<128x128xf32, #tpu.memory_space<vmem>>, vector<1x16xf32>,
        %get3A_1001 = vector.shape_cast %get3A_1000 : vector<1x16xf32> to vector<16xf32>
        %mul3A_1002 = arith.mulf %get3A_1001, %gather3A_973 : vector<16xf32>
        %swap3A_1003 = arith.index_cast %add3A_977 : i32 to index
        %swap3A_1004 = arith.constant 32 : index
        %swap3A_1005 = tpu.vector_load %arg11[%swap3A_1003, %swap3A_1004] {strides = array<i32>} : memref<128x128xf32, #tpu.memory_space<vmem>>, vector<1x16xf32>,
        %swap3A_1006 = vector.shape_cast %swap3A_1005 : vector<1x16xf32> to vector<16xf32>
        %swap3A_1007 = vector.shape_cast %mul3A_1002 : vector<16xf32> to vector<1x16xf32>
        tpu.vector_store %arg11[%swap3A_1003, %swap3A_1004], %swap3A_1007 {strides = array<i32>} : memref<128x128xf32, #tpu.memory_space<vmem>>, vector<1x16xf32>,
        %get3A_1008 = arith.index_cast %add3A_977 : i32 to index
        %get3A_1009 = arith.constant 48 : index
        %get3A_1010 = tpu.vector_load %arg11[%get3A_1008, %get3A_1009] {strides = array<i32>} : memref<128x128xf32, #tpu.memory_space<vmem>>, vector<1x16xf32>,
        %get3A_1011 = vector.shape_cast %get3A_1010 : vector<1x16xf32> to vector<16xf32>
        %mul3A_1012 = arith.mulf %get3A_1011, %gather3A_973 : vector<16xf32>
        %swap3A_1013 = arith.index_cast %add3A_977 : i32 to index
        %swap3A_1014 = arith.constant 48 : index
        %swap3A_1015 = tpu.vector_load %arg11[%swap3A_1013, %swap3A_1014] {strides = array<i32>} : memref<128x128xf32, #tpu.memory_space<vmem>>, vector<1x16xf32>,
        %swap3A_1016 = vector.shape_cast %swap3A_1015 : vector<1x16xf32> to vector<16xf32>
        %swap3A_1017 = vector.shape_cast %mul3A_1012 : vector<16xf32> to vector<1x16xf32>
        tpu.vector_store %arg11[%swap3A_1013, %swap3A_1014], %swap3A_1017 {strides = array<i32>} : memref<128x128xf32, #tpu.memory_space<vmem>>, vector<1x16xf32>,
        %get3A_1018 = arith.index_cast %add3A_977 : i32 to index
        %get3A_1019 = arith.constant 64 : index
        %get3A_1020 = tpu.vector_load %arg11[%get3A_1018, %get3A_1019] {strides = array<i32>} : memref<128x128xf32, #tpu.memory_space<vmem>>, vector<1x16xf32>,
        %get3A_1021 = vector.shape_cast %get3A_1020 : vector<1x16xf32> to vector<16xf32>
        %mul3A_1022 = arith.mulf %get3A_1021, %gather3A_973 : vector<16xf32>
        %swap3A_1023 = arith.index_cast %add3A_977 : i32 to index
        %swap3A_1024 = arith.constant 64 : index
        %swap3A_1025 = tpu.vector_load %arg11[%swap3A_1023, %swap3A_1024] {strides = array<i32>} : memref<128x128xf32, #tpu.memory_space<vmem>>, vector<1x16xf32>,
        %swap3A_1026 = vector.shape_cast %swap3A_1025 : vector<1x16xf32> to vector<16xf32>
        %swap3A_1027 = vector.shape_cast %mul3A_1022 : vector<16xf32> to vector<1x16xf32>
        tpu.vector_store %arg11[%swap3A_1023, %swap3A_1024], %swap3A_1027 {strides = array<i32>} : memref<128x128xf32, #tpu.memory_space<vmem>>, vector<1x16xf32>,
        %get3A_1028 = arith.index_cast %add3A_977 : i32 to index
        %get3A_1029 = arith.constant 80 : index
        %get3A_1030 = tpu.vector_load %arg11[%get3A_1028, %get3A_1029] {strides = array<i32>} : memref<128x128xf32, #tpu.memory_space<vmem>>, vector<1x16xf32>,
        %get3A_1031 = vector.shape_cast %get3A_1030 : vector<1x16xf32> to vector<16xf32>
        %mul3A_1032 = arith.mulf %get3A_1031, %gather3A_973 : vector<16xf32>
        %swap3A_1033 = arith.index_cast %add3A_977 : i32 to index
        %swap3A_1034 = arith.constant 80 : index
        %swap3A_1035 = tpu.vector_load %arg11[%swap3A_1033, %swap3A_1034] {strides = array<i32>} : memref<128x128xf32, #tpu.memory_space<vmem>>, vector<1x16xf32>,
        %swap3A_1036 = vector.shape_cast %swap3A_1035 : vector<1x16xf32> to vector<16xf32>
        %swap3A_1037 = vector.shape_cast %mul3A_1032 : vector<16xf32> to vector<1x16xf32>
        tpu.vector_store %arg11[%swap3A_1033, %swap3A_1034], %swap3A_1037 {strides = array<i32>} : memref<128x128xf32, #tpu.memory_space<vmem>>, vector<1x16xf32>,
        %get3A_1038 = arith.index_cast %add3A_977 : i32 to index
        %get3A_1039 = arith.constant 96 : index
        %get3A_1040 = tpu.vector_load %arg11[%get3A_1038, %get3A_1039] {strides = array<i32>} : memref<128x128xf32, #tpu.memory_space<vmem>>, vector<1x16xf32>,
        %get3A_1041 = vector.shape_cast %get3A_1040 : vector<1x16xf32> to vector<16xf32>
        %mul3A_1042 = arith.mulf %get3A_1041, %gather3A_973 : vector<16xf32>
        %swap3A_1043 = arith.index_cast %add3A_977 : i32 to index
        %swap3A_1044 = arith.constant 96 : index
        %swap3A_1045 = tpu.vector_load %arg11[%swap3A_1043, %swap3A_1044] {strides = array<i32>} : memref<128x128xf32, #tpu.memory_space<vmem>>, vector<1x16xf32>,
        %swap3A_1046 = vector.shape_cast %swap3A_1045 : vector<1x16xf32> to vector<16xf32>
        %swap3A_1047 = vector.shape_cast %mul3A_1042 : vector<16xf32> to vector<1x16xf32>
        tpu.vector_store %arg11[%swap3A_1043, %swap3A_1044], %swap3A_1047 {strides = array<i32>} : memref<128x128xf32, #tpu.memory_space<vmem>>, vector<1x16xf32>,
        %get3A_1048 = arith.index_cast %add3A_977 : i32 to index
        %get3A_1049 = arith.constant 112 : index
        %get3A_1050 = tpu.vector_load %arg11[%get3A_1048, %get3A_1049] {strides = array<i32>} : memref<128x128xf32, #tpu.memory_space<vmem>>, vector<1x16xf32>,
        %get3A_1051 = vector.shape_cast %get3A_1050 : vector<1x16xf32> to vector<16xf32>
        %mul3A_1052 = arith.mulf %get3A_1051, %gather3A_973 : vector<16xf32>
        %swap3A_1053 = arith.index_cast %add3A_977 : i32 to index
        %swap3A_1054 = arith.constant 112 : index
        %swap3A_1055 = tpu.vector_load %arg11[%swap3A_1053, %swap3A_1054] {strides = array<i32>} : memref<128x128xf32, #tpu.memory_space<vmem>>, vector<1x16xf32>,
        %swap3A_1056 = vector.shape_cast %swap3A_1055 : vector<1x16xf32> to vector<16xf32>
        %swap3A_1057 = vector.shape_cast %mul3A_1052 : vector<16xf32> to vector<1x16xf32>
        tpu.vector_store %arg11[%swap3A_1053, %swap3A_1054], %swap3A_1057 {strides = array<i32>} : memref<128x128xf32, #tpu.memory_space<vmem>>, vector<1x16xf32>,
        %broadcast_in_dim3A_1058 = arith.constant 10 : i32
        %broadcast_in_dim3A_1059 = vector.broadcast %broadcast_in_dim3A_1058 : i32 to vector<16xi32>
        %lt3A_1060 = arith.constant 0 : i32
        %lt3A_1061 = vector.broadcast %lt3A_1060 : i32 to vector<16xi32>
        %lt3A_1062 = arith.cmpi slt, %broadcast_in_dim3A_1059, %lt3A_1061 : vector<16xi32>
        %add3A_1063 = arith.constant 16 : i32
        %add3A_1064 = vector.broadcast %add3A_1063 : i32 to vector<16xi32>
        %add3A_1065 = arith.addi %broadcast_in_dim3A_1059, %add3A_1064 : vector<16xi32>
        %select_n3A_1066 = arith.select %lt3A_1062, %add3A_1065, %broadcast_in_dim3A_1059 : vector<16xi1>, vector<16xi32>
        %reshape3A_1067 = vector.shape_cast %select_n3A_1066 : vector<16xi32> to vector<16x1xi32>
        %gather3A_1068 = vector.shape_cast %reshape3A_1067 : vector<16x1xi32> to vector<16xi32>
        %gather3A_1069 = tpu.dynamic_gather %get3A_102[%gather3A_1068] in [0] : vector<16xf32>, vector<16xi32> -> vector<16xf32>
        %mul3A_1070 = arith.constant 16 : i32
        %mul3A_1071 = arith.muli %add3A_97, %mul3A_1070 : i32
        %add3A_1072 = arith.constant 10 : i32
        %add3A_1073 = arith.addi %mul3A_1071, %add3A_1072 : i32
        %get3A_1074 = arith.index_cast %add3A_1073 : i32 to index
        %get3A_1075 = arith.constant 0 : index
        %get3A_1076 = tpu.vector_load %arg11[%get3A_1074, %get3A_1075] {strides = array<i32>} : memref<128x128xf32, #tpu.memory_space<vmem>>, vector<1x16xf32>,
        %get3A_1077 = vector.shape_cast %get3A_1076 : vector<1x16xf32> to vector<16xf32>
        %mul3A_1078 = arith.mulf %get3A_1077, %gather3A_1069 : vector<16xf32>
        %swap3A_1079 = arith.index_cast %add3A_1073 : i32 to index
        %swap3A_1080 = arith.constant 0 : index
        %swap3A_1081 = tpu.vector_load %arg11[%swap3A_1079, %swap3A_1080] {strides = array<i32>} : memref<128x128xf32, #tpu.memory_space<vmem>>, vector<1x16xf32>,
        %swap3A_1082 = vector.shape_cast %swap3A_1081 : vector<1x16xf32> to vector<16xf32>
        %swap3A_1083 = vector.shape_cast %mul3A_1078 : vector<16xf32> to vector<1x16xf32>
        tpu.vector_store %arg11[%swap3A_1079, %swap3A_1080], %swap3A_1083 {strides = array<i32>} : memref<128x128xf32, #tpu.memory_space<vmem>>, vector<1x16xf32>,
        %get3A_1084 = arith.index_cast %add3A_1073 : i32 to index
        %get3A_1085 = arith.constant 16 : index
        %get3A_1086 = tpu.vector_load %arg11[%get3A_1084, %get3A_1085] {strides = array<i32>} : memref<128x128xf32, #tpu.memory_space<vmem>>, vector<1x16xf32>,
        %get3A_1087 = vector.shape_cast %get3A_1086 : vector<1x16xf32> to vector<16xf32>
        %mul3A_1088 = arith.mulf %get3A_1087, %gather3A_1069 : vector<16xf32>
        %swap3A_1089 = arith.index_cast %add3A_1073 : i32 to index
        %swap3A_1090 = arith.constant 16 : index
        %swap3A_1091 = tpu.vector_load %arg11[%swap3A_1089, %swap3A_1090] {strides = array<i32>} : memref<128x128xf32, #tpu.memory_space<vmem>>, vector<1x16xf32>,
        %swap3A_1092 = vector.shape_cast %swap3A_1091 : vector<1x16xf32> to vector<16xf32>
        %swap3A_1093 = vector.shape_cast %mul3A_1088 : vector<16xf32> to vector<1x16xf32>
        tpu.vector_store %arg11[%swap3A_1089, %swap3A_1090], %swap3A_1093 {strides = array<i32>} : memref<128x128xf32, #tpu.memory_space<vmem>>, vector<1x16xf32>,
        %get3A_1094 = arith.index_cast %add3A_1073 : i32 to index
        %get3A_1095 = arith.constant 32 : index
        %get3A_1096 = tpu.vector_load %arg11[%get3A_1094, %get3A_1095] {strides = array<i32>} : memref<128x128xf32, #tpu.memory_space<vmem>>, vector<1x16xf32>,
        %get3A_1097 = vector.shape_cast %get3A_1096 : vector<1x16xf32> to vector<16xf32>
        %mul3A_1098 = arith.mulf %get3A_1097, %gather3A_1069 : vector<16xf32>
        %swap3A_1099 = arith.index_cast %add3A_1073 : i32 to index
        %swap3A_1100 = arith.constant 32 : index
        %swap3A_1101 = tpu.vector_load %arg11[%swap3A_1099, %swap3A_1100] {strides = array<i32>} : memref<128x128xf32, #tpu.memory_space<vmem>>, vector<1x16xf32>,
        %swap3A_1102 = vector.shape_cast %swap3A_1101 : vector<1x16xf32> to vector<16xf32>
        %swap3A_1103 = vector.shape_cast %mul3A_1098 : vector<16xf32> to vector<1x16xf32>
        tpu.vector_store %arg11[%swap3A_1099, %swap3A_1100], %swap3A_1103 {strides = array<i32>} : memref<128x128xf32, #tpu.memory_space<vmem>>, vector<1x16xf32>,
        %get3A_1104 = arith.index_cast %add3A_1073 : i32 to index
        %get3A_1105 = arith.constant 48 : index
        %get3A_1106 = tpu.vector_load %arg11[%get3A_1104, %get3A_1105] {strides = array<i32>} : memref<128x128xf32, #tpu.memory_space<vmem>>, vector<1x16xf32>,
        %get3A_1107 = vector.shape_cast %get3A_1106 : vector<1x16xf32> to vector<16xf32>
        %mul3A_1108 = arith.mulf %get3A_1107, %gather3A_1069 : vector<16xf32>
        %swap3A_1109 = arith.index_cast %add3A_1073 : i32 to index
        %swap3A_1110 = arith.constant 48 : index
        %swap3A_1111 = tpu.vector_load %arg11[%swap3A_1109, %swap3A_1110] {strides = array<i32>} : memref<128x128xf32, #tpu.memory_space<vmem>>, vector<1x16xf32>,
        %swap3A_1112 = vector.shape_cast %swap3A_1111 : vector<1x16xf32> to vector<16xf32>
        %swap3A_1113 = vector.shape_cast %mul3A_1108 : vector<16xf32> to vector<1x16xf32>
        tpu.vector_store %arg11[%swap3A_1109, %swap3A_1110], %swap3A_1113 {strides = array<i32>} : memref<128x128xf32, #tpu.memory_space<vmem>>, vector<1x16xf32>,
        %get3A_1114 = arith.index_cast %add3A_1073 : i32 to index
        %get3A_1115 = arith.constant 64 : index
        %get3A_1116 = tpu.vector_load %arg11[%get3A_1114, %get3A_1115] {strides = array<i32>} : memref<128x128xf32, #tpu.memory_space<vmem>>, vector<1x16xf32>,
        %get3A_1117 = vector.shape_cast %get3A_1116 : vector<1x16xf32> to vector<16xf32>
        %mul3A_1118 = arith.mulf %get3A_1117, %gather3A_1069 : vector<16xf32>
        %swap3A_1119 = arith.index_cast %add3A_1073 : i32 to index
        %swap3A_1120 = arith.constant 64 : index
        %swap3A_1121 = tpu.vector_load %arg11[%swap3A_1119, %swap3A_1120] {strides = array<i32>} : memref<128x128xf32, #tpu.memory_space<vmem>>, vector<1x16xf32>,
        %swap3A_1122 = vector.shape_cast %swap3A_1121 : vector<1x16xf32> to vector<16xf32>
        %swap3A_1123 = vector.shape_cast %mul3A_1118 : vector<16xf32> to vector<1x16xf32>
        tpu.vector_store %arg11[%swap3A_1119, %swap3A_1120], %swap3A_1123 {strides = array<i32>} : memref<128x128xf32, #tpu.memory_space<vmem>>, vector<1x16xf32>,
        %get3A_1124 = arith.index_cast %add3A_1073 : i32 to index
        %get3A_1125 = arith.constant 80 : index
        %get3A_1126 = tpu.vector_load %arg11[%get3A_1124, %get3A_1125] {strides = array<i32>} : memref<128x128xf32, #tpu.memory_space<vmem>>, vector<1x16xf32>,
        %get3A_1127 = vector.shape_cast %get3A_1126 : vector<1x16xf32> to vector<16xf32>
        %mul3A_1128 = arith.mulf %get3A_1127, %gather3A_1069 : vector<16xf32>
        %swap3A_1129 = arith.index_cast %add3A_1073 : i32 to index
        %swap3A_1130 = arith.constant 80 : index
        %swap3A_1131 = tpu.vector_load %arg11[%swap3A_1129, %swap3A_1130] {strides = array<i32>} : memref<128x128xf32, #tpu.memory_space<vmem>>, vector<1x16xf32>,
        %swap3A_1132 = vector.shape_cast %swap3A_1131 : vector<1x16xf32> to vector<16xf32>
        %swap3A_1133 = vector.shape_cast %mul3A_1128 : vector<16xf32> to vector<1x16xf32>
        tpu.vector_store %arg11[%swap3A_1129, %swap3A_1130], %swap3A_1133 {strides = array<i32>} : memref<128x128xf32, #tpu.memory_space<vmem>>, vector<1x16xf32>,
        %get3A_1134 = arith.index_cast %add3A_1073 : i32 to index
        %get3A_1135 = arith.constant 96 : index
        %get3A_1136 = tpu.vector_load %arg11[%get3A_1134, %get3A_1135] {strides = array<i32>} : memref<128x128xf32, #tpu.memory_space<vmem>>, vector<1x16xf32>,
        %get3A_1137 = vector.shape_cast %get3A_1136 : vector<1x16xf32> to vector<16xf32>
        %mul3A_1138 = arith.mulf %get3A_1137, %gather3A_1069 : vector<16xf32>
        %swap3A_1139 = arith.index_cast %add3A_1073 : i32 to index
        %swap3A_1140 = arith.constant 96 : index
        %swap3A_1141 = tpu.vector_load %arg11[%swap3A_1139, %swap3A_1140] {strides = array<i32>} : memref<128x128xf32, #tpu.memory_space<vmem>>, vector<1x16xf32>,
        %swap3A_1142 = vector.shape_cast %swap3A_1141 : vector<1x16xf32> to vector<16xf32>
        %swap3A_1143 = vector.shape_cast %mul3A_1138 : vector<16xf32> to vector<1x16xf32>
        tpu.vector_store %arg11[%swap3A_1139, %swap3A_1140], %swap3A_1143 {strides = array<i32>} : memref<128x128xf32, #tpu.memory_space<vmem>>, vector<1x16xf32>,
        %get3A_1144 = arith.index_cast %add3A_1073 : i32 to index
        %get3A_1145 = arith.constant 112 : index
        %get3A_1146 = tpu.vector_load %arg11[%get3A_1144, %get3A_1145] {strides = array<i32>} : memref<128x128xf32, #tpu.memory_space<vmem>>, vector<1x16xf32>,
        %get3A_1147 = vector.shape_cast %get3A_1146 : vector<1x16xf32> to vector<16xf32>
        %mul3A_1148 = arith.mulf %get3A_1147, %gather3A_1069 : vector<16xf32>
        %swap3A_1149 = arith.index_cast %add3A_1073 : i32 to index
        %swap3A_1150 = arith.constant 112 : index
        %swap3A_1151 = tpu.vector_load %arg11[%swap3A_1149, %swap3A_1150] {strides = array<i32>} : memref<128x128xf32, #tpu.memory_space<vmem>>, vector<1x16xf32>,
        %swap3A_1152 = vector.shape_cast %swap3A_1151 : vector<1x16xf32> to vector<16xf32>
        %swap3A_1153 = vector.shape_cast %mul3A_1148 : vector<16xf32> to vector<1x16xf32>
        tpu.vector_store %arg11[%swap3A_1149, %swap3A_1150], %swap3A_1153 {strides = array<i32>} : memref<128x128xf32, #tpu.memory_space<vmem>>, vector<1x16xf32>,
        %broadcast_in_dim3A_1154 = arith.constant 11 : i32
        %broadcast_in_dim3A_1155 = vector.broadcast %broadcast_in_dim3A_1154 : i32 to vector<16xi32>
        %lt3A_1156 = arith.constant 0 : i32
        %lt3A_1157 = vector.broadcast %lt3A_1156 : i32 to vector<16xi32>
        %lt3A_1158 = arith.cmpi slt, %broadcast_in_dim3A_1155, %lt3A_1157 : vector<16xi32>
        %add3A_1159 = arith.constant 16 : i32
        %add3A_1160 = vector.broadcast %add3A_1159 : i32 to vector<16xi32>
        %add3A_1161 = arith.addi %broadcast_in_dim3A_1155, %add3A_1160 : vector<16xi32>
        %select_n3A_1162 = arith.select %lt3A_1158, %add3A_1161, %broadcast_in_dim3A_1155 : vector<16xi1>, vector<16xi32>
        %reshape3A_1163 = vector.shape_cast %select_n3A_1162 : vector<16xi32> to vector<16x1xi32>
        %gather3A_1164 = vector.shape_cast %reshape3A_1163 : vector<16x1xi32> to vector<16xi32>
        %gather3A_1165 = tpu.dynamic_gather %get3A_102[%gather3A_1164] in [0] : vector<16xf32>, vector<16xi32> -> vector<16xf32>
        %mul3A_1166 = arith.constant 16 : i32
        %mul3A_1167 = arith.muli %add3A_97, %mul3A_1166 : i32
        %add3A_1168 = arith.constant 11 : i32
        %add3A_1169 = arith.addi %mul3A_1167, %add3A_1168 : i32
        %get3A_1170 = arith.index_cast %add3A_1169 : i32 to index
        %get3A_1171 = arith.constant 0 : index
        %get3A_1172 = tpu.vector_load %arg11[%get3A_1170, %get3A_1171] {strides = array<i32>} : memref<128x128xf32, #tpu.memory_space<vmem>>, vector<1x16xf32>,
        %get3A_1173 = vector.shape_cast %get3A_1172 : vector<1x16xf32> to vector<16xf32>
        %mul3A_1174 = arith.mulf %get3A_1173, %gather3A_1165 : vector<16xf32>
        %swap3A_1175 = arith.index_cast %add3A_1169 : i32 to index
        %swap3A_1176 = arith.constant 0 : index
        %swap3A_1177 = tpu.vector_load %arg11[%swap3A_1175, %swap3A_1176] {strides = array<i32>} : memref<128x128xf32, #tpu.memory_space<vmem>>, vector<1x16xf32>,
        %swap3A_1178 = vector.shape_cast %swap3A_1177 : vector<1x16xf32> to vector<16xf32>
        %swap3A_1179 = vector.shape_cast %mul3A_1174 : vector<16xf32> to vector<1x16xf32>
        tpu.vector_store %arg11[%swap3A_1175, %swap3A_1176], %swap3A_1179 {strides = array<i32>} : memref<128x128xf32, #tpu.memory_space<vmem>>, vector<1x16xf32>,
        %get3A_1180 = arith.index_cast %add3A_1169 : i32 to index
        %get3A_1181 = arith.constant 16 : index
        %get3A_1182 = tpu.vector_load %arg11[%get3A_1180, %get3A_1181] {strides = array<i32>} : memref<128x128xf32, #tpu.memory_space<vmem>>, vector<1x16xf32>,
        %get3A_1183 = vector.shape_cast %get3A_1182 : vector<1x16xf32> to vector<16xf32>
        %mul3A_1184 = arith.mulf %get3A_1183, %gather3A_1165 : vector<16xf32>
        %swap3A_1185 = arith.index_cast %add3A_1169 : i32 to index
        %swap3A_1186 = arith.constant 16 : index
        %swap3A_1187 = tpu.vector_load %arg11[%swap3A_1185, %swap3A_1186] {strides = array<i32>} : memref<128x128xf32, #tpu.memory_space<vmem>>, vector<1x16xf32>,
        %swap3A_1188 = vector.shape_cast %swap3A_1187 : vector<1x16xf32> to vector<16xf32>
        %swap3A_1189 = vector.shape_cast %mul3A_1184 : vector<16xf32> to vector<1x16xf32>
        tpu.vector_store %arg11[%swap3A_1185, %swap3A_1186], %swap3A_1189 {strides = array<i32>} : memref<128x128xf32, #tpu.memory_space<vmem>>, vector<1x16xf32>,
        %get3A_1190 = arith.index_cast %add3A_1169 : i32 to index
        %get3A_1191 = arith.constant 32 : index
        %get3A_1192 = tpu.vector_load %arg11[%get3A_1190, %get3A_1191] {strides = array<i32>} : memref<128x128xf32, #tpu.memory_space<vmem>>, vector<1x16xf32>,
        %get3A_1193 = vector.shape_cast %get3A_1192 : vector<1x16xf32> to vector<16xf32>
        %mul3A_1194 = arith.mulf %get3A_1193, %gather3A_1165 : vector<16xf32>
        %swap3A_1195 = arith.index_cast %add3A_1169 : i32 to index
        %swap3A_1196 = arith.constant 32 : index
        %swap3A_1197 = tpu.vector_load %arg11[%swap3A_1195, %swap3A_1196] {strides = array<i32>} : memref<128x128xf32, #tpu.memory_space<vmem>>, vector<1x16xf32>,
        %swap3A_1198 = vector.shape_cast %swap3A_1197 : vector<1x16xf32> to vector<16xf32>
        %swap3A_1199 = vector.shape_cast %mul3A_1194 : vector<16xf32> to vector<1x16xf32>
        tpu.vector_store %arg11[%swap3A_1195, %swap3A_1196], %swap3A_1199 {strides = array<i32>} : memref<128x128xf32, #tpu.memory_space<vmem>>, vector<1x16xf32>,
        %get3A_1200 = arith.index_cast %add3A_1169 : i32 to index
        %get3A_1201 = arith.constant 48 : index
        %get3A_1202 = tpu.vector_load %arg11[%get3A_1200, %get3A_1201] {strides = array<i32>} : memref<128x128xf32, #tpu.memory_space<vmem>>, vector<1x16xf32>,
        %get3A_1203 = vector.shape_cast %get3A_1202 : vector<1x16xf32> to vector<16xf32>
        %mul3A_1204 = arith.mulf %get3A_1203, %gather3A_1165 : vector<16xf32>
        %swap3A_1205 = arith.index_cast %add3A_1169 : i32 to index
        %swap3A_1206 = arith.constant 48 : index
        %swap3A_1207 = tpu.vector_load %arg11[%swap3A_1205, %swap3A_1206] {strides = array<i32>} : memref<128x128xf32, #tpu.memory_space<vmem>>, vector<1x16xf32>,
        %swap3A_1208 = vector.shape_cast %swap3A_1207 : vector<1x16xf32> to vector<16xf32>
        %swap3A_1209 = vector.shape_cast %mul3A_1204 : vector<16xf32> to vector<1x16xf32>
        tpu.vector_store %arg11[%swap3A_1205, %swap3A_1206], %swap3A_1209 {strides = array<i32>} : memref<128x128xf32, #tpu.memory_space<vmem>>, vector<1x16xf32>,
        %get3A_1210 = arith.index_cast %add3A_1169 : i32 to index
        %get3A_1211 = arith.constant 64 : index
        %get3A_1212 = tpu.vector_load %arg11[%get3A_1210, %get3A_1211] {strides = array<i32>} : memref<128x128xf32, #tpu.memory_space<vmem>>, vector<1x16xf32>,
        %get3A_1213 = vector.shape_cast %get3A_1212 : vector<1x16xf32> to vector<16xf32>
        %mul3A_1214 = arith.mulf %get3A_1213, %gather3A_1165 : vector<16xf32>
        %swap3A_1215 = arith.index_cast %add3A_1169 : i32 to index
        %swap3A_1216 = arith.constant 64 : index
        %swap3A_1217 = tpu.vector_load %arg11[%swap3A_1215, %swap3A_1216] {strides = array<i32>} : memref<128x128xf32, #tpu.memory_space<vmem>>, vector<1x16xf32>,
        %swap3A_1218 = vector.shape_cast %swap3A_1217 : vector<1x16xf32> to vector<16xf32>
        %swap3A_1219 = vector.shape_cast %mul3A_1214 : vector<16xf32> to vector<1x16xf32>
        tpu.vector_store %arg11[%swap3A_1215, %swap3A_1216], %swap3A_1219 {strides = array<i32>} : memref<128x128xf32, #tpu.memory_space<vmem>>, vector<1x16xf32>,
        %get3A_1220 = arith.index_cast %add3A_1169 : i32 to index
        %get3A_1221 = arith.constant 80 : index
        %get3A_1222 = tpu.vector_load %arg11[%get3A_1220, %get3A_1221] {strides = array<i32>} : memref<128x128xf32, #tpu.memory_space<vmem>>, vector<1x16xf32>,
        %get3A_1223 = vector.shape_cast %get3A_1222 : vector<1x16xf32> to vector<16xf32>
        %mul3A_1224 = arith.mulf %get3A_1223, %gather3A_1165 : vector<16xf32>
        %swap3A_1225 = arith.index_cast %add3A_1169 : i32 to index
        %swap3A_1226 = arith.constant 80 : index
        %swap3A_1227 = tpu.vector_load %arg11[%swap3A_1225, %swap3A_1226] {strides = array<i32>} : memref<128x128xf32, #tpu.memory_space<vmem>>, vector<1x16xf32>,
        %swap3A_1228 = vector.shape_cast %swap3A_1227 : vector<1x16xf32> to vector<16xf32>
        %swap3A_1229 = vector.shape_cast %mul3A_1224 : vector<16xf32> to vector<1x16xf32>
        tpu.vector_store %arg11[%swap3A_1225, %swap3A_1226], %swap3A_1229 {strides = array<i32>} : memref<128x128xf32, #tpu.memory_space<vmem>>, vector<1x16xf32>,
        %get3A_1230 = arith.index_cast %add3A_1169 : i32 to index
        %get3A_1231 = arith.constant 96 : index
        %get3A_1232 = tpu.vector_load %arg11[%get3A_1230, %get3A_1231] {strides = array<i32>} : memref<128x128xf32, #tpu.memory_space<vmem>>, vector<1x16xf32>,
        %get3A_1233 = vector.shape_cast %get3A_1232 : vector<1x16xf32> to vector<16xf32>
        %mul3A_1234 = arith.mulf %get3A_1233, %gather3A_1165 : vector<16xf32>
        %swap3A_1235 = arith.index_cast %add3A_1169 : i32 to index
        %swap3A_1236 = arith.constant 96 : index
        %swap3A_1237 = tpu.vector_load %arg11[%swap3A_1235, %swap3A_1236] {strides = array<i32>} : memref<128x128xf32, #tpu.memory_space<vmem>>, vector<1x16xf32>,
        %swap3A_1238 = vector.shape_cast %swap3A_1237 : vector<1x16xf32> to vector<16xf32>
        %swap3A_1239 = vector.shape_cast %mul3A_1234 : vector<16xf32> to vector<1x16xf32>
        tpu.vector_store %arg11[%swap3A_1235, %swap3A_1236], %swap3A_1239 {strides = array<i32>} : memref<128x128xf32, #tpu.memory_space<vmem>>, vector<1x16xf32>,
        %get3A_1240 = arith.index_cast %add3A_1169 : i32 to index
        %get3A_1241 = arith.constant 112 : index
        %get3A_1242 = tpu.vector_load %arg11[%get3A_1240, %get3A_1241] {strides = array<i32>} : memref<128x128xf32, #tpu.memory_space<vmem>>, vector<1x16xf32>,
        %get3A_1243 = vector.shape_cast %get3A_1242 : vector<1x16xf32> to vector<16xf32>
        %mul3A_1244 = arith.mulf %get3A_1243, %gather3A_1165 : vector<16xf32>
        %swap3A_1245 = arith.index_cast %add3A_1169 : i32 to index
        %swap3A_1246 = arith.constant 112 : index
        %swap3A_1247 = tpu.vector_load %arg11[%swap3A_1245, %swap3A_1246] {strides = array<i32>} : memref<128x128xf32, #tpu.memory_space<vmem>>, vector<1x16xf32>,
        %swap3A_1248 = vector.shape_cast %swap3A_1247 : vector<1x16xf32> to vector<16xf32>
        %swap3A_1249 = vector.shape_cast %mul3A_1244 : vector<16xf32> to vector<1x16xf32>
        tpu.vector_store %arg11[%swap3A_1245, %swap3A_1246], %swap3A_1249 {strides = array<i32>} : memref<128x128xf32, #tpu.memory_space<vmem>>, vector<1x16xf32>,
        %broadcast_in_dim3A_1250 = arith.constant 12 : i32
        %broadcast_in_dim3A_1251 = vector.broadcast %broadcast_in_dim3A_1250 : i32 to vector<16xi32>
        %lt3A_1252 = arith.constant 0 : i32
        %lt3A_1253 = vector.broadcast %lt3A_1252 : i32 to vector<16xi32>
        %lt3A_1254 = arith.cmpi slt, %broadcast_in_dim3A_1251, %lt3A_1253 : vector<16xi32>
        %add3A_1255 = arith.constant 16 : i32
        %add3A_1256 = vector.broadcast %add3A_1255 : i32 to vector<16xi32>
        %add3A_1257 = arith.addi %broadcast_in_dim3A_1251, %add3A_1256 : vector<16xi32>
        %select_n3A_1258 = arith.select %lt3A_1254, %add3A_1257, %broadcast_in_dim3A_1251 : vector<16xi1>, vector<16xi32>
        %reshape3A_1259 = vector.shape_cast %select_n3A_1258 : vector<16xi32> to vector<16x1xi32>
        %gather3A_1260 = vector.shape_cast %reshape3A_1259 : vector<16x1xi32> to vector<16xi32>
        %gather3A_1261 = tpu.dynamic_gather %get3A_102[%gather3A_1260] in [0] : vector<16xf32>, vector<16xi32> -> vector<16xf32>
        %mul3A_1262 = arith.constant 16 : i32
        %mul3A_1263 = arith.muli %add3A_97, %mul3A_1262 : i32
        %add3A_1264 = arith.constant 12 : i32
        %add3A_1265 = arith.addi %mul3A_1263, %add3A_1264 : i32
        %get3A_1266 = arith.index_cast %add3A_1265 : i32 to index
        %get3A_1267 = arith.constant 0 : index
        %get3A_1268 = tpu.vector_load %arg11[%get3A_1266, %get3A_1267] {strides = array<i32>} : memref<128x128xf32, #tpu.memory_space<vmem>>, vector<1x16xf32>,
        %get3A_1269 = vector.shape_cast %get3A_1268 : vector<1x16xf32> to vector<16xf32>
        %mul3A_1270 = arith.mulf %get3A_1269, %gather3A_1261 : vector<16xf32>
        %swap3A_1271 = arith.index_cast %add3A_1265 : i32 to index
        %swap3A_1272 = arith.constant 0 : index
        %swap3A_1273 = tpu.vector_load %arg11[%swap3A_1271, %swap3A_1272] {strides = array<i32>} : memref<128x128xf32, #tpu.memory_space<vmem>>, vector<1x16xf32>,
        %swap3A_1274 = vector.shape_cast %swap3A_1273 : vector<1x16xf32> to vector<16xf32>
        %swap3A_1275 = vector.shape_cast %mul3A_1270 : vector<16xf32> to vector<1x16xf32>
        tpu.vector_store %arg11[%swap3A_1271, %swap3A_1272], %swap3A_1275 {strides = array<i32>} : memref<128x128xf32, #tpu.memory_space<vmem>>, vector<1x16xf32>,
        %get3A_1276 = arith.index_cast %add3A_1265 : i32 to index
        %get3A_1277 = arith.constant 16 : index
        %get3A_1278 = tpu.vector_load %arg11[%get3A_1276, %get3A_1277] {strides = array<i32>} : memref<128x128xf32, #tpu.memory_space<vmem>>, vector<1x16xf32>,
        %get3A_1279 = vector.shape_cast %get3A_1278 : vector<1x16xf32> to vector<16xf32>
        %mul3A_1280 = arith.mulf %get3A_1279, %gather3A_1261 : vector<16xf32>
        %swap3A_1281 = arith.index_cast %add3A_1265 : i32 to index
        %swap3A_1282 = arith.constant 16 : index
        %swap3A_1283 = tpu.vector_load %arg11[%swap3A_1281, %swap3A_1282] {strides = array<i32>} : memref<128x128xf32, #tpu.memory_space<vmem>>, vector<1x16xf32>,
        %swap3A_1284 = vector.shape_cast %swap3A_1283 : vector<1x16xf32> to vector<16xf32>
        %swap3A_1285 = vector.shape_cast %mul3A_1280 : vector<16xf32> to vector<1x16xf32>
        tpu.vector_store %arg11[%swap3A_1281, %swap3A_1282], %swap3A_1285 {strides = array<i32>} : memref<128x128xf32, #tpu.memory_space<vmem>>, vector<1x16xf32>,
        %get3A_1286 = arith.index_cast %add3A_1265 : i32 to index
        %get3A_1287 = arith.constant 32 : index
        %get3A_1288 = tpu.vector_load %arg11[%get3A_1286, %get3A_1287] {strides = array<i32>} : memref<128x128xf32, #tpu.memory_space<vmem>>, vector<1x16xf32>,
        %get3A_1289 = vector.shape_cast %get3A_1288 : vector<1x16xf32> to vector<16xf32>
        %mul3A_1290 = arith.mulf %get3A_1289, %gather3A_1261 : vector<16xf32>
        %swap3A_1291 = arith.index_cast %add3A_1265 : i32 to index
        %swap3A_1292 = arith.constant 32 : index
        %swap3A_1293 = tpu.vector_load %arg11[%swap3A_1291, %swap3A_1292] {strides = array<i32>} : memref<128x128xf32, #tpu.memory_space<vmem>>, vector<1x16xf32>,
        %swap3A_1294 = vector.shape_cast %swap3A_1293 : vector<1x16xf32> to vector<16xf32>
        %swap3A_1295 = vector.shape_cast %mul3A_1290 : vector<16xf32> to vector<1x16xf32>
        tpu.vector_store %arg11[%swap3A_1291, %swap3A_1292], %swap3A_1295 {strides = array<i32>} : memref<128x128xf32, #tpu.memory_space<vmem>>, vector<1x16xf32>,
        %get3A_1296 = arith.index_cast %add3A_1265 : i32 to index
        %get3A_1297 = arith.constant 48 : index
        %get3A_1298 = tpu.vector_load %arg11[%get3A_1296, %get3A_1297] {strides = array<i32>} : memref<128x128xf32, #tpu.memory_space<vmem>>, vector<1x16xf32>,
        %get3A_1299 = vector.shape_cast %get3A_1298 : vector<1x16xf32> to vector<16xf32>
        %mul3A_1300 = arith.mulf %get3A_1299, %gather3A_1261 : vector<16xf32>
        %swap3A_1301 = arith.index_cast %add3A_1265 : i32 to index
        %swap3A_1302 = arith.constant 48 : index
        %swap3A_1303 = tpu.vector_load %arg11[%swap3A_1301, %swap3A_1302] {strides = array<i32>} : memref<128x128xf32, #tpu.memory_space<vmem>>, vector<1x16xf32>,
        %swap3A_1304 = vector.shape_cast %swap3A_1303 : vector<1x16xf32> to vector<16xf32>
        %swap3A_1305 = vector.shape_cast %mul3A_1300 : vector<16xf32> to vector<1x16xf32>
        tpu.vector_store %arg11[%swap3A_1301, %swap3A_1302], %swap3A_1305 {strides = array<i32>} : memref<128x128xf32, #tpu.memory_space<vmem>>, vector<1x16xf32>,
        %get3A_1306 = arith.index_cast %add3A_1265 : i32 to index
        %get3A_1307 = arith.constant 64 : index
        %get3A_1308 = tpu.vector_load %arg11[%get3A_1306, %get3A_1307] {strides = array<i32>} : memref<128x128xf32, #tpu.memory_space<vmem>>, vector<1x16xf32>,
        %get3A_1309 = vector.shape_cast %get3A_1308 : vector<1x16xf32> to vector<16xf32>
        %mul3A_1310 = arith.mulf %get3A_1309, %gather3A_1261 : vector<16xf32>
        %swap3A_1311 = arith.index_cast %add3A_1265 : i32 to index
        %swap3A_1312 = arith.constant 64 : index
        %swap3A_1313 = tpu.vector_load %arg11[%swap3A_1311, %swap3A_1312] {strides = array<i32>} : memref<128x128xf32, #tpu.memory_space<vmem>>, vector<1x16xf32>,
        %swap3A_1314 = vector.shape_cast %swap3A_1313 : vector<1x16xf32> to vector<16xf32>
        %swap3A_1315 = vector.shape_cast %mul3A_1310 : vector<16xf32> to vector<1x16xf32>
        tpu.vector_store %arg11[%swap3A_1311, %swap3A_1312], %swap3A_1315 {strides = array<i32>} : memref<128x128xf32, #tpu.memory_space<vmem>>, vector<1x16xf32>,
        %get3A_1316 = arith.index_cast %add3A_1265 : i32 to index
        %get3A_1317 = arith.constant 80 : index
        %get3A_1318 = tpu.vector_load %arg11[%get3A_1316, %get3A_1317] {strides = array<i32>} : memref<128x128xf32, #tpu.memory_space<vmem>>, vector<1x16xf32>,
        %get3A_1319 = vector.shape_cast %get3A_1318 : vector<1x16xf32> to vector<16xf32>
        %mul3A_1320 = arith.mulf %get3A_1319, %gather3A_1261 : vector<16xf32>
        %swap3A_1321 = arith.index_cast %add3A_1265 : i32 to index
        %swap3A_1322 = arith.constant 80 : index
        %swap3A_1323 = tpu.vector_load %arg11[%swap3A_1321, %swap3A_1322] {strides = array<i32>} : memref<128x128xf32, #tpu.memory_space<vmem>>, vector<1x16xf32>,
        %swap3A_1324 = vector.shape_cast %swap3A_1323 : vector<1x16xf32> to vector<16xf32>
        %swap3A_1325 = vector.shape_cast %mul3A_1320 : vector<16xf32> to vector<1x16xf32>
        tpu.vector_store %arg11[%swap3A_1321, %swap3A_1322], %swap3A_1325 {strides = array<i32>} : memref<128x128xf32, #tpu.memory_space<vmem>>, vector<1x16xf32>,
        %get3A_1326 = arith.index_cast %add3A_1265 : i32 to index
        %get3A_1327 = arith.constant 96 : index
        %get3A_1328 = tpu.vector_load %arg11[%get3A_1326, %get3A_1327] {strides = array<i32>} : memref<128x128xf32, #tpu.memory_space<vmem>>, vector<1x16xf32>,
        %get3A_1329 = vector.shape_cast %get3A_1328 : vector<1x16xf32> to vector<16xf32>
        %mul3A_1330 = arith.mulf %get3A_1329, %gather3A_1261 : vector<16xf32>
        %swap3A_1331 = arith.index_cast %add3A_1265 : i32 to index
        %swap3A_1332 = arith.constant 96 : index
        %swap3A_1333 = tpu.vector_load %arg11[%swap3A_1331, %swap3A_1332] {strides = array<i32>} : memref<128x128xf32, #tpu.memory_space<vmem>>, vector<1x16xf32>,
        %swap3A_1334 = vector.shape_cast %swap3A_1333 : vector<1x16xf32> to vector<16xf32>
        %swap3A_1335 = vector.shape_cast %mul3A_1330 : vector<16xf32> to vector<1x16xf32>
        tpu.vector_store %arg11[%swap3A_1331, %swap3A_1332], %swap3A_1335 {strides = array<i32>} : memref<128x128xf32, #tpu.memory_space<vmem>>, vector<1x16xf32>,
        %get3A_1336 = arith.index_cast %add3A_1265 : i32 to index
        %get3A_1337 = arith.constant 112 : index
        %get3A_1338 = tpu.vector_load %arg11[%get3A_1336, %get3A_1337] {strides = array<i32>} : memref<128x128xf32, #tpu.memory_space<vmem>>, vector<1x16xf32>,
        %get3A_1339 = vector.shape_cast %get3A_1338 : vector<1x16xf32> to vector<16xf32>
        %mul3A_1340 = arith.mulf %get3A_1339, %gather3A_1261 : vector<16xf32>
        %swap3A_1341 = arith.index_cast %add3A_1265 : i32 to index
        %swap3A_1342 = arith.constant 112 : index
        %swap3A_1343 = tpu.vector_load %arg11[%swap3A_1341, %swap3A_1342] {strides = array<i32>} : memref<128x128xf32, #tpu.memory_space<vmem>>, vector<1x16xf32>,
        %swap3A_1344 = vector.shape_cast %swap3A_1343 : vector<1x16xf32> to vector<16xf32>
        %swap3A_1345 = vector.shape_cast %mul3A_1340 : vector<16xf32> to vector<1x16xf32>
        tpu.vector_store %arg11[%swap3A_1341, %swap3A_1342], %swap3A_1345 {strides = array<i32>} : memref<128x128xf32, #tpu.memory_space<vmem>>, vector<1x16xf32>,
        %broadcast_in_dim3A_1346 = arith.constant 13 : i32
        %broadcast_in_dim3A_1347 = vector.broadcast %broadcast_in_dim3A_1346 : i32 to vector<16xi32>
        %lt3A_1348 = arith.constant 0 : i32
        %lt3A_1349 = vector.broadcast %lt3A_1348 : i32 to vector<16xi32>
        %lt3A_1350 = arith.cmpi slt, %broadcast_in_dim3A_1347, %lt3A_1349 : vector<16xi32>
        %add3A_1351 = arith.constant 16 : i32
        %add3A_1352 = vector.broadcast %add3A_1351 : i32 to vector<16xi32>
        %add3A_1353 = arith.addi %broadcast_in_dim3A_1347, %add3A_1352 : vector<16xi32>
        %select_n3A_1354 = arith.select %lt3A_1350, %add3A_1353, %broadcast_in_dim3A_1347 : vector<16xi1>, vector<16xi32>
        %reshape3A_1355 = vector.shape_cast %select_n3A_1354 : vector<16xi32> to vector<16x1xi32>
        %gather3A_1356 = vector.shape_cast %reshape3A_1355 : vector<16x1xi32> to vector<16xi32>
        %gather3A_1357 = tpu.dynamic_gather %get3A_102[%gather3A_1356] in [0] : vector<16xf32>, vector<16xi32> -> vector<16xf32>
        %mul3A_1358 = arith.constant 16 : i32
        %mul3A_1359 = arith.muli %add3A_97, %mul3A_1358 : i32
        %add3A_1360 = arith.constant 13 : i32
        %add3A_1361 = arith.addi %mul3A_1359, %add3A_1360 : i32
        %get3A_1362 = arith.index_cast %add3A_1361 : i32 to index
        %get3A_1363 = arith.constant 0 : index
        %get3A_1364 = tpu.vector_load %arg11[%get3A_1362, %get3A_1363] {strides = array<i32>} : memref<128x128xf32, #tpu.memory_space<vmem>>, vector<1x16xf32>,
        %get3A_1365 = vector.shape_cast %get3A_1364 : vector<1x16xf32> to vector<16xf32>
        %mul3A_1366 = arith.mulf %get3A_1365, %gather3A_1357 : vector<16xf32>
        %swap3A_1367 = arith.index_cast %add3A_1361 : i32 to index
        %swap3A_1368 = arith.constant 0 : index
        %swap3A_1369 = tpu.vector_load %arg11[%swap3A_1367, %swap3A_1368] {strides = array<i32>} : memref<128x128xf32, #tpu.memory_space<vmem>>, vector<1x16xf32>,
        %swap3A_1370 = vector.shape_cast %swap3A_1369 : vector<1x16xf32> to vector<16xf32>
        %swap3A_1371 = vector.shape_cast %mul3A_1366 : vector<16xf32> to vector<1x16xf32>
        tpu.vector_store %arg11[%swap3A_1367, %swap3A_1368], %swap3A_1371 {strides = array<i32>} : memref<128x128xf32, #tpu.memory_space<vmem>>, vector<1x16xf32>,
        %get3A_1372 = arith.index_cast %add3A_1361 : i32 to index
        %get3A_1373 = arith.constant 16 : index
        %get3A_1374 = tpu.vector_load %arg11[%get3A_1372, %get3A_1373] {strides = array<i32>} : memref<128x128xf32, #tpu.memory_space<vmem>>, vector<1x16xf32>,
        %get3A_1375 = vector.shape_cast %get3A_1374 : vector<1x16xf32> to vector<16xf32>
        %mul3A_1376 = arith.mulf %get3A_1375, %gather3A_1357 : vector<16xf32>
        %swap3A_1377 = arith.index_cast %add3A_1361 : i32 to index
        %swap3A_1378 = arith.constant 16 : index
        %swap3A_1379 = tpu.vector_load %arg11[%swap3A_1377, %swap3A_1378] {strides = array<i32>} : memref<128x128xf32, #tpu.memory_space<vmem>>, vector<1x16xf32>,
        %swap3A_1380 = vector.shape_cast %swap3A_1379 : vector<1x16xf32> to vector<16xf32>
        %swap3A_1381 = vector.shape_cast %mul3A_1376 : vector<16xf32> to vector<1x16xf32>
        tpu.vector_store %arg11[%swap3A_1377, %swap3A_1378], %swap3A_1381 {strides = array<i32>} : memref<128x128xf32, #tpu.memory_space<vmem>>, vector<1x16xf32>,
        %get3A_1382 = arith.index_cast %add3A_1361 : i32 to index
        %get3A_1383 = arith.constant 32 : index
        %get3A_1384 = tpu.vector_load %arg11[%get3A_1382, %get3A_1383] {strides = array<i32>} : memref<128x128xf32, #tpu.memory_space<vmem>>, vector<1x16xf32>,
        %get3A_1385 = vector.shape_cast %get3A_1384 : vector<1x16xf32> to vector<16xf32>
        %mul3A_1386 = arith.mulf %get3A_1385, %gather3A_1357 : vector<16xf32>
        %swap3A_1387 = arith.index_cast %add3A_1361 : i32 to index
        %swap3A_1388 = arith.constant 32 : index
        %swap3A_1389 = tpu.vector_load %arg11[%swap3A_1387, %swap3A_1388] {strides = array<i32>} : memref<128x128xf32, #tpu.memory_space<vmem>>, vector<1x16xf32>,
        %swap3A_1390 = vector.shape_cast %swap3A_1389 : vector<1x16xf32> to vector<16xf32>
        %swap3A_1391 = vector.shape_cast %mul3A_1386 : vector<16xf32> to vector<1x16xf32>
        tpu.vector_store %arg11[%swap3A_1387, %swap3A_1388], %swap3A_1391 {strides = array<i32>} : memref<128x128xf32, #tpu.memory_space<vmem>>, vector<1x16xf32>,
        %get3A_1392 = arith.index_cast %add3A_1361 : i32 to index
        %get3A_1393 = arith.constant 48 : index
        %get3A_1394 = tpu.vector_load %arg11[%get3A_1392, %get3A_1393] {strides = array<i32>} : memref<128x128xf32, #tpu.memory_space<vmem>>, vector<1x16xf32>,
        %get3A_1395 = vector.shape_cast %get3A_1394 : vector<1x16xf32> to vector<16xf32>
        %mul3A_1396 = arith.mulf %get3A_1395, %gather3A_1357 : vector<16xf32>
        %swap3A_1397 = arith.index_cast %add3A_1361 : i32 to index
        %swap3A_1398 = arith.constant 48 : index
        %swap3A_1399 = tpu.vector_load %arg11[%swap3A_1397, %swap3A_1398] {strides = array<i32>} : memref<128x128xf32, #tpu.memory_space<vmem>>, vector<1x16xf32>,
        %swap3A_1400 = vector.shape_cast %swap3A_1399 : vector<1x16xf32> to vector<16xf32>
        %swap3A_1401 = vector.shape_cast %mul3A_1396 : vector<16xf32> to vector<1x16xf32>
        tpu.vector_store %arg11[%swap3A_1397, %swap3A_1398], %swap3A_1401 {strides = array<i32>} : memref<128x128xf32, #tpu.memory_space<vmem>>, vector<1x16xf32>,
        %get3A_1402 = arith.index_cast %add3A_1361 : i32 to index
        %get3A_1403 = arith.constant 64 : index
        %get3A_1404 = tpu.vector_load %arg11[%get3A_1402, %get3A_1403] {strides = array<i32>} : memref<128x128xf32, #tpu.memory_space<vmem>>, vector<1x16xf32>,
        %get3A_1405 = vector.shape_cast %get3A_1404 : vector<1x16xf32> to vector<16xf32>
        %mul3A_1406 = arith.mulf %get3A_1405, %gather3A_1357 : vector<16xf32>
        %swap3A_1407 = arith.index_cast %add3A_1361 : i32 to index
        %swap3A_1408 = arith.constant 64 : index
        %swap3A_1409 = tpu.vector_load %arg11[%swap3A_1407, %swap3A_1408] {strides = array<i32>} : memref<128x128xf32, #tpu.memory_space<vmem>>, vector<1x16xf32>,
        %swap3A_1410 = vector.shape_cast %swap3A_1409 : vector<1x16xf32> to vector<16xf32>
        %swap3A_1411 = vector.shape_cast %mul3A_1406 : vector<16xf32> to vector<1x16xf32>
        tpu.vector_store %arg11[%swap3A_1407, %swap3A_1408], %swap3A_1411 {strides = array<i32>} : memref<128x128xf32, #tpu.memory_space<vmem>>, vector<1x16xf32>,
        %get3A_1412 = arith.index_cast %add3A_1361 : i32 to index
        %get3A_1413 = arith.constant 80 : index
        %get3A_1414 = tpu.vector_load %arg11[%get3A_1412, %get3A_1413] {strides = array<i32>} : memref<128x128xf32, #tpu.memory_space<vmem>>, vector<1x16xf32>,
        %get3A_1415 = vector.shape_cast %get3A_1414 : vector<1x16xf32> to vector<16xf32>
        %mul3A_1416 = arith.mulf %get3A_1415, %gather3A_1357 : vector<16xf32>
        %swap3A_1417 = arith.index_cast %add3A_1361 : i32 to index
        %swap3A_1418 = arith.constant 80 : index
        %swap3A_1419 = tpu.vector_load %arg11[%swap3A_1417, %swap3A_1418] {strides = array<i32>} : memref<128x128xf32, #tpu.memory_space<vmem>>, vector<1x16xf32>,
        %swap3A_1420 = vector.shape_cast %swap3A_1419 : vector<1x16xf32> to vector<16xf32>
        %swap3A_1421 = vector.shape_cast %mul3A_1416 : vector<16xf32> to vector<1x16xf32>
        tpu.vector_store %arg11[%swap3A_1417, %swap3A_1418], %swap3A_1421 {strides = array<i32>} : memref<128x128xf32, #tpu.memory_space<vmem>>, vector<1x16xf32>,
        %get3A_1422 = arith.index_cast %add3A_1361 : i32 to index
        %get3A_1423 = arith.constant 96 : index
        %get3A_1424 = tpu.vector_load %arg11[%get3A_1422, %get3A_1423] {strides = array<i32>} : memref<128x128xf32, #tpu.memory_space<vmem>>, vector<1x16xf32>,
        %get3A_1425 = vector.shape_cast %get3A_1424 : vector<1x16xf32> to vector<16xf32>
        %mul3A_1426 = arith.mulf %get3A_1425, %gather3A_1357 : vector<16xf32>
        %swap3A_1427 = arith.index_cast %add3A_1361 : i32 to index
        %swap3A_1428 = arith.constant 96 : index
        %swap3A_1429 = tpu.vector_load %arg11[%swap3A_1427, %swap3A_1428] {strides = array<i32>} : memref<128x128xf32, #tpu.memory_space<vmem>>, vector<1x16xf32>,
        %swap3A_1430 = vector.shape_cast %swap3A_1429 : vector<1x16xf32> to vector<16xf32>
        %swap3A_1431 = vector.shape_cast %mul3A_1426 : vector<16xf32> to vector<1x16xf32>
        tpu.vector_store %arg11[%swap3A_1427, %swap3A_1428], %swap3A_1431 {strides = array<i32>} : memref<128x128xf32, #tpu.memory_space<vmem>>, vector<1x16xf32>,
        %get3A_1432 = arith.index_cast %add3A_1361 : i32 to index
        %get3A_1433 = arith.constant 112 : index
        %get3A_1434 = tpu.vector_load %arg11[%get3A_1432, %get3A_1433] {strides = array<i32>} : memref<128x128xf32, #tpu.memory_space<vmem>>, vector<1x16xf32>,
        %get3A_1435 = vector.shape_cast %get3A_1434 : vector<1x16xf32> to vector<16xf32>
        %mul3A_1436 = arith.mulf %get3A_1435, %gather3A_1357 : vector<16xf32>
        %swap3A_1437 = arith.index_cast %add3A_1361 : i32 to index
        %swap3A_1438 = arith.constant 112 : index
        %swap3A_1439 = tpu.vector_load %arg11[%swap3A_1437, %swap3A_1438] {strides = array<i32>} : memref<128x128xf32, #tpu.memory_space<vmem>>, vector<1x16xf32>,
        %swap3A_1440 = vector.shape_cast %swap3A_1439 : vector<1x16xf32> to vector<16xf32>
        %swap3A_1441 = vector.shape_cast %mul3A_1436 : vector<16xf32> to vector<1x16xf32>
        tpu.vector_store %arg11[%swap3A_1437, %swap3A_1438], %swap3A_1441 {strides = array<i32>} : memref<128x128xf32, #tpu.memory_space<vmem>>, vector<1x16xf32>,
        %broadcast_in_dim3A_1442 = arith.constant 14 : i32
        %broadcast_in_dim3A_1443 = vector.broadcast %broadcast_in_dim3A_1442 : i32 to vector<16xi32>
        %lt3A_1444 = arith.constant 0 : i32
        %lt3A_1445 = vector.broadcast %lt3A_1444 : i32 to vector<16xi32>
        %lt3A_1446 = arith.cmpi slt, %broadcast_in_dim3A_1443, %lt3A_1445 : vector<16xi32>
        %add3A_1447 = arith.constant 16 : i32
        %add3A_1448 = vector.broadcast %add3A_1447 : i32 to vector<16xi32>
        %add3A_1449 = arith.addi %broadcast_in_dim3A_1443, %add3A_1448 : vector<16xi32>
        %select_n3A_1450 = arith.select %lt3A_1446, %add3A_1449, %broadcast_in_dim3A_1443 : vector<16xi1>, vector<16xi32>
        %reshape3A_1451 = vector.shape_cast %select_n3A_1450 : vector<16xi32> to vector<16x1xi32>
        %gather3A_1452 = vector.shape_cast %reshape3A_1451 : vector<16x1xi32> to vector<16xi32>
        %gather3A_1453 = tpu.dynamic_gather %get3A_102[%gather3A_1452] in [0] : vector<16xf32>, vector<16xi32> -> vector<16xf32>
        %mul3A_1454 = arith.constant 16 : i32
        %mul3A_1455 = arith.muli %add3A_97, %mul3A_1454 : i32
        %add3A_1456 = arith.constant 14 : i32
        %add3A_1457 = arith.addi %mul3A_1455, %add3A_1456 : i32
        %get3A_1458 = arith.index_cast %add3A_1457 : i32 to index
        %get3A_1459 = arith.constant 0 : index
        %get3A_1460 = tpu.vector_load %arg11[%get3A_1458, %get3A_1459] {strides = array<i32>} : memref<128x128xf32, #tpu.memory_space<vmem>>, vector<1x16xf32>,
        %get3A_1461 = vector.shape_cast %get3A_1460 : vector<1x16xf32> to vector<16xf32>
        %mul3A_1462 = arith.mulf %get3A_1461, %gather3A_1453 : vector<16xf32>
        %swap3A_1463 = arith.index_cast %add3A_1457 : i32 to index
        %swap3A_1464 = arith.constant 0 : index
        %swap3A_1465 = tpu.vector_load %arg11[%swap3A_1463, %swap3A_1464] {strides = array<i32>} : memref<128x128xf32, #tpu.memory_space<vmem>>, vector<1x16xf32>,
        %swap3A_1466 = vector.shape_cast %swap3A_1465 : vector<1x16xf32> to vector<16xf32>
        %swap3A_1467 = vector.shape_cast %mul3A_1462 : vector<16xf32> to vector<1x16xf32>
        tpu.vector_store %arg11[%swap3A_1463, %swap3A_1464], %swap3A_1467 {strides = array<i32>} : memref<128x128xf32, #tpu.memory_space<vmem>>, vector<1x16xf32>,
        %get3A_1468 = arith.index_cast %add3A_1457 : i32 to index
        %get3A_1469 = arith.constant 16 : index
        %get3A_1470 = tpu.vector_load %arg11[%get3A_1468, %get3A_1469] {strides = array<i32>} : memref<128x128xf32, #tpu.memory_space<vmem>>, vector<1x16xf32>,
        %get3A_1471 = vector.shape_cast %get3A_1470 : vector<1x16xf32> to vector<16xf32>
        %mul3A_1472 = arith.mulf %get3A_1471, %gather3A_1453 : vector<16xf32>
        %swap3A_1473 = arith.index_cast %add3A_1457 : i32 to index
        %swap3A_1474 = arith.constant 16 : index
        %swap3A_1475 = tpu.vector_load %arg11[%swap3A_1473, %swap3A_1474] {strides = array<i32>} : memref<128x128xf32, #tpu.memory_space<vmem>>, vector<1x16xf32>,
        %swap3A_1476 = vector.shape_cast %swap3A_1475 : vector<1x16xf32> to vector<16xf32>
        %swap3A_1477 = vector.shape_cast %mul3A_1472 : vector<16xf32> to vector<1x16xf32>
        tpu.vector_store %arg11[%swap3A_1473, %swap3A_1474], %swap3A_1477 {strides = array<i32>} : memref<128x128xf32, #tpu.memory_space<vmem>>, vector<1x16xf32>,
        %get3A_1478 = arith.index_cast %add3A_1457 : i32 to index
        %get3A_1479 = arith.constant 32 : index
        %get3A_1480 = tpu.vector_load %arg11[%get3A_1478, %get3A_1479] {strides = array<i32>} : memref<128x128xf32, #tpu.memory_space<vmem>>, vector<1x16xf32>,
        %get3A_1481 = vector.shape_cast %get3A_1480 : vector<1x16xf32> to vector<16xf32>
        %mul3A_1482 = arith.mulf %get3A_1481, %gather3A_1453 : vector<16xf32>
        %swap3A_1483 = arith.index_cast %add3A_1457 : i32 to index
        %swap3A_1484 = arith.constant 32 : index
        %swap3A_1485 = tpu.vector_load %arg11[%swap3A_1483, %swap3A_1484] {strides = array<i32>} : memref<128x128xf32, #tpu.memory_space<vmem>>, vector<1x16xf32>,
        %swap3A_1486 = vector.shape_cast %swap3A_1485 : vector<1x16xf32> to vector<16xf32>
        %swap3A_1487 = vector.shape_cast %mul3A_1482 : vector<16xf32> to vector<1x16xf32>
        tpu.vector_store %arg11[%swap3A_1483, %swap3A_1484], %swap3A_1487 {strides = array<i32>} : memref<128x128xf32, #tpu.memory_space<vmem>>, vector<1x16xf32>,
        %get3A_1488 = arith.index_cast %add3A_1457 : i32 to index
        %get3A_1489 = arith.constant 48 : index
        %get3A_1490 = tpu.vector_load %arg11[%get3A_1488, %get3A_1489] {strides = array<i32>} : memref<128x128xf32, #tpu.memory_space<vmem>>, vector<1x16xf32>,
        %get3A_1491 = vector.shape_cast %get3A_1490 : vector<1x16xf32> to vector<16xf32>
        %mul3A_1492 = arith.mulf %get3A_1491, %gather3A_1453 : vector<16xf32>
        %swap3A_1493 = arith.index_cast %add3A_1457 : i32 to index
        %swap3A_1494 = arith.constant 48 : index
        %swap3A_1495 = tpu.vector_load %arg11[%swap3A_1493, %swap3A_1494] {strides = array<i32>} : memref<128x128xf32, #tpu.memory_space<vmem>>, vector<1x16xf32>,
        %swap3A_1496 = vector.shape_cast %swap3A_1495 : vector<1x16xf32> to vector<16xf32>
        %swap3A_1497 = vector.shape_cast %mul3A_1492 : vector<16xf32> to vector<1x16xf32>
        tpu.vector_store %arg11[%swap3A_1493, %swap3A_1494], %swap3A_1497 {strides = array<i32>} : memref<128x128xf32, #tpu.memory_space<vmem>>, vector<1x16xf32>,
        %get3A_1498 = arith.index_cast %add3A_1457 : i32 to index
        %get3A_1499 = arith.constant 64 : index
        %get3A_1500 = tpu.vector_load %arg11[%get3A_1498, %get3A_1499] {strides = array<i32>} : memref<128x128xf32, #tpu.memory_space<vmem>>, vector<1x16xf32>,
        %get3A_1501 = vector.shape_cast %get3A_1500 : vector<1x16xf32> to vector<16xf32>
        %mul3A_1502 = arith.mulf %get3A_1501, %gather3A_1453 : vector<16xf32>
        %swap3A_1503 = arith.index_cast %add3A_1457 : i32 to index
        %swap3A_1504 = arith.constant 64 : index
        %swap3A_1505 = tpu.vector_load %arg11[%swap3A_1503, %swap3A_1504] {strides = array<i32>} : memref<128x128xf32, #tpu.memory_space<vmem>>, vector<1x16xf32>,
        %swap3A_1506 = vector.shape_cast %swap3A_1505 : vector<1x16xf32> to vector<16xf32>
        %swap3A_1507 = vector.shape_cast %mul3A_1502 : vector<16xf32> to vector<1x16xf32>
        tpu.vector_store %arg11[%swap3A_1503, %swap3A_1504], %swap3A_1507 {strides = array<i32>} : memref<128x128xf32, #tpu.memory_space<vmem>>, vector<1x16xf32>,
        %get3A_1508 = arith.index_cast %add3A_1457 : i32 to index
        %get3A_1509 = arith.constant 80 : index
        %get3A_1510 = tpu.vector_load %arg11[%get3A_1508, %get3A_1509] {strides = array<i32>} : memref<128x128xf32, #tpu.memory_space<vmem>>, vector<1x16xf32>,
        %get3A_1511 = vector.shape_cast %get3A_1510 : vector<1x16xf32> to vector<16xf32>
        %mul3A_1512 = arith.mulf %get3A_1511, %gather3A_1453 : vector<16xf32>
        %swap3A_1513 = arith.index_cast %add3A_1457 : i32 to index
        %swap3A_1514 = arith.constant 80 : index
        %swap3A_1515 = tpu.vector_load %arg11[%swap3A_1513, %swap3A_1514] {strides = array<i32>} : memref<128x128xf32, #tpu.memory_space<vmem>>, vector<1x16xf32>,
        %swap3A_1516 = vector.shape_cast %swap3A_1515 : vector<1x16xf32> to vector<16xf32>
        %swap3A_1517 = vector.shape_cast %mul3A_1512 : vector<16xf32> to vector<1x16xf32>
        tpu.vector_store %arg11[%swap3A_1513, %swap3A_1514], %swap3A_1517 {strides = array<i32>} : memref<128x128xf32, #tpu.memory_space<vmem>>, vector<1x16xf32>,
        %get3A_1518 = arith.index_cast %add3A_1457 : i32 to index
        %get3A_1519 = arith.constant 96 : index
        %get3A_1520 = tpu.vector_load %arg11[%get3A_1518, %get3A_1519] {strides = array<i32>} : memref<128x128xf32, #tpu.memory_space<vmem>>, vector<1x16xf32>,
        %get3A_1521 = vector.shape_cast %get3A_1520 : vector<1x16xf32> to vector<16xf32>
        %mul3A_1522 = arith.mulf %get3A_1521, %gather3A_1453 : vector<16xf32>
        %swap3A_1523 = arith.index_cast %add3A_1457 : i32 to index
        %swap3A_1524 = arith.constant 96 : index
        %swap3A_1525 = tpu.vector_load %arg11[%swap3A_1523, %swap3A_1524] {strides = array<i32>} : memref<128x128xf32, #tpu.memory_space<vmem>>, vector<1x16xf32>,
        %swap3A_1526 = vector.shape_cast %swap3A_1525 : vector<1x16xf32> to vector<16xf32>
        %swap3A_1527 = vector.shape_cast %mul3A_1522 : vector<16xf32> to vector<1x16xf32>
        tpu.vector_store %arg11[%swap3A_1523, %swap3A_1524], %swap3A_1527 {strides = array<i32>} : memref<128x128xf32, #tpu.memory_space<vmem>>, vector<1x16xf32>,
        %get3A_1528 = arith.index_cast %add3A_1457 : i32 to index
        %get3A_1529 = arith.constant 112 : index
        %get3A_1530 = tpu.vector_load %arg11[%get3A_1528, %get3A_1529] {strides = array<i32>} : memref<128x128xf32, #tpu.memory_space<vmem>>, vector<1x16xf32>,
        %get3A_1531 = vector.shape_cast %get3A_1530 : vector<1x16xf32> to vector<16xf32>
        %mul3A_1532 = arith.mulf %get3A_1531, %gather3A_1453 : vector<16xf32>
        %swap3A_1533 = arith.index_cast %add3A_1457 : i32 to index
        %swap3A_1534 = arith.constant 112 : index
        %swap3A_1535 = tpu.vector_load %arg11[%swap3A_1533, %swap3A_1534] {strides = array<i32>} : memref<128x128xf32, #tpu.memory_space<vmem>>, vector<1x16xf32>,
        %swap3A_1536 = vector.shape_cast %swap3A_1535 : vector<1x16xf32> to vector<16xf32>
        %swap3A_1537 = vector.shape_cast %mul3A_1532 : vector<16xf32> to vector<1x16xf32>
        tpu.vector_store %arg11[%swap3A_1533, %swap3A_1534], %swap3A_1537 {strides = array<i32>} : memref<128x128xf32, #tpu.memory_space<vmem>>, vector<1x16xf32>,
        %broadcast_in_dim3A_1538 = arith.constant 15 : i32
        %broadcast_in_dim3A_1539 = vector.broadcast %broadcast_in_dim3A_1538 : i32 to vector<16xi32>
        %lt3A_1540 = arith.constant 0 : i32
        %lt3A_1541 = vector.broadcast %lt3A_1540 : i32 to vector<16xi32>
        %lt3A_1542 = arith.cmpi slt, %broadcast_in_dim3A_1539, %lt3A_1541 : vector<16xi32>
        %add3A_1543 = arith.constant 16 : i32
        %add3A_1544 = vector.broadcast %add3A_1543 : i32 to vector<16xi32>
        %add3A_1545 = arith.addi %broadcast_in_dim3A_1539, %add3A_1544 : vector<16xi32>
        %select_n3A_1546 = arith.select %lt3A_1542, %add3A_1545, %broadcast_in_dim3A_1539 : vector<16xi1>, vector<16xi32>
        %reshape3A_1547 = vector.shape_cast %select_n3A_1546 : vector<16xi32> to vector<16x1xi32>
        %gather3A_1548 = vector.shape_cast %reshape3A_1547 : vector<16x1xi32> to vector<16xi32>
        %gather3A_1549 = tpu.dynamic_gather %get3A_102[%gather3A_1548] in [0] : vector<16xf32>, vector<16xi32> -> vector<16xf32>
        %mul3A_1550 = arith.constant 16 : i32
        %mul3A_1551 = arith.muli %add3A_97, %mul3A_1550 : i32
        %add3A_1552 = arith.constant 15 : i32
        %add3A_1553 = arith.addi %mul3A_1551, %add3A_1552 : i32
        %get3A_1554 = arith.index_cast %add3A_1553 : i32 to index
        %get3A_1555 = arith.constant 0 : index
        %get3A_1556 = tpu.vector_load %arg11[%get3A_1554, %get3A_1555] {strides = array<i32>} : memref<128x128xf32, #tpu.memory_space<vmem>>, vector<1x16xf32>,
        %get3A_1557 = vector.shape_cast %get3A_1556 : vector<1x16xf32> to vector<16xf32>
        %mul3A_1558 = arith.mulf %get3A_1557, %gather3A_1549 : vector<16xf32>
        %swap3A_1559 = arith.index_cast %add3A_1553 : i32 to index
        %swap3A_1560 = arith.constant 0 : index
        %swap3A_1561 = tpu.vector_load %arg11[%swap3A_1559, %swap3A_1560] {strides = array<i32>} : memref<128x128xf32, #tpu.memory_space<vmem>>, vector<1x16xf32>,
        %swap3A_1562 = vector.shape_cast %swap3A_1561 : vector<1x16xf32> to vector<16xf32>
        %swap3A_1563 = vector.shape_cast %mul3A_1558 : vector<16xf32> to vector<1x16xf32>
        tpu.vector_store %arg11[%swap3A_1559, %swap3A_1560], %swap3A_1563 {strides = array<i32>} : memref<128x128xf32, #tpu.memory_space<vmem>>, vector<1x16xf32>,
        %get3A_1564 = arith.index_cast %add3A_1553 : i32 to index
        %get3A_1565 = arith.constant 16 : index
        %get3A_1566 = tpu.vector_load %arg11[%get3A_1564, %get3A_1565] {strides = array<i32>} : memref<128x128xf32, #tpu.memory_space<vmem>>, vector<1x16xf32>,
        %get3A_1567 = vector.shape_cast %get3A_1566 : vector<1x16xf32> to vector<16xf32>
        %mul3A_1568 = arith.mulf %get3A_1567, %gather3A_1549 : vector<16xf32>
        %swap3A_1569 = arith.index_cast %add3A_1553 : i32 to index
        %swap3A_1570 = arith.constant 16 : index
        %swap3A_1571 = tpu.vector_load %arg11[%swap3A_1569, %swap3A_1570] {strides = array<i32>} : memref<128x128xf32, #tpu.memory_space<vmem>>, vector<1x16xf32>,
        %swap3A_1572 = vector.shape_cast %swap3A_1571 : vector<1x16xf32> to vector<16xf32>
        %swap3A_1573 = vector.shape_cast %mul3A_1568 : vector<16xf32> to vector<1x16xf32>
        tpu.vector_store %arg11[%swap3A_1569, %swap3A_1570], %swap3A_1573 {strides = array<i32>} : memref<128x128xf32, #tpu.memory_space<vmem>>, vector<1x16xf32>,
        %get3A_1574 = arith.index_cast %add3A_1553 : i32 to index
        %get3A_1575 = arith.constant 32 : index
        %get3A_1576 = tpu.vector_load %arg11[%get3A_1574, %get3A_1575] {strides = array<i32>} : memref<128x128xf32, #tpu.memory_space<vmem>>, vector<1x16xf32>,
        %get3A_1577 = vector.shape_cast %get3A_1576 : vector<1x16xf32> to vector<16xf32>
        %mul3A_1578 = arith.mulf %get3A_1577, %gather3A_1549 : vector<16xf32>
        %swap3A_1579 = arith.index_cast %add3A_1553 : i32 to index
        %swap3A_1580 = arith.constant 32 : index
        %swap3A_1581 = tpu.vector_load %arg11[%swap3A_1579, %swap3A_1580] {strides = array<i32>} : memref<128x128xf32, #tpu.memory_space<vmem>>, vector<1x16xf32>,
        %swap3A_1582 = vector.shape_cast %swap3A_1581 : vector<1x16xf32> to vector<16xf32>
        %swap3A_1583 = vector.shape_cast %mul3A_1578 : vector<16xf32> to vector<1x16xf32>
        tpu.vector_store %arg11[%swap3A_1579, %swap3A_1580], %swap3A_1583 {strides = array<i32>} : memref<128x128xf32, #tpu.memory_space<vmem>>, vector<1x16xf32>,
        %get3A_1584 = arith.index_cast %add3A_1553 : i32 to index
        %get3A_1585 = arith.constant 48 : index
        %get3A_1586 = tpu.vector_load %arg11[%get3A_1584, %get3A_1585] {strides = array<i32>} : memref<128x128xf32, #tpu.memory_space<vmem>>, vector<1x16xf32>,
        %get3A_1587 = vector.shape_cast %get3A_1586 : vector<1x16xf32> to vector<16xf32>
        %mul3A_1588 = arith.mulf %get3A_1587, %gather3A_1549 : vector<16xf32>
        %swap3A_1589 = arith.index_cast %add3A_1553 : i32 to index
        %swap3A_1590 = arith.constant 48 : index
        %swap3A_1591 = tpu.vector_load %arg11[%swap3A_1589, %swap3A_1590] {strides = array<i32>} : memref<128x128xf32, #tpu.memory_space<vmem>>, vector<1x16xf32>,
        %swap3A_1592 = vector.shape_cast %swap3A_1591 : vector<1x16xf32> to vector<16xf32>
        %swap3A_1593 = vector.shape_cast %mul3A_1588 : vector<16xf32> to vector<1x16xf32>
        tpu.vector_store %arg11[%swap3A_1589, %swap3A_1590], %swap3A_1593 {strides = array<i32>} : memref<128x128xf32, #tpu.memory_space<vmem>>, vector<1x16xf32>,
        %get3A_1594 = arith.index_cast %add3A_1553 : i32 to index
        %get3A_1595 = arith.constant 64 : index
        %get3A_1596 = tpu.vector_load %arg11[%get3A_1594, %get3A_1595] {strides = array<i32>} : memref<128x128xf32, #tpu.memory_space<vmem>>, vector<1x16xf32>,
        %get3A_1597 = vector.shape_cast %get3A_1596 : vector<1x16xf32> to vector<16xf32>
        %mul3A_1598 = arith.mulf %get3A_1597, %gather3A_1549 : vector<16xf32>
        %swap3A_1599 = arith.index_cast %add3A_1553 : i32 to index
        %swap3A_1600 = arith.constant 64 : index
        %swap3A_1601 = tpu.vector_load %arg11[%swap3A_1599, %swap3A_1600] {strides = array<i32>} : memref<128x128xf32, #tpu.memory_space<vmem>>, vector<1x16xf32>,
        %swap3A_1602 = vector.shape_cast %swap3A_1601 : vector<1x16xf32> to vector<16xf32>
        %swap3A_1603 = vector.shape_cast %mul3A_1598 : vector<16xf32> to vector<1x16xf32>
        tpu.vector_store %arg11[%swap3A_1599, %swap3A_1600], %swap3A_1603 {strides = array<i32>} : memref<128x128xf32, #tpu.memory_space<vmem>>, vector<1x16xf32>,
        %get3A_1604 = arith.index_cast %add3A_1553 : i32 to index
        %get3A_1605 = arith.constant 80 : index
        %get3A_1606 = tpu.vector_load %arg11[%get3A_1604, %get3A_1605] {strides = array<i32>} : memref<128x128xf32, #tpu.memory_space<vmem>>, vector<1x16xf32>,
        %get3A_1607 = vector.shape_cast %get3A_1606 : vector<1x16xf32> to vector<16xf32>
        %mul3A_1608 = arith.mulf %get3A_1607, %gather3A_1549 : vector<16xf32>
        %swap3A_1609 = arith.index_cast %add3A_1553 : i32 to index
        %swap3A_1610 = arith.constant 80 : index
        %swap3A_1611 = tpu.vector_load %arg11[%swap3A_1609, %swap3A_1610] {strides = array<i32>} : memref<128x128xf32, #tpu.memory_space<vmem>>, vector<1x16xf32>,
        %swap3A_1612 = vector.shape_cast %swap3A_1611 : vector<1x16xf32> to vector<16xf32>
        %swap3A_1613 = vector.shape_cast %mul3A_1608 : vector<16xf32> to vector<1x16xf32>
        tpu.vector_store %arg11[%swap3A_1609, %swap3A_1610], %swap3A_1613 {strides = array<i32>} : memref<128x128xf32, #tpu.memory_space<vmem>>, vector<1x16xf32>,
        %get3A_1614 = arith.index_cast %add3A_1553 : i32 to index
        %get3A_1615 = arith.constant 96 : index
        %get3A_1616 = tpu.vector_load %arg11[%get3A_1614, %get3A_1615] {strides = array<i32>} : memref<128x128xf32, #tpu.memory_space<vmem>>, vector<1x16xf32>,
        %get3A_1617 = vector.shape_cast %get3A_1616 : vector<1x16xf32> to vector<16xf32>
        %mul3A_1618 = arith.mulf %get3A_1617, %gather3A_1549 : vector<16xf32>
        %swap3A_1619 = arith.index_cast %add3A_1553 : i32 to index
        %swap3A_1620 = arith.constant 96 : index
        %swap3A_1621 = tpu.vector_load %arg11[%swap3A_1619, %swap3A_1620] {strides = array<i32>} : memref<128x128xf32, #tpu.memory_space<vmem>>, vector<1x16xf32>,
        %swap3A_1622 = vector.shape_cast %swap3A_1621 : vector<1x16xf32> to vector<16xf32>
        %swap3A_1623 = vector.shape_cast %mul3A_1618 : vector<16xf32> to vector<1x16xf32>
        tpu.vector_store %arg11[%swap3A_1619, %swap3A_1620], %swap3A_1623 {strides = array<i32>} : memref<128x128xf32, #tpu.memory_space<vmem>>, vector<1x16xf32>,
        %get3A_1624 = arith.index_cast %add3A_1553 : i32 to index
        %get3A_1625 = arith.constant 112 : index
        %get3A_1626 = tpu.vector_load %arg11[%get3A_1624, %get3A_1625] {strides = array<i32>} : memref<128x128xf32, #tpu.memory_space<vmem>>, vector<1x16xf32>,
        %get3A_1627 = vector.shape_cast %get3A_1626 : vector<1x16xf32> to vector<16xf32>
        %mul3A_1628 = arith.mulf %get3A_1627, %gather3A_1549 : vector<16xf32>
        %swap3A_1629 = arith.index_cast %add3A_1553 : i32 to index
        %swap3A_1630 = arith.constant 112 : index
        %swap3A_1631 = tpu.vector_load %arg11[%swap3A_1629, %swap3A_1630] {strides = array<i32>} : memref<128x128xf32, #tpu.memory_space<vmem>>, vector<1x16xf32>,
        %swap3A_1632 = vector.shape_cast %swap3A_1631 : vector<1x16xf32> to vector<16xf32>
        %swap3A_1633 = vector.shape_cast %mul3A_1628 : vector<16xf32> to vector<1x16xf32>
        tpu.vector_store %arg11[%swap3A_1629, %swap3A_1630], %swap3A_1633 {strides = array<i32>} : memref<128x128xf32, #tpu.memory_space<vmem>>, vector<1x16xf32>,
      }
      %scan3A_85 = arith.constant 8 : i32
      "tpu.region"() ({
        %run_scoped3A_93 = tpu.sem_alloc : memref<!tpu.dma_semaphore, #tpu.memory_space<semaphore_mem>>
        %dma_start3A_94 = arith.constant 0 : i32
        %dma_start3A_95 = tpu.memref_slice %arg8[%rem3A_74, %dma_start3A_94] : memref<16x128xi32, #tpu.memory_space<vmem>> -> memref<1x128xi32, #tpu.memory_space<vmem>>
        %dma_start3A_96 = tpu.memref_squeeze %dma_start3A_95 : memref<1x128xi32, #tpu.memory_space<vmem>> -> memref<128xi32, #tpu.memory_space<vmem>>
        %dma_start3A_97 = arith.constant 0 : i32
        %dma_start3A_98 = arith.constant 0 : i32
        %dma_start3A_99 = tpu.memref_slice %arg12[%dma_start3A_97, %dma_start3A_98] : memref<10000x128xf32, #tpu.memory_space<vmem_shared>> -> memref<10000x128xf32, #tpu.memory_space<vmem_shared>>
        tpu.enqueue_indirect_dma source(%arg11 : memref<128x128xf32, #tpu.memory_space<vmem>>) target(%dma_start3A_99 : memref<10000x128xf32, #tpu.memory_space<vmem_shared>>) offsets(%dma_start3A_96 : memref<128xi32, #tpu.memory_space<vmem>>) semaphore(%run_scoped3A_93 : memref<!tpu.dma_semaphore, #tpu.memory_space<semaphore_mem>>) {add = true}
        %dma_wait3A_100 = arith.constant 0 : i32
        %dma_wait3A_101 = tpu.memref_slice %arg8[%rem3A_74, %dma_wait3A_100] : memref<16x128xi32, #tpu.memory_space<vmem>> -> memref<1x128xi32, #tpu.memory_space<vmem>>
        %dma_wait3A_102 = tpu.memref_squeeze %dma_wait3A_101 : memref<1x128xi32, #tpu.memory_space<vmem>> -> memref<128xi32, #tpu.memory_space<vmem>>
        %dma_wait3A_103 = arith.constant 0 : i32
        %dma_wait3A_104 = arith.constant 0 : i32
        %dma_wait3A_105 = tpu.memref_slice %arg12[%dma_wait3A_103, %dma_wait3A_104] : memref<10000x128xf32, #tpu.memory_space<vmem_shared>> -> memref<10000x128xf32, #tpu.memory_space<vmem_shared>>
        tpu.wait_indirect_dma semaphore(%run_scoped3A_93 : memref<!tpu.dma_semaphore, #tpu.memory_space<semaphore_mem>>) src(%arg11 : memref<128x128xf32, #tpu.memory_space<vmem>>) dst(%dma_wait3A_105 : memref<10000x128xf32, #tpu.memory_space<vmem_shared>>)
        tpu.yield
      }) : () -> ()
      %add3A_86 = arith.constant 3 : i32
      %add3A_87 = arith.addi %add3A_45, %add3A_86 : i32
      %lt3A_88 = arith.constant 80 : i32
      %lt3A_89 = arith.cmpi slt, %add3A_87, %lt3A_88 : i32
      %convert_element_type3A_90 = arith.extui %lt3A_89 : i1 to i32
      %cond3A_91 = arith.constant 0 : i32
      %cond3A_92 = arith.cmpi ne, %convert_element_type3A_90, %cond3A_91 : i32
      scf.if %cond3A_92 {
        %add3A_93 = arith.constant 3 : i32
        %add3A_94 = arith.addi %add3A_45, %add3A_93 : i32
        %dma_start3A_95 = arith.constant 0 : i32
        %dma_start3A_96 = tpu.memref_slice %arg7[%add3A_94, %dma_start3A_95] : memref<80x128xi32, #tpu.memory_space<vmem>> -> memref<1x128xi32, #tpu.memory_space<vmem>>
        %dma_start3A_97 = tpu.memref_squeeze %dma_start3A_96 : memref<1x128xi32, #tpu.memory_space<vmem>> -> memref<128xi32, #tpu.memory_space<vmem>>
        %dma_start3A_98 = arith.constant 0 : i32
        %dma_start3A_99 = arith.constant 0 : i32
        %dma_start3A_100 = tpu.memref_slice %arg2[%dma_start3A_98, %dma_start3A_99] : memref<10240x128xf32, #tpu.memory_space<hbm>> -> memref<10240x128xf32, #tpu.memory_space<hbm>>
        tpu.enqueue_indirect_dma source(%dma_start3A_100 : memref<10240x128xf32, #tpu.memory_space<hbm>>) target(%arg11 : memref<128x128xf32, #tpu.memory_space<vmem>>) offsets(%dma_start3A_97 : memref<128xi32, #tpu.memory_space<vmem>>) semaphore(%arg14 : memref<!tpu.dma_semaphore, #tpu.memory_space<semaphore_mem>>)
      } else {
      }
    }
    %scan3A_27 = arith.constant 40 : i32
    %barrier3A_28 = arith.constant 0 : index
    tpu.barrier barrier_id(%barrier3A_28)
    %mul3A_29 = arith.constant 640 : i32
    %mul3A_30 = arith.muli %arg1, %mul3A_29 : i32
    %lt3A_31 = arith.constant 15 : i32
    %lt3A_32 = arith.cmpi slt, %arg1, %lt3A_31 : i32
    %convert_element_type3A_33 = arith.extui %lt3A_32 : i1 to i32
    %cond3A_34 = arith.constant 0 : i32
    %cond3A_35 = arith.cmpi ne, %convert_element_type3A_33, %cond3A_34 : i32
    scf.if %cond3A_35 {
      %scan3A_41 = arith.constant 0 : i32
      %scan3A_42 = arith.constant 5 : i32
      %scan3A_43 = arith.addi %scan3A_41, %scan3A_42 : i32
      %scan3A_44 = arith.constant 1 : i32
      scf.for %scan3A_46 = %scan3A_41 to %scan3A_43 step %scan3A_44  : i32 {
        %mul3A_47 = arith.constant 1 : i32
        %mul3A_48 = arith.muli %scan3A_46, %mul3A_47 : i32
        %add3A_49 = arith.constant 0 : i32
        %add3A_50 = arith.addi %add3A_49, %mul3A_48 : i32
        %mul3A_51 = arith.constant 128 : i32
        %mul3A_52 = arith.muli %add3A_50, %mul3A_51 : i32
        %add3A_53 = arith.addi %mul3A_30, %mul3A_52 : i32
        "tpu.region"() ({
          %run_scoped3A_54 = tpu.sem_alloc : memref<!tpu.dma_semaphore, #tpu.memory_space<semaphore_mem>>
          %dma_start3A_55 = arith.constant 0 : i32
          %dma_start3A_56 = tpu.memref_slice %arg6[%arg0, %add3A_53, %dma_start3A_55] : memref<2x10240x128xf32, #tpu.memory_space<hbm>> -> memref<1x128x128xf32, #tpu.memory_space<hbm>>
          %dma_start3A_57 = tpu.memref_squeeze %dma_start3A_56 : memref<1x128x128xf32, #tpu.memory_space<hbm>> -> memref<128x128xf32, #tpu.memory_space<hbm>>
          %dma_start3A_58 = arith.constant 0 : i32
          %dma_start3A_59 = tpu.memref_slice %arg12[%add3A_53, %dma_start3A_58] : memref<10000x128xf32, #tpu.memory_space<vmem_shared>> -> memref<128x128xf32, #tpu.memory_space<vmem_shared>>
          tpu.enqueue_dma source(%dma_start3A_59 : memref<128x128xf32, #tpu.memory_space<vmem_shared>>) target(%dma_start3A_57 : memref<128x128xf32, #tpu.memory_space<hbm>>) target_semaphore(%run_scoped3A_54 : memref<!tpu.dma_semaphore, #tpu.memory_space<semaphore_mem>>)
          %dma_wait3A = arith.constant 0 : i32
          %dma_wait3A_60 = tpu.memref_slice %arg6[%arg0, %add3A_53, %dma_wait3A] : memref<2x10240x128xf32, #tpu.memory_space<hbm>> -> memref<1x128x128xf32, #tpu.memory_space<hbm>>
          %dma_wait3A_61 = tpu.memref_squeeze %dma_wait3A_60 : memref<1x128x128xf32, #tpu.memory_space<hbm>> -> memref<128x128xf32, #tpu.memory_space<hbm>>
          %dma_wait3A_62 = arith.constant 0 : i32
          %dma_wait3A_63 = tpu.memref_slice %arg12[%add3A_53, %dma_wait3A_62] : memref<10000x128xf32, #tpu.memory_space<vmem_shared>> -> memref<128x128xf32, #tpu.memory_space<vmem_shared>>
          tpu.wait_dma2 semaphore(%run_scoped3A_54 : memref<!tpu.dma_semaphore, #tpu.memory_space<semaphore_mem>>) src(%dma_wait3A_63 : memref<128x128xf32, #tpu.memory_space<vmem_shared>>) dst(%dma_wait3A_61 : memref<128x128xf32, #tpu.memory_space<hbm>>)
          tpu.yield
        }) : () -> ()
      }
      %scan3A_45 = arith.constant 5 : i32
    } else {
    }
    %eq3A_36 = arith.constant 15 : i32
    %eq3A_37 = arith.cmpi eq, %arg1, %eq3A_36 : i32
    %convert_element_type3A_38 = arith.extui %eq3A_37 : i1 to i32
    %cond3A_39 = arith.constant 0 : i32
    %cond3A_40 = arith.cmpi ne, %convert_element_type3A_38, %cond3A_39 : i32
    scf.if %cond3A_40 {
      %scan3A_41 = arith.constant 0 : i32
      %scan3A_42 = arith.constant 3 : i32
      %scan3A_43 = arith.addi %scan3A_41, %scan3A_42 : i32
      %scan3A_44 = arith.constant 1 : i32
      scf.for %scan3A_48 = %scan3A_41 to %scan3A_43 step %scan3A_44  : i32 {
        %mul3A_49 = arith.constant 1 : i32
        %mul3A_50 = arith.muli %scan3A_48, %mul3A_49 : i32
        %add3A_51 = arith.constant 0 : i32
        %add3A_52 = arith.addi %add3A_51, %mul3A_50 : i32
        %mul3A_53 = arith.constant 128 : i32
        %mul3A_54 = arith.muli %add3A_52, %mul3A_53 : i32
        %add3A_55 = arith.addi %mul3A_30, %mul3A_54 : i32
        "tpu.region"() ({
          %run_scoped3A_56 = tpu.sem_alloc : memref<!tpu.dma_semaphore, #tpu.memory_space<semaphore_mem>>
          %dma_start3A_57 = arith.constant 0 : i32
          %dma_start3A_58 = tpu.memref_slice %arg6[%arg0, %add3A_55, %dma_start3A_57] : memref<2x10240x128xf32, #tpu.memory_space<hbm>> -> memref<1x128x128xf32, #tpu.memory_space<hbm>>
          %dma_start3A_59 = tpu.memref_squeeze %dma_start3A_58 : memref<1x128x128xf32, #tpu.memory_space<hbm>> -> memref<128x128xf32, #tpu.memory_space<hbm>>
          %dma_start3A_60 = arith.constant 0 : i32
          %dma_start3A_61 = tpu.memref_slice %arg12[%add3A_55, %dma_start3A_60] : memref<10000x128xf32, #tpu.memory_space<vmem_shared>> -> memref<128x128xf32, #tpu.memory_space<vmem_shared>>
          tpu.enqueue_dma source(%dma_start3A_61 : memref<128x128xf32, #tpu.memory_space<vmem_shared>>) target(%dma_start3A_59 : memref<128x128xf32, #tpu.memory_space<hbm>>) target_semaphore(%run_scoped3A_56 : memref<!tpu.dma_semaphore, #tpu.memory_space<semaphore_mem>>)
          %dma_wait3A = arith.constant 0 : i32
          %dma_wait3A_62 = tpu.memref_slice %arg6[%arg0, %add3A_55, %dma_wait3A] : memref<2x10240x128xf32, #tpu.memory_space<hbm>> -> memref<1x128x128xf32, #tpu.memory_space<hbm>>
          %dma_wait3A_63 = tpu.memref_squeeze %dma_wait3A_62 : memref<1x128x128xf32, #tpu.memory_space<hbm>> -> memref<128x128xf32, #tpu.memory_space<hbm>>
          %dma_wait3A_64 = arith.constant 0 : i32
          %dma_wait3A_65 = tpu.memref_slice %arg12[%add3A_55, %dma_wait3A_64] : memref<10000x128xf32, #tpu.memory_space<vmem_shared>> -> memref<128x128xf32, #tpu.memory_space<vmem_shared>>
          tpu.wait_dma2 semaphore(%run_scoped3A_56 : memref<!tpu.dma_semaphore, #tpu.memory_space<semaphore_mem>>) src(%dma_wait3A_65 : memref<128x128xf32, #tpu.memory_space<vmem_shared>>) dst(%dma_wait3A_63 : memref<128x128xf32, #tpu.memory_space<hbm>>)
          tpu.yield
        }) : () -> ()
      }
      %scan3A_45 = arith.constant 3 : i32
      %add3A_46 = arith.constant 384 : i32
      %add3A_47 = arith.addi %mul3A_30, %add3A_46 : i32
      "tpu.region"() ({
        %run_scoped3A_48 = tpu.sem_alloc : memref<!tpu.dma_semaphore, #tpu.memory_space<semaphore_mem>>
        %dma_start3A_49 = arith.constant 0 : i32
        %dma_start3A_50 = tpu.memref_slice %arg6[%arg0, %add3A_47, %dma_start3A_49] : memref<2x10240x128xf32, #tpu.memory_space<hbm>> -> memref<1x16x128xf32, #tpu.memory_space<hbm>>
        %dma_start3A_51 = tpu.memref_squeeze %dma_start3A_50 : memref<1x16x128xf32, #tpu.memory_space<hbm>> -> memref<16x128xf32, #tpu.memory_space<hbm>>
        %dma_start3A_52 = arith.constant 0 : i32
        %dma_start3A_53 = tpu.memref_slice %arg12[%add3A_47, %dma_start3A_52] : memref<10000x128xf32, #tpu.memory_space<vmem_shared>> -> memref<16x128xf32, #tpu.memory_space<vmem_shared>>
        tpu.enqueue_dma source(%dma_start3A_53 : memref<16x128xf32, #tpu.memory_space<vmem_shared>>) target(%dma_start3A_51 : memref<16x128xf32, #tpu.memory_space<hbm>>) target_semaphore(%run_scoped3A_48 : memref<!tpu.dma_semaphore, #tpu.memory_space<semaphore_mem>>)
        %dma_wait3A = arith.constant 0 : i32
        %dma_wait3A_54 = tpu.memref_slice %arg6[%arg0, %add3A_47, %dma_wait3A] : memref<2x10240x128xf32, #tpu.memory_space<hbm>> -> memref<1x16x128xf32, #tpu.memory_space<hbm>>
        %dma_wait3A_55 = tpu.memref_squeeze %dma_wait3A_54 : memref<1x16x128xf32, #tpu.memory_space<hbm>> -> memref<16x128xf32, #tpu.memory_space<hbm>>
        %dma_wait3A_56 = arith.constant 0 : i32
        %dma_wait3A_57 = tpu.memref_slice %arg12[%add3A_47, %dma_wait3A_56] : memref<10000x128xf32, #tpu.memory_space<vmem_shared>> -> memref<16x128xf32, #tpu.memory_space<vmem_shared>>
        tpu.wait_dma2 semaphore(%run_scoped3A_48 : memref<!tpu.dma_semaphore, #tpu.memory_space<semaphore_mem>>) src(%dma_wait3A_57 : memref<16x128xf32, #tpu.memory_space<vmem_shared>>) dst(%dma_wait3A_55 : memref<16x128xf32, #tpu.memory_space<hbm>>)
        tpu.yield
      }) : () -> ()
    } else {
    }
    return
  }
}

module attributes {stable_mosaic.version = 14 : i64} {
  func.func @_mm_body(%arg0: i32, %arg1: memref<2048x128xf32, #tpu.memory_space<vmem>>, %arg2: memref<128x128xf32, #tpu.memory_space<vmem>>, %arg3: memref<2048x128xf32, #tpu.memory_space<vmem>>) attributes {dimension_semantics = [#tpu.dimension_semantics<arbitrary>], iteration_bounds = array<i64: 5>, scalar_prefetch = 0 : i64, scratch_operands = 0 : i64, tpu.core_type = #tpu.core_type<tc>, window_params = [{transform_indices = @transform_0, window_bounds = array<i64: 2048, 128>}, {pipeline_mode = #tpu.pipeline_mode<synchronous>, transform_indices = @transform_1, window_bounds = array<i64: 128, 128>}, {transform_indices = @transform_2, window_bounds = array<i64: 2048, 128>}]} {
    %get3A = arith.constant 0 : index
    %get3A_0 = arith.constant 0 : index
    %get3A_1 = vector.load %arg1[%get3A, %get3A_0] : memref<2048x128xf32, #tpu.memory_space<vmem>>, vector<2048x128xf32>
    %get3A_2 = arith.constant 0 : index
    %get3A_3 = arith.constant 0 : index
    %get3A_4 = vector.load %arg2[%get3A_2, %get3A_3] : memref<128x128xf32, #tpu.memory_space<vmem>>, vector<128x128xf32>
    %dot_general3A = arith.constant dense<0.000000e+00> : vector<2048x128xf32>
    %dot_general3A_5 = tpu.matmul %get3A_1, %get3A_4, %dot_general3A {dimension_numbers = #tpu.dot_dimension_numbers<[1], [0], [0], [1], [0, 0, 1, 1], [], []>, transpose_lhs_hint = false} : vector<2048x128xf32>, vector<128x128xf32>, vector<2048x128xf32> -> vector<2048x128xf32>
    %swap3A = arith.constant 0 : index
    %swap3A_6 = arith.constant 0 : index
    %swap3A_7 = vector.load %arg3[%swap3A, %swap3A_6] : memref<2048x128xf32, #tpu.memory_space<vmem>>, vector<2048x128xf32>
    tpu.vector_store %arg3[%swap3A, %swap3A_6], %dot_general3A_5 {strides = array<i32>} : memref<2048x128xf32, #tpu.memory_space<vmem>>, vector<2048x128xf32>,
    return
  }
  func.func @transform_0(%arg0: i32) -> (i32, i32) {
    %c0_i32 = arith.constant 0 : i32
    %c0_i32_0 = arith.constant 0 : i32
    return %arg0, %c0_i32 : i32, i32
  }
  func.func @transform_1(%arg0: i32) -> (i32, i32) {
    %c0_i32 = arith.constant 0 : i32
    %c0_i32_0 = arith.constant 0 : i32
    %c0_i32_1 = arith.constant 0 : i32
    return %c0_i32, %c0_i32_0 : i32, i32
  }
  func.func @transform_2(%arg0: i32) -> (i32, i32) {
    %c0_i32 = arith.constant 0 : i32
    %c0_i32_0 = arith.constant 0 : i32
    return %arg0, %c0_i32 : i32, i32
  }
}

module attributes {stable_mosaic.version = 14 : i64} {
  func.func @_h2_body(%arg0: i32, %arg1: memref<2048x128xf32, #tpu.memory_space<vmem>>, %arg2: memref<2x1x2048xf32, #tpu.memory_space<vmem>>, %arg3: memref<2048x128xf32, #tpu.memory_space<vmem>>) attributes {dimension_semantics = [#tpu.dimension_semantics<arbitrary>], iteration_bounds = array<i64: 5>, scalar_prefetch = 0 : i64, scratch_operands = 0 : i64, tpu.core_type = #tpu.core_type<tc>, window_params = [{transform_indices = @transform_0, window_bounds = array<i64: 2048, 128>}, {transform_indices = @transform_1, window_bounds = array<i64: 2, 1, 2048>}, {transform_indices = @transform_2, window_bounds = array<i64: 2048, 128>}]} {
    %get3A = arith.constant 0 : index
    %get3A_0 = arith.constant 0 : index
    %get3A_1 = arith.constant 0 : index
    %get3A_2 = vector.load %arg2[%get3A, %get3A_0, %get3A_1] : memref<2x1x2048xf32, #tpu.memory_space<vmem>>, vector<1x1x2048xf32>
    %get3A_3 = vector.shape_cast %get3A_2 : vector<1x1x2048xf32> to vector<2048xf32>
    %get3A_4 = arith.constant 1 : index
    %get3A_5 = arith.constant 0 : index
    %get3A_6 = arith.constant 0 : index
    %get3A_7 = vector.load %arg2[%get3A_4, %get3A_5, %get3A_6] : memref<2x1x2048xf32, #tpu.memory_space<vmem>>, vector<1x1x2048xf32>
    %get3A_8 = vector.shape_cast %get3A_7 : vector<1x1x2048xf32> to vector<2048xf32>
    %add3A = arith.addf %get3A_3, %get3A_8 : vector<2048xf32>
    %gt3A = arith.constant 0.000000e+00 : f32
    %gt3A_9 = vector.broadcast %gt3A : f32 to vector<2048xf32>
    %gt3A_10 = arith.cmpf ogt, %add3A, %gt3A_9 : vector<2048xf32>
    %max3A = arith.constant 9.99999996E-13 : f32
    %max3A_11 = vector.broadcast %max3A : f32 to vector<2048xf32>
    %max3A_12 = arith.maximumf %add3A, %max3A_11 : vector<2048xf32>
    %sqrt3A = math.sqrt %max3A_12 : vector<2048xf32>
    %div3A = arith.constant 1.000000e+00 : f32
    %div3A_13 = vector.broadcast %div3A : f32 to vector<2048xf32>
    %div3A_14 = arith.divf %div3A_13, %sqrt3A : vector<2048xf32>
    %jit3A = arith.constant 0.000000e+00 : f32
    %broadcast_in_dim3A = vector.broadcast %jit3A : f32 to vector<2048xf32>
    %select_n3A = arith.select %gt3A_10, %div3A_14, %broadcast_in_dim3A : vector<2048xi1>, vector<2048xf32>
    %get3A_15 = arith.constant 0 : index
    %get3A_16 = arith.constant 0 : index
    %get3A_17 = vector.load %arg1[%get3A_15, %get3A_16] : memref<2048x128xf32, #tpu.memory_space<vmem>>, vector<2048x128xf32>
    %broadcast_in_dim3A_18 = vector.shape_cast %select_n3A : vector<2048xf32> to vector<2048x1xf32>
    %mul3A = vector.broadcast %broadcast_in_dim3A_18 : vector<2048x1xf32> to vector<2048x128xf32>
    %mul3A_19 = arith.mulf %get3A_17, %mul3A : vector<2048x128xf32>
    %swap3A = arith.constant 0 : index
    %swap3A_20 = arith.constant 0 : index
    %swap3A_21 = vector.load %arg3[%swap3A, %swap3A_20] : memref<2048x128xf32, #tpu.memory_space<vmem>>, vector<2048x128xf32>
    tpu.vector_store %arg3[%swap3A, %swap3A_20], %mul3A_19 {strides = array<i32>} : memref<2048x128xf32, #tpu.memory_space<vmem>>, vector<2048x128xf32>,
    return
  }
  func.func @transform_0(%arg0: i32) -> (i32, i32) {
    %c0_i32 = arith.constant 0 : i32
    %c0_i32_0 = arith.constant 0 : i32
    return %arg0, %c0_i32 : i32, i32
  }
  func.func @transform_1(%arg0: i32) -> (i32, i32, i32) {
    %c0_i32 = arith.constant 0 : i32
    %c0_i32_0 = arith.constant 0 : i32
    %c0_i32_1 = arith.constant 0 : i32
    return %c0_i32, %c0_i32_0, %arg0 : i32, i32, i32
  }
  func.func @transform_2(%arg0: i32) -> (i32, i32) {
    %c0_i32 = arith.constant 0 : i32
    %c0_i32_0 = arith.constant 0 : i32
    return %arg0, %c0_i32 : i32, i32
  }
}

module attributes {stable_mosaic.version = 14 : i64} {
  func.func @_fin_body(%arg0: i32, %arg1: memref<2x2048x128xf32, #tpu.memory_space<vmem>>, %arg2: memref<2x1x2048xf32, #tpu.memory_space<vmem>>, %arg3: memref<128xf32, #tpu.memory_space<vmem>>, %arg4: memref<2048x128xf32, #tpu.memory_space<vmem>>) attributes {dimension_semantics = [#tpu.dimension_semantics<arbitrary>], iteration_bounds = array<i64: 5>, scalar_prefetch = 0 : i64, scratch_operands = 0 : i64, tpu.core_type = #tpu.core_type<tc>, window_params = [{transform_indices = @transform_0, window_bounds = array<i64: 2, 2048, 128>}, {transform_indices = @transform_1, window_bounds = array<i64: 2, 1, 2048>}, {pipeline_mode = #tpu.pipeline_mode<synchronous>, transform_indices = @transform_2, window_bounds = array<i64: 128>}, {transform_indices = @transform_3, window_bounds = array<i64: 2048, 128>}]} {
    %get3A = arith.constant 0 : index
    %get3A_0 = arith.constant 0 : index
    %get3A_1 = arith.constant 0 : index
    %get3A_2 = vector.load %arg2[%get3A, %get3A_0, %get3A_1] : memref<2x1x2048xf32, #tpu.memory_space<vmem>>, vector<1x1x2048xf32>
    %get3A_3 = vector.shape_cast %get3A_2 : vector<1x1x2048xf32> to vector<2048xf32>
    %get3A_4 = arith.constant 1 : index
    %get3A_5 = arith.constant 0 : index
    %get3A_6 = arith.constant 0 : index
    %get3A_7 = vector.load %arg2[%get3A_4, %get3A_5, %get3A_6] : memref<2x1x2048xf32, #tpu.memory_space<vmem>>, vector<1x1x2048xf32>
    %get3A_8 = vector.shape_cast %get3A_7 : vector<1x1x2048xf32> to vector<2048xf32>
    %add3A = arith.addf %get3A_3, %get3A_8 : vector<2048xf32>
    %gt3A = arith.constant 0.000000e+00 : f32
    %gt3A_9 = vector.broadcast %gt3A : f32 to vector<2048xf32>
    %gt3A_10 = arith.cmpf ogt, %add3A, %gt3A_9 : vector<2048xf32>
    %max3A = arith.constant 9.99999996E-13 : f32
    %max3A_11 = vector.broadcast %max3A : f32 to vector<2048xf32>
    %max3A_12 = arith.maximumf %add3A, %max3A_11 : vector<2048xf32>
    %sqrt3A = math.sqrt %max3A_12 : vector<2048xf32>
    %div3A = arith.constant 1.000000e+00 : f32
    %div3A_13 = vector.broadcast %div3A : f32 to vector<2048xf32>
    %div3A_14 = arith.divf %div3A_13, %sqrt3A : vector<2048xf32>
    %jit3A = arith.constant 0.000000e+00 : f32
    %broadcast_in_dim3A = vector.broadcast %jit3A : f32 to vector<2048xf32>
    %select_n3A = arith.select %gt3A_10, %div3A_14, %broadcast_in_dim3A : vector<2048xi1>, vector<2048xf32>
    %get3A_15 = arith.constant 0 : index
    %get3A_16 = arith.constant 0 : index
    %get3A_17 = arith.constant 0 : index
    %get3A_18 = vector.load %arg1[%get3A_15, %get3A_16, %get3A_17] : memref<2x2048x128xf32, #tpu.memory_space<vmem>>, vector<1x2048x128xf32>
    %get3A_19 = vector.shape_cast %get3A_18 : vector<1x2048x128xf32> to vector<2048x128xf32>
    %get3A_20 = arith.constant 1 : index
    %get3A_21 = arith.constant 0 : index
    %get3A_22 = arith.constant 0 : index
    %get3A_23 = vector.load %arg1[%get3A_20, %get3A_21, %get3A_22] : memref<2x2048x128xf32, #tpu.memory_space<vmem>>, vector<1x2048x128xf32>
    %get3A_24 = vector.shape_cast %get3A_23 : vector<1x2048x128xf32> to vector<2048x128xf32>
    %add3A_25 = arith.addf %get3A_19, %get3A_24 : vector<2048x128xf32>
    %broadcast_in_dim3A_26 = vector.shape_cast %select_n3A : vector<2048xf32> to vector<2048x1xf32>
    %mul3A = vector.broadcast %broadcast_in_dim3A_26 : vector<2048x1xf32> to vector<2048x128xf32>
    %mul3A_27 = arith.mulf %add3A_25, %mul3A : vector<2048x128xf32>
    %get3A_28 = arith.constant 0 : index
    %get3A_29 = vector.load %arg3[%get3A_28] : memref<128xf32, #tpu.memory_space<vmem>>, vector<128xf32>
    %broadcast_in_dim3A_30 = vector.shape_cast %get3A_29 : vector<128xf32> to vector<1x128xf32>
    %add3A_31 = vector.broadcast %broadcast_in_dim3A_30 : vector<1x128xf32> to vector<2048x128xf32>
    %add3A_32 = arith.addf %mul3A_27, %add3A_31 : vector<2048x128xf32>
    %gt3A_33 = arith.constant 0.000000e+00 : f32
    %gt3A_34 = vector.broadcast %gt3A_33 : f32 to vector<2048x128xf32>
    %gt3A_35 = arith.cmpf ogt, %add3A_32, %gt3A_34 : vector<2048x128xf32>
    %exp3A = math.exp %add3A_32 : vector<2048x128xf32>
    %sub3A = arith.constant 1.000000e+00 : f32
    %sub3A_36 = vector.broadcast %sub3A : f32 to vector<2048x128xf32>
    %sub3A_37 = arith.subf %exp3A, %sub3A_36 : vector<2048x128xf32>
    %mul3A_38 = arith.constant 1.000000e-01 : f32
    %mul3A_39 = vector.broadcast %mul3A_38 : f32 to vector<2048x128xf32>
    %mul3A_40 = arith.mulf %mul3A_39, %sub3A_37 : vector<2048x128xf32>
    %select_n3A_41 = arith.select %gt3A_35, %add3A_32, %mul3A_40 : vector<2048x128xi1>, vector<2048x128xf32>
    %swap3A = arith.constant 0 : index
    %swap3A_42 = arith.constant 0 : index
    %swap3A_43 = vector.load %arg4[%swap3A, %swap3A_42] : memref<2048x128xf32, #tpu.memory_space<vmem>>, vector<2048x128xf32>
    tpu.vector_store %arg4[%swap3A, %swap3A_42], %select_n3A_41 {strides = array<i32>} : memref<2048x128xf32, #tpu.memory_space<vmem>>, vector<2048x128xf32>,
    return
  }
  func.func @transform_0(%arg0: i32) -> (i32, i32, i32) {
    %c0_i32 = arith.constant 0 : i32
    %c0_i32_0 = arith.constant 0 : i32
    %c0_i32_1 = arith.constant 0 : i32
    return %c0_i32, %arg0, %c0_i32_0 : i32, i32, i32
  }
  func.func @transform_1(%arg0: i32) -> (i32, i32, i32) {
    %c0_i32 = arith.constant 0 : i32
    %c0_i32_0 = arith.constant 0 : i32
    %c0_i32_1 = arith.constant 0 : i32
    return %c0_i32, %c0_i32_0, %arg0 : i32, i32, i32
  }
  func.func @transform_2(%arg0: i32) -> i32 {
    %c0_i32 = arith.constant 0 : i32
    %c0_i32_0 = arith.constant 0 : i32
    return %c0_i32 : i32
  }
  func.func @transform_3(%arg0: i32) -> (i32, i32) {
    %c0_i32 = arith.constant 0 : i32
    %c0_i32_0 = arith.constant 0 : i32
    return %arg0, %c0_i32 : i32, i32
  }
}

</mosaic_0001>

<sc_bundles>
// kernel: kernel.10.cloned.1.call-start
scs
__scs_entry_jumppad:
0x0: {  	(pc) =	sbr.rel $0x88, $3  }
0x1: {  	(tag) =	ssettag $0x0;
	lr =	simm.s32 $0x1  }
0x2: {  	[smem:$0x3F9C] =	sst lr;
	_ =	strace $0xD0000000  }
0x3: {  	_ = 	snop  }
0x4: {  	_ = 	snop  }
0x5: {  	_ = 	snop  }
0x6: {  	_ = 	snop  }
0x7: {  	_ = 	snop  }
__scs_overlays_trampoline_lowered:
0x8: {  	[smem:$0x3FAB] =	sst s0  }
0x9: {  	[smem:$0x3FAC] =	sst s1  }
0xa: {  	[smem:$0x3FAD] =	sst s2  }
0xb: {  	[smem:$0x3FAE] =	sst s3  }
0xc: {  	[smem:$0x3FAF] =	sst s4  }
0xd: {  	[smem:$0x3FB0] =	sst s5  }
0xe: {  	[smem:$0x3FB1] =	sst s6  }
0xf: {  	[smem:$0x3FB2] =	sst s7  }
0x10: {  	[smem:$0x3FB3] =	sst s8  }
0x11: {  	[smem:$0x3FB4] =	sst s9;
	s0 =	simm.s32 @!p0 $0x0  }
0x12: {  	s1 =	sld [smem:$0x3F9A];
	s0 =	simm.s32 @p0 $0x1  }
0x13: {  	[smem:$0x3FB5] =	sst s0;
	s0 =	simm.s32 @!p1 $0x0  }
0x14: {  	s2 =	sld [smem:$0x3F99];
	s0 =	simm.s32 @p1 $0x1  }
0x15: {  	[smem:$0x3FB6] =	sst s0;
	s0 =	simm.s32 @!p2 $0x0  }
0x16: {  	s3 =	sld [smem:$0x3FDB];
	s0 =	simm.s32 @p2 $0x1  }
0x17: {  	s4 =	simm.s32 $0x1BF5;
	[smem:$0x3FB8] =	sst s0  }
0x18: {  	s0 =	sld [smem:$0x3F9B];
	_ =	swait.ge [sflag:s4], $0x0  }
0x19: {  	s7 =	sld [smem:$0x3F9C]  }
0x1a: {  	s8 =	sadd.s32 $0xFFFFE003, lr  }
0x1b: {  	s9 =	sadd.s32 $0xFFFFFEF7, lr;
	s5 =	simm.s32 $0xFFFFFFFF;
	p2 =	slt.u32 s8, $0xFFFFF086  }
0x1c: {  	p1 =	slt.u32 s9, $0xF7A;
	s5 =	simm.s32 @!p2 $0x0  }
0x1d: {  	s5 =	simm.s32 @p1 $0x1;
	p0 =	seq.s32 s7, s2  }
0x1e: {  	s7 =	smul.u32 @!p0 $0xF7A, s2;
	p2 =	seq.s32 @!p0 s5, $0x0  }
0x1f: {  	s9 =	smul.u32 $0xF7A, s1;
	s8 =	simm.s32 @!p0 $0x1BF5;
	p2 =	por !p2, p0  }
0x20: {  	[sflag:s8] =	ssyncset.s32 @!p0 $0xFFFFF086;
	s6 =	sadd.s32 @!p0 s3, s7;
	s7 =	simm.s32 @!p0 $0x108  }
0x21: {  	s3 =	sadd.s32 s3, s9;
	s6 =	sadd.s32 @!p0 $0x88, s6;
	s7 =	simm.s32 @p2 $0x1082  }
0x22: {  	[simem:s7], [sflag:s8] =	dma.local @!p0 [hbm:s6], $0xF7A  }
0x23: {  	s9 =	sor.u32 $0xD0000000, s2;
	s6 =	simm.s32 $0x108;
	_ =	swait.ge @!p0 [sflag:s8], $0x0  }
0x24: {  	s3 =	sadd.s32 $0x88, s3;
	s6 =	simm.s32 @!p1 $0x1082;
	[sflag:s4] =	ssyncset.s32 $0xFFFFF086  }
0x25: {  	[simem:s6], [sflag:s4] =	dma.local [hbm:s3], $0xF7A  }
0x26: {  	[smem:$0x3F9C] =	sst s1;
	(tag) =	ssettag s2;
	_ =	strace s9  }
0x27: {  	s1 =	sld [smem:$0x3FAC]  }
0x28: {  	s2 =	sld [smem:$0x3FAD]  }
0x29: {  	s4 =	sld [smem:$0x3FAF]  }
0x2a: {  	p0 =	seq.s32 s5, $0x0;
	s5 =	sld [smem:$0x3FB0]  }
0x2b: {  	s6 =	sld [smem:$0x3FB1]  }
0x2c: {  	s7 =	sld [smem:$0x3FB2]  }
0x2d: {  	s3 =	simm.s32 $0x108;
	s8 =	sld [smem:$0x3FB3]  }
0x2e: {  	s3 =	simm.s32 @!p0 $0x1082;
	s9 =	sld [smem:$0x3FB4]  }
0x2f: {  	lr =	sadd.s32 s0, s3;
	s0 =	sld [smem:$0x3FAB]  }
0x30: {  	s3 =	sld [smem:$0x3FAE]  }
0x31: {  	[smem:$0x3FB7] =	sst s10  }
0x32: {  	s10 =	sld [smem:$0x3FB5];
	_ =	sdelay $0x3  }
0x33: {  	p0 =	seq.s32 s10, $0x1;
	s10 =	sld [smem:$0x3FB7];
	_ =	sdelay $0x3  }
0x34: {  	[smem:$0x3FB7] =	sst s10  }
0x35: {  	s10 =	sld [smem:$0x3FB6];
	_ =	sdelay $0x3  }
0x36: {  	p1 =	seq.s32 s10, $0x1;
	s10 =	sld [smem:$0x3FB7];
	_ =	sdelay $0x3  }
0x37: {  	[smem:$0x3FB7] =	sst s10  }
0x38: {  	s10 =	sld [smem:$0x3FB8]  }
0x39: {  	_ = 	snop;
	(pc) =	sbr.ind lr, $3  }
0x3a: {  	_ = 	snop  }
0x3b: {  	_ = 	snop  }
0x3c: {  	p2 =	seq.s32 s10, $0x1;
	s10 =	sld [smem:$0x3FB7]  }
0x3d: {  	_ =	shalt  }
0x3e: {  	_ =	shalt  }
0x3f: {  	_ =	shalt  }
0x40: {  	_ =	shalt  }
0x41: {  	_ =	shalt  }
0x42: {  	_ =	shalt  }
0x43: {  	_ =	shalt  }
0x44: {  	_ =	shalt  }
0x45: {  	_ =	shalt  }
0x46: {  	_ =	shalt  }
0x47: {  	_ =	shalt  }
0x48: {  	_ =	shalt  }
0x49: {  	_ =	shalt  }
0x4a: {  	_ =	shalt  }
0x4b: {  	_ =	shalt  }
0x4c: {  	_ =	shalt  }
0x4d: {  	_ =	shalt  }
0x4e: {  	_ =	shalt  }
0x4f: {  	_ =	shalt  }
0x50: {  	_ =	shalt  }
0x51: {  	_ =	shalt  }
0x52: {  	_ =	shalt  }
0x53: {  	_ =	shalt  }
0x54: {  	_ =	shalt  }
0x55: {  	_ =	shalt  }
0x56: {  	_ =	shalt  }
0x57: {  	_ =	shalt  }
0x58: {  	_ =	shalt  }
0x59: {  	_ =	shalt  }
0x5a: {  	_ =	shalt  }
0x5b: {  	_ =	shalt  }
0x5c: {  	_ =	shalt  }
0x5d: {  	_ =	shalt  }
0x5e: {  	_ =	shalt  }
0x5f: {  	_ =	shalt  }
0x60: {  	_ =	shalt  }
0x61: {  	_ =	shalt  }
0x62: {  	_ =	shalt  }
0x63: {  	_ =	shalt  }
0x64: {  	_ =	shalt  }
0x65: {  	_ =	shalt  }
0x66: {  	_ =	shalt  }
0x67: {  	_ =	shalt  }
0x68: {  	_ =	shalt  }
0x69: {  	_ =	shalt  }
0x6a: {  	_ =	shalt  }
0x6b: {  	_ =	shalt  }
0x6c: {  	_ =	shalt  }
0x6d: {  	_ =	shalt  }
0x6e: {  	_ =	shalt  }
0x6f: {  	_ =	shalt  }
0x70: {  	_ =	shalt  }
0x71: {  	_ =	shalt  }
0x72: {  	_ =	shalt  }
0x73: {  	_ =	shalt  }
0x74: {  	_ =	shalt  }
0x75: {  	_ =	shalt  }
0x76: {  	_ =	shalt  }
0x77: {  	_ =	shalt  }
0x78: {  	_ =	shalt  }
0x79: {  	_ =	shalt  }
0x7a: {  	_ =	shalt  }
0x7b: {  	_ =	shalt  }
0x7c: {  	_ =	shalt  }
0x7d: {  	_ =	shalt  }
0x7e: {  	_ =	shalt  }
0x7f: {  	_ =	shalt  }
0x80: {  	_ =	shalt  }
0x81: {  	_ =	shalt  }
0x82: {  	_ =	shalt  }
0x83: {  	_ =	shalt  }
0x84: {  	_ =	shalt  }
0x85: {  	_ =	shalt  }
0x86: {  	_ =	shalt  }
0x87: {  	_ =	shalt  }
.Lfunc_end0:
.L_simem_size_0:
called_computation.1_lowered:
.L_overlay_start_0:
0x88: {  	s2 =	sld [smem:$0x3FD9]  }
0x89: {  	s3 =	sld [smem:$0x3FFE];
	_ =	sdelay $0x1  }
0x8a: {  	s1 =	srdreg.scid  }
0x8b: {  	s0 =	sand.u32 $0x1, s1  }
0x8c: {  	s17 =	sshll.u32 s0, $0xA;
	s2 =	sadd.s32 s3, s2  }
0x8d: {  	s2 =	sadd.s32 s2, s17  }
0x8e: {  	[smem:$0x3FC3] =	sst s2  }
0x8f: {  	_ = 	snop  }
0x90: {  	s2 =	sld [smem:$0x3FD0];
	(tm) =	ssettm $0x1  }
0x91: {  	s18 =	sld [smem:$0x3FFB];
	_ =	sdelay $0x3  }
0x92: {  	_ =	strace s18  }
0x93: {  	s3 =	sld [smem:$0x3FFC];
	_ =	sdelay $0x3  }
0x94: {  	_ =	strace s3  }
0x95: {  	s3 =	sld [smem:$0x3FFD];
	_ =	sdelay $0x3  }
0x96: {  	_ =	strace s3  }
0x97: {  	_ =	strace $0x8FFFFFFF  }
0x98: {  	s19 =	sld [smem:$0x3FDB];
	_ =	sdelay $0x1  }
0x99: {  	s4 =	simm.s32 $_scs_section_size  }
0x9a: {  	s5 =	simm.s32 $_size__tile_overlayer_lowered;
	s6 =	simm.s32 $_tile_overlayer_lowered  }
0x9b: {  	s22 =	simm.s32 $0x1BFF;
	s21 =	sshll.u32 s6, $0x1;
	s3 =	sadd.s32 s4, s19  }
0x9c: {  	s7 =	simm.s32 $0x0;
	s20 =	sshll.u32 s5, $0x1;
	s5 =	sadd.s32 s21, s3  }
0x9d: {  	[timem:s7], [sflag:s22] =	dma.local [hbm:s5], s20  }
0x9e: {  	_ =	swait.ge [sflag:s22], s20  }
0x9f: {  	s4 =	ssub.s32 $0x0, s20;
	[sflag:s22] =	ssyncset.done $0x0  }
0xa0: {  	[sflag:s22] =	ssyncadd.s32 s4;
	_ =	sdelay $0x1  }
0xa1: {  	s23 =	simm.s32 $0x1B8B  }
0xa2: {  	_ =	swait.ge [sflag:s23], $0x1  }
0xa3: {  	[sflag:s23] =	ssyncset.done $0x0  }
0xa4: {  	s25 =	simm.s32 $0x1B8E;
	s24 =	sld [smem:$0x3FFE];
	[sflag:s23] =	ssyncadd.s32 $0xFFFFFFFF  }
0xa5: {  	s26 =	simm.s32 $execute0_lowered;
	[smem:$0x3FD2] =	sst s25  }
0xa6: {  	s5 =	sshll.u32 s26, $0x1;
	_ =	strace $0x80000049;
	[dreg:$0x1] =	wrdreg $0xFFFFFFFF  }
0xa7: {  	s28 =	simm.s32 $_size_execute0_lowered;
	s3 =	sadd.s32 s3, s5;
	[dreg:$0x0] =	wrdreg $0x0  }
0xa8: {  	s5 =	sshll.u32 s28, $0x1;
	[dreg:$0x2] =	wrdreg s3  }
0xa9: {  	[dreg:$0x3] =	wrdreg s5  }
0xaa: {  	[dreg:$0x4] =	wrdreg $0xC0  }
0xab: {  	_ =	task [dreg:s7], $0x5FFFF  }
0xac: {  	[dreg:$0x1] =	wrdreg $0xFFFFFFFF  }
0xad: {  	[dreg:$0x0] =	wrdreg $0x60  }
0xae: {  	[dreg:$0x2] =	wrdreg s24  }
0xaf: {  	[dreg:$0x3] =	wrdreg s2  }
0xb0: {  	[dreg:$0x4] =	wrdreg $0xB8000  }
0xb1: {  	[dreg:$0x5] =	wrdreg $0x9  }
0xb2: {  	_ =	task.clear_ibuf [dreg:s7], $0x6FFFF;
	_ =	strace $0x90000049  }
0xb3: {  	s29 =	simm.s32 $0x9;
	_ =	strace $0x8000004B  }
0xb4: {  	_ =	swait.ge [sflag:s29], $0x1  }
0xb5: {  	[sflag:s29] =	ssyncadd.s32 $0xFFFFFFFF  }
0xb6: {  	_ =	strace $0x9000004B  }
0xb7: {  	_ =	sfence  }
0xb8: {  	s30 =	sld [smem:$0x0];
	_ =	sdelay $0x2  }
0xb9: {  	s31 =	sshll.u32 s1, $0xD;
	s1 =	sshrl.u32 s1, $0x2  }
0xba: {  	s3 =	sand.u32 $0x4000, s31;
	s1 =	sadd.s32 s1, s30  }
0xbb: {  	s0 =	sor.u32 s3, s0;
	s1 =	sshll.u32 s1, $0x11  }
0xbc: {  	s0 =	sor.u32 s1, s0  }
0xbd: {  	s0 =	sadd.s32 $0x8F2B, s0  }
0xbe: {  	[sflag:s0] =	ssyncadd.remote.s32 $0x1  }
0xbf: {  	_ =	sfence.sel $0xFFFF  }
0xc0: {  	[dreg:$0x0] =	wrdreg $0xFFFFFFFF;
	(pc) =	sbr.abs _section_cstart, $3  }
0xc1: {  	[dreg:$0x1] =	wrdreg $0xFFFFFFFF  }
0xc2: {  	_ =	task.clear_ibuf [dreg:s7], $0x2FFFF;
	_ =	strace $0x9FFFFFFF  }
0xc3: {  	(tm) =	ssettm $0x7FFFFFFF  }
tec
execute0_lowered:
.L_overlay_start_1:
0x0: {  	(tag) =	ssettag $0x1  }
0x1: {  	s0 =	rddreg [dreg:$0x0]  }
0x2: {  	s3 =	rddreg [dreg:$0x1]  }
0x3: {  	s1 =	rddreg [dreg:$0x2];
	s2 =	simm.s32 $0x0;
	s6 =	srdreg.scid  }
0x4: {  	s16 =	stileid.u32;
	[smem:$0x7FF] =	sst s2  }
0x5: {  	s4 =	sadd.s32 $0xBC00, s0;
	s5 =	sadd.s32 $0x1C00, s0;
	s6 =	sand.u32 $0x1, s6  }
0x6: {  	s7 =	sadd.s32 $0x33C00, s0;
	s8 =	smul.u32 $0x50000, s16;
	s0 =	sadd.s32 $0x34400, s0  }
0x7: {  	s14 =	smul.u32 $0x14000, s16;
	p0 =	seq.s32 s16, $0xF;
	s31 =	sadd.s32 $0x12C000, s1  }
0x8: {  	_ =	strace $0x8000004A;
	[dreg:$0x4] =	wrdreg s7;
	s24 =	ssub.s32 $0x2, s6  }
0x9: {  	s10 =	sshll.u32 s6, $0x4;
	s6 =	smul.u32 $0x140000, s6;
	s9 =	sshrl.u32 s24, $0x1  }
0xa: {  	s10 =	sor.u32 s16, s10;
	s8 =	sshrl.u32 s8, $0x2;
	s17 =	sadd.s32 $0x4000, s14  }
0xb: {  	s22 =	sadd.s32 $0xC000, s14;
	s16 =	simm.s32 $0x0;
	s12 =	ssub.s32 s24, s9  }
0xc: {  	s7 =	sadd.s32 s8, s1;
	s11 =	smul.u32 $0x500, s10;
	s8 =	sadd.s32 $0x138000, s1  }
0xd: {  	s13 =	sshrl.u32 s6, $0x3;
	s9 =	smul.u32 $0x50, s10;
	s18 =	sadd.s32 s6, s14  }
0xe: {  	s19 =	sadd.s32 s6, s17;
	s23 =	sadd.s32 s6, s22;
	s10 =	simm.s32 $0x3  }
0xf: {  	s26 =	sadd.s32 s0, s13;
	s12 =	smax.u32 s12, $0x1;
	s13 =	sshrl.u32 s19, $0x3  }
0x10: {  	s28 =	sadd.s32 $0x8000, s7;
	s29 =	sadd.s32 $0xC000, s7;
	s30 =	sadd.s32 $0x10000, s7  }
0x11: {  	s25 =	sadd.s32 s3, s11;
	s11 =	sadd.s32 $0xA000, s3;
	[dreg:$0x7] =	wrdreg s12  }
0x12: {  	s15 =	sadd.s32 $0x27000, s26;
	s12 =	sshrl.u32 s18, $0x3;
	[dreg:$0x5] =	wrdreg s25  }
0x13: {  	s20 =	sadd.s32 s0, s13;
	s3 =	sadd.s32 s17, s1;
	[dreg:$0x6] =	wrdreg s15  }
0x14: {  	s24 =	sadd.s32 $0x25800, s26;
	s13 =	simm.s32 $0x7800;
	[dreg:$0x9] =	wrdreg s20  }
0x15: {  	s15 =	sadd.s32 $0x8000, s14;
	s12 =	sadd.s32 s0, s12;
	[dreg:$0xd] =	wrdreg s24  }
0x16: {  	s14 =	sadd.s32 $0x10000, s14;
	s25 =	sadd.s32 $0x26000, s26;
	[dreg:$0x8] =	wrdreg s12  }
0x17: {  	s26 =	sadd.s32 $0x26800, s26;
	s3 =	sshrl.u32 @!p0 s3, $0x3;
	[dreg:$0xe] =	wrdreg s25  }
0x18: {  	s21 =	sadd.s32 s6, s15;
	s15 =	sadd.s32 s15, s1;
	[dreg:$0xf] =	wrdreg s26  }
0x19: {  	s6 =	sadd.s32 s6, s14;
	[dreg:$0x10] =	wrdreg s3;
	s12 =	sshrl.u32 s21, $0x3  }
0x1a: {  	s26 =	sadd.s32 $0x4000, s7;
	s3 =	sadd.s32 $0x134000, s1;
	s12 =	sadd.s32 s0, s12  }
0x1b: {  	v0 =	vimm.s32 $0x0;
	s6 =	sshrl.u32 s6, $0x3;
	[dreg:$0xa] =	wrdreg s12;
	s12 =	sshrl.u32 s23, $0x3  }
.Ltmp0:
0x1c: {  	v1 =	vimm.s32 $0x1;
	v2 =	vimm.s32 $0x2;
	v3 =	vimm.s32 $0x3;
	s23 =	sshrl.u32 @!p0 s15, $0x3;
	s12 =	sadd.s32 s0, s12;
	(pc) =	sbr.rel .LBB2_1-.Ltmp0, $4  }
0x1d: {  	v4 =	vimm.s32 $0x4;
	v5 =	vimm.s32 $0x5;
	v6 =	vimm.s32 $0x6;
	s15 =	simm.s32 $0x2;
	s0 =	sadd.s32 s0, s6;
	[dreg:$0xb] =	wrdreg s12  }
0x1e: {  	v7 =	vimm.s32 $0x7;
	v8 =	vimm.s32 $0x8;
	v9 =	vimm.s32 $0x9;
	s6 =	simm.s32 $0x3800;
	s12 =	sadd.s32 s22, s1;
	[dreg:$0xc] =	wrdreg s0  }
0x1f: {  	v10 =	vimm.s32 $0xA;
	v11 =	vimm.s32 $0xB;
	v12 =	vimm.s32 $0xC;
	s0 =	sadd.s32 s14, s1;
	s14 =	simm.s32 $0x1;
	s24 =	sshrl.u32 @!p0 s12, $0x3  }
0x20: {  	v13 =	vimm.s32 $0xD;
	v14 =	vimm.s32 $0xE;
	v15 =	vimm.s32 $0xF;
	s25 =	sshrl.u32 @!p0 s0, $0x3;
	s0 =	sadd.s32 $0x130000, s1;
	s12 =	simm.s32 $0x80  }
.LBB2_8:
0x21: {  	[bflag:$0x0] =	sbarrier.arrive $0xFFFF  }
0x22: {  	s17 =	sshrl.u32 @p0 s31, $0x3;
	s18 =	simm.s32 @p0 $0x1FC3;
	s19 =	rddreg [dreg:$0xd]  }
0x23: {  	[hbm:s19], [sflag:s18] =	dma.local @p0 [spmem:s17], $0x800  }
0x24: {  	s17 =	simm.s32 @p0 $0x3  }
0x25: {  	_ =	swait.ge @p0 [sflag:s17], $0x800  }
0x26: {  	[sflag:s17] =	ssyncset.done @p0 $0x0  }
0x27: {  	s19 =	sshrl.u32 @p0 s0, $0x3;
	s20 =	rddreg [dreg:$0xe];
	[sflag:s17] =	ssyncadd.s32 @p0 $0xFFFFF800  }
0x28: {  	[hbm:s20], [sflag:s18] =	dma.local @p0 [spmem:s19], $0x800  }
0x29: {  	_ =	swait.ge @p0 [sflag:s17], $0x800  }
0x2a: {  	[sflag:s17] =	ssyncset.done @p0 $0x0  }
0x2b: {  	s19 =	sshrl.u32 @p0 s3, $0x3;
	s20 =	rddreg [dreg:$0xf];
	[sflag:s17] =	ssyncadd.s32 @p0 $0xFFFFF800  }
0x2c: {  	[hbm:s20], [sflag:s18] =	dma.local @p0 [spmem:s19], $0x800  }
0x2d: {  	_ =	swait.ge @p0 [sflag:s17], $0x800  }
0x2e: {  	[sflag:s17] =	ssyncset.done @p0 $0x0  }
0x2f: {  	s19 =	sshrl.u32 @p0 s8, $0x3;
	s20 =	rddreg [dreg:$0x6];
	[sflag:s17] =	ssyncadd.s32 @p0 $0xFFFFF800  }
0x30: {  	[hbm:s20], [sflag:s18] =	dma.local @p0 [spmem:s19], $0x100  }
0x31: {  	s18 =	stileid.u32;
	_ =	swait.ge @p0 [sflag:s17], $0x100  }
0x32: {  	s18 =	sshll.u32 @!p0 s18, $0x6;
	[sflag:s17] =	ssyncset.done @p0 $0x0;
	s19 =	rddreg [dreg:$0x8]  }
0x33: {  	[sflag:s17] =	ssyncadd.s32 @p0 $0xFFFFFF00;
	s17 =	sor.u32 @!p0 $0x1C03, s18;
	s18 =	sshrl.u32 @!p0 s7, $0x3  }
0x34: {  	[hbm:s19], [sflag:s17] =	dma.local @!p0 [spmem:s18], $0x800  }
0x35: {  	s18 =	simm.s32 @!p0 $0x3  }
0x36: {  	_ =	swait.ge @!p0 [sflag:s18], $0x800  }
0x37: {  	[sflag:s18] =	ssyncset.done @!p0 $0x0;
	s19 =	rddreg [dreg:$0x9]  }
0x38: {  	s20 =	rddreg [dreg:$0x10];
	[sflag:s18] =	ssyncadd.s32 @!p0 $0xFFFFF800  }
0x39: {  	[hbm:s19], [sflag:s17] =	dma.local @!p0 [spmem:s20], $0x800  }
0x3a: {  	_ =	swait.ge @!p0 [sflag:s18], $0x800  }
0x3b: {  	[sflag:s18] =	ssyncset.done @!p0 $0x0  }
0x3c: {  	s19 =	rddreg [dreg:$0xa];
	[sflag:s18] =	ssyncadd.s32 @!p0 $0xFFFFF800  }
0x3d: {  	[hbm:s19], [sflag:s17] =	dma.local @!p0 [spmem:s23], $0x800  }
0x3e: {  	_ =	swait.ge @!p0 [sflag:s18], $0x800  }
0x3f: {  	[sflag:s18] =	ssyncset.done @!p0 $0x0  }
0x40: {  	s19 =	rddreg [dreg:$0xb];
	[sflag:s18] =	ssyncadd.s32 @!p0 $0xFFFFF800  }
0x41: {  	[hbm:s19], [sflag:s17] =	dma.local @!p0 [spmem:s24], $0x800  }
0x42: {  	_ =	swait.ge @!p0 [sflag:s18], $0x800  }
0x43: {  	[sflag:s18] =	ssyncset.done @!p0 $0x0  }
0x44: {  	s19 =	rddreg [dreg:$0xc];
	[sflag:s18] =	ssyncadd.s32 @!p0 $0xFFFFF800  }
0x45: {  	[hbm:s19], [sflag:s17] =	dma.local @!p0 [spmem:s25], $0x800  }
0x46: {  	_ =	swait.ge @!p0 [sflag:s18], $0x800  }
0x47: {  	s16 =	sadd.s32 $0x1, s16;
	s22 =	rddreg [dreg:$0x7]  }
0x48: {  	p1 =	sne.s32 s16, s22  }
.Ltmp1:
0x49: {  	_ = 	snop;
	(pc) =	sbr.rel @!p1 .LBB2_9-.Ltmp1, $3  }
0x4a: {  	_ =	sdelay $0x1  }
0x4b: {  	[sflag:s18] =	ssyncset.done @!p0 $0x0  }
0x4c: {  	[sflag:s18] =	ssyncadd.s32 @!p0 $0xFFFFF800  }
.LBB2_1:
0x4d: {  	s17 =	rddreg [dreg:$0x4]  }
0x4e: {  	[tilespmem:s6], [sflag:$0x3] =	stream.linear.gather [hbm4b:s17+s2], $0x4000, $0x38;
	[tilespmem:$0x1F080] =	vst v63  }
0x4f: {  	_ =	swait.ge [sflag:s10], $0x4000  }
0x50: {  	[sflag:s10] =	ssyncset.done $0x0  }
0x51: {  	s18 =	simm.s32 @p0 $0x3;
	s17 =	simm.s32 @p0 $0x3800;
	[sflag:s10] =	ssyncadd.s32 $0xFFFFC000  }
0x52: {  	[spmem:s31] =	stream.linear.scatter @p0 [tilespmem:s17], [sflag:$0x3], $0x4000, $0x38;
	[tilespmem:$0x1F080] =	vst v63  }
0x53: {  	_ =	swait.ge @p0 [sflag:s18], $0x4000  }
0x54: {  	[sflag:s18] =	ssyncset.done @p0 $0x0  }
0x55: {  	[sflag:s18] =	ssyncadd.s32 @p0 $0xFFFFC000  }
0x56: {  	[spmem:s0] =	stream.linear.scatter @p0 [tilespmem:s17], [sflag:$0x3], $0x4000, $0x38;
	[tilespmem:$0x1F080] =	vst v63  }
0x57: {  	_ =	swait.ge @p0 [sflag:s18], $0x4000  }
0x58: {  	[sflag:s18] =	ssyncset.done @p0 $0x0  }
0x59: {  	[sflag:s18] =	ssyncadd.s32 @p0 $0xFFFFC000  }
0x5a: {  	[spmem:s3] =	stream.linear.scatter @p0 [tilespmem:s17], [sflag:$0x3], $0x4000, $0x38;
	[tilespmem:$0x1F080] =	vst v63  }
0x5b: {  	_ =	swait.ge @p0 [sflag:s18], $0x4000  }
0x5c: {  	[sflag:s18] =	ssyncset.done @p0 $0x0  }
0x5d: {  	[sflag:s18] =	ssyncadd.s32 @p0 $0xFFFFC000  }
0x5e: {  	[spmem:s8] =	stream.linear.scatter @p0 [tilespmem:s17], [sflag:$0x3], $0x800, $0x38;
	[tilespmem:$0x1F080] =	vst v63  }
0x5f: {  	_ =	swait.ge @p0 [sflag:s18], $0x800  }
0x60: {  	[sflag:s18] =	ssyncset.done @p0 $0x0  }
0x61: {  	s17 =	simm.s32 @!p0 $0x3800;
	[sflag:s18] =	ssyncadd.s32 @p0 $0xFFFFF800;
	s18 =	simm.s32 @!p0 $0x3  }
0x62: {  	[spmem:s7] =	stream.linear.scatter @!p0 [tilespmem:s17], [sflag:$0x3], $0x4000, $0x38;
	[tilespmem:$0x1F080] =	vst v63  }
0x63: {  	_ =	swait.ge @!p0 [sflag:s18], $0x4000  }
0x64: {  	[sflag:s18] =	ssyncset.done @!p0 $0x0  }
0x65: {  	[sflag:s18] =	ssyncadd.s32 @!p0 $0xFFFFC000  }
0x66: {  	[spmem:s26] =	stream.linear.scatter @!p0 [tilespmem:s17], [sflag:$0x3], $0x4000, $0x38;
	[tilespmem:$0x1F080] =	vst v63  }
0x67: {  	_ =	swait.ge @!p0 [sflag:s18], $0x4000  }
0x68: {  	[sflag:s18] =	ssyncset.done @!p0 $0x0  }
0x69: {  	[sflag:s18] =	ssyncadd.s32 @!p0 $0xFFFFC000  }
0x6a: {  	[spmem:s28] =	stream.linear.scatter @!p0 [tilespmem:s17], [sflag:$0x3], $0x4000, $0x38;
	[tilespmem:$0x1F080] =	vst v63  }
0x6b: {  	_ =	swait.ge @!p0 [sflag:s18], $0x4000  }
0x6c: {  	[sflag:s18] =	ssyncset.done @!p0 $0x0  }
0x6d: {  	[sflag:s18] =	ssyncadd.s32 @!p0 $0xFFFFC000  }
0x6e: {  	[spmem:s29] =	stream.linear.scatter @!p0 [tilespmem:s17], [sflag:$0x3], $0x4000, $0x38;
	[tilespmem:$0x1F080] =	vst v63  }
0x6f: {  	_ =	swait.ge @!p0 [sflag:s18], $0x4000  }
0x70: {  	[sflag:s18] =	ssyncset.done @!p0 $0x0  }
0x71: {  	[sflag:s18] =	ssyncadd.s32 @!p0 $0xFFFFC000  }
0x72: {  	[spmem:s30] =	stream.linear.scatter @!p0 [tilespmem:s17], [sflag:$0x3], $0x4000, $0x38;
	[tilespmem:$0x1F080] =	vst v63  }
0x73: {  	_ =	swait.ge @!p0 [sflag:s18], $0x4000  }
0x74: {  	[sflag:s18] =	ssyncset.done @!p0 $0x0  }
0x75: {  	s22 =	rddreg [dreg:$0x5];
	[sflag:s18] =	ssyncadd.s32 @!p0 $0xFFFFC000  }
0x76: {  	[tilespmem:s2], [sflag:$0x3] =	stream.linear.gather [hbm4b:s22+s2], $0x2800, $0x38;
	[tilespmem:$0x1F080] =	vst v63  }
0x77: {  	_ =	swait.ge [sflag:s10], $0x2800  }
0x78: {  	[sflag:s10] =	ssyncset.done $0x0  }
0x79: {  	[sflag:s10] =	ssyncadd.s32 $0xFFFFD800  }
0x7a: {  	[bflag:$0x0] =	sbarrier.arrive $0xFFFF  }
0x7b: {  	[tilespmem:s6], [sflag:$0x1] =	stream.indirect.gather [hbm4b:s4+s12], $0x80, s2, s12, $0xb8;
	[tilespmem:$0x1F080] =	vst v63  }
0x7c: {  	s17 =	simm.s32 $0x0  }
0x7d: {  	[tilespmem:s13], [sflag:$0x2] =	stream.indirect.gather [hbm4b:s4+s12], $0x80, s12, s12, $0xb8;
	[tilespmem:$0x1F080] =	vst v63  }
.LBB2_2:
0x7e: {  	s18 =	sshll.u32 s17, $0x1  }
0x7f: {  	s19 =	sand.u32 $0xE, s18  }
0x80: {  	p1 =	sne.s32 s19, $0x0  }
0x81: {  	s18 =	sadd.s32 @!p1 s9, s18  }
0x82: {  	s18 =	sshll.u32 @!p1 s18, $0x4  }
0x83: {  	s21 =	simm.s32 @!p1 $0x0;
	s22 =	simm.s32 @!p1 $0x2800;
	s20 =	sadd.s32 @!p1 s18, s11  }
0x84: {  	[tilespmem:s22], [sflag:$0x3] =	stream.linear.gather @!p1 [hbm4b:s20+s21], $0x800, $0x38;
	[tilespmem:$0x1F080] =	vst v63  }
0x85: {  	s20 =	simm.s32 @!p1 $0x3  }
0x86: {  	_ =	swait.ge @!p1 [sflag:s20], $0x800  }
0x87: {  	[sflag:s20] =	ssyncset.done @!p1 $0x0  }
0x88: {  	s18 =	sadd.s32 @!p1 s5, s18;
	s22 =	simm.s32 @!p1 $0x3000;
	[sflag:s20] =	ssyncadd.s32 @!p1 $0xFFFFF800  }
0x89: {  	[tilespmem:s22], [sflag:$0x3] =	stream.linear.gather @!p1 [hbm4b:s18+s21], $0x800, $0x38;
	[tilespmem:$0x1F080] =	vst v63  }
0x8a: {  	s18 =	sshll.u32 s19, $0x9;
	_ =	swait.ge @!p1 [sflag:s20], $0x800  }
0x8b: {  	s19 =	sshrl.u32 s18, $0x2;
	[sflag:s20] =	ssyncset.done @!p1 $0x0  }
0x8c: {  	s22 =	sor.u32 $0x3000, s19;
	[sflag:s20] =	ssyncadd.s32 @!p1 $0xFFFFF800  }
0x8d: {  	v16 =	vmov s22;
	_ =	swait.ge [sflag:s14], $0x4000  }
0x8e: {  	[sflag:s14] =	ssyncset.done $0x0  }
0x8f: {  	s20 =	simm.s32 $0x0;
	[sflag:s14] =	ssyncadd.s32 $0xFFFFC000  }
.LBB2_3:
0x90: {  	s21 =	sshll.u32 s20, $0x4  }
0x91: {  	s21 =	sand.u32 $0x3FFFFFF0, s21  }
0x92: {  	s22 =	sshll.u32 s20, $0xB;
	v17 =	vld.idx.msk [tilespmem:v16+s21+$0x0 ss:$0x1], $0xffff  }
0x93: {  	s21 =	sand.u32 $0x3FFFF800, s22  }
0x94: {  	v18 =	vld [tilespmem:s21+$0x3800]  }
0x95: {  	v19 =	vld [tilespmem:s21+$0x3810]  }
0x96: {  	v20 =	vld [tilespmem:s21+$0x3820]  }
0x97: {  	v22 =	vld [tilespmem:s21+$0x3830];
	v21 =	vperm.xlane v17, v0  }
0x98: {  	v23 =	vld [tilespmem:s21+$0x3840]  }
0x99: {  	v24 =	vld [tilespmem:s21+$0x3850];
	v18 =	vmul.f32 v18, v21  }
0x9a: {  	v25 =	vld [tilespmem:s21+$0x3860];
	v19 =	vmul.f32 v19, v21  }
0x9b: {  	v38 =	vld [tilespmem:s21+$0x3870];
	[tilespmem:s21+$0x3800] =	vst v18;
	v18 =	vmul.f32 v20, v21  }
0x9c: {  	v39 =	vld [tilespmem:s21+$0x3880];
	[tilespmem:s21+$0x3810] =	vst v19;
	v19 =	vmul.f32 v22, v21  }
0x9d: {  	v40 =	vld [tilespmem:s21+$0x3890];
	[tilespmem:s21+$0x3820] =	vst v18;
	v18 =	vmul.f32 v23, v21  }
0x9e: {  	v41 =	vld [tilespmem:s21+$0x38A0];
	[tilespmem:s21+$0x3830] =	vst v19;
	v19 =	vmul.f32 v24, v21  }
0x9f: {  	v26 =	vld [tilespmem:s21+$0x38B0];
	v42 =	vperm.xlane v17, v1;
	[tilespmem:s21+$0x3840] =	vst v18;
	v18 =	vmul.f32 v25, v21  }
0xa0: {  	v43 =	vld [tilespmem:s21+$0x38C0];
	[tilespmem:s21+$0x3850] =	vst v19;
	v19 =	vmul.f32 v38, v21  }
0xa1: {  	v44 =	vld [tilespmem:s21+$0x38D0];
	[tilespmem:s21+$0x3860] =	vst v18;
	v18 =	vmul.f32 v39, v42  }
0xa2: {  	v45 =	vld [tilespmem:s21+$0x38E0];
	[tilespmem:s21+$0x3870] =	vst v19;
	v19 =	vmul.f32 v40, v42  }
0xa3: {  	v46 =	vld [tilespmem:s21+$0x38F0];
	[tilespmem:s21+$0x3880] =	vst v18;
	v18 =	vmul.f32 v41, v42  }
0xa4: {  	v47 =	vld [tilespmem:s21+$0x3900];
	[tilespmem:s21+$0x3890] =	vst v19;
	v19 =	vmul.f32 v26, v42  }
0xa5: {  	v48 =	vld [tilespmem:s21+$0x3910];
	[tilespmem:s21+$0x38A0] =	vst v18;
	v18 =	vmul.f32 v43, v42  }
0xa6: {  	v49 =	vld [tilespmem:s21+$0x3920];
	[tilespmem:s21+$0x38B0] =	vst v19;
	v19 =	vmul.f32 v44, v42  }
0xa7: {  	v51 =	vld [tilespmem:s21+$0x3930];
	v50 =	vperm.xlane v17, v2;
	[tilespmem:s21+$0x38C0] =	vst v18;
	v18 =	vmul.f32 v45, v42  }
0xa8: {  	v52 =	vld [tilespmem:s21+$0x3940];
	[tilespmem:s21+$0x38D0] =	vst v19;
	v19 =	vmul.f32 v46, v42  }
0xa9: {  	v53 =	vld [tilespmem:s21+$0x3950];
	[tilespmem:s21+$0x38E0] =	vst v18;
	v18 =	vmul.f32 v47, v50  }
0xaa: {  	v54 =	vld [tilespmem:s21+$0x3960];
	[tilespmem:s21+$0x38F0] =	vst v19;
	v19 =	vmul.f32 v48, v50  }
0xab: {  	v55 =	vld [tilespmem:s21+$0x3970];
	[tilespmem:s21+$0x3900] =	vst v18;
	v18 =	vmul.f32 v49, v50  }
0xac: {  	v56 =	vld [tilespmem:s21+$0x3980];
	[tilespmem:s21+$0x3910] =	vst v19;
	v19 =	vmul.f32 v51, v50  }
0xad: {  	v57 =	vld [tilespmem:s21+$0x3990];
	[tilespmem:s21+$0x3920] =	vst v18;
	v18 =	vmul.f32 v52, v50  }
0xae: {  	v58 =	vld [tilespmem:s21+$0x39A0];
	[tilespmem:s21+$0x3930] =	vst v19;
	v19 =	vmul.f32 v53, v50  }
0xaf: {  	v60 =	vld [tilespmem:s21+$0x39B0];
	v59 =	vperm.xlane v17, v3;
	[tilespmem:s21+$0x3940] =	vst v18;
	v18 =	vmul.f32 v54, v50  }
0xb0: {  	v61 =	vld [tilespmem:s21+$0x39C0];
	[tilespmem:s21+$0x3950] =	vst v19;
	v19 =	vmul.f32 v55, v50  }
0xb1: {  	v62 =	vld [tilespmem:s21+$0x39D0];
	[tilespmem:s21+$0x3960] =	vst v18;
	v18 =	vmul.f32 v56, v59  }
0xb2: {  	v63 =	vld [tilespmem:s21+$0x39E0];
	[tilespmem:s21+$0x3970] =	vst v19;
	v19 =	vmul.f32 v57, v59  }
0xb3: {  	v28 =	vld [tilespmem:s21+$0x39F0];
	[tilespmem:s21+$0x3980] =	vst v18;
	v18 =	vmul.f32 v58, v59  }
0xb4: {  	v29 =	vld [tilespmem:s21+$0x3A00];
	[tilespmem:s21+$0x3990] =	vst v19;
	v19 =	vmul.f32 v60, v59  }
0xb5: {  	v30 =	vld [tilespmem:s21+$0x3A10];
	[tilespmem:s21+$0x39A0] =	vst v18;
	v18 =	vmul.f32 v61, v59  }
0xb6: {  	v31 =	vld [tilespmem:s21+$0x3A20];
	[tilespmem:s21+$0x39B0] =	vst v19;
	v19 =	vmul.f32 v62, v59  }
0xb7: {  	v33 =	vld [tilespmem:s21+$0x3A30];
	v32 =	vperm.xlane v17, v4;
	[tilespmem:s21+$0x39C0] =	vst v18;
	v18 =	vmul.f32 v63, v59  }
0xb8: {  	v34 =	vld [tilespmem:s21+$0x3A40];
	[tilespmem:s21+$0x39D0] =	vst v19;
	v19 =	vmul.f32 v28, v59  }
0xb9: {  	v35 =	vld [tilespmem:s21+$0x3A50];
	[tilespmem:s21+$0x39E0] =	vst v18;
	v18 =	vmul.f32 v29, v32  }
0xba: {  	v36 =	vld [tilespmem:s21+$0x3A60];
	[tilespmem:s21+$0x39F0] =	vst v19;
	v19 =	vmul.f32 v30, v32  }
0xbb: {  	v37 =	vld [tilespmem:s21+$0x3A70];
	[tilespmem:s21+$0x3A00] =	vst v18;
	v18 =	vmul.f32 v31, v32  }
0xbc: {  	v38 =	vld [tilespmem:s21+$0x3A80];
	[tilespmem:s21+$0x3A10] =	vst v19;
	v19 =	vmul.f32 v33, v32  }
0xbd: {  	v39 =	vld [tilespmem:s21+$0x3A90];
	[tilespmem:s21+$0x3A20] =	vst v18;
	v18 =	vmul.f32 v34, v32  }
0xbe: {  	v40 =	vld [tilespmem:s21+$0x3AA0];
	[tilespmem:s21+$0x3A30] =	vst v19;
	v19 =	vmul.f32 v35, v32  }
0xbf: {  	v41 =	vperm.xlane v17, v5;
	v42 =	vld [tilespmem:s21+$0x3AB0];
	[tilespmem:s21+$0x3A40] =	vst v18;
	v18 =	vmul.f32 v36, v32  }
0xc0: {  	v43 =	vld [tilespmem:s21+$0x3AC0];
	[tilespmem:s21+$0x3A50] =	vst v19;
	v19 =	vmul.f32 v37, v32  }
0xc1: {  	v44 =	vld [tilespmem:s21+$0x3AD0];
	[tilespmem:s21+$0x3A60] =	vst v18;
	v18 =	vmul.f32 v38, v41  }
0xc2: {  	v45 =	vld [tilespmem:s21+$0x3AE0];
	[tilespmem:s21+$0x3A70] =	vst v19;
	v19 =	vmul.f32 v39, v41  }
0xc3: {  	v46 =	vld [tilespmem:s21+$0x3AF0];
	[tilespmem:s21+$0x3A80] =	vst v18;
	v18 =	vmul.f32 v40, v41  }
0xc4: {  	v47 =	vld [tilespmem:s21+$0x3B00];
	[tilespmem:s21+$0x3A90] =	vst v19;
	v19 =	vmul.f32 v42, v41  }
0xc5: {  	v48 =	vld [tilespmem:s21+$0x3B10];
	[tilespmem:s21+$0x3AA0] =	vst v18;
	v18 =	vmul.f32 v43, v41  }
0xc6: {  	v49 =	vld [tilespmem:s21+$0x3B20];
	[tilespmem:s21+$0x3AB0] =	vst v19;
	v19 =	vmul.f32 v44, v41  }
0xc7: {  	v51 =	vld [tilespmem:s21+$0x3B30];
	v50 =	vperm.xlane v17, v6;
	[tilespmem:s21+$0x3AC0] =	vst v18;
	v18 =	vmul.f32 v45, v41  }
0xc8: {  	v52 =	vld [tilespmem:s21+$0x3B40];
	[tilespmem:s21+$0x3AD0] =	vst v19;
	v19 =	vmul.f32 v46, v41  }
0xc9: {  	v53 =	vld [tilespmem:s21+$0x3B50];
	[tilespmem:s21+$0x3AE0] =	vst v18;
	v18 =	vmul.f32 v47, v50  }
0xca: {  	v54 =	vld [tilespmem:s21+$0x3B60];
	[tilespmem:s21+$0x3AF0] =	vst v19;
	v19 =	vmul.f32 v48, v50  }
0xcb: {  	v55 =	vld [tilespmem:s21+$0x3B70];
	[tilespmem:s21+$0x3B00] =	vst v18;
	v18 =	vmul.f32 v49, v50  }
0xcc: {  	v56 =	vld [tilespmem:s21+$0x3B80];
	[tilespmem:s21+$0x3B10] =	vst v19;
	v19 =	vmul.f32 v51, v50  }
0xcd: {  	v57 =	vld [tilespmem:s21+$0x3B90];
	[tilespmem:s21+$0x3B20] =	vst v18;
	v18 =	vmul.f32 v52, v50  }
0xce: {  	v58 =	vld [tilespmem:s21+$0x3BA0];
	[tilespmem:s21+$0x3B30] =	vst v19;
	v19 =	vmul.f32 v53, v50  }
0xcf: {  	v60 =	vld [tilespmem:s21+$0x3BB0];
	v59 =	vperm.xlane v17, v7;
	[tilespmem:s21+$0x3B40] =	vst v18;
	v18 =	vmul.f32 v54, v50  }
0xd0: {  	v61 =	vld [tilespmem:s21+$0x3BC0];
	[tilespmem:s21+$0x3B50] =	vst v19;
	v19 =	vmul.f32 v55, v50  }
0xd1: {  	v62 =	vld [tilespmem:s21+$0x3BD0];
	[tilespmem:s21+$0x3B60] =	vst v18;
	v18 =	vmul.f32 v56, v59  }
0xd2: {  	v63 =	vld [tilespmem:s21+$0x3BE0];
	[tilespmem:s21+$0x3B70] =	vst v19;
	v19 =	vmul.f32 v57, v59  }
0xd3: {  	v28 =	vld [tilespmem:s21+$0x3BF0];
	[tilespmem:s21+$0x3B80] =	vst v18;
	v18 =	vmul.f32 v58, v59  }
0xd4: {  	v29 =	vld [tilespmem:s21+$0x3C00];
	[tilespmem:s21+$0x3B90] =	vst v19;
	v19 =	vmul.f32 v60, v59  }
0xd5: {  	v30 =	vld [tilespmem:s21+$0x3C10];
	[tilespmem:s21+$0x3BA0] =	vst v18;
	v18 =	vmul.f32 v61, v59  }
0xd6: {  	v31 =	vld [tilespmem:s21+$0x3C20];
	[tilespmem:s21+$0x3BB0] =	vst v19;
	v19 =	vmul.f32 v62, v59  }
0xd7: {  	v33 =	vld [tilespmem:s21+$0x3C30];
	v32 =	vperm.xlane v17, v8;
	[tilespmem:s21+$0x3BC0] =	vst v18;
	v18 =	vmul.f32 v63, v59  }
0xd8: {  	v34 =	vld [tilespmem:s21+$0x3C40];
	[tilespmem:s21+$0x3BD0] =	vst v19;
	v19 =	vmul.f32 v28, v59  }
0xd9: {  	v35 =	vld [tilespmem:s21+$0x3C50];
	[tilespmem:s21+$0x3BE0] =	vst v18;
	v18 =	vmul.f32 v29, v32  }
0xda: {  	v36 =	vld [tilespmem:s21+$0x3C60];
	[tilespmem:s21+$0x3BF0] =	vst v19;
	v19 =	vmul.f32 v30, v32  }
0xdb: {  	v37 =	vld [tilespmem:s21+$0x3C70];
	[tilespmem:s21+$0x3C00] =	vst v18;
	v18 =	vmul.f32 v31, v32  }
0xdc: {  	v38 =	vld [tilespmem:s21+$0x3C80];
	[tilespmem:s21+$0x3C10] =	vst v19;
	v19 =	vmul.f32 v33, v32  }
0xdd: {  	v39 =	vld [tilespmem:s21+$0x3C90];
	[tilespmem:s21+$0x3C20] =	vst v18;
	v18 =	vmul.f32 v34, v32  }
0xde: {  	v40 =	vld [tilespmem:s21+$0x3CA0];
	[tilespmem:s21+$0x3C30] =	vst v19;
	v19 =	vmul.f32 v35, v32  }
0xdf: {  	v42 =	vld [tilespmem:s21+$0x3CB0];
	v41 =	vperm.xlane v17, v9;
	[tilespmem:s21+$0x3C40] =	vst v18;
	v18 =	vmul.f32 v36, v32  }
0xe0: {  	v43 =	vld [tilespmem:s21+$0x3CC0];
	[tilespmem:s21+$0x3C50] =	vst v19;
	v19 =	vmul.f32 v37, v32  }
0xe1: {  	v44 =	vld [tilespmem:s21+$0x3CD0];
	[tilespmem:s21+$0x3C60] =	vst v18;
	v18 =	vmul.f32 v38, v41  }
0xe2: {  	v45 =	vld [tilespmem:s21+$0x3CE0];
	[tilespmem:s21+$0x3C70] =	vst v19;
	v19 =	vmul.f32 v39, v41  }
0xe3: {  	v46 =	vld [tilespmem:s21+$0x3CF0];
	[tilespmem:s21+$0x3C80] =	vst v18;
	v18 =	vmul.f32 v40, v41  }
0xe4: {  	v47 =	vld [tilespmem:s21+$0x3D00];
	[tilespmem:s21+$0x3C90] =	vst v19;
	v19 =	vmul.f32 v42, v41  }
0xe5: {  	v48 =	vld [tilespmem:s21+$0x3D10];
	[tilespmem:s21+$0x3CA0] =	vst v18;
	v18 =	vmul.f32 v43, v41  }
0xe6: {  	v49 =	vld [tilespmem:s21+$0x3D20];
	[tilespmem:s21+$0x3CB0] =	vst v19;
	v19 =	vmul.f32 v44, v41  }
0xe7: {  	v51 =	vld [tilespmem:s21+$0x3D30];
	v50 =	vperm.xlane v17, v10;
	[tilespmem:s21+$0x3CC0] =	vst v18;
	v18 =	vmul.f32 v45, v41  }
0xe8: {  	v52 =	vld [tilespmem:s21+$0x3D40];
	[tilespmem:s21+$0x3CD0] =	vst v19;
	v19 =	vmul.f32 v46, v41  }
0xe9: {  	v53 =	vld [tilespmem:s21+$0x3D50];
	[tilespmem:s21+$0x3CE0] =	vst v18;
	v18 =	vmul.f32 v47, v50  }
0xea: {  	v54 =	vld [tilespmem:s21+$0x3D60];
	[tilespmem:s21+$0x3CF0] =	vst v19;
	v19 =	vmul.f32 v48, v50  }
0xeb: {  	v55 =	vld [tilespmem:s21+$0x3D70];
	[tilespmem:s21+$0x3D00] =	vst v18;
	v18 =	vmul.f32 v49, v50  }
0xec: {  	v56 =	vld [tilespmem:s21+$0x3D80];
	[tilespmem:s21+$0x3D10] =	vst v19;
	v19 =	vmul.f32 v51, v50  }
0xed: {  	v57 =	vld [tilespmem:s21+$0x3D90];
	[tilespmem:s21+$0x3D20] =	vst v18;
	v18 =	vmul.f32 v52, v50  }
0xee: {  	v58 =	vld [tilespmem:s21+$0x3DA0];
	[tilespmem:s21+$0x3D30] =	vst v19;
	v19 =	vmul.f32 v53, v50  }
0xef: {  	v60 =	vld [tilespmem:s21+$0x3DB0];
	v59 =	vperm.xlane v17, v11;
	[tilespmem:s21+$0x3D40] =	vst v18;
	v18 =	vmul.f32 v54, v50  }
0xf0: {  	v61 =	vld [tilespmem:s21+$0x3DC0];
	[tilespmem:s21+$0x3D50] =	vst v19;
	v19 =	vmul.f32 v55, v50  }
0xf1: {  	v62 =	vld [tilespmem:s21+$0x3DD0];
	[tilespmem:s21+$0x3D60] =	vst v18;
	v18 =	vmul.f32 v56, v59  }
0xf2: {  	v63 =	vld [tilespmem:s21+$0x3DE0];
	[tilespmem:s21+$0x3D70] =	vst v19;
	v19 =	vmul.f32 v57, v59  }
0xf3: {  	v28 =	vld [tilespmem:s21+$0x3DF0];
	[tilespmem:s21+$0x3D80] =	vst v18;
	v18 =	vmul.f32 v58, v59  }
0xf4: {  	v29 =	vld [tilespmem:s21+$0x3E00];
	[tilespmem:s21+$0x3D90] =	vst v19;
	v19 =	vmul.f32 v60, v59  }
0xf5: {  	v30 =	vld [tilespmem:s21+$0x3E10];
	[tilespmem:s21+$0x3DA0] =	vst v18;
	v18 =	vmul.f32 v61, v59  }
0xf6: {  	v31 =	vld [tilespmem:s21+$0x3E20];
	[tilespmem:s21+$0x3DB0] =	vst v19;
	v19 =	vmul.f32 v62, v59  }
0xf7: {  	v33 =	vld [tilespmem:s21+$0x3E30];
	v32 =	vperm.xlane v17, v12;
	[tilespmem:s21+$0x3DC0] =	vst v18;
	v18 =	vmul.f32 v63, v59  }
0xf8: {  	v34 =	vld [tilespmem:s21+$0x3E40];
	[tilespmem:s21+$0x3DD0] =	vst v19;
	v19 =	vmul.f32 v28, v59  }
0xf9: {  	v35 =	vld [tilespmem:s21+$0x3E50];
	[tilespmem:s21+$0x3DE0] =	vst v18;
	v18 =	vmul.f32 v29, v32  }
0xfa: {  	v36 =	vld [tilespmem:s21+$0x3E60];
	[tilespmem:s21+$0x3DF0] =	vst v19;
	v19 =	vmul.f32 v30, v32  }
0xfb: {  	v37 =	vld [tilespmem:s21+$0x3E70];
	[tilespmem:s21+$0x3E00] =	vst v18;
	v18 =	vmul.f32 v31, v32  }
0xfc: {  	v38 =	vld [tilespmem:s21+$0x3E80];
	[tilespmem:s21+$0x3E10] =	vst v19;
	v19 =	vmul.f32 v33, v32  }
0xfd: {  	v39 =	vld [tilespmem:s21+$0x3E90];
	[tilespmem:s21+$0x3E20] =	vst v18;
	v18 =	vmul.f32 v34, v32  }
0xfe: {  	v40 =	vld [tilespmem:s21+$0x3EA0];
	[tilespmem:s21+$0x3E30] =	vst v19;
	v19 =	vmul.f32 v35, v32  }
0xff: {  	v42 =	vld [tilespmem:s21+$0x3EB0];
	v41 =	vperm.xlane v17, v13;
	[tilespmem:s21+$0x3E40] =	vst v18;
	v18 =	vmul.f32 v36, v32  }
0x100: {  	v43 =	vld [tilespmem:s21+$0x3EC0];
	[tilespmem:s21+$0x3E50] =	vst v19;
	v19 =	vmul.f32 v37, v32  }
0x101: {  	v44 =	vld [tilespmem:s21+$0x3ED0];
	[tilespmem:s21+$0x3E60] =	vst v18;
	v18 =	vmul.f32 v38, v41  }
0x102: {  	v45 =	vld [tilespmem:s21+$0x3EE0];
	[tilespmem:s21+$0x3E70] =	vst v19;
	v19 =	vmul.f32 v39, v41  }
0x103: {  	v46 =	vld [tilespmem:s21+$0x3EF0];
	[tilespmem:s21+$0x3E80] =	vst v18;
	v18 =	vmul.f32 v40, v41  }
0x104: {  	v47 =	vld [tilespmem:s21+$0x3F00];
	[tilespmem:s21+$0x3E90] =	vst v19;
	v19 =	vmul.f32 v42, v41  }
0x105: {  	v48 =	vld [tilespmem:s21+$0x3F10];
	[tilespmem:s21+$0x3EA0] =	vst v18;
	v18 =	vmul.f32 v43, v41  }
0x106: {  	v49 =	vld [tilespmem:s21+$0x3F20];
	[tilespmem:s21+$0x3EB0] =	vst v19;
	v19 =	vmul.f32 v44, v41  }
0x107: {  	v51 =	vld [tilespmem:s21+$0x3F30];
	v50 =	vperm.xlane v17, v14;
	[tilespmem:s21+$0x3EC0] =	vst v18;
	v18 =	vmul.f32 v45, v41  }
0x108: {  	v52 =	vld [tilespmem:s21+$0x3F40];
	[tilespmem:s21+$0x3ED0] =	vst v19;
	v19 =	vmul.f32 v46, v41  }
0x109: {  	v53 =	vld [tilespmem:s21+$0x3F50];
	[tilespmem:s21+$0x3EE0] =	vst v18;
	v18 =	vmul.f32 v47, v50  }
0x10a: {  	v54 =	vld [tilespmem:s21+$0x3F60];
	[tilespmem:s21+$0x3EF0] =	vst v19;
	v19 =	vmul.f32 v48, v50  }
0x10b: {  	v55 =	vld [tilespmem:s21+$0x3F70];
	[tilespmem:s21+$0x3F00] =	vst v18;
	v18 =	vmul.f32 v49, v50  }
0x10c: {  	v56 =	vld [tilespmem:s21+$0x3F80];
	[tilespmem:s21+$0x3F10] =	vst v19;
	v19 =	vmul.f32 v51, v50  }
0x10d: {  	v57 =	vld [tilespmem:s21+$0x3F90];
	[tilespmem:s21+$0x3F20] =	vst v18;
	v18 =	vmul.f32 v52, v50  }
0x10e: {  	v58 =	vld [tilespmem:s21+$0x3FA0];
	[tilespmem:s21+$0x3F30] =	vst v19;
	v19 =	vmul.f32 v53, v50  }
0x10f: {  	v17 =	vperm.xlane v17, v15;
	v59 =	vld [tilespmem:s21+$0x3FB0];
	[tilespmem:s21+$0x3F40] =	vst v18;
	v18 =	vmul.f32 v54, v50  }
0x110: {  	v60 =	vld [tilespmem:s21+$0x3FC0];
	[tilespmem:s21+$0x3F50] =	vst v19;
	v19 =	vmul.f32 v55, v50  }
0x111: {  	v61 =	vld [tilespmem:s21+$0x3FD0];
	[tilespmem:s21+$0x3F60] =	vst v18;
	v18 =	vmul.f32 v56, v17  }
0x112: {  	v62 =	vld [tilespmem:s21+$0x3FE0];
	[tilespmem:s21+$0x3F70] =	vst v19;
	v19 =	vmul.f32 v57, v17  }
0x113: {  	v63 =	vld [tilespmem:s21+$0x3FF0];
	[tilespmem:s21+$0x3F80] =	vst v18;
	v18 =	vmul.f32 v58, v17  }
0x114: {  	[tilespmem:s21+$0x3F90] =	vst v19;
	v19 =	vmul.f32 v59, v17  }
0x115: {  	p1 =	sne.s32 s20, $0x7;
	[tilespmem:s21+$0x3FA0] =	vst v18;
	v18 =	vmul.f32 v60, v17  }
.Ltmp2:
0x116: {  	[tilespmem:s21+$0x3FB0] =	vst v19;
	v19 =	vmul.f32 v61, v17;
	(pc) =	sbr.rel @p1 .LBB2_3-.Ltmp2, $4  }
0x117: {  	[tilespmem:s21+$0x3FC0] =	vst v18;
	v18 =	vmul.f32 v62, v17  }
0x118: {  	[tilespmem:s21+$0x3FD0] =	vst v19;
	v17 =	vmul.f32 v63, v17  }
0x119: {  	[tilespmem:s21+$0x3FE0] =	vst v18  }
0x11a: {  	s20 =	sadd.s32 $0x1, s20;
	[tilespmem:s21+$0x3FF0] =	vst v17  }
0x11b: {  	s19 =	sor.u32 $0x2800, s19;
	p1 =	seq.s32 s17, $0x27  }
0x11c: {  	[spmem:s1] =	stream.indirect.scatter.add.f32 [tilespmem:s6], [sflag:$0x3], $0x80, s19, s12, $0xb8;
	[tilespmem:$0x1F080] =	vst v63  }
0x11d: {  	s18 =	sor.u32 $0x200, s18;
	s19 =	sshll.u32 @!p1 s17, $0x8  }
0x11e: {  	s20 =	simm.s32 @!p1 $0x80;
	s21 =	simm.s32 @!p1 $0x3800;
	_ =	swait.ge [sflag:s10], $0x4000  }
0x11f: {  	s18 =	sshrl.u32 s18, $0x2;
	s19 =	sand.u32 @!p1 $0x3FFFFF00, s19;
	[sflag:s10] =	ssyncset.done $0x0  }
0x120: {  	s22 =	sor.u32 $0x3000, s18;
	s19 =	sadd.s32 @!p1 $0x100, s19;
	[sflag:s10] =	ssyncadd.s32 $0xFFFFC000  }
0x121: {  	[tilespmem:s21], [sflag:$0x1] =	stream.indirect.gather @!p1 [hbm4b:s4+s20], $0x80, s19, s20, $0xb8;
	[tilespmem:$0x1F080] =	vst v63  }
0x122: {  	v16 =	vmov s22;
	_ =	swait.ge [sflag:s15], $0x4000  }
0x123: {  	[sflag:s15] =	ssyncset.done $0x0  }
0x124: {  	s19 =	simm.s32 $0x0;
	[sflag:s15] =	ssyncadd.s32 $0xFFFFC000  }
.LBB2_5:
0x125: {  	s20 =	sshll.u32 s19, $0x4  }
0x126: {  	s20 =	sand.u32 $0x3FFFFFF0, s20  }
0x127: {  	s22 =	sshll.u32 s19, $0xB;
	v17 =	vld.idx.msk [tilespmem:v16+s20+$0x0 ss:$0x1], $0xffff  }
0x128: {  	s20 =	sand.u32 $0x3FFFF800, s22  }
0x129: {  	v18 =	vld [tilespmem:s20+$0x7800]  }
0x12a: {  	v19 =	vld [tilespmem:s20+$0x7810]  }
0x12b: {  	v20 =	vld [tilespmem:s20+$0x7820]  }
0x12c: {  	v22 =	vld [tilespmem:s20+$0x7830];
	v21 =	vperm.xlane v17, v0  }
0x12d: {  	v23 =	vld [tilespmem:s20+$0x7840]  }
0x12e: {  	v24 =	vld [tilespmem:s20+$0x7850];
	v18 =	vmul.f32 v18, v21  }
0x12f: {  	v25 =	vld [tilespmem:s20+$0x7860];
	v19 =	vmul.f32 v19, v21  }
0x130: {  	v38 =	vld [tilespmem:s20+$0x7870];
	[tilespmem:s20+$0x7800] =	vst v18;
	v18 =	vmul.f32 v20, v21  }
0x131: {  	v39 =	vld [tilespmem:s20+$0x7880];
	[tilespmem:s20+$0x7810] =	vst v19;
	v19 =	vmul.f32 v22, v21  }
0x132: {  	v40 =	vld [tilespmem:s20+$0x7890];
	[tilespmem:s20+$0x7820] =	vst v18;
	v18 =	vmul.f32 v23, v21  }
0x133: {  	v41 =	vld [tilespmem:s20+$0x78A0];
	[tilespmem:s20+$0x7830] =	vst v19;
	v19 =	vmul.f32 v24, v21  }
0x134: {  	v26 =	vld [tilespmem:s20+$0x78B0];
	v42 =	vperm.xlane v17, v1;
	[tilespmem:s20+$0x7840] =	vst v18;
	v18 =	vmul.f32 v25, v21  }
0x135: {  	v43 =	vld [tilespmem:s20+$0x78C0];
	[tilespmem:s20+$0x7850] =	vst v19;
	v19 =	vmul.f32 v38, v21  }
0x136: {  	v44 =	vld [tilespmem:s20+$0x78D0];
	[tilespmem:s20+$0x7860] =	vst v18;
	v18 =	vmul.f32 v39, v42  }
0x137: {  	v45 =	vld [tilespmem:s20+$0x78E0];
	[tilespmem:s20+$0x7870] =	vst v19;
	v19 =	vmul.f32 v40, v42  }
0x138: {  	v46 =	vld [tilespmem:s20+$0x78F0];
	[tilespmem:s20+$0x7880] =	vst v18;
	v18 =	vmul.f32 v41, v42  }
0x139: {  	v47 =	vld [tilespmem:s20+$0x7900];
	[tilespmem:s20+$0x7890] =	vst v19;
	v19 =	vmul.f32 v26, v42  }
0x13a: {  	v48 =	vld [tilespmem:s20+$0x7910];
	[tilespmem:s20+$0x78A0] =	vst v18;
	v18 =	vmul.f32 v43, v42  }
0x13b: {  	v49 =	vld [tilespmem:s20+$0x7920];
	[tilespmem:s20+$0x78B0] =	vst v19;
	v19 =	vmul.f32 v44, v42  }
0x13c: {  	v51 =	vld [tilespmem:s20+$0x7930];
	v50 =	vperm.xlane v17, v2;
	[tilespmem:s20+$0x78C0] =	vst v18;
	v18 =	vmul.f32 v45, v42  }
0x13d: {  	v52 =	vld [tilespmem:s20+$0x7940];
	[tilespmem:s20+$0x78D0] =	vst v19;
	v19 =	vmul.f32 v46, v42  }
0x13e: {  	v53 =	vld [tilespmem:s20+$0x7950];
	[tilespmem:s20+$0x78E0] =	vst v18;
	v18 =	vmul.f32 v47, v50  }
0x13f: {  	v54 =	vld [tilespmem:s20+$0x7960];
	[tilespmem:s20+$0x78F0] =	vst v19;
	v19 =	vmul.f32 v48, v50  }
0x140: {  	v55 =	vld [tilespmem:s20+$0x7970];
	[tilespmem:s20+$0x7900] =	vst v18;
	v18 =	vmul.f32 v49, v50  }
0x141: {  	v56 =	vld [tilespmem:s20+$0x7980];
	[tilespmem:s20+$0x7910] =	vst v19;
	v19 =	vmul.f32 v51, v50  }
0x142: {  	v57 =	vld [tilespmem:s20+$0x7990];
	[tilespmem:s20+$0x7920] =	vst v18;
	v18 =	vmul.f32 v52, v50  }
0x143: {  	v58 =	vld [tilespmem:s20+$0x79A0];
	[tilespmem:s20+$0x7930] =	vst v19;
	v19 =	vmul.f32 v53, v50  }
0x144: {  	v60 =	vld [tilespmem:s20+$0x79B0];
	v59 =	vperm.xlane v17, v3;
	[tilespmem:s20+$0x7940] =	vst v18;
	v18 =	vmul.f32 v54, v50  }
0x145: {  	v61 =	vld [tilespmem:s20+$0x79C0];
	[tilespmem:s20+$0x7950] =	vst v19;
	v19 =	vmul.f32 v55, v50  }
0x146: {  	v62 =	vld [tilespmem:s20+$0x79D0];
	[tilespmem:s20+$0x7960] =	vst v18;
	v18 =	vmul.f32 v56, v59  }
0x147: {  	v63 =	vld [tilespmem:s20+$0x79E0];
	[tilespmem:s20+$0x7970] =	vst v19;
	v19 =	vmul.f32 v57, v59  }
0x148: {  	v28 =	vld [tilespmem:s20+$0x79F0];
	[tilespmem:s20+$0x7980] =	vst v18;
	v18 =	vmul.f32 v58, v59  }
0x149: {  	v29 =	vld [tilespmem:s20+$0x7A00];
	[tilespmem:s20+$0x7990] =	vst v19;
	v19 =	vmul.f32 v60, v59  }
0x14a: {  	v30 =	vld [tilespmem:s20+$0x7A10];
	[tilespmem:s20+$0x79A0] =	vst v18;
	v18 =	vmul.f32 v61, v59  }
0x14b: {  	v31 =	vld [tilespmem:s20+$0x7A20];
	[tilespmem:s20+$0x79B0] =	vst v19;
	v19 =	vmul.f32 v62, v59  }
0x14c: {  	v33 =	vld [tilespmem:s20+$0x7A30];
	v32 =	vperm.xlane v17, v4;
	[tilespmem:s20+$0x79C0] =	vst v18;
	v18 =	vmul.f32 v63, v59  }
0x14d: {  	v34 =	vld [tilespmem:s20+$0x7A40];
	[tilespmem:s20+$0x79D0] =	vst v19;
	v19 =	vmul.f32 v28, v59  }
0x14e: {  	v35 =	vld [tilespmem:s20+$0x7A50];
	[tilespmem:s20+$0x79E0] =	vst v18;
	v18 =	vmul.f32 v29, v32  }
0x14f: {  	v36 =	vld [tilespmem:s20+$0x7A60];
	[tilespmem:s20+$0x79F0] =	vst v19;
	v19 =	vmul.f32 v30, v32  }
0x150: {  	v37 =	vld [tilespmem:s20+$0x7A70];
	[tilespmem:s20+$0x7A00] =	vst v18;
	v18 =	vmul.f32 v31, v32  }
0x151: {  	v38 =	vld [tilespmem:s20+$0x7A80];
	[tilespmem:s20+$0x7A10] =	vst v19;
	v19 =	vmul.f32 v33, v32  }
0x152: {  	v39 =	vld [tilespmem:s20+$0x7A90];
	[tilespmem:s20+$0x7A20] =	vst v18;
	v18 =	vmul.f32 v34, v32  }
0x153: {  	v40 =	vld [tilespmem:s20+$0x7AA0];
	[tilespmem:s20+$0x7A30] =	vst v19;
	v19 =	vmul.f32 v35, v32  }
0x154: {  	v41 =	vperm.xlane v17, v5;
	v42 =	vld [tilespmem:s20+$0x7AB0];
	[tilespmem:s20+$0x7A40] =	vst v18;
	v18 =	vmul.f32 v36, v32  }
0x155: {  	v43 =	vld [tilespmem:s20+$0x7AC0];
	[tilespmem:s20+$0x7A50] =	vst v19;
	v19 =	vmul.f32 v37, v32  }
0x156: {  	v44 =	vld [tilespmem:s20+$0x7AD0];
	[tilespmem:s20+$0x7A60] =	vst v18;
	v18 =	vmul.f32 v38, v41  }
0x157: {  	v45 =	vld [tilespmem:s20+$0x7AE0];
	[tilespmem:s20+$0x7A70] =	vst v19;
	v19 =	vmul.f32 v39, v41  }
0x158: {  	v46 =	vld [tilespmem:s20+$0x7AF0];
	[tilespmem:s20+$0x7A80] =	vst v18;
	v18 =	vmul.f32 v40, v41  }
0x159: {  	v47 =	vld [tilespmem:s20+$0x7B00];
	[tilespmem:s20+$0x7A90] =	vst v19;
	v19 =	vmul.f32 v42, v41  }
0x15a: {  	v48 =	vld [tilespmem:s20+$0x7B10];
	[tilespmem:s20+$0x7AA0] =	vst v18;
	v18 =	vmul.f32 v43, v41  }
0x15b: {  	v49 =	vld [tilespmem:s20+$0x7B20];
	[tilespmem:s20+$0x7AB0] =	vst v19;
	v19 =	vmul.f32 v44, v41  }
0x15c: {  	v51 =	vld [tilespmem:s20+$0x7B30];
	v50 =	vperm.xlane v17, v6;
	[tilespmem:s20+$0x7AC0] =	vst v18;
	v18 =	vmul.f32 v45, v41  }
0x15d: {  	v52 =	vld [tilespmem:s20+$0x7B40];
	[tilespmem:s20+$0x7AD0] =	vst v19;
	v19 =	vmul.f32 v46, v41  }
0x15e: {  	v53 =	vld [tilespmem:s20+$0x7B50];
	[tilespmem:s20+$0x7AE0] =	vst v18;
	v18 =	vmul.f32 v47, v50  }
0x15f: {  	v54 =	vld [tilespmem:s20+$0x7B60];
	[tilespmem:s20+$0x7AF0] =	vst v19;
	v19 =	vmul.f32 v48, v50  }
0x160: {  	v55 =	vld [tilespmem:s20+$0x7B70];
	[tilespmem:s20+$0x7B00] =	vst v18;
	v18 =	vmul.f32 v49, v50  }
0x161: {  	v56 =	vld [tilespmem:s20+$0x7B80];
	[tilespmem:s20+$0x7B10] =	vst v19;
	v19 =	vmul.f32 v51, v50  }
0x162: {  	v57 =	vld [tilespmem:s20+$0x7B90];
	[tilespmem:s20+$0x7B20] =	vst v18;
	v18 =	vmul.f32 v52, v50  }
0x163: {  	v58 =	vld [tilespmem:s20+$0x7BA0];
	[tilespmem:s20+$0x7B30] =	vst v19;
	v19 =	vmul.f32 v53, v50  }
0x164: {  	v60 =	vld [tilespmem:s20+$0x7BB0];
	v59 =	vperm.xlane v17, v7;
	[tilespmem:s20+$0x7B40] =	vst v18;
	v18 =	vmul.f32 v54, v50  }
0x165: {  	v61 =	vld [tilespmem:s20+$0x7BC0];
	[tilespmem:s20+$0x7B50] =	vst v19;
	v19 =	vmul.f32 v55, v50  }
0x166: {  	v62 =	vld [tilespmem:s20+$0x7BD0];
	[tilespmem:s20+$0x7B60] =	vst v18;
	v18 =	vmul.f32 v56, v59  }
0x167: {  	v63 =	vld [tilespmem:s20+$0x7BE0];
	[tilespmem:s20+$0x7B70] =	vst v19;
	v19 =	vmul.f32 v57, v59  }
0x168: {  	v28 =	vld [tilespmem:s20+$0x7BF0];
	[tilespmem:s20+$0x7B80] =	vst v18;
	v18 =	vmul.f32 v58, v59  }
0x169: {  	v29 =	vld [tilespmem:s20+$0x7C00];
	[tilespmem:s20+$0x7B90] =	vst v19;
	v19 =	vmul.f32 v60, v59  }
0x16a: {  	v30 =	vld [tilespmem:s20+$0x7C10];
	[tilespmem:s20+$0x7BA0] =	vst v18;
	v18 =	vmul.f32 v61, v59  }
0x16b: {  	v31 =	vld [tilespmem:s20+$0x7C20];
	[tilespmem:s20+$0x7BB0] =	vst v19;
	v19 =	vmul.f32 v62, v59  }
0x16c: {  	v33 =	vld [tilespmem:s20+$0x7C30];
	v32 =	vperm.xlane v17, v8;
	[tilespmem:s20+$0x7BC0] =	vst v18;
	v18 =	vmul.f32 v63, v59  }
0x16d: {  	v34 =	vld [tilespmem:s20+$0x7C40];
	[tilespmem:s20+$0x7BD0] =	vst v19;
	v19 =	vmul.f32 v28, v59  }
0x16e: {  	v35 =	vld [tilespmem:s20+$0x7C50];
	[tilespmem:s20+$0x7BE0] =	vst v18;
	v18 =	vmul.f32 v29, v32  }
0x16f: {  	v36 =	vld [tilespmem:s20+$0x7C60];
	[tilespmem:s20+$0x7BF0] =	vst v19;
	v19 =	vmul.f32 v30, v32  }
0x170: {  	v37 =	vld [tilespmem:s20+$0x7C70];
	[tilespmem:s20+$0x7C00] =	vst v18;
	v18 =	vmul.f32 v31, v32  }
0x171: {  	v38 =	vld [tilespmem:s20+$0x7C80];
	[tilespmem:s20+$0x7C10] =	vst v19;
	v19 =	vmul.f32 v33, v32  }
0x172: {  	v39 =	vld [tilespmem:s20+$0x7C90];
	[tilespmem:s20+$0x7C20] =	vst v18;
	v18 =	vmul.f32 v34, v32  }
0x173: {  	v40 =	vld [tilespmem:s20+$0x7CA0];
	[tilespmem:s20+$0x7C30] =	vst v19;
	v19 =	vmul.f32 v35, v32  }
0x174: {  	v42 =	vld [tilespmem:s20+$0x7CB0];
	v41 =	vperm.xlane v17, v9;
	[tilespmem:s20+$0x7C40] =	vst v18;
	v18 =	vmul.f32 v36, v32  }
0x175: {  	v43 =	vld [tilespmem:s20+$0x7CC0];
	[tilespmem:s20+$0x7C50] =	vst v19;
	v19 =	vmul.f32 v37, v32  }
0x176: {  	v44 =	vld [tilespmem:s20+$0x7CD0];
	[tilespmem:s20+$0x7C60] =	vst v18;
	v18 =	vmul.f32 v38, v41  }
0x177: {  	v45 =	vld [tilespmem:s20+$0x7CE0];
	[tilespmem:s20+$0x7C70] =	vst v19;
	v19 =	vmul.f32 v39, v41  }
0x178: {  	v46 =	vld [tilespmem:s20+$0x7CF0];
	[tilespmem:s20+$0x7C80] =	vst v18;
	v18 =	vmul.f32 v40, v41  }
0x179: {  	v47 =	vld [tilespmem:s20+$0x7D00];
	[tilespmem:s20+$0x7C90] =	vst v19;
	v19 =	vmul.f32 v42, v41  }
0x17a: {  	v48 =	vld [tilespmem:s20+$0x7D10];
	[tilespmem:s20+$0x7CA0] =	vst v18;
	v18 =	vmul.f32 v43, v41  }
0x17b: {  	v49 =	vld [tilespmem:s20+$0x7D20];
	[tilespmem:s20+$0x7CB0] =	vst v19;
	v19 =	vmul.f32 v44, v41  }
0x17c: {  	v51 =	vld [tilespmem:s20+$0x7D30];
	v50 =	vperm.xlane v17, v10;
	[tilespmem:s20+$0x7CC0] =	vst v18;
	v18 =	vmul.f32 v45, v41  }
0x17d: {  	v52 =	vld [tilespmem:s20+$0x7D40];
	[tilespmem:s20+$0x7CD0] =	vst v19;
	v19 =	vmul.f32 v46, v41  }
0x17e: {  	v53 =	vld [tilespmem:s20+$0x7D50];
	[tilespmem:s20+$0x7CE0] =	vst v18;
	v18 =	vmul.f32 v47, v50  }
0x17f: {  	v54 =	vld [tilespmem:s20+$0x7D60];
	[tilespmem:s20+$0x7CF0] =	vst v19;
	v19 =	vmul.f32 v48, v50  }
0x180: {  	v55 =	vld [tilespmem:s20+$0x7D70];
	[tilespmem:s20+$0x7D00] =	vst v18;
	v18 =	vmul.f32 v49, v50  }
0x181: {  	v56 =	vld [tilespmem:s20+$0x7D80];
	[tilespmem:s20+$0x7D10] =	vst v19;
	v19 =	vmul.f32 v51, v50  }
0x182: {  	v57 =	vld [tilespmem:s20+$0x7D90];
	[tilespmem:s20+$0x7D20] =	vst v18;
	v18 =	vmul.f32 v52, v50  }
0x183: {  	v58 =	vld [tilespmem:s20+$0x7DA0];
	[tilespmem:s20+$0x7D30] =	vst v19;
	v19 =	vmul.f32 v53, v50  }
0x184: {  	v60 =	vld [tilespmem:s20+$0x7DB0];
	v59 =	vperm.xlane v17, v11;
	[tilespmem:s20+$0x7D40] =	vst v18;
	v18 =	vmul.f32 v54, v50  }
0x185: {  	v61 =	vld [tilespmem:s20+$0x7DC0];
	[tilespmem:s20+$0x7D50] =	vst v19;
	v19 =	vmul.f32 v55, v50  }
0x186: {  	v62 =	vld [tilespmem:s20+$0x7DD0];
	[tilespmem:s20+$0x7D60] =	vst v18;
	v18 =	vmul.f32 v56, v59  }
0x187: {  	v63 =	vld [tilespmem:s20+$0x7DE0];
	[tilespmem:s20+$0x7D70] =	vst v19;
	v19 =	vmul.f32 v57, v59  }
0x188: {  	v28 =	vld [tilespmem:s20+$0x7DF0];
	[tilespmem:s20+$0x7D80] =	vst v18;
	v18 =	vmul.f32 v58, v59  }
0x189: {  	v29 =	vld [tilespmem:s20+$0x7E00];
	[tilespmem:s20+$0x7D90] =	vst v19;
	v19 =	vmul.f32 v60, v59  }
0x18a: {  	v30 =	vld [tilespmem:s20+$0x7E10];
	[tilespmem:s20+$0x7DA0] =	vst v18;
	v18 =	vmul.f32 v61, v59  }
0x18b: {  	v31 =	vld [tilespmem:s20+$0x7E20];
	[tilespmem:s20+$0x7DB0] =	vst v19;
	v19 =	vmul.f32 v62, v59  }
0x18c: {  	v33 =	vld [tilespmem:s20+$0x7E30];
	v32 =	vperm.xlane v17, v12;
	[tilespmem:s20+$0x7DC0] =	vst v18;
	v18 =	vmul.f32 v63, v59  }
0x18d: {  	v34 =	vld [tilespmem:s20+$0x7E40];
	[tilespmem:s20+$0x7DD0] =	vst v19;
	v19 =	vmul.f32 v28, v59  }
0x18e: {  	v35 =	vld [tilespmem:s20+$0x7E50];
	[tilespmem:s20+$0x7DE0] =	vst v18;
	v18 =	vmul.f32 v29, v32  }
0x18f: {  	v36 =	vld [tilespmem:s20+$0x7E60];
	[tilespmem:s20+$0x7DF0] =	vst v19;
	v19 =	vmul.f32 v30, v32  }
0x190: {  	v37 =	vld [tilespmem:s20+$0x7E70];
	[tilespmem:s20+$0x7E00] =	vst v18;
	v18 =	vmul.f32 v31, v32  }
0x191: {  	v38 =	vld [tilespmem:s20+$0x7E80];
	[tilespmem:s20+$0x7E10] =	vst v19;
	v19 =	vmul.f32 v33, v32  }
0x192: {  	v39 =	vld [tilespmem:s20+$0x7E90];
	[tilespmem:s20+$0x7E20] =	vst v18;
	v18 =	vmul.f32 v34, v32  }
0x193: {  	v40 =	vld [tilespmem:s20+$0x7EA0];
	[tilespmem:s20+$0x7E30] =	vst v19;
	v19 =	vmul.f32 v35, v32  }
0x194: {  	v42 =	vld [tilespmem:s20+$0x7EB0];
	v41 =	vperm.xlane v17, v13;
	[tilespmem:s20+$0x7E40] =	vst v18;
	v18 =	vmul.f32 v36, v32  }
0x195: {  	v43 =	vld [tilespmem:s20+$0x7EC0];
	[tilespmem:s20+$0x7E50] =	vst v19;
	v19 =	vmul.f32 v37, v32  }
0x196: {  	v44 =	vld [tilespmem:s20+$0x7ED0];
	[tilespmem:s20+$0x7E60] =	vst v18;
	v18 =	vmul.f32 v38, v41  }
0x197: {  	v45 =	vld [tilespmem:s20+$0x7EE0];
	[tilespmem:s20+$0x7E70] =	vst v19;
	v19 =	vmul.f32 v39, v41  }
0x198: {  	v46 =	vld [tilespmem:s20+$0x7EF0];
	[tilespmem:s20+$0x7E80] =	vst v18;
	v18 =	vmul.f32 v40, v41  }
0x199: {  	v47 =	vld [tilespmem:s20+$0x7F00];
	[tilespmem:s20+$0x7E90] =	vst v19;
	v19 =	vmul.f32 v42, v41  }
0x19a: {  	v48 =	vld [tilespmem:s20+$0x7F10];
	[tilespmem:s20+$0x7EA0] =	vst v18;
	v18 =	vmul.f32 v43, v41  }
0x19b: {  	v49 =	vld [tilespmem:s20+$0x7F20];
	[tilespmem:s20+$0x7EB0] =	vst v19;
	v19 =	vmul.f32 v44, v41  }
0x19c: {  	v51 =	vld [tilespmem:s20+$0x7F30];
	v50 =	vperm.xlane v17, v14;
	[tilespmem:s20+$0x7EC0] =	vst v18;
	v18 =	vmul.f32 v45, v41  }
0x19d: {  	v52 =	vld [tilespmem:s20+$0x7F40];
	[tilespmem:s20+$0x7ED0] =	vst v19;
	v19 =	vmul.f32 v46, v41  }
0x19e: {  	v53 =	vld [tilespmem:s20+$0x7F50];
	[tilespmem:s20+$0x7EE0] =	vst v18;
	v18 =	vmul.f32 v47, v50  }
0x19f: {  	v54 =	vld [tilespmem:s20+$0x7F60];
	[tilespmem:s20+$0x7EF0] =	vst v19;
	v19 =	vmul.f32 v48, v50  }
0x1a0: {  	v55 =	vld [tilespmem:s20+$0x7F70];
	[tilespmem:s20+$0x7F00] =	vst v18;
	v18 =	vmul.f32 v49, v50  }
0x1a1: {  	v56 =	vld [tilespmem:s20+$0x7F80];
	[tilespmem:s20+$0x7F10] =	vst v19;
	v19 =	vmul.f32 v51, v50  }
0x1a2: {  	v57 =	vld [tilespmem:s20+$0x7F90];
	[tilespmem:s20+$0x7F20] =	vst v18;
	v18 =	vmul.f32 v52, v50  }
0x1a3: {  	v58 =	vld [tilespmem:s20+$0x7FA0];
	[tilespmem:s20+$0x7F30] =	vst v19;
	v19 =	vmul.f32 v53, v50  }
0x1a4: {  	v17 =	vperm.xlane v17, v15;
	v59 =	vld [tilespmem:s20+$0x7FB0];
	[tilespmem:s20+$0x7F40] =	vst v18;
	v18 =	vmul.f32 v54, v50  }
0x1a5: {  	v60 =	vld [tilespmem:s20+$0x7FC0];
	[tilespmem:s20+$0x7F50] =	vst v19;
	v19 =	vmul.f32 v55, v50  }
0x1a6: {  	v61 =	vld [tilespmem:s20+$0x7FD0];
	[tilespmem:s20+$0x7F60] =	vst v18;
	v18 =	vmul.f32 v56, v17  }
0x1a7: {  	v62 =	vld [tilespmem:s20+$0x7FE0];
	[tilespmem:s20+$0x7F70] =	vst v19;
	v19 =	vmul.f32 v57, v17  }
0x1a8: {  	v63 =	vld [tilespmem:s20+$0x7FF0];
	[tilespmem:s20+$0x7F80] =	vst v18;
	v18 =	vmul.f32 v58, v17  }
0x1a9: {  	[tilespmem:s20+$0x7F90] =	vst v19;
	v19 =	vmul.f32 v59, v17  }
0x1aa: {  	p2 =	sne.s32 s19, $0x7;
	[tilespmem:s20+$0x7FA0] =	vst v18;
	v18 =	vmul.f32 v60, v17  }
.Ltmp3:
0x1ab: {  	[tilespmem:s20+$0x7FB0] =	vst v19;
	v19 =	vmul.f32 v61, v17;
	(pc) =	sbr.rel @p2 .LBB2_5-.Ltmp3, $4  }
0x1ac: {  	[tilespmem:s20+$0x7FC0] =	vst v18;
	v18 =	vmul.f32 v62, v17  }
0x1ad: {  	[tilespmem:s20+$0x7FD0] =	vst v19;
	v17 =	vmul.f32 v63, v17  }
0x1ae: {  	[tilespmem:s20+$0x7FE0] =	vst v18  }
0x1af: {  	s19 =	sadd.s32 $0x1, s19;
	[tilespmem:s20+$0x7FF0] =	vst v17  }
.Ltmp4:
0x1b0: {  	s18 =	sor.u32 $0x2800, s18;
	(pc) =	sbr.rel @p1 .LBB2_8-.Ltmp4, $4  }
0x1b1: {  	[spmem:s1] =	stream.indirect.scatter.add.f32 [tilespmem:s13], [sflag:$0x3], $0x80, s18, s12, $0xb8;
	[tilespmem:$0x1F080] =	vst v63  }
0x1b2: {  	_ =	swait.ge [sflag:s10], $0x4000  }
0x1b3: {  	[sflag:s10] =	ssyncset.done $0x0  }
0x1b4: {  	[sflag:s10] =	ssyncadd.s32 $0xFFFFC000  }
.Ltmp5:
0x1b5: {  	(pc) =	sbr.rel .LBB2_2-.Ltmp5, $4  }
0x1b6: {  	s18 =	sshll.u32 s17, $0x8  }
0x1b7: {  	s18 =	sand.u32 $0x3FFFFF00, s18  }
0x1b8: {  	s17 =	sadd.s32 $0x1, s17;
	s18 =	sadd.s32 $0x180, s18  }
0x1b9: {  	[tilespmem:s13], [sflag:$0x2] =	stream.indirect.gather [hbm4b:s4+s12], $0x80, s18, s12, $0xb8;
	[tilespmem:$0x1F080] =	vst v63  }
.LBB2_9:
0x1ba: {  	_ =	sfence.sel $0x180000  }
0x1bb: {  	[bflag:$0x0] =	sbarrier.arrive $0xFFFF  }
0x1bc: {  	_ =	strace $0x9000004A  }
0x1bd: {  	s0 =	stileid.u32;
	[bflag:$0x2] =	sbarrier.arrive $0xFFFF  }
0x1be: {  	p0 =	sne.s32 s0, $0x0;
	s0 =	rddreg [dreg:$0x3]  }
0x1bf: {  	s0 =	sadd.s32 @!p0 $0x100000, s0  }
0x1c0: {  	[sflag:s0] =	ssyncadd.tile.s32 @!p0 $0x1;
	_ =	shalt  }
.Lfunc_end2:
_tile_overlayer_lowered:
.L_overlay_start_2:
0x1c1: {  	(tag) =	ssettag $0x2  }
0x1c2: {  	s0 =	rddreg [dreg:$0x0];
	s2 =	stileid.u32  }
0x1c3: {  	s1 =	rddreg [dreg:$0x1];
	p0 =	sne.s32 s2, $0x0  }
0x1c4: {  	s3 =	rddreg [dreg:$0x2];
	[bflag:$0x3] =	sbarrier.arrive $0xFFFF;
	s2 =	simm.s32 @!p0 $0x1C03  }
0x1c5: {  	[timem:s3], [sflag:s2] =	dma.local @!p0 [hbm:s0], s1  }
0x1c6: {  	s0 =	simm.s32 @!p0 $0x3  }
0x1c7: {  	_ =	swait.ge @!p0 [sflag:s0], s1  }
0x1c8: {  	s1 =	ssub.s32 @!p0 $0x0, s1;
	[sflag:s0] =	ssyncset.done @!p0 $0x0  }
0x1c9: {  	[sflag:s0] =	ssyncadd.s32 @!p0 s1  }
0x1ca: {  	[bflag:$0x3] =	sbarrier.arrive $0xFFFF  }
0x1cb: {  	_ =	shalt  }

// kernel: kernel.7.cloned.1.call-start
scs
__scs_entry_jumppad:
0x0: {  	(pc) =	sbr.rel $0x88, $3  }
0x1: {  	(tag) =	ssettag $0x0;
	lr =	simm.s32 $0x1  }
0x2: {  	[smem:$0x3F9C] =	sst lr;
	_ =	strace $0xD0000000  }
0x3: {  	_ = 	snop  }
0x4: {  	_ = 	snop  }
0x5: {  	_ = 	snop  }
0x6: {  	_ = 	snop  }
0x7: {  	_ = 	snop  }
__scs_overlays_trampoline_lowered:
0x8: {  	[smem:$0x3FAB] =	sst s0  }
0x9: {  	[smem:$0x3FAC] =	sst s1  }
0xa: {  	[smem:$0x3FAD] =	sst s2  }
0xb: {  	[smem:$0x3FAE] =	sst s3  }
0xc: {  	[smem:$0x3FAF] =	sst s4  }
0xd: {  	[smem:$0x3FB0] =	sst s5  }
0xe: {  	[smem:$0x3FB1] =	sst s6  }
0xf: {  	[smem:$0x3FB2] =	sst s7  }
0x10: {  	[smem:$0x3FB3] =	sst s8  }
0x11: {  	[smem:$0x3FB4] =	sst s9;
	s0 =	simm.s32 @!p0 $0x0  }
0x12: {  	s1 =	sld [smem:$0x3F9A];
	s0 =	simm.s32 @p0 $0x1  }
0x13: {  	[smem:$0x3FB5] =	sst s0;
	s0 =	simm.s32 @!p1 $0x0  }
0x14: {  	s2 =	sld [smem:$0x3F99];
	s0 =	simm.s32 @p1 $0x1  }
0x15: {  	[smem:$0x3FB6] =	sst s0;
	s0 =	simm.s32 @!p2 $0x0  }
0x16: {  	s3 =	sld [smem:$0x3FDB];
	s0 =	simm.s32 @p2 $0x1  }
0x17: {  	s4 =	simm.s32 $0x1BF5;
	[smem:$0x3FB8] =	sst s0  }
0x18: {  	s0 =	sld [smem:$0x3F9B];
	_ =	swait.ge [sflag:s4], $0x0  }
0x19: {  	s7 =	sld [smem:$0x3F9C]  }
0x1a: {  	s8 =	sadd.s32 $0xFFFFE003, lr  }
0x1b: {  	s9 =	sadd.s32 $0xFFFFFEF7, lr;
	s5 =	simm.s32 $0xFFFFFFFF;
	p2 =	slt.u32 s8, $0xFFFFF086  }
0x1c: {  	p1 =	slt.u32 s9, $0xF7A;
	s5 =	simm.s32 @!p2 $0x0  }
0x1d: {  	s5 =	simm.s32 @p1 $0x1;
	p0 =	seq.s32 s7, s2  }
0x1e: {  	s7 =	smul.u32 @!p0 $0xF7A, s2;
	p2 =	seq.s32 @!p0 s5, $0x0  }
0x1f: {  	s9 =	smul.u32 $0xF7A, s1;
	s8 =	simm.s32 @!p0 $0x1BF5;
	p2 =	por !p2, p0  }
0x20: {  	[sflag:s8] =	ssyncset.s32 @!p0 $0xFFFFF086;
	s6 =	sadd.s32 @!p0 s3, s7;
	s7 =	simm.s32 @!p0 $0x108  }
0x21: {  	s3 =	sadd.s32 s3, s9;
	s6 =	sadd.s32 @!p0 $0x88, s6;
	s7 =	simm.s32 @p2 $0x1082  }
0x22: {  	[simem:s7], [sflag:s8] =	dma.local @!p0 [hbm:s6], $0xF7A  }
0x23: {  	s9 =	sor.u32 $0xD0000000, s2;
	s6 =	simm.s32 $0x108;
	_ =	swait.ge @!p0 [sflag:s8], $0x0  }
0x24: {  	s3 =	sadd.s32 $0x88, s3;
	s6 =	simm.s32 @!p1 $0x1082;
	[sflag:s4] =	ssyncset.s32 $0xFFFFF086  }
0x25: {  	[simem:s6], [sflag:s4] =	dma.local [hbm:s3], $0xF7A  }
0x26: {  	[smem:$0x3F9C] =	sst s1;
	(tag) =	ssettag s2;
	_ =	strace s9  }
0x27: {  	s1 =	sld [smem:$0x3FAC]  }
0x28: {  	s2 =	sld [smem:$0x3FAD]  }
0x29: {  	s4 =	sld [smem:$0x3FAF]  }
0x2a: {  	p0 =	seq.s32 s5, $0x0;
	s5 =	sld [smem:$0x3FB0]  }
0x2b: {  	s6 =	sld [smem:$0x3FB1]  }
0x2c: {  	s7 =	sld [smem:$0x3FB2]  }
0x2d: {  	s3 =	simm.s32 $0x108;
	s8 =	sld [smem:$0x3FB3]  }
0x2e: {  	s3 =	simm.s32 @!p0 $0x1082;
	s9 =	sld [smem:$0x3FB4]  }
0x2f: {  	lr =	sadd.s32 s0, s3;
	s0 =	sld [smem:$0x3FAB]  }
0x30: {  	s3 =	sld [smem:$0x3FAE]  }
0x31: {  	[smem:$0x3FB7] =	sst s10  }
0x32: {  	s10 =	sld [smem:$0x3FB5];
	_ =	sdelay $0x3  }
0x33: {  	p0 =	seq.s32 s10, $0x1;
	s10 =	sld [smem:$0x3FB7];
	_ =	sdelay $0x3  }
0x34: {  	[smem:$0x3FB7] =	sst s10  }
0x35: {  	s10 =	sld [smem:$0x3FB6];
	_ =	sdelay $0x3  }
0x36: {  	p1 =	seq.s32 s10, $0x1;
	s10 =	sld [smem:$0x3FB7];
	_ =	sdelay $0x3  }
0x37: {  	[smem:$0x3FB7] =	sst s10  }
0x38: {  	s10 =	sld [smem:$0x3FB8]  }
0x39: {  	_ = 	snop;
	(pc) =	sbr.ind lr, $3  }
0x3a: {  	_ = 	snop  }
0x3b: {  	_ = 	snop  }
0x3c: {  	p2 =	seq.s32 s10, $0x1;
	s10 =	sld [smem:$0x3FB7]  }
0x3d: {  	_ =	shalt  }
0x3e: {  	_ =	shalt  }
0x3f: {  	_ =	shalt  }
0x40: {  	_ =	shalt  }
0x41: {  	_ =	shalt  }
0x42: {  	_ =	shalt  }
0x43: {  	_ =	shalt  }
0x44: {  	_ =	shalt  }
0x45: {  	_ =	shalt  }
0x46: {  	_ =	shalt  }
0x47: {  	_ =	shalt  }
0x48: {  	_ =	shalt  }
0x49: {  	_ =	shalt  }
0x4a: {  	_ =	shalt  }
0x4b: {  	_ =	shalt  }
0x4c: {  	_ =	shalt  }
0x4d: {  	_ =	shalt  }
0x4e: {  	_ =	shalt  }
0x4f: {  	_ =	shalt  }
0x50: {  	_ =	shalt  }
0x51: {  	_ =	shalt  }
0x52: {  	_ =	shalt  }
0x53: {  	_ =	shalt  }
0x54: {  	_ =	shalt  }
0x55: {  	_ =	shalt  }
0x56: {  	_ =	shalt  }
0x57: {  	_ =	shalt  }
0x58: {  	_ =	shalt  }
0x59: {  	_ =	shalt  }
0x5a: {  	_ =	shalt  }
0x5b: {  	_ =	shalt  }
0x5c: {  	_ =	shalt  }
0x5d: {  	_ =	shalt  }
0x5e: {  	_ =	shalt  }
0x5f: {  	_ =	shalt  }
0x60: {  	_ =	shalt  }
0x61: {  	_ =	shalt  }
0x62: {  	_ =	shalt  }
0x63: {  	_ =	shalt  }
0x64: {  	_ =	shalt  }
0x65: {  	_ =	shalt  }
0x66: {  	_ =	shalt  }
0x67: {  	_ =	shalt  }
0x68: {  	_ =	shalt  }
0x69: {  	_ =	shalt  }
0x6a: {  	_ =	shalt  }
0x6b: {  	_ =	shalt  }
0x6c: {  	_ =	shalt  }
0x6d: {  	_ =	shalt  }
0x6e: {  	_ =	shalt  }
0x6f: {  	_ =	shalt  }
0x70: {  	_ =	shalt  }
0x71: {  	_ =	shalt  }
0x72: {  	_ =	shalt  }
0x73: {  	_ =	shalt  }
0x74: {  	_ =	shalt  }
0x75: {  	_ =	shalt  }
0x76: {  	_ =	shalt  }
0x77: {  	_ =	shalt  }
0x78: {  	_ =	shalt  }
0x79: {  	_ =	shalt  }
0x7a: {  	_ =	shalt  }
0x7b: {  	_ =	shalt  }
0x7c: {  	_ =	shalt  }
0x7d: {  	_ =	shalt  }
0x7e: {  	_ =	shalt  }
0x7f: {  	_ =	shalt  }
0x80: {  	_ =	shalt  }
0x81: {  	_ =	shalt  }
0x82: {  	_ =	shalt  }
0x83: {  	_ =	shalt  }
0x84: {  	_ =	shalt  }
0x85: {  	_ =	shalt  }
0x86: {  	_ =	shalt  }
0x87: {  	_ =	shalt  }
.Lfunc_end0:
.L_simem_size_0:
called_computation_lowered:
.L_overlay_start_0:
0x88: {  	s2 =	sld [smem:$0x3FD9]  }
0x89: {  	s3 =	sld [smem:$0x3FFE];
	_ =	sdelay $0x1  }
0x8a: {  	s1 =	srdreg.scid  }
0x8b: {  	s0 =	sand.u32 $0x1, s1  }
0x8c: {  	s17 =	sshll.u32 s0, $0xA;
	s2 =	sadd.s32 s3, s2  }
0x8d: {  	s2 =	sadd.s32 s2, s17  }
0x8e: {  	[smem:$0x3FC3] =	sst s2  }
0x8f: {  	_ = 	snop  }
0x90: {  	s2 =	sld [smem:$0x3FD0];
	(tm) =	ssettm $0x1  }
0x91: {  	s18 =	sld [smem:$0x3FFB];
	_ =	sdelay $0x3  }
0x92: {  	_ =	strace s18  }
0x93: {  	s3 =	sld [smem:$0x3FFC];
	_ =	sdelay $0x3  }
0x94: {  	_ =	strace s3  }
0x95: {  	s3 =	sld [smem:$0x3FFD];
	_ =	sdelay $0x3  }
0x96: {  	_ =	strace s3  }
0x97: {  	_ =	strace $0x8FFFFFFF  }
0x98: {  	s19 =	sld [smem:$0x3FDB];
	_ =	sdelay $0x1  }
0x99: {  	s4 =	simm.s32 $_scs_section_size  }
0x9a: {  	s5 =	simm.s32 $_size__tile_overlayer_lowered;
	s6 =	simm.s32 $_tile_overlayer_lowered  }
0x9b: {  	s22 =	simm.s32 $0x1BFF;
	s21 =	sshll.u32 s6, $0x1;
	s3 =	sadd.s32 s4, s19  }
0x9c: {  	s7 =	simm.s32 $0x0;
	s20 =	sshll.u32 s5, $0x1;
	s5 =	sadd.s32 s21, s3  }
0x9d: {  	[timem:s7], [sflag:s22] =	dma.local [hbm:s5], s20  }
0x9e: {  	_ =	swait.ge [sflag:s22], s20  }
0x9f: {  	s4 =	ssub.s32 $0x0, s20;
	[sflag:s22] =	ssyncset.done $0x0  }
0xa0: {  	[sflag:s22] =	ssyncadd.s32 s4;
	_ =	sdelay $0x1  }
0xa1: {  	s23 =	simm.s32 $0x1B8B  }
0xa2: {  	_ =	swait.ge [sflag:s23], $0x1  }
0xa3: {  	[sflag:s23] =	ssyncset.done $0x0  }
0xa4: {  	s25 =	simm.s32 $0x1B8E;
	s24 =	sld [smem:$0x3FFE];
	[sflag:s23] =	ssyncadd.s32 $0xFFFFFFFF  }
0xa5: {  	s26 =	simm.s32 $execute0_lowered;
	[smem:$0x3FD2] =	sst s25  }
0xa6: {  	s5 =	sshll.u32 s26, $0x1;
	_ =	strace $0x80000046;
	[dreg:$0x1] =	wrdreg $0xFFFFFFFF  }
0xa7: {  	s28 =	simm.s32 $_size_execute0_lowered;
	s3 =	sadd.s32 s3, s5;
	[dreg:$0x0] =	wrdreg $0x0  }
0xa8: {  	s5 =	sshll.u32 s28, $0x1;
	[dreg:$0x2] =	wrdreg s3  }
0xa9: {  	[dreg:$0x3] =	wrdreg s5  }
0xaa: {  	[dreg:$0x4] =	wrdreg $0xC0  }
0xab: {  	_ =	task [dreg:s7], $0x5FFFF  }
0xac: {  	[dreg:$0x1] =	wrdreg $0xFFFFFFFF  }
0xad: {  	[dreg:$0x0] =	wrdreg $0x60  }
0xae: {  	[dreg:$0x2] =	wrdreg s2  }
0xaf: {  	[dreg:$0x3] =	wrdreg s24  }
0xb0: {  	[dreg:$0x4] =	wrdreg $0x52800  }
0xb1: {  	[dreg:$0x5] =	wrdreg $0x9  }
0xb2: {  	_ =	task.clear_ibuf [dreg:s7], $0x6FFFF;
	_ =	strace $0x90000046  }
0xb3: {  	s29 =	simm.s32 $0x9;
	_ =	strace $0x80000048  }
0xb4: {  	_ =	swait.ge [sflag:s29], $0x1  }
0xb5: {  	[sflag:s29] =	ssyncadd.s32 $0xFFFFFFFF  }
0xb6: {  	_ =	strace $0x90000048  }
0xb7: {  	_ =	sfence  }
0xb8: {  	s30 =	sld [smem:$0x0];
	_ =	sdelay $0x2  }
0xb9: {  	s31 =	sshll.u32 s1, $0xD;
	s1 =	sshrl.u32 s1, $0x2  }
0xba: {  	s3 =	sand.u32 $0x4000, s31;
	s1 =	sadd.s32 s1, s30  }
0xbb: {  	s0 =	sor.u32 s3, s0;
	s1 =	sshll.u32 s1, $0x11  }
0xbc: {  	s0 =	sor.u32 s1, s0  }
0xbd: {  	s0 =	sadd.s32 $0x8F2B, s0  }
0xbe: {  	[sflag:s0] =	ssyncadd.remote.s32 $0x1  }
0xbf: {  	_ =	sfence.sel $0xFFFF  }
0xc0: {  	[dreg:$0x0] =	wrdreg $0xFFFFFFFF;
	(pc) =	sbr.abs _section_cstart, $3  }
0xc1: {  	[dreg:$0x1] =	wrdreg $0xFFFFFFFF  }
0xc2: {  	_ =	task.clear_ibuf [dreg:s7], $0x2FFFF;
	_ =	strace $0x9FFFFFFF  }
0xc3: {  	(tm) =	ssettm $0x7FFFFFFF  }
tec
execute0_lowered:
.L_overlay_start_1:
0x0: {  	(tag) =	ssettag $0x1  }
0x1: {  	s6 =	rddreg [dreg:$0x0]  }
0x2: {  	s0 =	srdreg.scid;
	s7 =	rddreg [dreg:$0x1]  }
0x3: {  	s2 =	rddreg [dreg:$0x2];
	s3 =	simm.s32 $0x0;
	s12 =	simm.s32 $0x2800  }
0x4: {  	s13 =	simm.s32 $0x80;
	s5 =	sand.u32 $0x1, s0;
	s0 =	stileid.u32  }
0x5: {  	s14 =	simm.s32 $0x1;
	s17 =	simm.s32 $0x0;
	s8 =	smul.u32 $0x280, s0  }
0x6: {  	[smem:$0x7FF] =	sst s3;
	s1 =	sshll.u32 s5, $0x4;
	s9 =	smul.u32 $0x2800, s5  }
0x7: {  	s5 =	ssub.s32 $0x2, s5;
	s15 =	sshll.u32 s0, $0x6;
	s1 =	sor.u32 s0, s1  }
0x8: {  	s30 =	sshrl.u32 s5, $0x1;
	s15 =	sor.u32 $0x1C02, s15;
	s4 =	smul.u32 $0x2800, s1  }
0x9: {  	s1 =	rddreg [dreg:$0x3];
	_ =	strace $0x80000047;
	s9 =	sadd.s32 s8, s9  }
0xa: {  	s31 =	ssub.s32 s5, s30;
	s5 =	sadd.s32 s8, s2;
	s9 =	sshrl.u32 s9, $0x3  }
0xb: {  	s16 =	sshrl.u32 s5, $0x3;
	s10 =	sshrl.u32 s4, $0x3;
	s4 =	sadd.s32 $0xBC00, s7  }
0xc: {  	s9 =	sadd.s32 s9, s7;
	s11 =	sadd.s32 s10, s7;
	s6 =	sadd.s32 s6, s10  }
0xd: {  	s8 =	sadd.s32 $0xBE00, s9;
	s9 =	smax.u32 s31, $0x1;
	s10 =	simm.s32 $0x5000  }
0xe: {  	s6 =	sadd.s32 $0xA000, s6;
	s7 =	sadd.s32 $0x1C00, s11;
	s11 =	simm.s32 $0x2  }
.LBB2_1:
0xf: {  	[tilespmem:s10], [sflag:$0x2] =	stream.linear.gather [hbm4b:s4+s3], $0x280, $0x38;
	[tilespmem:$0x5500] =	vst v63  }
0x10: {  	_ =	swait.ge [sflag:s11], $0x280  }
0x11: {  	[sflag:s11] =	ssyncset.done $0x0  }
0x12: {  	[sflag:s11] =	ssyncadd.s32 $0xFFFFFD80  }
0x13: {  	[spmem:s5] =	stream.linear.scatter [tilespmem:s10], [sflag:$0x2], $0x280, $0x38;
	[tilespmem:$0x5500] =	vst v63  }
0x14: {  	_ =	swait.ge [sflag:s11], $0x280  }
0x15: {  	[sflag:s11] =	ssyncset.done $0x0  }
0x16: {  	[sflag:s11] =	ssyncadd.s32 $0xFFFFFD80  }
0x17: {  	[bflag:$0x0] =	sbarrier.arrive $0xFFFF  }
0x18: {  	[tilespmem:s3], [sflag:$0x2] =	stream.linear.gather [hbm4b:s6+s3], $0x2800, $0x38;
	[tilespmem:$0x5500] =	vst v63  }
0x19: {  	_ =	swait.ge [sflag:s11], $0x2800  }
0x1a: {  	[sflag:s11] =	ssyncset.done $0x0  }
0x1b: {  	[sflag:s11] =	ssyncadd.s32 $0xFFFFD800  }
0x1c: {  	[tilespmem:s12], [sflag:$0x2] =	stream.linear.gather [hbm4b:s7+s3], $0x2800, $0x38;
	[tilespmem:$0x5500] =	vst v63  }
0x1d: {  	_ =	swait.ge [sflag:s11], $0x2800  }
0x1e: {  	[sflag:s11] =	ssyncset.done $0x0  }
0x1f: {  	s18 =	simm.s32 $0x0;
	s19 =	simm.s32 $0x2800;
	[sflag:s11] =	ssyncadd.s32 $0xFFFFD800  }
0x20: {  	[spmem:s2] =	stream.indirect.scatter.add.f32 [tilespmem:s19], [sflag:$0x1], $0x1, s18, s13, $0xb8;
	[tilespmem:$0x5500] =	vst v63  }
0x21: {  	s30 =	simm.s32 $0x2880;
	s31 =	simm.s32 $0x80  }
0x22: {  	[spmem:s2] =	stream.indirect.scatter.add.f32 [tilespmem:s30], [sflag:$0x1], $0x1, s31, s13, $0xb8;
	[tilespmem:$0x5500] =	vst v63  }
0x23: {  	s20 =	simm.s32 $0x100;
	s19 =	simm.s32 $0x2900  }
0x24: {  	[spmem:s2] =	stream.indirect.scatter.add.f32 [tilespmem:s19], [sflag:$0x1], $0x1, s20, s13, $0xb8;
	[tilespmem:$0x5500] =	vst v63  }
0x25: {  	s21 =	simm.s32 $0x2980;
	s22 =	simm.s32 $0x180  }
0x26: {  	[spmem:s2] =	stream.indirect.scatter.add.f32 [tilespmem:s21], [sflag:$0x1], $0x1, s22, s13, $0xb8;
	[tilespmem:$0x5500] =	vst v63  }
0x27: {  	s23 =	simm.s32 $0x2A00;
	s24 =	simm.s32 $0x200  }
0x28: {  	[spmem:s2] =	stream.indirect.scatter.add.f32 [tilespmem:s23], [sflag:$0x1], $0x1, s24, s13, $0xb8;
	[tilespmem:$0x5500] =	vst v63  }
0x29: {  	s25 =	simm.s32 $0x2A80;
	s26 =	simm.s32 $0x280  }
0x2a: {  	[spmem:s2] =	stream.indirect.scatter.add.f32 [tilespmem:s25], [sflag:$0x1], $0x1, s26, s13, $0xb8;
	[tilespmem:$0x5500] =	vst v63  }
0x2b: {  	s28 =	simm.s32 $0x2B00;
	s29 =	simm.s32 $0x300  }
0x2c: {  	[spmem:s2] =	stream.indirect.scatter.add.f32 [tilespmem:s28], [sflag:$0x1], $0x1, s29, s13, $0xb8;
	[tilespmem:$0x5500] =	vst v63  }
0x2d: {  	s30 =	simm.s32 $0x2B80;
	s31 =	simm.s32 $0x380  }
0x2e: {  	[spmem:s2] =	stream.indirect.scatter.add.f32 [tilespmem:s30], [sflag:$0x1], $0x1, s31, s13, $0xb8;
	[tilespmem:$0x5500] =	vst v63  }
0x2f: {  	_ =	swait.ge [sflag:s14], $0x80  }
0x30: {  	[sflag:s14] =	ssyncset.done $0x0  }
0x31: {  	[sflag:s14] =	ssyncadd.s32 $0xFFFFFF80  }
0x32: {  	_ =	swait.ge [sflag:s14], $0x80  }
0x33: {  	[sflag:s14] =	ssyncset.done $0x0  }
0x34: {  	[sflag:s14] =	ssyncadd.s32 $0xFFFFFF80  }
0x35: {  	_ =	swait.ge [sflag:s14], $0x80  }
0x36: {  	[sflag:s14] =	ssyncset.done $0x0  }
0x37: {  	[sflag:s14] =	ssyncadd.s32 $0xFFFFFF80  }
0x38: {  	_ =	swait.ge [sflag:s14], $0x80  }
0x39: {  	[sflag:s14] =	ssyncset.done $0x0  }
0x3a: {  	[sflag:s14] =	ssyncadd.s32 $0xFFFFFF80  }
0x3b: {  	_ =	swait.ge [sflag:s14], $0x80  }
0x3c: {  	[sflag:s14] =	ssyncset.done $0x0  }
0x3d: {  	[sflag:s14] =	ssyncadd.s32 $0xFFFFFF80  }
0x3e: {  	_ =	swait.ge [sflag:s14], $0x80  }
0x3f: {  	[sflag:s14] =	ssyncset.done $0x0  }
0x40: {  	[sflag:s14] =	ssyncadd.s32 $0xFFFFFF80  }
0x41: {  	_ =	swait.ge [sflag:s14], $0x80  }
0x42: {  	[sflag:s14] =	ssyncset.done $0x0  }
0x43: {  	[sflag:s14] =	ssyncadd.s32 $0xFFFFFF80  }
0x44: {  	_ =	swait.ge [sflag:s14], $0x80  }
0x45: {  	s20 =	simm.s32 $0x400;
	s21 =	simm.s32 $0x2000;
	[sflag:s14] =	ssyncset.done $0x0  }
.LBB2_2:
0x46: {  	s22 =	sadd.s32 $0x2800, s20  }
0x47: {  	[sflag:s14] =	ssyncadd.s32 $0xFFFFFF80;
	s19 =	smov.u32 s21;
	s18 =	sadd.s32 $0x1000, s21  }
0x48: {  	[spmem:s2] =	stream.indirect.scatter.add.f32 [tilespmem:s22], [sflag:$0x1], $0x1, s20, s13, $0xb8;
	[tilespmem:$0x5500] =	vst v63  }
0x49: {  	p0 =	sne.s32 s21, $0x9000;
	s21 =	sadd.s32 $0x2880, s20;
	s22 =	sadd.s32 $0x80, s20  }
0x4a: {  	[spmem:s2] =	stream.indirect.scatter.add.f32 [tilespmem:s21], [sflag:$0x1], $0x1, s22, s13, $0xb8;
	[tilespmem:$0x5500] =	vst v63  }
0x4b: {  	s21 =	sadd.s32 $0x2900, s20;
	s22 =	sadd.s32 $0x100, s20  }
0x4c: {  	[spmem:s2] =	stream.indirect.scatter.add.f32 [tilespmem:s21], [sflag:$0x1], $0x1, s22, s13, $0xb8;
	[tilespmem:$0x5500] =	vst v63  }
0x4d: {  	s21 =	sadd.s32 $0x2980, s20;
	s22 =	sadd.s32 $0x180, s20  }
0x4e: {  	[spmem:s2] =	stream.indirect.scatter.add.f32 [tilespmem:s21], [sflag:$0x1], $0x1, s22, s13, $0xb8;
	[tilespmem:$0x5500] =	vst v63  }
0x4f: {  	s21 =	sadd.s32 $0x2A00, s20;
	s22 =	sadd.s32 $0x200, s20  }
0x50: {  	[spmem:s2] =	stream.indirect.scatter.add.f32 [tilespmem:s21], [sflag:$0x1], $0x1, s22, s13, $0xb8;
	[tilespmem:$0x5500] =	vst v63  }
0x51: {  	s21 =	sadd.s32 $0x2A80, s20;
	s22 =	sadd.s32 $0x280, s20  }
0x52: {  	[spmem:s2] =	stream.indirect.scatter.add.f32 [tilespmem:s21], [sflag:$0x1], $0x1, s22, s13, $0xb8;
	[tilespmem:$0x5500] =	vst v63  }
0x53: {  	s21 =	sadd.s32 $0x2B00, s20;
	s22 =	sadd.s32 $0x300, s20  }
0x54: {  	[spmem:s2] =	stream.indirect.scatter.add.f32 [tilespmem:s21], [sflag:$0x1], $0x1, s22, s13, $0xb8;
	[tilespmem:$0x5500] =	vst v63  }
0x55: {  	s21 =	sadd.s32 $0x2B80, s20;
	s20 =	sadd.s32 $0x380, s20  }
0x56: {  	[spmem:s2] =	stream.indirect.scatter.add.f32 [tilespmem:s21], [sflag:$0x1], $0x1, s20, s13, $0xb8;
	[tilespmem:$0x5500] =	vst v63  }
0x57: {  	_ =	swait.ge [sflag:s14], $0x80  }
0x58: {  	[sflag:s14] =	ssyncset.done $0x0  }
0x59: {  	[sflag:s14] =	ssyncadd.s32 $0xFFFFFF80  }
0x5a: {  	_ =	swait.ge [sflag:s14], $0x80  }
0x5b: {  	[sflag:s14] =	ssyncset.done $0x0  }
0x5c: {  	[sflag:s14] =	ssyncadd.s32 $0xFFFFFF80  }
0x5d: {  	_ =	swait.ge [sflag:s14], $0x80  }
0x5e: {  	[sflag:s14] =	ssyncset.done $0x0  }
0x5f: {  	[sflag:s14] =	ssyncadd.s32 $0xFFFFFF80  }
0x60: {  	_ =	swait.ge [sflag:s14], $0x80  }
0x61: {  	[sflag:s14] =	ssyncset.done $0x0  }
0x62: {  	[sflag:s14] =	ssyncadd.s32 $0xFFFFFF80  }
0x63: {  	_ =	swait.ge [sflag:s14], $0x80  }
0x64: {  	[sflag:s14] =	ssyncset.done $0x0  }
0x65: {  	[sflag:s14] =	ssyncadd.s32 $0xFFFFFF80  }
0x66: {  	_ =	swait.ge [sflag:s14], $0x80  }
0x67: {  	[sflag:s14] =	ssyncset.done $0x0  }
0x68: {  	[sflag:s14] =	ssyncadd.s32 $0xFFFFFF80  }
.Ltmp0:
0x69: {  	_ =	swait.ge [sflag:s14], $0x80;
	(pc) =	sbr.rel @p0 .LBB2_2-.Ltmp0, $4  }
0x6a: {  	[sflag:s14] =	ssyncset.done $0x0  }
0x6b: {  	[sflag:s14] =	ssyncadd.s32 $0xFFFFFF80  }
0x6c: {  	_ =	swait.ge [sflag:s14], $0x80  }
0x6d: {  	s20 =	sshra.s32 s19, $0x2;
	s21 =	smov.u32 s18;
	[sflag:s14] =	ssyncset.done $0x0  }
0x6e: {  	s18 =	sadd.s32 $0x2800, s20;
	[sflag:s14] =	ssyncadd.s32 $0xFFFFFF80  }
0x6f: {  	[spmem:s2] =	stream.indirect.scatter.add.f32 [tilespmem:s18], [sflag:$0x1], $0x1, s20, s13, $0xb8;
	[tilespmem:$0x5500] =	vst v63  }
0x70: {  	s29 =	sadd.s32 $0x2880, s20;
	s19 =	sadd.s32 $0x80, s20  }
0x71: {  	[spmem:s2] =	stream.indirect.scatter.add.f32 [tilespmem:s29], [sflag:$0x1], $0x1, s19, s13, $0xb8;
	[tilespmem:$0x5500] =	vst v63  }
0x72: {  	s30 =	sadd.s32 $0x2900, s20;
	s31 =	sadd.s32 $0x100, s20  }
0x73: {  	[spmem:s2] =	stream.indirect.scatter.add.f32 [tilespmem:s30], [sflag:$0x1], $0x1, s31, s13, $0xb8;
	[tilespmem:$0x5500] =	vst v63  }
0x74: {  	s21 =	sadd.s32 $0x2980, s20;
	s22 =	sadd.s32 $0x180, s20  }
0x75: {  	[spmem:s2] =	stream.indirect.scatter.add.f32 [tilespmem:s21], [sflag:$0x1], $0x1, s22, s13, $0xb8;
	[tilespmem:$0x5500] =	vst v63  }
0x76: {  	s23 =	sadd.s32 $0x2A00, s20;
	s24 =	sadd.s32 $0x200, s20  }
0x77: {  	[spmem:s2] =	stream.indirect.scatter.add.f32 [tilespmem:s23], [sflag:$0x1], $0x1, s24, s13, $0xb8;
	[tilespmem:$0x5500] =	vst v63  }
0x78: {  	s25 =	sadd.s32 $0x2A80, s20;
	s26 =	sadd.s32 $0x280, s20  }
0x79: {  	[spmem:s2] =	stream.indirect.scatter.add.f32 [tilespmem:s25], [sflag:$0x1], $0x1, s26, s13, $0xb8;
	[tilespmem:$0x5500] =	vst v63  }
0x7a: {  	s28 =	sadd.s32 $0x2B00, s20;
	s29 =	sadd.s32 $0x300, s20  }
0x7b: {  	[spmem:s2] =	stream.indirect.scatter.add.f32 [tilespmem:s28], [sflag:$0x1], $0x1, s29, s13, $0xb8;
	[tilespmem:$0x5500] =	vst v63  }
0x7c: {  	s30 =	sadd.s32 $0x2B80, s20;
	s31 =	sadd.s32 $0x380, s20  }
0x7d: {  	[spmem:s2] =	stream.indirect.scatter.add.f32 [tilespmem:s30], [sflag:$0x1], $0x1, s31, s13, $0xb8;
	[tilespmem:$0x5500] =	vst v63  }
0x7e: {  	_ =	swait.ge [sflag:s14], $0x80  }
0x7f: {  	[sflag:s14] =	ssyncset.done $0x0  }
0x80: {  	[sflag:s14] =	ssyncadd.s32 $0xFFFFFF80  }
0x81: {  	_ =	swait.ge [sflag:s14], $0x80  }
0x82: {  	[sflag:s14] =	ssyncset.done $0x0  }
0x83: {  	[sflag:s14] =	ssyncadd.s32 $0xFFFFFF80  }
0x84: {  	_ =	swait.ge [sflag:s14], $0x80  }
0x85: {  	[sflag:s14] =	ssyncset.done $0x0  }
0x86: {  	[sflag:s14] =	ssyncadd.s32 $0xFFFFFF80  }
0x87: {  	_ =	swait.ge [sflag:s14], $0x80  }
0x88: {  	[sflag:s14] =	ssyncset.done $0x0  }
0x89: {  	[sflag:s14] =	ssyncadd.s32 $0xFFFFFF80  }
0x8a: {  	_ =	swait.ge [sflag:s14], $0x80  }
0x8b: {  	[sflag:s14] =	ssyncset.done $0x0  }
0x8c: {  	[sflag:s14] =	ssyncadd.s32 $0xFFFFFF80  }
0x8d: {  	_ =	swait.ge [sflag:s14], $0x80  }
0x8e: {  	[sflag:s14] =	ssyncset.done $0x0  }
0x8f: {  	[sflag:s14] =	ssyncadd.s32 $0xFFFFFF80  }
0x90: {  	_ =	swait.ge [sflag:s14], $0x80  }
0x91: {  	[sflag:s14] =	ssyncset.done $0x0  }
0x92: {  	[sflag:s14] =	ssyncadd.s32 $0xFFFFFF80  }
0x93: {  	_ =	swait.ge [sflag:s14], $0x80  }
0x94: {  	s17 =	sadd.s32 $0x1, s17;
	[sflag:s14] =	ssyncset.done $0x0  }
0x95: {  	p0 =	sne.s32 s17, s9;
	[sflag:s14] =	ssyncadd.s32 $0xFFFFFF80  }
.Ltmp1:
0x96: {  	[bflag:$0x0] =	sbarrier.arrive $0xFFFF;
	(pc) =	sbr.rel @p0 .LBB2_1-.Ltmp1, $4  }
0x97: {  	[hbm:s8], [sflag:s15] =	dma.local [spmem:s16], $0x50  }
0x98: {  	_ =	swait.ge [sflag:s11], $0x50  }
0x99: {  	[sflag:s11] =	ssyncset.done $0x0  }
0x9a: {  	[sflag:s11] =	ssyncadd.s32 $0xFFFFFFB0  }
0x9b: {  	_ =	sfence.sel $0x180000  }
0x9c: {  	[bflag:$0x0] =	sbarrier.arrive $0xFFFF  }
0x9d: {  	p0 =	sne.s32 s0, $0x0;
	_ =	strace $0x90000047  }
0x9e: {  	s0 =	sadd.s32 @!p0 $0x100000, s1;
	[bflag:$0x2] =	sbarrier.arrive $0xFFFF  }
0x9f: {  	[sflag:s0] =	ssyncadd.tile.s32 @!p0 $0x1;
	_ =	shalt  }
.Lfunc_end2:
_tile_overlayer_lowered:
.L_overlay_start_2:
0xa0: {  	(tag) =	ssettag $0x2  }
0xa1: {  	s0 =	rddreg [dreg:$0x0];
	s2 =	stileid.u32  }
0xa2: {  	s1 =	rddreg [dreg:$0x1];
	p0 =	sne.s32 s2, $0x0  }
0xa3: {  	s3 =	rddreg [dreg:$0x2];
	[bflag:$0x3] =	sbarrier.arrive $0xFFFF;
	s2 =	simm.s32 @!p0 $0x1C02  }
0xa4: {  	[timem:s3], [sflag:s2] =	dma.local @!p0 [hbm:s0], s1  }
0xa5: {  	s0 =	simm.s32 @!p0 $0x2  }
0xa6: {  	_ =	swait.ge @!p0 [sflag:s0], s1  }
0xa7: {  	s1 =	ssub.s32 @!p0 $0x0, s1;
	[sflag:s0] =	ssyncset.done @!p0 $0x0  }
0xa8: {  	[sflag:s0] =	ssyncadd.s32 @!p0 s1  }
0xa9: {  	[bflag:$0x3] =	sbarrier.arrive $0xFFFF  }
0xaa: {  	_ =	shalt  }

</sc_bundles>
